<compile_context>
chip_gen: v7x
topology: tpu7x:2x2x1
jax: 0.10.2.dev20260603
libtpu: 0.0.44.dev20260713+nightly
codegen_flags: <defaults>
</compile_context>

<pallas_src>
import functools

import jax
import jax.numpy as jnp
from jax import lax
from jax.experimental import pallas as pl
from jax.experimental.pallas import tpu as pltpu
from jax.experimental.pallas import tpu_sc as plsc

B = 16384
F = 64
MU = 3.5
NC = 2
NS = 16
NW = NC * NS
BPW = B // NW
CHUNK = 128
NCHUNK = BPW // CHUNK
L = 16
NSLOT = 6


def _scalar_at(vec_ref, e):
    lane = lax.iota(jnp.int32, L)
    g = pl.multiple_of((e // L) * L, L)
    v = vec_ref[pl.ds(g, L)]
    return jnp.sum(jnp.where(lane == (e % L), v, 0))


def _issue_pair(euT, eiT, uslot, islot, sem, uidx_v, iidx_v, e):
    u = _scalar_at(uidx_v, e)
    i = _scalar_at(iidx_v, e)
    ju = pl.multiple_of((u // 128) * 128, 128)
    ji = pl.multiple_of((i // 128) * 128, 128)
    pltpu.async_copy(euT.at[:, pl.ds(ju, 128)], uslot, sem)
    pltpu.async_copy(eiT.at[:, pl.ds(ji, 128)], islot, sem)


def _dots_body(uidx_hbm, iidx_hbm, euT, eiT, out_hbm,
               uidx_v, iidx_v, uslots, islots, out_v, sems):
    wid = lax.axis_index("s") * NC + lax.axis_index("c")
    base = wid * BPW

    pltpu.sync_copy(uidx_hbm.at[pl.ds(base, BPW)], uidx_v)
    pltpu.sync_copy(iidx_hbm.at[pl.ds(base, BPW)], iidx_v)

    for s in range(NSLOT):
        _issue_pair(euT, eiT, uslots.at[s], islots.at[s], sems[s],
                    uidx_v, iidx_v, s)

    lane = lax.iota(jnp.int32, L)

    def make_branch(s):
        def branch(r, out_vec):
            uslot = uslots.at[s]
            islot = islots.at[s]
            pltpu.make_async_copy(euT.at[:, pl.ds(0, 128)], uslot, sems[s]).wait()
            pltpu.make_async_copy(eiT.at[:, pl.ds(0, 128)], islot, sems[s]).wait()
            u = _scalar_at(uidx_v, r)
            i = _scalar_at(iidx_v, r)
            ul = jnp.full((L,), u % 128, jnp.int32)
            il = jnp.full((L,), i % 128, jnp.int32)
            acc = jnp.zeros((L,), jnp.float32)
            for a in range(F // L):
                rows = lane + (a * L)
                vu = plsc.load_gather(uslot, [rows, ul])
                vi = plsc.load_gather(islot, [rows, il])
                acc = acc + vu * vi
            sval = jnp.sum(acc)
            out_vec = jnp.where(lane == (r % L), sval, out_vec)
            e = r + NSLOT

            @pl.when(e < BPW)
            def _():
                _issue_pair(euT, eiT, uslot, islot, sems[s], uidx_v, iidx_v, e)
            return out_vec
        return branch

    branches = [make_branch(s) for s in range(NSLOT)]

    def body(r, out_vec):
        out_vec = lax.switch(r % NSLOT, branches, r, out_vec)

        @pl.when(r % L == L - 1)
        def _():
            g16 = pl.multiple_of((r // L) * L, L)
            out_v[pl.ds(g16, L)] = out_vec
        return jnp.where(r % L == L - 1, jnp.zeros((L,), jnp.float32), out_vec)

    lax.fori_loop(0, BPW, body, jnp.zeros((L,), jnp.float32))
    pltpu.sync_copy(out_v, out_hbm.at[pl.ds(base, BPW)])


@functools.partial(
    pl.kernel,
    mesh=plsc.VectorSubcoreMesh(core_axis_name="c", subcore_axis_name="s"),
    out_type=jax.ShapeDtypeStruct((B,), jnp.float32),
    compiler_params=pltpu.CompilerParams(
        needs_layout_passes=False, use_tc_tiling_on_sc=True),
    scratch_types=[
        pltpu.VMEM((BPW,), jnp.int32),
        pltpu.VMEM((BPW,), jnp.int32),
        pltpu.VMEM((NSLOT, F, 128), jnp.float32),
        pltpu.VMEM((NSLOT, F, 128), jnp.float32),
        pltpu.VMEM((BPW,), jnp.float32),
        [pltpu.SemaphoreType.DMA] * NSLOT,
    ],
)
def _mf_dots(uidx_hbm, iidx_hbm, euT, eiT, out_hbm,
             uidx_v, iidx_v, uslots, islots, out_v, sems):
    _dots_body(uidx_hbm, iidx_hbm, euT, eiT, out_hbm,
               uidx_v, iidx_v, uslots, islots, out_v, sems)


def _bias_body(dots_hbm, uidx_hbm, iidx_hbm, bu_hbm, bi_hbm, out_hbm,
               uidx_v, iidx_v, dots_v, bu_v, bi_v, out_v, sem):
    wid = lax.axis_index("s") * NC + lax.axis_index("c")
    base = wid * BPW

    pltpu.sync_copy(uidx_hbm.at[pl.ds(base, BPW)], uidx_v)
    pltpu.sync_copy(iidx_hbm.at[pl.ds(base, BPW)], iidx_v)
    pltpu.sync_copy(dots_hbm.at[pl.ds(base, BPW)], dots_v)

    copies = []
    for c in range(NCHUNK):
        sl = pl.ds(c * CHUNK, CHUNK)
        copies.append(pltpu.async_copy(bu_hbm.at[uidx_v.at[sl]], bu_v.at[sl], sem))
        copies.append(pltpu.async_copy(bi_hbm.at[iidx_v.at[sl]], bi_v.at[sl], sem))
    for cp in copies:
        cp.wait()

    def grp(g, _):
        sl = pl.ds(g * L, L)
        out_v[sl] = dots_v[sl] + bu_v[sl] + bi_v[sl] + jnp.float32(MU)
        return 0
    lax.fori_loop(0, BPW // L, grp, 0)
    pltpu.sync_copy(out_v, out_hbm.at[pl.ds(base, BPW)])


@functools.partial(
    pl.kernel,
    mesh=plsc.VectorSubcoreMesh(core_axis_name="c", subcore_axis_name="s"),
    out_type=jax.ShapeDtypeStruct((B,), jnp.float32),
    compiler_params=pltpu.CompilerParams(
        needs_layout_passes=False, use_tc_tiling_on_sc=True),
    scratch_types=[
        pltpu.VMEM((BPW,), jnp.int32),
        pltpu.VMEM((BPW,), jnp.int32),
        pltpu.VMEM((BPW,), jnp.float32),
        pltpu.VMEM((BPW,), jnp.float32),
        pltpu.VMEM((BPW,), jnp.float32),
        pltpu.VMEM((BPW,), jnp.float32),
        pltpu.SemaphoreType.DMA,
    ],
)
def _mf_bias(dots_hbm, uidx_hbm, iidx_hbm, bu_hbm, bi_hbm, out_hbm,
             uidx_v, iidx_v, dots_v, bu_v, bi_v, out_v, sem):
    _bias_body(dots_hbm, uidx_hbm, iidx_hbm, bu_hbm, bi_hbm, out_hbm,
               uidx_v, iidx_v, dots_v, bu_v, bi_v, out_v, sem)


def kernel(user_idx, item_idx, embed_user, embed_item, user_bias, item_bias):
    dots = _mf_dots(user_idx, item_idx, embed_user.T, embed_item.T)
    return _mf_bias(dots, user_idx, item_idx, user_bias[:, 0], item_bias[:, 0])

# --- scband reference (transcript-rebuilt; emitter-appended) ---
"""Pipeline reference for scband-model-2542620639926 (READ-ONLY COPY).

The authoritative reference and input builder live on the scoring server;
editing this copy changes nothing except your own understanding.
"""

import jax, jax.numpy as jnp
import numpy as np

NUM_USERS = 1000000
NUM_ITEMS = 1000000
NUM_FACTORS = 64
MU = 3.5
BATCH = 16384


def setup_inputs(seed: int = 0) -> dict:
    key = jax.random.key(seed)
    k1, k2, k3, k4, k5, k6 = jax.random.split(key, 6)
    user_idx = jax.random.randint(k1, (BATCH,), 0, NUM_USERS, dtype=jnp.int64) if jax.config.jax_enable_x64 else jax.random.randint(k1, (BATCH,), 0, NUM_USERS, dtype=jnp.int32)
    item_idx = jax.random.randint(k2, (BATCH,), 0, NUM_ITEMS, dtype=jnp.int32)
    user_idx = user_idx.astype(jnp.int32)
    # xavier_normal std = sqrt(2/(fan_in+fan_out))
    std_emb = float(np.sqrt(2.0 / (NUM_USERS + NUM_FACTORS)))
    std_bias_u = float(np.sqrt(2.0 / (NUM_USERS + 1)))
    std_bias_i = float(np.sqrt(2.0 / (NUM_ITEMS + 1)))
    embed_user = jax.random.normal(k3, (NUM_USERS, NUM_FACTORS), dtype=jnp.float32) * std_emb
    embed_item = jax.random.normal(k4, (NUM_ITEMS, NUM_FACTORS), dtype=jnp.float32) * std_emb
    user_bias = jax.random.normal(k5, (NUM_USERS, 1), dtype=jnp.float32) * std_bias_u
    item_bias = jax.random.normal(k6, (NUM_ITEMS, 1), dtype=jnp.float32) * std_bias_i
    return {
        "user_idx": user_idx,
        "item_idx": item_idx,
        "embed_user": embed_user,
        "embed_item": embed_item,
        "user_bias": user_bias,
        "item_bias": item_bias,
    }


def reference(user_idx, item_idx, embed_user, embed_item, user_bias, item_bias):
    eu = jnp.take(embed_user, user_idx, axis=0)          # [B, F]
    ei = jnp.take(embed_item, item_idx, axis=0)          # [B, F]
    bu = jnp.take(user_bias, user_idx, axis=0)           # [B, 1]
    bi = jnp.take(item_bias, item_idx, axis=0)           # [B, 1]
    out = (eu * ei).sum(axis=1) + jnp.squeeze(bu, axis=1) + jnp.squeeze(bi, axis=1) + MU
    return out

if __name__ == "__main__":
    import jax
    _d = setup_inputs()
    print(jax.jit(kernel)(*tuple(_d.values())))

</pallas_src>

<mosaic_0001>
#map = affine_map<(d0, d1) -> (0)>
#map1 = affine_map<(d0, d1) -> (0, 0)>
module attributes {stable_mosaic.version = 14 : i64} {
  func.func @_mf_dots(%arg0: i32, %arg1: i32, %arg2: memref<16384xi32, #tpu.memory_space<hbm>>, %arg3: memref<16384xi32, #tpu.memory_space<hbm>>, %arg4: memref<64x1000000xf32, #tpu.memory_space<hbm>>, %arg5: memref<64x1000000xf32, #tpu.memory_space<hbm>>, %arg6: memref<16384xf32, #tpu.memory_space<hbm>>, %arg7: memref<512xi32, #tpu.memory_space<vmem>>, %arg8: memref<512xi32, #tpu.memory_space<vmem>>, %arg9: memref<6x64x128xf32, #tpu.memory_space<vmem>>, %arg10: memref<6x64x128xf32, #tpu.memory_space<vmem>>, %arg11: memref<512xf32, #tpu.memory_space<vmem>>, %arg12: memref<!tpu.dma_semaphore, #tpu.memory_space<semaphore_mem>>, %arg13: memref<!tpu.dma_semaphore, #tpu.memory_space<semaphore_mem>>, %arg14: memref<!tpu.dma_semaphore, #tpu.memory_space<semaphore_mem>>, %arg15: memref<!tpu.dma_semaphore, #tpu.memory_space<semaphore_mem>>, %arg16: memref<!tpu.dma_semaphore, #tpu.memory_space<semaphore_mem>>, %arg17: memref<!tpu.dma_semaphore, #tpu.memory_space<semaphore_mem>>) attributes {dimension_semantics = [#tpu.dimension_semantics<core_parallel>, #tpu.dimension_semantics<subcore_parallel>], iteration_bounds = array<i64: 2, 16>, scalar_prefetch = 0 : i64, scratch_operands = 11 : i64, tpu.core_type = #tpu.core_type<sc_vector_subcore>, window_params = [{transform_indices = #map}, {transform_indices = #map}, {transform_indices = #map1}, {transform_indices = #map1}, {transform_indices = #map}]} {
    %mul3A = arith.constant 2 : i32
    %mul3A_0 = arith.muli %arg1, %mul3A : i32
    %add3A = arith.addi %mul3A_0, %arg0 : i32
    %mul3A_1 = arith.constant 512 : i32
    %mul3A_2 = arith.muli %add3A, %mul3A_1 : i32
    "tpu.region"() ({
      %run_scoped3A = tpu.sem_alloc : memref<!tpu.dma_semaphore, #tpu.memory_space<semaphore_mem>>
      %dma_start3A_656 = tpu.memref_slice %arg2[%mul3A_2] : memref<16384xi32, #tpu.memory_space<hbm>> -> memref<512xi32, #tpu.memory_space<hbm>>
      %dma_start3A_657 = tpu.memref_slice %arg2[%mul3A_2] : memref<16384xi32, #tpu.memory_space<hbm>> -> memref<512xi32, #tpu.memory_space<hbm>>
      tpu.enqueue_dma source(%dma_start3A_657 : memref<512xi32, #tpu.memory_space<hbm>>) target(%arg7 : memref<512xi32, #tpu.memory_space<vmem>>) target_semaphore(%run_scoped3A : memref<!tpu.dma_semaphore, #tpu.memory_space<semaphore_mem>>)
      %dma_wait3A = tpu.memref_slice %arg2[%mul3A_2] : memref<16384xi32, #tpu.memory_space<hbm>> -> memref<512xi32, #tpu.memory_space<hbm>>
      %dma_wait3A_658 = tpu.memref_slice %arg2[%mul3A_2] : memref<16384xi32, #tpu.memory_space<hbm>> -> memref<512xi32, #tpu.memory_space<hbm>>
      tpu.wait_dma2 semaphore(%run_scoped3A : memref<!tpu.dma_semaphore, #tpu.memory_space<semaphore_mem>>) src(%dma_wait3A_658 : memref<512xi32, #tpu.memory_space<hbm>>) dst(%arg7 : memref<512xi32, #tpu.memory_space<vmem>>)
      tpu.yield
    }) : () -> ()
    "tpu.region"() ({
      %run_scoped3A = tpu.sem_alloc : memref<!tpu.dma_semaphore, #tpu.memory_space<semaphore_mem>>
      %dma_start3A_656 = tpu.memref_slice %arg3[%mul3A_2] : memref<16384xi32, #tpu.memory_space<hbm>> -> memref<512xi32, #tpu.memory_space<hbm>>
      %dma_start3A_657 = tpu.memref_slice %arg3[%mul3A_2] : memref<16384xi32, #tpu.memory_space<hbm>> -> memref<512xi32, #tpu.memory_space<hbm>>
      tpu.enqueue_dma source(%dma_start3A_657 : memref<512xi32, #tpu.memory_space<hbm>>) target(%arg8 : memref<512xi32, #tpu.memory_space<vmem>>) target_semaphore(%run_scoped3A : memref<!tpu.dma_semaphore, #tpu.memory_space<semaphore_mem>>)
      %dma_wait3A = tpu.memref_slice %arg3[%mul3A_2] : memref<16384xi32, #tpu.memory_space<hbm>> -> memref<512xi32, #tpu.memory_space<hbm>>
      %dma_wait3A_658 = tpu.memref_slice %arg3[%mul3A_2] : memref<16384xi32, #tpu.memory_space<hbm>> -> memref<512xi32, #tpu.memory_space<hbm>>
      tpu.wait_dma2 semaphore(%run_scoped3A : memref<!tpu.dma_semaphore, #tpu.memory_space<semaphore_mem>>) src(%dma_wait3A_658 : memref<512xi32, #tpu.memory_space<hbm>>) dst(%arg8 : memref<512xi32, #tpu.memory_space<vmem>>)
      tpu.yield
    }) : () -> ()
    %iota3A = tpu.iota {dimensions = array<i32: 0>} : vector<16xi32>
    %multiple_of3A = arith.constant 0 : i32
    %multiple_of3A_3 = tpu.assume_multiple %multiple_of3A, 16 : i32
    %get3A = arith.index_cast %multiple_of3A_3 : i32 to index
    %get3A_4 = tpu.vector_load %arg7[%get3A] {strides = array<i32>} : memref<512xi32, #tpu.memory_space<vmem>>, vector<16xi32>,
    %eq3A = arith.constant 0 : i32
    %eq3A_5 = vector.broadcast %eq3A : i32 to vector<16xi32>
    %eq3A_6 = arith.cmpi eq, %iota3A, %eq3A_5 : vector<16xi32>
    %jit3A = arith.constant 0 : i32
    %broadcast_in_dim3A = vector.broadcast %jit3A : i32 to vector<16xi32>
    %select_n3A = arith.select %eq3A_6, %get3A_4, %broadcast_in_dim3A : vector<16xi1>, vector<16xi32>
    %reduce_sum3A = arith.constant true
    %reduce_sum3A_7 = vector.broadcast %reduce_sum3A : i1 to vector<16xi1>
    %reduce_sum3A_8 = tpu.scan <sum>, %select_n3A masked %reduce_sum3A_7 : vector<16xi32>, vector<16xi1> -> vector<16xi32>
    %reduce_sum3A_9 = vector.extract %reduce_sum3A_8[15] : i32 from vector<16xi32>
    %iota3A_10 = tpu.iota {dimensions = array<i32: 0>} : vector<16xi32>
    %multiple_of3A_11 = arith.constant 0 : i32
    %multiple_of3A_12 = tpu.assume_multiple %multiple_of3A_11, 16 : i32
    %get3A_13 = arith.index_cast %multiple_of3A_12 : i32 to index
    %get3A_14 = tpu.vector_load %arg8[%get3A_13] {strides = array<i32>} : memref<512xi32, #tpu.memory_space<vmem>>, vector<16xi32>,
    %eq3A_15 = arith.constant 0 : i32
    %eq3A_16 = vector.broadcast %eq3A_15 : i32 to vector<16xi32>
    %eq3A_17 = arith.cmpi eq, %iota3A_10, %eq3A_16 : vector<16xi32>
    %jit3A_18 = arith.constant 0 : i32
    %broadcast_in_dim3A_19 = vector.broadcast %jit3A_18 : i32 to vector<16xi32>
    %select_n3A_20 = arith.select %eq3A_17, %get3A_14, %broadcast_in_dim3A_19 : vector<16xi1>, vector<16xi32>
    %reduce_sum3A_21 = arith.constant true
    %reduce_sum3A_22 = vector.broadcast %reduce_sum3A_21 : i1 to vector<16xi1>
    %reduce_sum3A_23 = tpu.scan <sum>, %select_n3A_20 masked %reduce_sum3A_22 : vector<16xi32>, vector<16xi1> -> vector<16xi32>
    %reduce_sum3A_24 = vector.extract %reduce_sum3A_23[15] : i32 from vector<16xi32>
    %jit3A_25 = arith.constant 128 : i32
    %div3A = arith.divsi %reduce_sum3A_9, %jit3A_25 : i32
    %sign3A = arith.constant 0 : i32
    %sign3A_26 = arith.cmpi sgt, %reduce_sum3A_9, %sign3A : i32
    %sign3A_27 = arith.extui %sign3A_26 : i1 to i32
    %sign3A_28 = arith.constant 0 : i32
    %sign3A_29 = arith.cmpi slt, %reduce_sum3A_9, %sign3A_28 : i32
    %sign3A_30 = arith.extui %sign3A_29 : i1 to i32
    %sign3A_31 = arith.subi %sign3A_27, %sign3A_30 : i32
    %sign3A_32 = arith.constant 0 : i32
    %sign3A_33 = arith.cmpi sgt, %jit3A_25, %sign3A_32 : i32
    %sign3A_34 = arith.extui %sign3A_33 : i1 to i32
    %sign3A_35 = arith.constant 0 : i32
    %sign3A_36 = arith.cmpi slt, %jit3A_25, %sign3A_35 : i32
    %sign3A_37 = arith.extui %sign3A_36 : i1 to i32
    %sign3A_38 = arith.subi %sign3A_34, %sign3A_37 : i32
    %ne3A = arith.cmpi ne, %sign3A_31, %sign3A_38 : i32
    %rem3A = arith.remsi %reduce_sum3A_9, %jit3A_25 : i32
    %ne3A_39 = arith.constant 0 : i32
    %ne3A_40 = arith.cmpi ne, %rem3A, %ne3A_39 : i32
    %and3A = arith.andi %ne3A, %ne3A_40 : i1
    %sub3A = arith.constant 1 : i32
    %sub3A_41 = arith.subi %div3A, %sub3A : i32
    %select_n3A_42 = arith.select %and3A, %sub3A_41, %div3A : i32
    %mul3A_43 = arith.constant 128 : i32
    %mul3A_44 = arith.muli %select_n3A_42, %mul3A_43 : i32
    %multiple_of3A_45 = tpu.assume_multiple %mul3A_44, 128 : i32
    %jit3A_46 = arith.constant 128 : i32
    %div3A_47 = arith.divsi %reduce_sum3A_24, %jit3A_46 : i32
    %sign3A_48 = arith.constant 0 : i32
    %sign3A_49 = arith.cmpi sgt, %reduce_sum3A_24, %sign3A_48 : i32
    %sign3A_50 = arith.extui %sign3A_49 : i1 to i32
    %sign3A_51 = arith.constant 0 : i32
    %sign3A_52 = arith.cmpi slt, %reduce_sum3A_24, %sign3A_51 : i32
    %sign3A_53 = arith.extui %sign3A_52 : i1 to i32
    %sign3A_54 = arith.subi %sign3A_50, %sign3A_53 : i32
    %sign3A_55 = arith.constant 0 : i32
    %sign3A_56 = arith.cmpi sgt, %jit3A_46, %sign3A_55 : i32
    %sign3A_57 = arith.extui %sign3A_56 : i1 to i32
    %sign3A_58 = arith.constant 0 : i32
    %sign3A_59 = arith.cmpi slt, %jit3A_46, %sign3A_58 : i32
    %sign3A_60 = arith.extui %sign3A_59 : i1 to i32
    %sign3A_61 = arith.subi %sign3A_57, %sign3A_60 : i32
    %ne3A_62 = arith.cmpi ne, %sign3A_54, %sign3A_61 : i32
    %rem3A_63 = arith.remsi %reduce_sum3A_24, %jit3A_46 : i32
    %ne3A_64 = arith.constant 0 : i32
    %ne3A_65 = arith.cmpi ne, %rem3A_63, %ne3A_64 : i32
    %and3A_66 = arith.andi %ne3A_62, %ne3A_65 : i1
    %sub3A_67 = arith.constant 1 : i32
    %sub3A_68 = arith.subi %div3A_47, %sub3A_67 : i32
    %select_n3A_69 = arith.select %and3A_66, %sub3A_68, %div3A_47 : i32
    %mul3A_70 = arith.constant 128 : i32
    %mul3A_71 = arith.muli %select_n3A_69, %mul3A_70 : i32
    %multiple_of3A_72 = tpu.assume_multiple %mul3A_71, 128 : i32
    %dma_start3A = arith.constant 0 : i32
    %dma_start3A_73 = arith.constant 0 : i32
    %dma_start3A_74 = arith.constant 0 : i32
    %dma_start3A_75 = tpu.memref_slice %arg9[%dma_start3A, %dma_start3A_73, %dma_start3A_74] : memref<6x64x128xf32, #tpu.memory_space<vmem>> -> memref<1x64x128xf32, #tpu.memory_space<vmem>>
    %dma_start3A_76 = tpu.memref_squeeze %dma_start3A_75 : memref<1x64x128xf32, #tpu.memory_space<vmem>> -> memref<64x128xf32, #tpu.memory_space<vmem>>
    %dma_start3A_77 = arith.constant 0 : i32
    %dma_start3A_78 = tpu.memref_slice %arg4[%dma_start3A_77, %multiple_of3A_45] : memref<64x1000000xf32, #tpu.memory_space<hbm>> -> memref<64x128xf32, #tpu.memory_space<hbm>>
    %dma_start3A_79 = arith.constant 0 : i32
    %dma_start3A_80 = arith.constant 0 : i32
    %dma_start3A_81 = tpu.memref_slice %arg9[%dma_start3A, %dma_start3A_79, %dma_start3A_80] : memref<6x64x128xf32, #tpu.memory_space<vmem>> -> memref<1x64x128xf32, #tpu.memory_space<vmem>>
    %dma_start3A_82 = tpu.memref_squeeze %dma_start3A_81 : memref<1x64x128xf32, #tpu.memory_space<vmem>> -> memref<64x128xf32, #tpu.memory_space<vmem>>
    %dma_start3A_83 = arith.constant 0 : i32
    %dma_start3A_84 = tpu.memref_slice %arg4[%dma_start3A_83, %multiple_of3A_45] : memref<64x1000000xf32, #tpu.memory_space<hbm>> -> memref<64x128xf32, #tpu.memory_space<hbm>>
    tpu.enqueue_dma source(%dma_start3A_84 : memref<64x128xf32, #tpu.memory_space<hbm>>) target(%dma_start3A_82 : memref<64x128xf32, #tpu.memory_space<vmem>>) target_semaphore(%arg12 : memref<!tpu.dma_semaphore, #tpu.memory_space<semaphore_mem>>)
    %dma_start3A_85 = arith.constant 0 : i32
    %dma_start3A_86 = arith.constant 0 : i32
    %dma_start3A_87 = arith.constant 0 : i32
    %dma_start3A_88 = tpu.memref_slice %arg10[%dma_start3A_85, %dma_start3A_86, %dma_start3A_87] : memref<6x64x128xf32, #tpu.memory_space<vmem>> -> memref<1x64x128xf32, #tpu.memory_space<vmem>>
    %dma_start3A_89 = tpu.memref_squeeze %dma_start3A_88 : memref<1x64x128xf32, #tpu.memory_space<vmem>> -> memref<64x128xf32, #tpu.memory_space<vmem>>
    %dma_start3A_90 = arith.constant 0 : i32
    %dma_start3A_91 = tpu.memref_slice %arg5[%dma_start3A_90, %multiple_of3A_72] : memref<64x1000000xf32, #tpu.memory_space<hbm>> -> memref<64x128xf32, #tpu.memory_space<hbm>>
    %dma_start3A_92 = arith.constant 0 : i32
    %dma_start3A_93 = arith.constant 0 : i32
    %dma_start3A_94 = tpu.memref_slice %arg10[%dma_start3A_85, %dma_start3A_92, %dma_start3A_93] : memref<6x64x128xf32, #tpu.memory_space<vmem>> -> memref<1x64x128xf32, #tpu.memory_space<vmem>>
    %dma_start3A_95 = tpu.memref_squeeze %dma_start3A_94 : memref<1x64x128xf32, #tpu.memory_space<vmem>> -> memref<64x128xf32, #tpu.memory_space<vmem>>
    %dma_start3A_96 = arith.constant 0 : i32
    %dma_start3A_97 = tpu.memref_slice %arg5[%dma_start3A_96, %multiple_of3A_72] : memref<64x1000000xf32, #tpu.memory_space<hbm>> -> memref<64x128xf32, #tpu.memory_space<hbm>>
    tpu.enqueue_dma source(%dma_start3A_97 : memref<64x128xf32, #tpu.memory_space<hbm>>) target(%dma_start3A_95 : memref<64x128xf32, #tpu.memory_space<vmem>>) target_semaphore(%arg12 : memref<!tpu.dma_semaphore, #tpu.memory_space<semaphore_mem>>)
    %iota3A_98 = tpu.iota {dimensions = array<i32: 0>} : vector<16xi32>
    %multiple_of3A_99 = arith.constant 0 : i32
    %multiple_of3A_100 = tpu.assume_multiple %multiple_of3A_99, 16 : i32
    %get3A_101 = arith.index_cast %multiple_of3A_100 : i32 to index
    %get3A_102 = tpu.vector_load %arg7[%get3A_101] {strides = array<i32>} : memref<512xi32, #tpu.memory_space<vmem>>, vector<16xi32>,
    %eq3A_103 = arith.constant 1 : i32
    %eq3A_104 = vector.broadcast %eq3A_103 : i32 to vector<16xi32>
    %eq3A_105 = arith.cmpi eq, %iota3A_98, %eq3A_104 : vector<16xi32>
    %jit3A_106 = arith.constant 0 : i32
    %broadcast_in_dim3A_107 = vector.broadcast %jit3A_106 : i32 to vector<16xi32>
    %select_n3A_108 = arith.select %eq3A_105, %get3A_102, %broadcast_in_dim3A_107 : vector<16xi1>, vector<16xi32>
    %reduce_sum3A_109 = arith.constant true
    %reduce_sum3A_110 = vector.broadcast %reduce_sum3A_109 : i1 to vector<16xi1>
    %reduce_sum3A_111 = tpu.scan <sum>, %select_n3A_108 masked %reduce_sum3A_110 : vector<16xi32>, vector<16xi1> -> vector<16xi32>
    %reduce_sum3A_112 = vector.extract %reduce_sum3A_111[15] : i32 from vector<16xi32>
    %iota3A_113 = tpu.iota {dimensions = array<i32: 0>} : vector<16xi32>
    %multiple_of3A_114 = arith.constant 0 : i32
    %multiple_of3A_115 = tpu.assume_multiple %multiple_of3A_114, 16 : i32
    %get3A_116 = arith.index_cast %multiple_of3A_115 : i32 to index
    %get3A_117 = tpu.vector_load %arg8[%get3A_116] {strides = array<i32>} : memref<512xi32, #tpu.memory_space<vmem>>, vector<16xi32>,
    %eq3A_118 = arith.constant 1 : i32
    %eq3A_119 = vector.broadcast %eq3A_118 : i32 to vector<16xi32>
    %eq3A_120 = arith.cmpi eq, %iota3A_113, %eq3A_119 : vector<16xi32>
    %jit3A_121 = arith.constant 0 : i32
    %broadcast_in_dim3A_122 = vector.broadcast %jit3A_121 : i32 to vector<16xi32>
    %select_n3A_123 = arith.select %eq3A_120, %get3A_117, %broadcast_in_dim3A_122 : vector<16xi1>, vector<16xi32>
    %reduce_sum3A_124 = arith.constant true
    %reduce_sum3A_125 = vector.broadcast %reduce_sum3A_124 : i1 to vector<16xi1>
    %reduce_sum3A_126 = tpu.scan <sum>, %select_n3A_123 masked %reduce_sum3A_125 : vector<16xi32>, vector<16xi1> -> vector<16xi32>
    %reduce_sum3A_127 = vector.extract %reduce_sum3A_126[15] : i32 from vector<16xi32>
    %jit3A_128 = arith.constant 128 : i32
    %div3A_129 = arith.divsi %reduce_sum3A_112, %jit3A_128 : i32
    %sign3A_130 = arith.constant 0 : i32
    %sign3A_131 = arith.cmpi sgt, %reduce_sum3A_112, %sign3A_130 : i32
    %sign3A_132 = arith.extui %sign3A_131 : i1 to i32
    %sign3A_133 = arith.constant 0 : i32
    %sign3A_134 = arith.cmpi slt, %reduce_sum3A_112, %sign3A_133 : i32
    %sign3A_135 = arith.extui %sign3A_134 : i1 to i32
    %sign3A_136 = arith.subi %sign3A_132, %sign3A_135 : i32
    %sign3A_137 = arith.constant 0 : i32
    %sign3A_138 = arith.cmpi sgt, %jit3A_128, %sign3A_137 : i32
    %sign3A_139 = arith.extui %sign3A_138 : i1 to i32
    %sign3A_140 = arith.constant 0 : i32
    %sign3A_141 = arith.cmpi slt, %jit3A_128, %sign3A_140 : i32
    %sign3A_142 = arith.extui %sign3A_141 : i1 to i32
    %sign3A_143 = arith.subi %sign3A_139, %sign3A_142 : i32
    %ne3A_144 = arith.cmpi ne, %sign3A_136, %sign3A_143 : i32
    %rem3A_145 = arith.remsi %reduce_sum3A_112, %jit3A_128 : i32
    %ne3A_146 = arith.constant 0 : i32
    %ne3A_147 = arith.cmpi ne, %rem3A_145, %ne3A_146 : i32
    %and3A_148 = arith.andi %ne3A_144, %ne3A_147 : i1
    %sub3A_149 = arith.constant 1 : i32
    %sub3A_150 = arith.subi %div3A_129, %sub3A_149 : i32
    %select_n3A_151 = arith.select %and3A_148, %sub3A_150, %div3A_129 : i32
    %mul3A_152 = arith.constant 128 : i32
    %mul3A_153 = arith.muli %select_n3A_151, %mul3A_152 : i32
    %multiple_of3A_154 = tpu.assume_multiple %mul3A_153, 128 : i32
    %jit3A_155 = arith.constant 128 : i32
    %div3A_156 = arith.divsi %reduce_sum3A_127, %jit3A_155 : i32
    %sign3A_157 = arith.constant 0 : i32
    %sign3A_158 = arith.cmpi sgt, %reduce_sum3A_127, %sign3A_157 : i32
    %sign3A_159 = arith.extui %sign3A_158 : i1 to i32
    %sign3A_160 = arith.constant 0 : i32
    %sign3A_161 = arith.cmpi slt, %reduce_sum3A_127, %sign3A_160 : i32
    %sign3A_162 = arith.extui %sign3A_161 : i1 to i32
    %sign3A_163 = arith.subi %sign3A_159, %sign3A_162 : i32
    %sign3A_164 = arith.constant 0 : i32
    %sign3A_165 = arith.cmpi sgt, %jit3A_155, %sign3A_164 : i32
    %sign3A_166 = arith.extui %sign3A_165 : i1 to i32
    %sign3A_167 = arith.constant 0 : i32
    %sign3A_168 = arith.cmpi slt, %jit3A_155, %sign3A_167 : i32
    %sign3A_169 = arith.extui %sign3A_168 : i1 to i32
    %sign3A_170 = arith.subi %sign3A_166, %sign3A_169 : i32
    %ne3A_171 = arith.cmpi ne, %sign3A_163, %sign3A_170 : i32
    %rem3A_172 = arith.remsi %reduce_sum3A_127, %jit3A_155 : i32
    %ne3A_173 = arith.constant 0 : i32
    %ne3A_174 = arith.cmpi ne, %rem3A_172, %ne3A_173 : i32
    %and3A_175 = arith.andi %ne3A_171, %ne3A_174 : i1
    %sub3A_176 = arith.constant 1 : i32
    %sub3A_177 = arith.subi %div3A_156, %sub3A_176 : i32
    %select_n3A_178 = arith.select %and3A_175, %sub3A_177, %div3A_156 : i32
    %mul3A_179 = arith.constant 128 : i32
    %mul3A_180 = arith.muli %select_n3A_178, %mul3A_179 : i32
    %multiple_of3A_181 = tpu.assume_multiple %mul3A_180, 128 : i32
    %dma_start3A_182 = arith.constant 1 : i32
    %dma_start3A_183 = arith.constant 0 : i32
    %dma_start3A_184 = arith.constant 0 : i32
    %dma_start3A_185 = tpu.memref_slice %arg9[%dma_start3A_182, %dma_start3A_183, %dma_start3A_184] : memref<6x64x128xf32, #tpu.memory_space<vmem>> -> memref<1x64x128xf32, #tpu.memory_space<vmem>>
    %dma_start3A_186 = tpu.memref_squeeze %dma_start3A_185 : memref<1x64x128xf32, #tpu.memory_space<vmem>> -> memref<64x128xf32, #tpu.memory_space<vmem>>
    %dma_start3A_187 = arith.constant 0 : i32
    %dma_start3A_188 = tpu.memref_slice %arg4[%dma_start3A_187, %multiple_of3A_154] : memref<64x1000000xf32, #tpu.memory_space<hbm>> -> memref<64x128xf32, #tpu.memory_space<hbm>>
    %dma_start3A_189 = arith.constant 0 : i32
    %dma_start3A_190 = arith.constant 0 : i32
    %dma_start3A_191 = tpu.memref_slice %arg9[%dma_start3A_182, %dma_start3A_189, %dma_start3A_190] : memref<6x64x128xf32, #tpu.memory_space<vmem>> -> memref<1x64x128xf32, #tpu.memory_space<vmem>>
    %dma_start3A_192 = tpu.memref_squeeze %dma_start3A_191 : memref<1x64x128xf32, #tpu.memory_space<vmem>> -> memref<64x128xf32, #tpu.memory_space<vmem>>
    %dma_start3A_193 = arith.constant 0 : i32
    %dma_start3A_194 = tpu.memref_slice %arg4[%dma_start3A_193, %multiple_of3A_154] : memref<64x1000000xf32, #tpu.memory_space<hbm>> -> memref<64x128xf32, #tpu.memory_space<hbm>>
    tpu.enqueue_dma source(%dma_start3A_194 : memref<64x128xf32, #tpu.memory_space<hbm>>) target(%dma_start3A_192 : memref<64x128xf32, #tpu.memory_space<vmem>>) target_semaphore(%arg13 : memref<!tpu.dma_semaphore, #tpu.memory_space<semaphore_mem>>)
    %dma_start3A_195 = arith.constant 1 : i32
    %dma_start3A_196 = arith.constant 0 : i32
    %dma_start3A_197 = arith.constant 0 : i32
    %dma_start3A_198 = tpu.memref_slice %arg10[%dma_start3A_195, %dma_start3A_196, %dma_start3A_197] : memref<6x64x128xf32, #tpu.memory_space<vmem>> -> memref<1x64x128xf32, #tpu.memory_space<vmem>>
    %dma_start3A_199 = tpu.memref_squeeze %dma_start3A_198 : memref<1x64x128xf32, #tpu.memory_space<vmem>> -> memref<64x128xf32, #tpu.memory_space<vmem>>
    %dma_start3A_200 = arith.constant 0 : i32
    %dma_start3A_201 = tpu.memref_slice %arg5[%dma_start3A_200, %multiple_of3A_181] : memref<64x1000000xf32, #tpu.memory_space<hbm>> -> memref<64x128xf32, #tpu.memory_space<hbm>>
    %dma_start3A_202 = arith.constant 0 : i32
    %dma_start3A_203 = arith.constant 0 : i32
    %dma_start3A_204 = tpu.memref_slice %arg10[%dma_start3A_195, %dma_start3A_202, %dma_start3A_203] : memref<6x64x128xf32, #tpu.memory_space<vmem>> -> memref<1x64x128xf32, #tpu.memory_space<vmem>>
    %dma_start3A_205 = tpu.memref_squeeze %dma_start3A_204 : memref<1x64x128xf32, #tpu.memory_space<vmem>> -> memref<64x128xf32, #tpu.memory_space<vmem>>
    %dma_start3A_206 = arith.constant 0 : i32
    %dma_start3A_207 = tpu.memref_slice %arg5[%dma_start3A_206, %multiple_of3A_181] : memref<64x1000000xf32, #tpu.memory_space<hbm>> -> memref<64x128xf32, #tpu.memory_space<hbm>>
    tpu.enqueue_dma source(%dma_start3A_207 : memref<64x128xf32, #tpu.memory_space<hbm>>) target(%dma_start3A_205 : memref<64x128xf32, #tpu.memory_space<vmem>>) target_semaphore(%arg13 : memref<!tpu.dma_semaphore, #tpu.memory_space<semaphore_mem>>)
    %iota3A_208 = tpu.iota {dimensions = array<i32: 0>} : vector<16xi32>
    %multiple_of3A_209 = arith.constant 0 : i32
    %multiple_of3A_210 = tpu.assume_multiple %multiple_of3A_209, 16 : i32
    %get3A_211 = arith.index_cast %multiple_of3A_210 : i32 to index
    %get3A_212 = tpu.vector_load %arg7[%get3A_211] {strides = array<i32>} : memref<512xi32, #tpu.memory_space<vmem>>, vector<16xi32>,
    %eq3A_213 = arith.constant 2 : i32
    %eq3A_214 = vector.broadcast %eq3A_213 : i32 to vector<16xi32>
    %eq3A_215 = arith.cmpi eq, %iota3A_208, %eq3A_214 : vector<16xi32>
    %jit3A_216 = arith.constant 0 : i32
    %broadcast_in_dim3A_217 = vector.broadcast %jit3A_216 : i32 to vector<16xi32>
    %select_n3A_218 = arith.select %eq3A_215, %get3A_212, %broadcast_in_dim3A_217 : vector<16xi1>, vector<16xi32>
    %reduce_sum3A_219 = arith.constant true
    %reduce_sum3A_220 = vector.broadcast %reduce_sum3A_219 : i1 to vector<16xi1>
    %reduce_sum3A_221 = tpu.scan <sum>, %select_n3A_218 masked %reduce_sum3A_220 : vector<16xi32>, vector<16xi1> -> vector<16xi32>
    %reduce_sum3A_222 = vector.extract %reduce_sum3A_221[15] : i32 from vector<16xi32>
    %iota3A_223 = tpu.iota {dimensions = array<i32: 0>} : vector<16xi32>
    %multiple_of3A_224 = arith.constant 0 : i32
    %multiple_of3A_225 = tpu.assume_multiple %multiple_of3A_224, 16 : i32
    %get3A_226 = arith.index_cast %multiple_of3A_225 : i32 to index
    %get3A_227 = tpu.vector_load %arg8[%get3A_226] {strides = array<i32>} : memref<512xi32, #tpu.memory_space<vmem>>, vector<16xi32>,
    %eq3A_228 = arith.constant 2 : i32
    %eq3A_229 = vector.broadcast %eq3A_228 : i32 to vector<16xi32>
    %eq3A_230 = arith.cmpi eq, %iota3A_223, %eq3A_229 : vector<16xi32>
    %jit3A_231 = arith.constant 0 : i32
    %broadcast_in_dim3A_232 = vector.broadcast %jit3A_231 : i32 to vector<16xi32>
    %select_n3A_233 = arith.select %eq3A_230, %get3A_227, %broadcast_in_dim3A_232 : vector<16xi1>, vector<16xi32>
    %reduce_sum3A_234 = arith.constant true
    %reduce_sum3A_235 = vector.broadcast %reduce_sum3A_234 : i1 to vector<16xi1>
    %reduce_sum3A_236 = tpu.scan <sum>, %select_n3A_233 masked %reduce_sum3A_235 : vector<16xi32>, vector<16xi1> -> vector<16xi32>
    %reduce_sum3A_237 = vector.extract %reduce_sum3A_236[15] : i32 from vector<16xi32>
    %jit3A_238 = arith.constant 128 : i32
    %div3A_239 = arith.divsi %reduce_sum3A_222, %jit3A_238 : i32
    %sign3A_240 = arith.constant 0 : i32
    %sign3A_241 = arith.cmpi sgt, %reduce_sum3A_222, %sign3A_240 : i32
    %sign3A_242 = arith.extui %sign3A_241 : i1 to i32
    %sign3A_243 = arith.constant 0 : i32
    %sign3A_244 = arith.cmpi slt, %reduce_sum3A_222, %sign3A_243 : i32
    %sign3A_245 = arith.extui %sign3A_244 : i1 to i32
    %sign3A_246 = arith.subi %sign3A_242, %sign3A_245 : i32
    %sign3A_247 = arith.constant 0 : i32
    %sign3A_248 = arith.cmpi sgt, %jit3A_238, %sign3A_247 : i32
    %sign3A_249 = arith.extui %sign3A_248 : i1 to i32
    %sign3A_250 = arith.constant 0 : i32
    %sign3A_251 = arith.cmpi slt, %jit3A_238, %sign3A_250 : i32
    %sign3A_252 = arith.extui %sign3A_251 : i1 to i32
    %sign3A_253 = arith.subi %sign3A_249, %sign3A_252 : i32
    %ne3A_254 = arith.cmpi ne, %sign3A_246, %sign3A_253 : i32
    %rem3A_255 = arith.remsi %reduce_sum3A_222, %jit3A_238 : i32
    %ne3A_256 = arith.constant 0 : i32
    %ne3A_257 = arith.cmpi ne, %rem3A_255, %ne3A_256 : i32
    %and3A_258 = arith.andi %ne3A_254, %ne3A_257 : i1
    %sub3A_259 = arith.constant 1 : i32
    %sub3A_260 = arith.subi %div3A_239, %sub3A_259 : i32
    %select_n3A_261 = arith.select %and3A_258, %sub3A_260, %div3A_239 : i32
    %mul3A_262 = arith.constant 128 : i32
    %mul3A_263 = arith.muli %select_n3A_261, %mul3A_262 : i32
    %multiple_of3A_264 = tpu.assume_multiple %mul3A_263, 128 : i32
    %jit3A_265 = arith.constant 128 : i32
    %div3A_266 = arith.divsi %reduce_sum3A_237, %jit3A_265 : i32
    %sign3A_267 = arith.constant 0 : i32
    %sign3A_268 = arith.cmpi sgt, %reduce_sum3A_237, %sign3A_267 : i32
    %sign3A_269 = arith.extui %sign3A_268 : i1 to i32
    %sign3A_270 = arith.constant 0 : i32
    %sign3A_271 = arith.cmpi slt, %reduce_sum3A_237, %sign3A_270 : i32
    %sign3A_272 = arith.extui %sign3A_271 : i1 to i32
    %sign3A_273 = arith.subi %sign3A_269, %sign3A_272 : i32
    %sign3A_274 = arith.constant 0 : i32
    %sign3A_275 = arith.cmpi sgt, %jit3A_265, %sign3A_274 : i32
    %sign3A_276 = arith.extui %sign3A_275 : i1 to i32
    %sign3A_277 = arith.constant 0 : i32
    %sign3A_278 = arith.cmpi slt, %jit3A_265, %sign3A_277 : i32
    %sign3A_279 = arith.extui %sign3A_278 : i1 to i32
    %sign3A_280 = arith.subi %sign3A_276, %sign3A_279 : i32
    %ne3A_281 = arith.cmpi ne, %sign3A_273, %sign3A_280 : i32
    %rem3A_282 = arith.remsi %reduce_sum3A_237, %jit3A_265 : i32
    %ne3A_283 = arith.constant 0 : i32
    %ne3A_284 = arith.cmpi ne, %rem3A_282, %ne3A_283 : i32
    %and3A_285 = arith.andi %ne3A_281, %ne3A_284 : i1
    %sub3A_286 = arith.constant 1 : i32
    %sub3A_287 = arith.subi %div3A_266, %sub3A_286 : i32
    %select_n3A_288 = arith.select %and3A_285, %sub3A_287, %div3A_266 : i32
    %mul3A_289 = arith.constant 128 : i32
    %mul3A_290 = arith.muli %select_n3A_288, %mul3A_289 : i32
    %multiple_of3A_291 = tpu.assume_multiple %mul3A_290, 128 : i32
    %dma_start3A_292 = arith.constant 2 : i32
    %dma_start3A_293 = arith.constant 0 : i32
    %dma_start3A_294 = arith.constant 0 : i32
    %dma_start3A_295 = tpu.memref_slice %arg9[%dma_start3A_292, %dma_start3A_293, %dma_start3A_294] : memref<6x64x128xf32, #tpu.memory_space<vmem>> -> memref<1x64x128xf32, #tpu.memory_space<vmem>>
    %dma_start3A_296 = tpu.memref_squeeze %dma_start3A_295 : memref<1x64x128xf32, #tpu.memory_space<vmem>> -> memref<64x128xf32, #tpu.memory_space<vmem>>
    %dma_start3A_297 = arith.constant 0 : i32
    %dma_start3A_298 = tpu.memref_slice %arg4[%dma_start3A_297, %multiple_of3A_264] : memref<64x1000000xf32, #tpu.memory_space<hbm>> -> memref<64x128xf32, #tpu.memory_space<hbm>>
    %dma_start3A_299 = arith.constant 0 : i32
    %dma_start3A_300 = arith.constant 0 : i32
    %dma_start3A_301 = tpu.memref_slice %arg9[%dma_start3A_292, %dma_start3A_299, %dma_start3A_300] : memref<6x64x128xf32, #tpu.memory_space<vmem>> -> memref<1x64x128xf32, #tpu.memory_space<vmem>>
    %dma_start3A_302 = tpu.memref_squeeze %dma_start3A_301 : memref<1x64x128xf32, #tpu.memory_space<vmem>> -> memref<64x128xf32, #tpu.memory_space<vmem>>
    %dma_start3A_303 = arith.constant 0 : i32
    %dma_start3A_304 = tpu.memref_slice %arg4[%dma_start3A_303, %multiple_of3A_264] : memref<64x1000000xf32, #tpu.memory_space<hbm>> -> memref<64x128xf32, #tpu.memory_space<hbm>>
    tpu.enqueue_dma source(%dma_start3A_304 : memref<64x128xf32, #tpu.memory_space<hbm>>) target(%dma_start3A_302 : memref<64x128xf32, #tpu.memory_space<vmem>>) target_semaphore(%arg14 : memref<!tpu.dma_semaphore, #tpu.memory_space<semaphore_mem>>)
    %dma_start3A_305 = arith.constant 2 : i32
    %dma_start3A_306 = arith.constant 0 : i32
    %dma_start3A_307 = arith.constant 0 : i32
    %dma_start3A_308 = tpu.memref_slice %arg10[%dma_start3A_305, %dma_start3A_306, %dma_start3A_307] : memref<6x64x128xf32, #tpu.memory_space<vmem>> -> memref<1x64x128xf32, #tpu.memory_space<vmem>>
    %dma_start3A_309 = tpu.memref_squeeze %dma_start3A_308 : memref<1x64x128xf32, #tpu.memory_space<vmem>> -> memref<64x128xf32, #tpu.memory_space<vmem>>
    %dma_start3A_310 = arith.constant 0 : i32
    %dma_start3A_311 = tpu.memref_slice %arg5[%dma_start3A_310, %multiple_of3A_291] : memref<64x1000000xf32, #tpu.memory_space<hbm>> -> memref<64x128xf32, #tpu.memory_space<hbm>>
    %dma_start3A_312 = arith.constant 0 : i32
    %dma_start3A_313 = arith.constant 0 : i32
    %dma_start3A_314 = tpu.memref_slice %arg10[%dma_start3A_305, %dma_start3A_312, %dma_start3A_313] : memref<6x64x128xf32, #tpu.memory_space<vmem>> -> memref<1x64x128xf32, #tpu.memory_space<vmem>>
    %dma_start3A_315 = tpu.memref_squeeze %dma_start3A_314 : memref<1x64x128xf32, #tpu.memory_space<vmem>> -> memref<64x128xf32, #tpu.memory_space<vmem>>
    %dma_start3A_316 = arith.constant 0 : i32
    %dma_start3A_317 = tpu.memref_slice %arg5[%dma_start3A_316, %multiple_of3A_291] : memref<64x1000000xf32, #tpu.memory_space<hbm>> -> memref<64x128xf32, #tpu.memory_space<hbm>>
    tpu.enqueue_dma source(%dma_start3A_317 : memref<64x128xf32, #tpu.memory_space<hbm>>) target(%dma_start3A_315 : memref<64x128xf32, #tpu.memory_space<vmem>>) target_semaphore(%arg14 : memref<!tpu.dma_semaphore, #tpu.memory_space<semaphore_mem>>)
    %iota3A_318 = tpu.iota {dimensions = array<i32: 0>} : vector<16xi32>
    %multiple_of3A_319 = arith.constant 0 : i32
    %multiple_of3A_320 = tpu.assume_multiple %multiple_of3A_319, 16 : i32
    %get3A_321 = arith.index_cast %multiple_of3A_320 : i32 to index
    %get3A_322 = tpu.vector_load %arg7[%get3A_321] {strides = array<i32>} : memref<512xi32, #tpu.memory_space<vmem>>, vector<16xi32>,
    %eq3A_323 = arith.constant 3 : i32
    %eq3A_324 = vector.broadcast %eq3A_323 : i32 to vector<16xi32>
    %eq3A_325 = arith.cmpi eq, %iota3A_318, %eq3A_324 : vector<16xi32>
    %jit3A_326 = arith.constant 0 : i32
    %broadcast_in_dim3A_327 = vector.broadcast %jit3A_326 : i32 to vector<16xi32>
    %select_n3A_328 = arith.select %eq3A_325, %get3A_322, %broadcast_in_dim3A_327 : vector<16xi1>, vector<16xi32>
    %reduce_sum3A_329 = arith.constant true
    %reduce_sum3A_330 = vector.broadcast %reduce_sum3A_329 : i1 to vector<16xi1>
    %reduce_sum3A_331 = tpu.scan <sum>, %select_n3A_328 masked %reduce_sum3A_330 : vector<16xi32>, vector<16xi1> -> vector<16xi32>
    %reduce_sum3A_332 = vector.extract %reduce_sum3A_331[15] : i32 from vector<16xi32>
    %iota3A_333 = tpu.iota {dimensions = array<i32: 0>} : vector<16xi32>
    %multiple_of3A_334 = arith.constant 0 : i32
    %multiple_of3A_335 = tpu.assume_multiple %multiple_of3A_334, 16 : i32
    %get3A_336 = arith.index_cast %multiple_of3A_335 : i32 to index
    %get3A_337 = tpu.vector_load %arg8[%get3A_336] {strides = array<i32>} : memref<512xi32, #tpu.memory_space<vmem>>, vector<16xi32>,
    %eq3A_338 = arith.constant 3 : i32
    %eq3A_339 = vector.broadcast %eq3A_338 : i32 to vector<16xi32>
    %eq3A_340 = arith.cmpi eq, %iota3A_333, %eq3A_339 : vector<16xi32>
    %jit3A_341 = arith.constant 0 : i32
    %broadcast_in_dim3A_342 = vector.broadcast %jit3A_341 : i32 to vector<16xi32>
    %select_n3A_343 = arith.select %eq3A_340, %get3A_337, %broadcast_in_dim3A_342 : vector<16xi1>, vector<16xi32>
    %reduce_sum3A_344 = arith.constant true
    %reduce_sum3A_345 = vector.broadcast %reduce_sum3A_344 : i1 to vector<16xi1>
    %reduce_sum3A_346 = tpu.scan <sum>, %select_n3A_343 masked %reduce_sum3A_345 : vector<16xi32>, vector<16xi1> -> vector<16xi32>
    %reduce_sum3A_347 = vector.extract %reduce_sum3A_346[15] : i32 from vector<16xi32>
    %jit3A_348 = arith.constant 128 : i32
    %div3A_349 = arith.divsi %reduce_sum3A_332, %jit3A_348 : i32
    %sign3A_350 = arith.constant 0 : i32
    %sign3A_351 = arith.cmpi sgt, %reduce_sum3A_332, %sign3A_350 : i32
    %sign3A_352 = arith.extui %sign3A_351 : i1 to i32
    %sign3A_353 = arith.constant 0 : i32
    %sign3A_354 = arith.cmpi slt, %reduce_sum3A_332, %sign3A_353 : i32
    %sign3A_355 = arith.extui %sign3A_354 : i1 to i32
    %sign3A_356 = arith.subi %sign3A_352, %sign3A_355 : i32
    %sign3A_357 = arith.constant 0 : i32
    %sign3A_358 = arith.cmpi sgt, %jit3A_348, %sign3A_357 : i32
    %sign3A_359 = arith.extui %sign3A_358 : i1 to i32
    %sign3A_360 = arith.constant 0 : i32
    %sign3A_361 = arith.cmpi slt, %jit3A_348, %sign3A_360 : i32
    %sign3A_362 = arith.extui %sign3A_361 : i1 to i32
    %sign3A_363 = arith.subi %sign3A_359, %sign3A_362 : i32
    %ne3A_364 = arith.cmpi ne, %sign3A_356, %sign3A_363 : i32
    %rem3A_365 = arith.remsi %reduce_sum3A_332, %jit3A_348 : i32
    %ne3A_366 = arith.constant 0 : i32
    %ne3A_367 = arith.cmpi ne, %rem3A_365, %ne3A_366 : i32
    %and3A_368 = arith.andi %ne3A_364, %ne3A_367 : i1
    %sub3A_369 = arith.constant 1 : i32
    %sub3A_370 = arith.subi %div3A_349, %sub3A_369 : i32
    %select_n3A_371 = arith.select %and3A_368, %sub3A_370, %div3A_349 : i32
    %mul3A_372 = arith.constant 128 : i32
    %mul3A_373 = arith.muli %select_n3A_371, %mul3A_372 : i32
    %multiple_of3A_374 = tpu.assume_multiple %mul3A_373, 128 : i32
    %jit3A_375 = arith.constant 128 : i32
    %div3A_376 = arith.divsi %reduce_sum3A_347, %jit3A_375 : i32
    %sign3A_377 = arith.constant 0 : i32
    %sign3A_378 = arith.cmpi sgt, %reduce_sum3A_347, %sign3A_377 : i32
    %sign3A_379 = arith.extui %sign3A_378 : i1 to i32
    %sign3A_380 = arith.constant 0 : i32
    %sign3A_381 = arith.cmpi slt, %reduce_sum3A_347, %sign3A_380 : i32
    %sign3A_382 = arith.extui %sign3A_381 : i1 to i32
    %sign3A_383 = arith.subi %sign3A_379, %sign3A_382 : i32
    %sign3A_384 = arith.constant 0 : i32
    %sign3A_385 = arith.cmpi sgt, %jit3A_375, %sign3A_384 : i32
    %sign3A_386 = arith.extui %sign3A_385 : i1 to i32
    %sign3A_387 = arith.constant 0 : i32
    %sign3A_388 = arith.cmpi slt, %jit3A_375, %sign3A_387 : i32
    %sign3A_389 = arith.extui %sign3A_388 : i1 to i32
    %sign3A_390 = arith.subi %sign3A_386, %sign3A_389 : i32
    %ne3A_391 = arith.cmpi ne, %sign3A_383, %sign3A_390 : i32
    %rem3A_392 = arith.remsi %reduce_sum3A_347, %jit3A_375 : i32
    %ne3A_393 = arith.constant 0 : i32
    %ne3A_394 = arith.cmpi ne, %rem3A_392, %ne3A_393 : i32
    %and3A_395 = arith.andi %ne3A_391, %ne3A_394 : i1
    %sub3A_396 = arith.constant 1 : i32
    %sub3A_397 = arith.subi %div3A_376, %sub3A_396 : i32
    %select_n3A_398 = arith.select %and3A_395, %sub3A_397, %div3A_376 : i32
    %mul3A_399 = arith.constant 128 : i32
    %mul3A_400 = arith.muli %select_n3A_398, %mul3A_399 : i32
    %multiple_of3A_401 = tpu.assume_multiple %mul3A_400, 128 : i32
    %dma_start3A_402 = arith.constant 3 : i32
    %dma_start3A_403 = arith.constant 0 : i32
    %dma_start3A_404 = arith.constant 0 : i32
    %dma_start3A_405 = tpu.memref_slice %arg9[%dma_start3A_402, %dma_start3A_403, %dma_start3A_404] : memref<6x64x128xf32, #tpu.memory_space<vmem>> -> memref<1x64x128xf32, #tpu.memory_space<vmem>>
    %dma_start3A_406 = tpu.memref_squeeze %dma_start3A_405 : memref<1x64x128xf32, #tpu.memory_space<vmem>> -> memref<64x128xf32, #tpu.memory_space<vmem>>
    %dma_start3A_407 = arith.constant 0 : i32
    %dma_start3A_408 = tpu.memref_slice %arg4[%dma_start3A_407, %multiple_of3A_374] : memref<64x1000000xf32, #tpu.memory_space<hbm>> -> memref<64x128xf32, #tpu.memory_space<hbm>>
    %dma_start3A_409 = arith.constant 0 : i32
    %dma_start3A_410 = arith.constant 0 : i32
    %dma_start3A_411 = tpu.memref_slice %arg9[%dma_start3A_402, %dma_start3A_409, %dma_start3A_410] : memref<6x64x128xf32, #tpu.memory_space<vmem>> -> memref<1x64x128xf32, #tpu.memory_space<vmem>>
    %dma_start3A_412 = tpu.memref_squeeze %dma_start3A_411 : memref<1x64x128xf32, #tpu.memory_space<vmem>> -> memref<64x128xf32, #tpu.memory_space<vmem>>
    %dma_start3A_413 = arith.constant 0 : i32
    %dma_start3A_414 = tpu.memref_slice %arg4[%dma_start3A_413, %multiple_of3A_374] : memref<64x1000000xf32, #tpu.memory_space<hbm>> -> memref<64x128xf32, #tpu.memory_space<hbm>>
    tpu.enqueue_dma source(%dma_start3A_414 : memref<64x128xf32, #tpu.memory_space<hbm>>) target(%dma_start3A_412 : memref<64x128xf32, #tpu.memory_space<vmem>>) target_semaphore(%arg15 : memref<!tpu.dma_semaphore, #tpu.memory_space<semaphore_mem>>)
    %dma_start3A_415 = arith.constant 3 : i32
    %dma_start3A_416 = arith.constant 0 : i32
    %dma_start3A_417 = arith.constant 0 : i32
    %dma_start3A_418 = tpu.memref_slice %arg10[%dma_start3A_415, %dma_start3A_416, %dma_start3A_417] : memref<6x64x128xf32, #tpu.memory_space<vmem>> -> memref<1x64x128xf32, #tpu.memory_space<vmem>>
    %dma_start3A_419 = tpu.memref_squeeze %dma_start3A_418 : memref<1x64x128xf32, #tpu.memory_space<vmem>> -> memref<64x128xf32, #tpu.memory_space<vmem>>
    %dma_start3A_420 = arith.constant 0 : i32
    %dma_start3A_421 = tpu.memref_slice %arg5[%dma_start3A_420, %multiple_of3A_401] : memref<64x1000000xf32, #tpu.memory_space<hbm>> -> memref<64x128xf32, #tpu.memory_space<hbm>>
    %dma_start3A_422 = arith.constant 0 : i32
    %dma_start3A_423 = arith.constant 0 : i32
    %dma_start3A_424 = tpu.memref_slice %arg10[%dma_start3A_415, %dma_start3A_422, %dma_start3A_423] : memref<6x64x128xf32, #tpu.memory_space<vmem>> -> memref<1x64x128xf32, #tpu.memory_space<vmem>>
    %dma_start3A_425 = tpu.memref_squeeze %dma_start3A_424 : memref<1x64x128xf32, #tpu.memory_space<vmem>> -> memref<64x128xf32, #tpu.memory_space<vmem>>
    %dma_start3A_426 = arith.constant 0 : i32
    %dma_start3A_427 = tpu.memref_slice %arg5[%dma_start3A_426, %multiple_of3A_401] : memref<64x1000000xf32, #tpu.memory_space<hbm>> -> memref<64x128xf32, #tpu.memory_space<hbm>>
    tpu.enqueue_dma source(%dma_start3A_427 : memref<64x128xf32, #tpu.memory_space<hbm>>) target(%dma_start3A_425 : memref<64x128xf32, #tpu.memory_space<vmem>>) target_semaphore(%arg15 : memref<!tpu.dma_semaphore, #tpu.memory_space<semaphore_mem>>)
    %iota3A_428 = tpu.iota {dimensions = array<i32: 0>} : vector<16xi32>
    %multiple_of3A_429 = arith.constant 0 : i32
    %multiple_of3A_430 = tpu.assume_multiple %multiple_of3A_429, 16 : i32
    %get3A_431 = arith.index_cast %multiple_of3A_430 : i32 to index
    %get3A_432 = tpu.vector_load %arg7[%get3A_431] {strides = array<i32>} : memref<512xi32, #tpu.memory_space<vmem>>, vector<16xi32>,
    %eq3A_433 = arith.constant 4 : i32
    %eq3A_434 = vector.broadcast %eq3A_433 : i32 to vector<16xi32>
    %eq3A_435 = arith.cmpi eq, %iota3A_428, %eq3A_434 : vector<16xi32>
    %jit3A_436 = arith.constant 0 : i32
    %broadcast_in_dim3A_437 = vector.broadcast %jit3A_436 : i32 to vector<16xi32>
    %select_n3A_438 = arith.select %eq3A_435, %get3A_432, %broadcast_in_dim3A_437 : vector<16xi1>, vector<16xi32>
    %reduce_sum3A_439 = arith.constant true
    %reduce_sum3A_440 = vector.broadcast %reduce_sum3A_439 : i1 to vector<16xi1>
    %reduce_sum3A_441 = tpu.scan <sum>, %select_n3A_438 masked %reduce_sum3A_440 : vector<16xi32>, vector<16xi1> -> vector<16xi32>
    %reduce_sum3A_442 = vector.extract %reduce_sum3A_441[15] : i32 from vector<16xi32>
    %iota3A_443 = tpu.iota {dimensions = array<i32: 0>} : vector<16xi32>
    %multiple_of3A_444 = arith.constant 0 : i32
    %multiple_of3A_445 = tpu.assume_multiple %multiple_of3A_444, 16 : i32
    %get3A_446 = arith.index_cast %multiple_of3A_445 : i32 to index
    %get3A_447 = tpu.vector_load %arg8[%get3A_446] {strides = array<i32>} : memref<512xi32, #tpu.memory_space<vmem>>, vector<16xi32>,
    %eq3A_448 = arith.constant 4 : i32
    %eq3A_449 = vector.broadcast %eq3A_448 : i32 to vector<16xi32>
    %eq3A_450 = arith.cmpi eq, %iota3A_443, %eq3A_449 : vector<16xi32>
    %jit3A_451 = arith.constant 0 : i32
    %broadcast_in_dim3A_452 = vector.broadcast %jit3A_451 : i32 to vector<16xi32>
    %select_n3A_453 = arith.select %eq3A_450, %get3A_447, %broadcast_in_dim3A_452 : vector<16xi1>, vector<16xi32>
    %reduce_sum3A_454 = arith.constant true
    %reduce_sum3A_455 = vector.broadcast %reduce_sum3A_454 : i1 to vector<16xi1>
    %reduce_sum3A_456 = tpu.scan <sum>, %select_n3A_453 masked %reduce_sum3A_455 : vector<16xi32>, vector<16xi1> -> vector<16xi32>
    %reduce_sum3A_457 = vector.extract %reduce_sum3A_456[15] : i32 from vector<16xi32>
    %jit3A_458 = arith.constant 128 : i32
    %div3A_459 = arith.divsi %reduce_sum3A_442, %jit3A_458 : i32
    %sign3A_460 = arith.constant 0 : i32
    %sign3A_461 = arith.cmpi sgt, %reduce_sum3A_442, %sign3A_460 : i32
    %sign3A_462 = arith.extui %sign3A_461 : i1 to i32
    %sign3A_463 = arith.constant 0 : i32
    %sign3A_464 = arith.cmpi slt, %reduce_sum3A_442, %sign3A_463 : i32
    %sign3A_465 = arith.extui %sign3A_464 : i1 to i32
    %sign3A_466 = arith.subi %sign3A_462, %sign3A_465 : i32
    %sign3A_467 = arith.constant 0 : i32
    %sign3A_468 = arith.cmpi sgt, %jit3A_458, %sign3A_467 : i32
    %sign3A_469 = arith.extui %sign3A_468 : i1 to i32
    %sign3A_470 = arith.constant 0 : i32
    %sign3A_471 = arith.cmpi slt, %jit3A_458, %sign3A_470 : i32
    %sign3A_472 = arith.extui %sign3A_471 : i1 to i32
    %sign3A_473 = arith.subi %sign3A_469, %sign3A_472 : i32
    %ne3A_474 = arith.cmpi ne, %sign3A_466, %sign3A_473 : i32
    %rem3A_475 = arith.remsi %reduce_sum3A_442, %jit3A_458 : i32
    %ne3A_476 = arith.constant 0 : i32
    %ne3A_477 = arith.cmpi ne, %rem3A_475, %ne3A_476 : i32
    %and3A_478 = arith.andi %ne3A_474, %ne3A_477 : i1
    %sub3A_479 = arith.constant 1 : i32
    %sub3A_480 = arith.subi %div3A_459, %sub3A_479 : i32
    %select_n3A_481 = arith.select %and3A_478, %sub3A_480, %div3A_459 : i32
    %mul3A_482 = arith.constant 128 : i32
    %mul3A_483 = arith.muli %select_n3A_481, %mul3A_482 : i32
    %multiple_of3A_484 = tpu.assume_multiple %mul3A_483, 128 : i32
    %jit3A_485 = arith.constant 128 : i32
    %div3A_486 = arith.divsi %reduce_sum3A_457, %jit3A_485 : i32
    %sign3A_487 = arith.constant 0 : i32
    %sign3A_488 = arith.cmpi sgt, %reduce_sum3A_457, %sign3A_487 : i32
    %sign3A_489 = arith.extui %sign3A_488 : i1 to i32
    %sign3A_490 = arith.constant 0 : i32
    %sign3A_491 = arith.cmpi slt, %reduce_sum3A_457, %sign3A_490 : i32
    %sign3A_492 = arith.extui %sign3A_491 : i1 to i32
    %sign3A_493 = arith.subi %sign3A_489, %sign3A_492 : i32
    %sign3A_494 = arith.constant 0 : i32
    %sign3A_495 = arith.cmpi sgt, %jit3A_485, %sign3A_494 : i32
    %sign3A_496 = arith.extui %sign3A_495 : i1 to i32
    %sign3A_497 = arith.constant 0 : i32
    %sign3A_498 = arith.cmpi slt, %jit3A_485, %sign3A_497 : i32
    %sign3A_499 = arith.extui %sign3A_498 : i1 to i32
    %sign3A_500 = arith.subi %sign3A_496, %sign3A_499 : i32
    %ne3A_501 = arith.cmpi ne, %sign3A_493, %sign3A_500 : i32
    %rem3A_502 = arith.remsi %reduce_sum3A_457, %jit3A_485 : i32
    %ne3A_503 = arith.constant 0 : i32
    %ne3A_504 = arith.cmpi ne, %rem3A_502, %ne3A_503 : i32
    %and3A_505 = arith.andi %ne3A_501, %ne3A_504 : i1
    %sub3A_506 = arith.constant 1 : i32
    %sub3A_507 = arith.subi %div3A_486, %sub3A_506 : i32
    %select_n3A_508 = arith.select %and3A_505, %sub3A_507, %div3A_486 : i32
    %mul3A_509 = arith.constant 128 : i32
    %mul3A_510 = arith.muli %select_n3A_508, %mul3A_509 : i32
    %multiple_of3A_511 = tpu.assume_multiple %mul3A_510, 128 : i32
    %dma_start3A_512 = arith.constant 4 : i32
    %dma_start3A_513 = arith.constant 0 : i32
    %dma_start3A_514 = arith.constant 0 : i32
    %dma_start3A_515 = tpu.memref_slice %arg9[%dma_start3A_512, %dma_start3A_513, %dma_start3A_514] : memref<6x64x128xf32, #tpu.memory_space<vmem>> -> memref<1x64x128xf32, #tpu.memory_space<vmem>>
    %dma_start3A_516 = tpu.memref_squeeze %dma_start3A_515 : memref<1x64x128xf32, #tpu.memory_space<vmem>> -> memref<64x128xf32, #tpu.memory_space<vmem>>
    %dma_start3A_517 = arith.constant 0 : i32
    %dma_start3A_518 = tpu.memref_slice %arg4[%dma_start3A_517, %multiple_of3A_484] : memref<64x1000000xf32, #tpu.memory_space<hbm>> -> memref<64x128xf32, #tpu.memory_space<hbm>>
    %dma_start3A_519 = arith.constant 0 : i32
    %dma_start3A_520 = arith.constant 0 : i32
    %dma_start3A_521 = tpu.memref_slice %arg9[%dma_start3A_512, %dma_start3A_519, %dma_start3A_520] : memref<6x64x128xf32, #tpu.memory_space<vmem>> -> memref<1x64x128xf32, #tpu.memory_space<vmem>>
    %dma_start3A_522 = tpu.memref_squeeze %dma_start3A_521 : memref<1x64x128xf32, #tpu.memory_space<vmem>> -> memref<64x128xf32, #tpu.memory_space<vmem>>
    %dma_start3A_523 = arith.constant 0 : i32
    %dma_start3A_524 = tpu.memref_slice %arg4[%dma_start3A_523, %multiple_of3A_484] : memref<64x1000000xf32, #tpu.memory_space<hbm>> -> memref<64x128xf32, #tpu.memory_space<hbm>>
    tpu.enqueue_dma source(%dma_start3A_524 : memref<64x128xf32, #tpu.memory_space<hbm>>) target(%dma_start3A_522 : memref<64x128xf32, #tpu.memory_space<vmem>>) target_semaphore(%arg16 : memref<!tpu.dma_semaphore, #tpu.memory_space<semaphore_mem>>)
    %dma_start3A_525 = arith.constant 4 : i32
    %dma_start3A_526 = arith.constant 0 : i32
    %dma_start3A_527 = arith.constant 0 : i32
    %dma_start3A_528 = tpu.memref_slice %arg10[%dma_start3A_525, %dma_start3A_526, %dma_start3A_527] : memref<6x64x128xf32, #tpu.memory_space<vmem>> -> memref<1x64x128xf32, #tpu.memory_space<vmem>>
    %dma_start3A_529 = tpu.memref_squeeze %dma_start3A_528 : memref<1x64x128xf32, #tpu.memory_space<vmem>> -> memref<64x128xf32, #tpu.memory_space<vmem>>
    %dma_start3A_530 = arith.constant 0 : i32
    %dma_start3A_531 = tpu.memref_slice %arg5[%dma_start3A_530, %multiple_of3A_511] : memref<64x1000000xf32, #tpu.memory_space<hbm>> -> memref<64x128xf32, #tpu.memory_space<hbm>>
    %dma_start3A_532 = arith.constant 0 : i32
    %dma_start3A_533 = arith.constant 0 : i32
    %dma_start3A_534 = tpu.memref_slice %arg10[%dma_start3A_525, %dma_start3A_532, %dma_start3A_533] : memref<6x64x128xf32, #tpu.memory_space<vmem>> -> memref<1x64x128xf32, #tpu.memory_space<vmem>>
    %dma_start3A_535 = tpu.memref_squeeze %dma_start3A_534 : memref<1x64x128xf32, #tpu.memory_space<vmem>> -> memref<64x128xf32, #tpu.memory_space<vmem>>
    %dma_start3A_536 = arith.constant 0 : i32
    %dma_start3A_537 = tpu.memref_slice %arg5[%dma_start3A_536, %multiple_of3A_511] : memref<64x1000000xf32, #tpu.memory_space<hbm>> -> memref<64x128xf32, #tpu.memory_space<hbm>>
    tpu.enqueue_dma source(%dma_start3A_537 : memref<64x128xf32, #tpu.memory_space<hbm>>) target(%dma_start3A_535 : memref<64x128xf32, #tpu.memory_space<vmem>>) target_semaphore(%arg16 : memref<!tpu.dma_semaphore, #tpu.memory_space<semaphore_mem>>)
    %iota3A_538 = tpu.iota {dimensions = array<i32: 0>} : vector<16xi32>
    %multiple_of3A_539 = arith.constant 0 : i32
    %multiple_of3A_540 = tpu.assume_multiple %multiple_of3A_539, 16 : i32
    %get3A_541 = arith.index_cast %multiple_of3A_540 : i32 to index
    %get3A_542 = tpu.vector_load %arg7[%get3A_541] {strides = array<i32>} : memref<512xi32, #tpu.memory_space<vmem>>, vector<16xi32>,
    %eq3A_543 = arith.constant 5 : i32
    %eq3A_544 = vector.broadcast %eq3A_543 : i32 to vector<16xi32>
    %eq3A_545 = arith.cmpi eq, %iota3A_538, %eq3A_544 : vector<16xi32>
    %jit3A_546 = arith.constant 0 : i32
    %broadcast_in_dim3A_547 = vector.broadcast %jit3A_546 : i32 to vector<16xi32>
    %select_n3A_548 = arith.select %eq3A_545, %get3A_542, %broadcast_in_dim3A_547 : vector<16xi1>, vector<16xi32>
    %reduce_sum3A_549 = arith.constant true
    %reduce_sum3A_550 = vector.broadcast %reduce_sum3A_549 : i1 to vector<16xi1>
    %reduce_sum3A_551 = tpu.scan <sum>, %select_n3A_548 masked %reduce_sum3A_550 : vector<16xi32>, vector<16xi1> -> vector<16xi32>
    %reduce_sum3A_552 = vector.extract %reduce_sum3A_551[15] : i32 from vector<16xi32>
    %iota3A_553 = tpu.iota {dimensions = array<i32: 0>} : vector<16xi32>
    %multiple_of3A_554 = arith.constant 0 : i32
    %multiple_of3A_555 = tpu.assume_multiple %multiple_of3A_554, 16 : i32
    %get3A_556 = arith.index_cast %multiple_of3A_555 : i32 to index
    %get3A_557 = tpu.vector_load %arg8[%get3A_556] {strides = array<i32>} : memref<512xi32, #tpu.memory_space<vmem>>, vector<16xi32>,
    %eq3A_558 = arith.constant 5 : i32
    %eq3A_559 = vector.broadcast %eq3A_558 : i32 to vector<16xi32>
    %eq3A_560 = arith.cmpi eq, %iota3A_553, %eq3A_559 : vector<16xi32>
    %jit3A_561 = arith.constant 0 : i32
    %broadcast_in_dim3A_562 = vector.broadcast %jit3A_561 : i32 to vector<16xi32>
    %select_n3A_563 = arith.select %eq3A_560, %get3A_557, %broadcast_in_dim3A_562 : vector<16xi1>, vector<16xi32>
    %reduce_sum3A_564 = arith.constant true
    %reduce_sum3A_565 = vector.broadcast %reduce_sum3A_564 : i1 to vector<16xi1>
    %reduce_sum3A_566 = tpu.scan <sum>, %select_n3A_563 masked %reduce_sum3A_565 : vector<16xi32>, vector<16xi1> -> vector<16xi32>
    %reduce_sum3A_567 = vector.extract %reduce_sum3A_566[15] : i32 from vector<16xi32>
    %jit3A_568 = arith.constant 128 : i32
    %div3A_569 = arith.divsi %reduce_sum3A_552, %jit3A_568 : i32
    %sign3A_570 = arith.constant 0 : i32
    %sign3A_571 = arith.cmpi sgt, %reduce_sum3A_552, %sign3A_570 : i32
    %sign3A_572 = arith.extui %sign3A_571 : i1 to i32
    %sign3A_573 = arith.constant 0 : i32
    %sign3A_574 = arith.cmpi slt, %reduce_sum3A_552, %sign3A_573 : i32
    %sign3A_575 = arith.extui %sign3A_574 : i1 to i32
    %sign3A_576 = arith.subi %sign3A_572, %sign3A_575 : i32
    %sign3A_577 = arith.constant 0 : i32
    %sign3A_578 = arith.cmpi sgt, %jit3A_568, %sign3A_577 : i32
    %sign3A_579 = arith.extui %sign3A_578 : i1 to i32
    %sign3A_580 = arith.constant 0 : i32
    %sign3A_581 = arith.cmpi slt, %jit3A_568, %sign3A_580 : i32
    %sign3A_582 = arith.extui %sign3A_581 : i1 to i32
    %sign3A_583 = arith.subi %sign3A_579, %sign3A_582 : i32
    %ne3A_584 = arith.cmpi ne, %sign3A_576, %sign3A_583 : i32
    %rem3A_585 = arith.remsi %reduce_sum3A_552, %jit3A_568 : i32
    %ne3A_586 = arith.constant 0 : i32
    %ne3A_587 = arith.cmpi ne, %rem3A_585, %ne3A_586 : i32
    %and3A_588 = arith.andi %ne3A_584, %ne3A_587 : i1
    %sub3A_589 = arith.constant 1 : i32
    %sub3A_590 = arith.subi %div3A_569, %sub3A_589 : i32
    %select_n3A_591 = arith.select %and3A_588, %sub3A_590, %div3A_569 : i32
    %mul3A_592 = arith.constant 128 : i32
    %mul3A_593 = arith.muli %select_n3A_591, %mul3A_592 : i32
    %multiple_of3A_594 = tpu.assume_multiple %mul3A_593, 128 : i32
    %jit3A_595 = arith.constant 128 : i32
    %div3A_596 = arith.divsi %reduce_sum3A_567, %jit3A_595 : i32
    %sign3A_597 = arith.constant 0 : i32
    %sign3A_598 = arith.cmpi sgt, %reduce_sum3A_567, %sign3A_597 : i32
    %sign3A_599 = arith.extui %sign3A_598 : i1 to i32
    %sign3A_600 = arith.constant 0 : i32
    %sign3A_601 = arith.cmpi slt, %reduce_sum3A_567, %sign3A_600 : i32
    %sign3A_602 = arith.extui %sign3A_601 : i1 to i32
    %sign3A_603 = arith.subi %sign3A_599, %sign3A_602 : i32
    %sign3A_604 = arith.constant 0 : i32
    %sign3A_605 = arith.cmpi sgt, %jit3A_595, %sign3A_604 : i32
    %sign3A_606 = arith.extui %sign3A_605 : i1 to i32
    %sign3A_607 = arith.constant 0 : i32
    %sign3A_608 = arith.cmpi slt, %jit3A_595, %sign3A_607 : i32
    %sign3A_609 = arith.extui %sign3A_608 : i1 to i32
    %sign3A_610 = arith.subi %sign3A_606, %sign3A_609 : i32
    %ne3A_611 = arith.cmpi ne, %sign3A_603, %sign3A_610 : i32
    %rem3A_612 = arith.remsi %reduce_sum3A_567, %jit3A_595 : i32
    %ne3A_613 = arith.constant 0 : i32
    %ne3A_614 = arith.cmpi ne, %rem3A_612, %ne3A_613 : i32
    %and3A_615 = arith.andi %ne3A_611, %ne3A_614 : i1
    %sub3A_616 = arith.constant 1 : i32
    %sub3A_617 = arith.subi %div3A_596, %sub3A_616 : i32
    %select_n3A_618 = arith.select %and3A_615, %sub3A_617, %div3A_596 : i32
    %mul3A_619 = arith.constant 128 : i32
    %mul3A_620 = arith.muli %select_n3A_618, %mul3A_619 : i32
    %multiple_of3A_621 = tpu.assume_multiple %mul3A_620, 128 : i32
    %dma_start3A_622 = arith.constant 5 : i32
    %dma_start3A_623 = arith.constant 0 : i32
    %dma_start3A_624 = arith.constant 0 : i32
    %dma_start3A_625 = tpu.memref_slice %arg9[%dma_start3A_622, %dma_start3A_623, %dma_start3A_624] : memref<6x64x128xf32, #tpu.memory_space<vmem>> -> memref<1x64x128xf32, #tpu.memory_space<vmem>>
    %dma_start3A_626 = tpu.memref_squeeze %dma_start3A_625 : memref<1x64x128xf32, #tpu.memory_space<vmem>> -> memref<64x128xf32, #tpu.memory_space<vmem>>
    %dma_start3A_627 = arith.constant 0 : i32
    %dma_start3A_628 = tpu.memref_slice %arg4[%dma_start3A_627, %multiple_of3A_594] : memref<64x1000000xf32, #tpu.memory_space<hbm>> -> memref<64x128xf32, #tpu.memory_space<hbm>>
    %dma_start3A_629 = arith.constant 0 : i32
    %dma_start3A_630 = arith.constant 0 : i32
    %dma_start3A_631 = tpu.memref_slice %arg9[%dma_start3A_622, %dma_start3A_629, %dma_start3A_630] : memref<6x64x128xf32, #tpu.memory_space<vmem>> -> memref<1x64x128xf32, #tpu.memory_space<vmem>>
    %dma_start3A_632 = tpu.memref_squeeze %dma_start3A_631 : memref<1x64x128xf32, #tpu.memory_space<vmem>> -> memref<64x128xf32, #tpu.memory_space<vmem>>
    %dma_start3A_633 = arith.constant 0 : i32
    %dma_start3A_634 = tpu.memref_slice %arg4[%dma_start3A_633, %multiple_of3A_594] : memref<64x1000000xf32, #tpu.memory_space<hbm>> -> memref<64x128xf32, #tpu.memory_space<hbm>>
    tpu.enqueue_dma source(%dma_start3A_634 : memref<64x128xf32, #tpu.memory_space<hbm>>) target(%dma_start3A_632 : memref<64x128xf32, #tpu.memory_space<vmem>>) target_semaphore(%arg17 : memref<!tpu.dma_semaphore, #tpu.memory_space<semaphore_mem>>)
    %dma_start3A_635 = arith.constant 5 : i32
    %dma_start3A_636 = arith.constant 0 : i32
    %dma_start3A_637 = arith.constant 0 : i32
    %dma_start3A_638 = tpu.memref_slice %arg10[%dma_start3A_635, %dma_start3A_636, %dma_start3A_637] : memref<6x64x128xf32, #tpu.memory_space<vmem>> -> memref<1x64x128xf32, #tpu.memory_space<vmem>>
    %dma_start3A_639 = tpu.memref_squeeze %dma_start3A_638 : memref<1x64x128xf32, #tpu.memory_space<vmem>> -> memref<64x128xf32, #tpu.memory_space<vmem>>
    %dma_start3A_640 = arith.constant 0 : i32
    %dma_start3A_641 = tpu.memref_slice %arg5[%dma_start3A_640, %multiple_of3A_621] : memref<64x1000000xf32, #tpu.memory_space<hbm>> -> memref<64x128xf32, #tpu.memory_space<hbm>>
    %dma_start3A_642 = arith.constant 0 : i32
    %dma_start3A_643 = arith.constant 0 : i32
    %dma_start3A_644 = tpu.memref_slice %arg10[%dma_start3A_635, %dma_start3A_642, %dma_start3A_643] : memref<6x64x128xf32, #tpu.memory_space<vmem>> -> memref<1x64x128xf32, #tpu.memory_space<vmem>>
    %dma_start3A_645 = tpu.memref_squeeze %dma_start3A_644 : memref<1x64x128xf32, #tpu.memory_space<vmem>> -> memref<64x128xf32, #tpu.memory_space<vmem>>
    %dma_start3A_646 = arith.constant 0 : i32
    %dma_start3A_647 = tpu.memref_slice %arg5[%dma_start3A_646, %multiple_of3A_621] : memref<64x1000000xf32, #tpu.memory_space<hbm>> -> memref<64x128xf32, #tpu.memory_space<hbm>>
    tpu.enqueue_dma source(%dma_start3A_647 : memref<64x128xf32, #tpu.memory_space<hbm>>) target(%dma_start3A_645 : memref<64x128xf32, #tpu.memory_space<vmem>>) target_semaphore(%arg17 : memref<!tpu.dma_semaphore, #tpu.memory_space<semaphore_mem>>)
    %iota3A_648 = tpu.iota {dimensions = array<i32: 0>} : vector<16xi32>
    %broadcast_in_dim3A_649 = arith.constant 0.000000e+00 : f32
    %broadcast_in_dim3A_650 = vector.broadcast %broadcast_in_dim3A_649 : f32 to vector<16xf32>
    %scan3A = arith.constant 0 : i32
    %scan3A_651 = arith.constant 512 : i32
    %scan3A_652 = arith.addi %scan3A, %scan3A_651 : i32
    %scan3A_653 = arith.constant 1 : i32
    %scan3A_654 = scf.for %scan3A_656 = %scan3A to %scan3A_652 step %scan3A_653 iter_args(%scan3A_657 = %broadcast_in_dim3A_650) -> (vector<16xf32>)  : i32 {
      %jit3A_658 = arith.constant 6 : i32
      %eq3A_659 = arith.constant 0 : i32
      %eq3A_660 = arith.cmpi eq, %jit3A_658, %eq3A_659 : i32
      %jit3A_661 = arith.constant 1 : i32
      %select_n3A_662 = arith.select %eq3A_660, %jit3A_661, %jit3A_658 : i32
      %rem3A_663 = arith.remsi %scan3A_656, %select_n3A_662 : i32
      %ne3A_664 = arith.constant 0 : i32
      %ne3A_665 = arith.cmpi ne, %rem3A_663, %ne3A_664 : i32
      %lt3A = arith.constant 0 : i32
      %lt3A_666 = arith.cmpi slt, %rem3A_663, %lt3A : i32
      %lt3A_667 = arith.constant 0 : i32
      %lt3A_668 = arith.cmpi slt, %select_n3A_662, %lt3A_667 : i32
      %ne3A_669 = arith.xori %lt3A_666, %lt3A_668 : i1
      %and3A_670 = arith.andi %ne3A_669, %ne3A_665 : i1
      %add3A_671 = arith.addi %rem3A_663, %select_n3A_662 : i32
      %select_n3A_672 = arith.select %and3A_670, %add3A_671, %rem3A_663 : i32
      %clamp3A = arith.constant 0 : i32
      %clamp3A_673 = arith.constant 5 : i32
      %clamp3A_674 = arith.maxsi %select_n3A_672, %clamp3A : i32
      %clamp3A_675 = arith.minsi %clamp3A_674, %clamp3A_673 : i32
      %cond3A = arith.constant 0 : i32
      %cond3A_676 = arith.cmpi ne, %clamp3A_675, %cond3A : i32
      %cond3A_677 = scf.if %cond3A_676 -> (vector<16xf32>) {
        %cond3A_719 = arith.constant 1 : i32
        %cond3A_720 = arith.subi %clamp3A_675, %cond3A_719 : i32
        %cond3A_721 = arith.constant 0 : i32
        %cond3A_722 = arith.cmpi ne, %cond3A_720, %cond3A_721 : i32
        %cond3A_723 = scf.if %cond3A_722 -> (vector<16xf32>) {
          %cond3A_724 = arith.constant 1 : i32
          %cond3A_725 = arith.subi %cond3A_720, %cond3A_724 : i32
          %cond3A_726 = arith.constant 0 : i32
          %cond3A_727 = arith.cmpi ne, %cond3A_725, %cond3A_726 : i32
          %cond3A_728 = scf.if %cond3A_727 -> (vector<16xf32>) {
            %cond3A_729 = arith.constant 1 : i32
            %cond3A_730 = arith.subi %cond3A_725, %cond3A_729 : i32
            %cond3A_731 = arith.constant 0 : i32
            %cond3A_732 = arith.cmpi ne, %cond3A_730, %cond3A_731 : i32
            %cond3A_733 = scf.if %cond3A_732 -> (vector<16xf32>) {
              %cond3A_734 = arith.constant 1 : i32
              %cond3A_735 = arith.subi %cond3A_730, %cond3A_734 : i32
              %cond3A_736 = arith.constant 0 : i32
              %cond3A_737 = arith.cmpi ne, %cond3A_735, %cond3A_736 : i32
              %cond3A_738 = scf.if %cond3A_737 -> (vector<16xf32>) {
                %dma_wait3A = arith.constant 5 : i32
                %dma_wait3A_739 = arith.constant 0 : i32
                %dma_wait3A_740 = arith.constant 0 : i32
                %dma_wait3A_741 = tpu.memref_slice %arg9[%dma_wait3A, %dma_wait3A_739, %dma_wait3A_740] : memref<6x64x128xf32, #tpu.memory_space<vmem>> -> memref<1x64x128xf32, #tpu.memory_space<vmem>>
                %dma_wait3A_742 = tpu.memref_squeeze %dma_wait3A_741 : memref<1x64x128xf32, #tpu.memory_space<vmem>> -> memref<64x128xf32, #tpu.memory_space<vmem>>
                %dma_wait3A_743 = arith.constant 0 : i32
                %dma_wait3A_744 = arith.constant 0 : i32
                %dma_wait3A_745 = tpu.memref_slice %arg4[%dma_wait3A_743, %dma_wait3A_744] : memref<64x1000000xf32, #tpu.memory_space<hbm>> -> memref<64x128xf32, #tpu.memory_space<hbm>>
                %dma_wait3A_746 = arith.constant 0 : i32
                %dma_wait3A_747 = arith.constant 0 : i32
                %dma_wait3A_748 = tpu.memref_slice %arg9[%dma_wait3A, %dma_wait3A_746, %dma_wait3A_747] : memref<6x64x128xf32, #tpu.memory_space<vmem>> -> memref<1x64x128xf32, #tpu.memory_space<vmem>>
                %dma_wait3A_749 = tpu.memref_squeeze %dma_wait3A_748 : memref<1x64x128xf32, #tpu.memory_space<vmem>> -> memref<64x128xf32, #tpu.memory_space<vmem>>
                %dma_wait3A_750 = arith.constant 0 : i32
                %dma_wait3A_751 = arith.constant 0 : i32
                %dma_wait3A_752 = tpu.memref_slice %arg4[%dma_wait3A_750, %dma_wait3A_751] : memref<64x1000000xf32, #tpu.memory_space<hbm>> -> memref<64x128xf32, #tpu.memory_space<hbm>>
                tpu.wait_dma2 semaphore(%arg17 : memref<!tpu.dma_semaphore, #tpu.memory_space<semaphore_mem>>) src(%dma_wait3A_752 : memref<64x128xf32, #tpu.memory_space<hbm>>) dst(%dma_wait3A_749 : memref<64x128xf32, #tpu.memory_space<vmem>>)
                %dma_wait3A_753 = arith.constant 5 : i32
                %dma_wait3A_754 = arith.constant 0 : i32
                %dma_wait3A_755 = arith.constant 0 : i32
                %dma_wait3A_756 = tpu.memref_slice %arg10[%dma_wait3A_753, %dma_wait3A_754, %dma_wait3A_755] : memref<6x64x128xf32, #tpu.memory_space<vmem>> -> memref<1x64x128xf32, #tpu.memory_space<vmem>>
                %dma_wait3A_757 = tpu.memref_squeeze %dma_wait3A_756 : memref<1x64x128xf32, #tpu.memory_space<vmem>> -> memref<64x128xf32, #tpu.memory_space<vmem>>
                %dma_wait3A_758 = arith.constant 0 : i32
                %dma_wait3A_759 = arith.constant 0 : i32
                %dma_wait3A_760 = tpu.memref_slice %arg5[%dma_wait3A_758, %dma_wait3A_759] : memref<64x1000000xf32, #tpu.memory_space<hbm>> -> memref<64x128xf32, #tpu.memory_space<hbm>>
                %dma_wait3A_761 = arith.constant 0 : i32
                %dma_wait3A_762 = arith.constant 0 : i32
                %dma_wait3A_763 = tpu.memref_slice %arg10[%dma_wait3A_753, %dma_wait3A_761, %dma_wait3A_762] : memref<6x64x128xf32, #tpu.memory_space<vmem>> -> memref<1x64x128xf32, #tpu.memory_space<vmem>>
                %dma_wait3A_764 = tpu.memref_squeeze %dma_wait3A_763 : memref<1x64x128xf32, #tpu.memory_space<vmem>> -> memref<64x128xf32, #tpu.memory_space<vmem>>
                %dma_wait3A_765 = arith.constant 0 : i32
                %dma_wait3A_766 = arith.constant 0 : i32
                %dma_wait3A_767 = tpu.memref_slice %arg5[%dma_wait3A_765, %dma_wait3A_766] : memref<64x1000000xf32, #tpu.memory_space<hbm>> -> memref<64x128xf32, #tpu.memory_space<hbm>>
                tpu.wait_dma2 semaphore(%arg17 : memref<!tpu.dma_semaphore, #tpu.memory_space<semaphore_mem>>) src(%dma_wait3A_767 : memref<64x128xf32, #tpu.memory_space<hbm>>) dst(%dma_wait3A_764 : memref<64x128xf32, #tpu.memory_space<vmem>>)
                %iota3A_768 = tpu.iota {dimensions = array<i32: 0>} : vector<16xi32>
                %jit3A_769 = arith.constant 16 : i32
                %div3A_770 = arith.divsi %scan3A_656, %jit3A_769 : i32
                %sign3A_771 = arith.constant 0 : i32
                %sign3A_772 = arith.cmpi sgt, %scan3A_656, %sign3A_771 : i32
                %sign3A_773 = arith.extui %sign3A_772 : i1 to i32
                %sign3A_774 = arith.constant 0 : i32
                %sign3A_775 = arith.cmpi slt, %scan3A_656, %sign3A_774 : i32
                %sign3A_776 = arith.extui %sign3A_775 : i1 to i32
                %sign3A_777 = arith.subi %sign3A_773, %sign3A_776 : i32
                %sign3A_778 = arith.constant 0 : i32
                %sign3A_779 = arith.cmpi sgt, %jit3A_769, %sign3A_778 : i32
                %sign3A_780 = arith.extui %sign3A_779 : i1 to i32
                %sign3A_781 = arith.constant 0 : i32
                %sign3A_782 = arith.cmpi slt, %jit3A_769, %sign3A_781 : i32
                %sign3A_783 = arith.extui %sign3A_782 : i1 to i32
                %sign3A_784 = arith.subi %sign3A_780, %sign3A_783 : i32
                %ne3A_785 = arith.cmpi ne, %sign3A_777, %sign3A_784 : i32
                %rem3A_786 = arith.remsi %scan3A_656, %jit3A_769 : i32
                %ne3A_787 = arith.constant 0 : i32
                %ne3A_788 = arith.cmpi ne, %rem3A_786, %ne3A_787 : i32
                %and3A_789 = arith.andi %ne3A_785, %ne3A_788 : i1
                %sub3A_790 = arith.constant 1 : i32
                %sub3A_791 = arith.subi %div3A_770, %sub3A_790 : i32
                %select_n3A_792 = arith.select %and3A_789, %sub3A_791, %div3A_770 : i32
                %mul3A_793 = arith.constant 16 : i32
                %mul3A_794 = arith.muli %select_n3A_792, %mul3A_793 : i32
                %multiple_of3A_795 = tpu.assume_multiple %mul3A_794, 16 : i32
                %get3A_796 = arith.index_cast %multiple_of3A_795 : i32 to index
                %get3A_797 = tpu.vector_load %arg7[%get3A_796] {strides = array<i32>} : memref<512xi32, #tpu.memory_space<vmem>>, vector<16xi32>,
                %jit3A_798 = arith.constant 16 : i32
                %eq3A_799 = arith.constant 0 : i32
                %eq3A_800 = arith.cmpi eq, %jit3A_798, %eq3A_799 : i32
                %jit3A_801 = arith.constant 1 : i32
                %select_n3A_802 = arith.select %eq3A_800, %jit3A_801, %jit3A_798 : i32
                %rem3A_803 = arith.remsi %scan3A_656, %select_n3A_802 : i32
                %ne3A_804 = arith.constant 0 : i32
                %ne3A_805 = arith.cmpi ne, %rem3A_803, %ne3A_804 : i32
                %lt3A_806 = arith.constant 0 : i32
                %lt3A_807 = arith.cmpi slt, %rem3A_803, %lt3A_806 : i32
                %lt3A_808 = arith.constant 0 : i32
                %lt3A_809 = arith.cmpi slt, %select_n3A_802, %lt3A_808 : i32
                %ne3A_810 = arith.xori %lt3A_807, %lt3A_809 : i1
                %and3A_811 = arith.andi %ne3A_810, %ne3A_805 : i1
                %add3A_812 = arith.addi %rem3A_803, %select_n3A_802 : i32
                %select_n3A_813 = arith.select %and3A_811, %add3A_812, %rem3A_803 : i32
                %eq3A_814 = vector.broadcast %select_n3A_813 : i32 to vector<16xi32>
                %eq3A_815 = arith.cmpi eq, %iota3A_768, %eq3A_814 : vector<16xi32>
                %jit3A_816 = arith.constant 0 : i32
                %broadcast_in_dim3A_817 = vector.broadcast %jit3A_816 : i32 to vector<16xi32>
                %select_n3A_818 = arith.select %eq3A_815, %get3A_797, %broadcast_in_dim3A_817 : vector<16xi1>, vector<16xi32>
                %reduce_sum3A_819 = arith.constant true
                %reduce_sum3A_820 = vector.broadcast %reduce_sum3A_819 : i1 to vector<16xi1>
                %reduce_sum3A_821 = tpu.scan <sum>, %select_n3A_818 masked %reduce_sum3A_820 : vector<16xi32>, vector<16xi1> -> vector<16xi32>
                %reduce_sum3A_822 = vector.extract %reduce_sum3A_821[15] : i32 from vector<16xi32>
                %iota3A_823 = tpu.iota {dimensions = array<i32: 0>} : vector<16xi32>
                %jit3A_824 = arith.constant 16 : i32
                %div3A_825 = arith.divsi %scan3A_656, %jit3A_824 : i32
                %sign3A_826 = arith.constant 0 : i32
                %sign3A_827 = arith.cmpi sgt, %scan3A_656, %sign3A_826 : i32
                %sign3A_828 = arith.extui %sign3A_827 : i1 to i32
                %sign3A_829 = arith.constant 0 : i32
                %sign3A_830 = arith.cmpi slt, %scan3A_656, %sign3A_829 : i32
                %sign3A_831 = arith.extui %sign3A_830 : i1 to i32
                %sign3A_832 = arith.subi %sign3A_828, %sign3A_831 : i32
                %sign3A_833 = arith.constant 0 : i32
                %sign3A_834 = arith.cmpi sgt, %jit3A_824, %sign3A_833 : i32
                %sign3A_835 = arith.extui %sign3A_834 : i1 to i32
                %sign3A_836 = arith.constant 0 : i32
                %sign3A_837 = arith.cmpi slt, %jit3A_824, %sign3A_836 : i32
                %sign3A_838 = arith.extui %sign3A_837 : i1 to i32
                %sign3A_839 = arith.subi %sign3A_835, %sign3A_838 : i32
                %ne3A_840 = arith.cmpi ne, %sign3A_832, %sign3A_839 : i32
                %rem3A_841 = arith.remsi %scan3A_656, %jit3A_824 : i32
                %ne3A_842 = arith.constant 0 : i32
                %ne3A_843 = arith.cmpi ne, %rem3A_841, %ne3A_842 : i32
                %and3A_844 = arith.andi %ne3A_840, %ne3A_843 : i1
                %sub3A_845 = arith.constant 1 : i32
                %sub3A_846 = arith.subi %div3A_825, %sub3A_845 : i32
                %select_n3A_847 = arith.select %and3A_844, %sub3A_846, %div3A_825 : i32
                %mul3A_848 = arith.constant 16 : i32
                %mul3A_849 = arith.muli %select_n3A_847, %mul3A_848 : i32
                %multiple_of3A_850 = tpu.assume_multiple %mul3A_849, 16 : i32
                %get3A_851 = arith.index_cast %multiple_of3A_850 : i32 to index
                %get3A_852 = tpu.vector_load %arg8[%get3A_851] {strides = array<i32>} : memref<512xi32, #tpu.memory_space<vmem>>, vector<16xi32>,
                %jit3A_853 = arith.constant 16 : i32
                %eq3A_854 = arith.constant 0 : i32
                %eq3A_855 = arith.cmpi eq, %jit3A_853, %eq3A_854 : i32
                %jit3A_856 = arith.constant 1 : i32
                %select_n3A_857 = arith.select %eq3A_855, %jit3A_856, %jit3A_853 : i32
                %rem3A_858 = arith.remsi %scan3A_656, %select_n3A_857 : i32
                %ne3A_859 = arith.constant 0 : i32
                %ne3A_860 = arith.cmpi ne, %rem3A_858, %ne3A_859 : i32
                %lt3A_861 = arith.constant 0 : i32
                %lt3A_862 = arith.cmpi slt, %rem3A_858, %lt3A_861 : i32
                %lt3A_863 = arith.constant 0 : i32
                %lt3A_864 = arith.cmpi slt, %select_n3A_857, %lt3A_863 : i32
                %ne3A_865 = arith.xori %lt3A_862, %lt3A_864 : i1
                %and3A_866 = arith.andi %ne3A_865, %ne3A_860 : i1
                %add3A_867 = arith.addi %rem3A_858, %select_n3A_857 : i32
                %select_n3A_868 = arith.select %and3A_866, %add3A_867, %rem3A_858 : i32
                %eq3A_869 = vector.broadcast %select_n3A_868 : i32 to vector<16xi32>
                %eq3A_870 = arith.cmpi eq, %iota3A_823, %eq3A_869 : vector<16xi32>
                %jit3A_871 = arith.constant 0 : i32
                %broadcast_in_dim3A_872 = vector.broadcast %jit3A_871 : i32 to vector<16xi32>
                %select_n3A_873 = arith.select %eq3A_870, %get3A_852, %broadcast_in_dim3A_872 : vector<16xi1>, vector<16xi32>
                %reduce_sum3A_874 = arith.constant true
                %reduce_sum3A_875 = vector.broadcast %reduce_sum3A_874 : i1 to vector<16xi1>
                %reduce_sum3A_876 = tpu.scan <sum>, %select_n3A_873 masked %reduce_sum3A_875 : vector<16xi32>, vector<16xi1> -> vector<16xi32>
                %reduce_sum3A_877 = vector.extract %reduce_sum3A_876[15] : i32 from vector<16xi32>
                %jit3A_878 = arith.constant 128 : i32
                %eq3A_879 = arith.constant 0 : i32
                %eq3A_880 = arith.cmpi eq, %jit3A_878, %eq3A_879 : i32
                %jit3A_881 = arith.constant 1 : i32
                %select_n3A_882 = arith.select %eq3A_880, %jit3A_881, %jit3A_878 : i32
                %rem3A_883 = arith.remsi %reduce_sum3A_822, %select_n3A_882 : i32
                %ne3A_884 = arith.constant 0 : i32
                %ne3A_885 = arith.cmpi ne, %rem3A_883, %ne3A_884 : i32
                %lt3A_886 = arith.constant 0 : i32
                %lt3A_887 = arith.cmpi slt, %rem3A_883, %lt3A_886 : i32
                %lt3A_888 = arith.constant 0 : i32
                %lt3A_889 = arith.cmpi slt, %select_n3A_882, %lt3A_888 : i32
                %ne3A_890 = arith.xori %lt3A_887, %lt3A_889 : i1
                %and3A_891 = arith.andi %ne3A_890, %ne3A_885 : i1
                %add3A_892 = arith.addi %rem3A_883, %select_n3A_882 : i32
                %select_n3A_893 = arith.select %and3A_891, %add3A_892, %rem3A_883 : i32
                %broadcast_in_dim3A_894 = vector.broadcast %select_n3A_893 : i32 to vector<16xi32>
                %jit3A_895 = arith.constant 128 : i32
                %eq3A_896 = arith.constant 0 : i32
                %eq3A_897 = arith.cmpi eq, %jit3A_895, %eq3A_896 : i32
                %jit3A_898 = arith.constant 1 : i32
                %select_n3A_899 = arith.select %eq3A_897, %jit3A_898, %jit3A_895 : i32
                %rem3A_900 = arith.remsi %reduce_sum3A_877, %select_n3A_899 : i32
                %ne3A_901 = arith.constant 0 : i32
                %ne3A_902 = arith.cmpi ne, %rem3A_900, %ne3A_901 : i32
                %lt3A_903 = arith.constant 0 : i32
                %lt3A_904 = arith.cmpi slt, %rem3A_900, %lt3A_903 : i32
                %lt3A_905 = arith.constant 0 : i32
                %lt3A_906 = arith.cmpi slt, %select_n3A_899, %lt3A_905 : i32
                %ne3A_907 = arith.xori %lt3A_904, %lt3A_906 : i1
                %and3A_908 = arith.andi %ne3A_907, %ne3A_902 : i1
                %add3A_909 = arith.addi %rem3A_900, %select_n3A_899 : i32
                %select_n3A_910 = arith.select %and3A_908, %add3A_909, %rem3A_900 : i32
                %broadcast_in_dim3A_911 = vector.broadcast %select_n3A_910 : i32 to vector<16xi32>
                %broadcast_in_dim3A_912 = arith.constant 0.000000e+00 : f32
                %broadcast_in_dim3A_913 = vector.broadcast %broadcast_in_dim3A_912 : f32 to vector<16xf32>
                %add3A_914 = arith.constant 0 : i32
                %add3A_915 = vector.broadcast %add3A_914 : i32 to vector<16xi32>
                %add3A_916 = arith.addi %iota3A_648, %add3A_915 : vector<16xi32>
                %gather3A = arith.constant 5 : i32
                %gather3A_917 = arith.constant 0 : i32
                %gather3A_918 = arith.constant 0 : i32
                %gather3A_919 = tpu.memref_slice %arg9[%gather3A, %gather3A_917, %gather3A_918] : memref<6x64x128xf32, #tpu.memory_space<vmem>> -> memref<1x64x128xf32, #tpu.memory_space<vmem>>
                %gather3A_920 = tpu.memref_squeeze %gather3A_919 : memref<1x64x128xf32, #tpu.memory_space<vmem>> -> memref<64x128xf32, #tpu.memory_space<vmem>>
                %gather3A_921 = tpu.vector_load_idx %gather3A_920[%add3A_916, %broadcast_in_dim3A_894] : memref<64x128xf32, #tpu.memory_space<vmem>>[vector<16xi32>, vector<16xi32>], vector<16xf32>,
                %gather3A_922 = arith.constant 5 : i32
                %gather3A_923 = arith.constant 0 : i32
                %gather3A_924 = arith.constant 0 : i32
                %gather3A_925 = tpu.memref_slice %arg10[%gather3A_922, %gather3A_923, %gather3A_924] : memref<6x64x128xf32, #tpu.memory_space<vmem>> -> memref<1x64x128xf32, #tpu.memory_space<vmem>>
                %gather3A_926 = tpu.memref_squeeze %gather3A_925 : memref<1x64x128xf32, #tpu.memory_space<vmem>> -> memref<64x128xf32, #tpu.memory_space<vmem>>
                %gather3A_927 = tpu.vector_load_idx %gather3A_926[%add3A_916, %broadcast_in_dim3A_911] : memref<64x128xf32, #tpu.memory_space<vmem>>[vector<16xi32>, vector<16xi32>], vector<16xf32>,
                %mul3A_928 = arith.mulf %gather3A_921, %gather3A_927 : vector<16xf32>
                %add3A_929 = arith.addf %broadcast_in_dim3A_913, %mul3A_928 : vector<16xf32>
                %add3A_930 = arith.constant 16 : i32
                %add3A_931 = vector.broadcast %add3A_930 : i32 to vector<16xi32>
                %add3A_932 = arith.addi %iota3A_648, %add3A_931 : vector<16xi32>
                %gather3A_933 = arith.constant 5 : i32
                %gather3A_934 = arith.constant 0 : i32
                %gather3A_935 = arith.constant 0 : i32
                %gather3A_936 = tpu.memref_slice %arg9[%gather3A_933, %gather3A_934, %gather3A_935] : memref<6x64x128xf32, #tpu.memory_space<vmem>> -> memref<1x64x128xf32, #tpu.memory_space<vmem>>
                %gather3A_937 = tpu.memref_squeeze %gather3A_936 : memref<1x64x128xf32, #tpu.memory_space<vmem>> -> memref<64x128xf32, #tpu.memory_space<vmem>>
                %gather3A_938 = tpu.vector_load_idx %gather3A_937[%add3A_932, %broadcast_in_dim3A_894] : memref<64x128xf32, #tpu.memory_space<vmem>>[vector<16xi32>, vector<16xi32>], vector<16xf32>,
                %gather3A_939 = arith.constant 5 : i32
                %gather3A_940 = arith.constant 0 : i32
                %gather3A_941 = arith.constant 0 : i32
                %gather3A_942 = tpu.memref_slice %arg10[%gather3A_939, %gather3A_940, %gather3A_941] : memref<6x64x128xf32, #tpu.memory_space<vmem>> -> memref<1x64x128xf32, #tpu.memory_space<vmem>>
                %gather3A_943 = tpu.memref_squeeze %gather3A_942 : memref<1x64x128xf32, #tpu.memory_space<vmem>> -> memref<64x128xf32, #tpu.memory_space<vmem>>
                %gather3A_944 = tpu.vector_load_idx %gather3A_943[%add3A_932, %broadcast_in_dim3A_911] : memref<64x128xf32, #tpu.memory_space<vmem>>[vector<16xi32>, vector<16xi32>], vector<16xf32>,
                %mul3A_945 = arith.mulf %gather3A_938, %gather3A_944 : vector<16xf32>
                %add3A_946 = arith.addf %add3A_929, %mul3A_945 : vector<16xf32>
                %add3A_947 = arith.constant 32 : i32
                %add3A_948 = vector.broadcast %add3A_947 : i32 to vector<16xi32>
                %add3A_949 = arith.addi %iota3A_648, %add3A_948 : vector<16xi32>
                %gather3A_950 = arith.constant 5 : i32
                %gather3A_951 = arith.constant 0 : i32
                %gather3A_952 = arith.constant 0 : i32
                %gather3A_953 = tpu.memref_slice %arg9[%gather3A_950, %gather3A_951, %gather3A_952] : memref<6x64x128xf32, #tpu.memory_space<vmem>> -> memref<1x64x128xf32, #tpu.memory_space<vmem>>
                %gather3A_954 = tpu.memref_squeeze %gather3A_953 : memref<1x64x128xf32, #tpu.memory_space<vmem>> -> memref<64x128xf32, #tpu.memory_space<vmem>>
                %gather3A_955 = tpu.vector_load_idx %gather3A_954[%add3A_949, %broadcast_in_dim3A_894] : memref<64x128xf32, #tpu.memory_space<vmem>>[vector<16xi32>, vector<16xi32>], vector<16xf32>,
                %gather3A_956 = arith.constant 5 : i32
                %gather3A_957 = arith.constant 0 : i32
                %gather3A_958 = arith.constant 0 : i32
                %gather3A_959 = tpu.memref_slice %arg10[%gather3A_956, %gather3A_957, %gather3A_958] : memref<6x64x128xf32, #tpu.memory_space<vmem>> -> memref<1x64x128xf32, #tpu.memory_space<vmem>>
                %gather3A_960 = tpu.memref_squeeze %gather3A_959 : memref<1x64x128xf32, #tpu.memory_space<vmem>> -> memref<64x128xf32, #tpu.memory_space<vmem>>
                %gather3A_961 = tpu.vector_load_idx %gather3A_960[%add3A_949, %broadcast_in_dim3A_911] : memref<64x128xf32, #tpu.memory_space<vmem>>[vector<16xi32>, vector<16xi32>], vector<16xf32>,
                %mul3A_962 = arith.mulf %gather3A_955, %gather3A_961 : vector<16xf32>
                %add3A_963 = arith.addf %add3A_946, %mul3A_962 : vector<16xf32>
                %add3A_964 = arith.constant 48 : i32
                %add3A_965 = vector.broadcast %add3A_964 : i32 to vector<16xi32>
                %add3A_966 = arith.addi %iota3A_648, %add3A_965 : vector<16xi32>
                %gather3A_967 = arith.constant 5 : i32
                %gather3A_968 = arith.constant 0 : i32
                %gather3A_969 = arith.constant 0 : i32
                %gather3A_970 = tpu.memref_slice %arg9[%gather3A_967, %gather3A_968, %gather3A_969] : memref<6x64x128xf32, #tpu.memory_space<vmem>> -> memref<1x64x128xf32, #tpu.memory_space<vmem>>
                %gather3A_971 = tpu.memref_squeeze %gather3A_970 : memref<1x64x128xf32, #tpu.memory_space<vmem>> -> memref<64x128xf32, #tpu.memory_space<vmem>>
                %gather3A_972 = tpu.vector_load_idx %gather3A_971[%add3A_966, %broadcast_in_dim3A_894] : memref<64x128xf32, #tpu.memory_space<vmem>>[vector<16xi32>, vector<16xi32>], vector<16xf32>,
                %gather3A_973 = arith.constant 5 : i32
                %gather3A_974 = arith.constant 0 : i32
                %gather3A_975 = arith.constant 0 : i32
                %gather3A_976 = tpu.memref_slice %arg10[%gather3A_973, %gather3A_974, %gather3A_975] : memref<6x64x128xf32, #tpu.memory_space<vmem>> -> memref<1x64x128xf32, #tpu.memory_space<vmem>>
                %gather3A_977 = tpu.memref_squeeze %gather3A_976 : memref<1x64x128xf32, #tpu.memory_space<vmem>> -> memref<64x128xf32, #tpu.memory_space<vmem>>
                %gather3A_978 = tpu.vector_load_idx %gather3A_977[%add3A_966, %broadcast_in_dim3A_911] : memref<64x128xf32, #tpu.memory_space<vmem>>[vector<16xi32>, vector<16xi32>], vector<16xf32>,
                %mul3A_979 = arith.mulf %gather3A_972, %gather3A_978 : vector<16xf32>
                %add3A_980 = arith.addf %add3A_963, %mul3A_979 : vector<16xf32>
                %reduce_sum3A_981 = arith.constant true
                %reduce_sum3A_982 = vector.broadcast %reduce_sum3A_981 : i1 to vector<16xi1>
                %reduce_sum3A_983 = tpu.scan <sum>, %add3A_980 masked %reduce_sum3A_982 : vector<16xf32>, vector<16xi1> -> vector<16xf32>
                %reduce_sum3A_984 = vector.extract %reduce_sum3A_983[15] : f32 from vector<16xf32>
                %jit3A_985 = arith.constant 16 : i32
                %eq3A_986 = arith.constant 0 : i32
                %eq3A_987 = arith.cmpi eq, %jit3A_985, %eq3A_986 : i32
                %jit3A_988 = arith.constant 1 : i32
                %select_n3A_989 = arith.select %eq3A_987, %jit3A_988, %jit3A_985 : i32
                %rem3A_990 = arith.remsi %scan3A_656, %select_n3A_989 : i32
                %ne3A_991 = arith.constant 0 : i32
                %ne3A_992 = arith.cmpi ne, %rem3A_990, %ne3A_991 : i32
                %lt3A_993 = arith.constant 0 : i32
                %lt3A_994 = arith.cmpi slt, %rem3A_990, %lt3A_993 : i32
                %lt3A_995 = arith.constant 0 : i32
                %lt3A_996 = arith.cmpi slt, %select_n3A_989, %lt3A_995 : i32
                %ne3A_997 = arith.xori %lt3A_994, %lt3A_996 : i1
                %and3A_998 = arith.andi %ne3A_997, %ne3A_992 : i1
                %add3A_999 = arith.addi %rem3A_990, %select_n3A_989 : i32
                %select_n3A_1000 = arith.select %and3A_998, %add3A_999, %rem3A_990 : i32
                %eq3A_1001 = vector.broadcast %select_n3A_1000 : i32 to vector<16xi32>
                %eq3A_1002 = arith.cmpi eq, %iota3A_648, %eq3A_1001 : vector<16xi32>
                %broadcast_in_dim3A_1003 = vector.broadcast %reduce_sum3A_984 : f32 to vector<16xf32>
                %select_n3A_1004 = arith.select %eq3A_1002, %broadcast_in_dim3A_1003, %scan3A_657 : vector<16xi1>, vector<16xf32>
                %add3A_1005 = arith.constant 6 : i32
                %add3A_1006 = arith.addi %scan3A_656, %add3A_1005 : i32
                %lt3A_1007 = arith.constant 512 : i32
                %lt3A_1008 = arith.cmpi slt, %add3A_1006, %lt3A_1007 : i32
                %convert_element_type3A_1009 = arith.extui %lt3A_1008 : i1 to i32
                %cond3A_1010 = arith.constant 5 : i32
                %cond3A_1011 = arith.constant 5 : i32
                %cond3A_1012 = arith.constant 0 : i32
                %cond3A_1013 = arith.cmpi ne, %convert_element_type3A_1009, %cond3A_1012 : i32
                scf.if %cond3A_1013 {
                  %iota3A_1014 = tpu.iota {dimensions = array<i32: 0>} : vector<16xi32>
                  %jit3A_1015 = arith.constant 16 : i32
                  %div3A_1016 = arith.divsi %add3A_1006, %jit3A_1015 : i32
                  %sign3A_1017 = arith.constant 0 : i32
                  %sign3A_1018 = arith.cmpi sgt, %add3A_1006, %sign3A_1017 : i32
                  %sign3A_1019 = arith.extui %sign3A_1018 : i1 to i32
                  %sign3A_1020 = arith.constant 0 : i32
                  %sign3A_1021 = arith.cmpi slt, %add3A_1006, %sign3A_1020 : i32
                  %sign3A_1022 = arith.extui %sign3A_1021 : i1 to i32
                  %sign3A_1023 = arith.subi %sign3A_1019, %sign3A_1022 : i32
                  %sign3A_1024 = arith.constant 0 : i32
                  %sign3A_1025 = arith.cmpi sgt, %jit3A_1015, %sign3A_1024 : i32
                  %sign3A_1026 = arith.extui %sign3A_1025 : i1 to i32
                  %sign3A_1027 = arith.constant 0 : i32
                  %sign3A_1028 = arith.cmpi slt, %jit3A_1015, %sign3A_1027 : i32
                  %sign3A_1029 = arith.extui %sign3A_1028 : i1 to i32
                  %sign3A_1030 = arith.subi %sign3A_1026, %sign3A_1029 : i32
                  %ne3A_1031 = arith.cmpi ne, %sign3A_1023, %sign3A_1030 : i32
                  %rem3A_1032 = arith.remsi %add3A_1006, %jit3A_1015 : i32
                  %ne3A_1033 = arith.constant 0 : i32
                  %ne3A_1034 = arith.cmpi ne, %rem3A_1032, %ne3A_1033 : i32
                  %and3A_1035 = arith.andi %ne3A_1031, %ne3A_1034 : i1
                  %sub3A_1036 = arith.constant 1 : i32
                  %sub3A_1037 = arith.subi %div3A_1016, %sub3A_1036 : i32
                  %select_n3A_1038 = arith.select %and3A_1035, %sub3A_1037, %div3A_1016 : i32
                  %mul3A_1039 = arith.constant 16 : i32
                  %mul3A_1040 = arith.muli %select_n3A_1038, %mul3A_1039 : i32
                  %multiple_of3A_1041 = tpu.assume_multiple %mul3A_1040, 16 : i32
                  %get3A_1042 = arith.index_cast %multiple_of3A_1041 : i32 to index
                  %get3A_1043 = tpu.vector_load %arg7[%get3A_1042] {strides = array<i32>} : memref<512xi32, #tpu.memory_space<vmem>>, vector<16xi32>,
                  %jit3A_1044 = arith.constant 16 : i32
                  %eq3A_1045 = arith.constant 0 : i32
                  %eq3A_1046 = arith.cmpi eq, %jit3A_1044, %eq3A_1045 : i32
                  %jit3A_1047 = arith.constant 1 : i32
                  %select_n3A_1048 = arith.select %eq3A_1046, %jit3A_1047, %jit3A_1044 : i32
                  %rem3A_1049 = arith.remsi %add3A_1006, %select_n3A_1048 : i32
                  %ne3A_1050 = arith.constant 0 : i32
                  %ne3A_1051 = arith.cmpi ne, %rem3A_1049, %ne3A_1050 : i32
                  %lt3A_1052 = arith.constant 0 : i32
                  %lt3A_1053 = arith.cmpi slt, %rem3A_1049, %lt3A_1052 : i32
                  %lt3A_1054 = arith.constant 0 : i32
                  %lt3A_1055 = arith.cmpi slt, %select_n3A_1048, %lt3A_1054 : i32
                  %ne3A_1056 = arith.xori %lt3A_1053, %lt3A_1055 : i1
                  %and3A_1057 = arith.andi %ne3A_1056, %ne3A_1051 : i1
                  %add3A_1058 = arith.addi %rem3A_1049, %select_n3A_1048 : i32
                  %select_n3A_1059 = arith.select %and3A_1057, %add3A_1058, %rem3A_1049 : i32
                  %eq3A_1060 = vector.broadcast %select_n3A_1059 : i32 to vector<16xi32>
                  %eq3A_1061 = arith.cmpi eq, %iota3A_1014, %eq3A_1060 : vector<16xi32>
                  %jit3A_1062 = arith.constant 0 : i32
                  %broadcast_in_dim3A_1063 = vector.broadcast %jit3A_1062 : i32 to vector<16xi32>
                  %select_n3A_1064 = arith.select %eq3A_1061, %get3A_1043, %broadcast_in_dim3A_1063 : vector<16xi1>, vector<16xi32>
                  %reduce_sum3A_1065 = arith.constant true
                  %reduce_sum3A_1066 = vector.broadcast %reduce_sum3A_1065 : i1 to vector<16xi1>
                  %reduce_sum3A_1067 = tpu.scan <sum>, %select_n3A_1064 masked %reduce_sum3A_1066 : vector<16xi32>, vector<16xi1> -> vector<16xi32>
                  %reduce_sum3A_1068 = vector.extract %reduce_sum3A_1067[15] : i32 from vector<16xi32>
                  %iota3A_1069 = tpu.iota {dimensions = array<i32: 0>} : vector<16xi32>
                  %jit3A_1070 = arith.constant 16 : i32
                  %div3A_1071 = arith.divsi %add3A_1006, %jit3A_1070 : i32
                  %sign3A_1072 = arith.constant 0 : i32
                  %sign3A_1073 = arith.cmpi sgt, %add3A_1006, %sign3A_1072 : i32
                  %sign3A_1074 = arith.extui %sign3A_1073 : i1 to i32
                  %sign3A_1075 = arith.constant 0 : i32
                  %sign3A_1076 = arith.cmpi slt, %add3A_1006, %sign3A_1075 : i32
                  %sign3A_1077 = arith.extui %sign3A_1076 : i1 to i32
                  %sign3A_1078 = arith.subi %sign3A_1074, %sign3A_1077 : i32
                  %sign3A_1079 = arith.constant 0 : i32
                  %sign3A_1080 = arith.cmpi sgt, %jit3A_1070, %sign3A_1079 : i32
                  %sign3A_1081 = arith.extui %sign3A_1080 : i1 to i32
                  %sign3A_1082 = arith.constant 0 : i32
                  %sign3A_1083 = arith.cmpi slt, %jit3A_1070, %sign3A_1082 : i32
                  %sign3A_1084 = arith.extui %sign3A_1083 : i1 to i32
                  %sign3A_1085 = arith.subi %sign3A_1081, %sign3A_1084 : i32
                  %ne3A_1086 = arith.cmpi ne, %sign3A_1078, %sign3A_1085 : i32
                  %rem3A_1087 = arith.remsi %add3A_1006, %jit3A_1070 : i32
                  %ne3A_1088 = arith.constant 0 : i32
                  %ne3A_1089 = arith.cmpi ne, %rem3A_1087, %ne3A_1088 : i32
                  %and3A_1090 = arith.andi %ne3A_1086, %ne3A_1089 : i1
                  %sub3A_1091 = arith.constant 1 : i32
                  %sub3A_1092 = arith.subi %div3A_1071, %sub3A_1091 : i32
                  %select_n3A_1093 = arith.select %and3A_1090, %sub3A_1092, %div3A_1071 : i32
                  %mul3A_1094 = arith.constant 16 : i32
                  %mul3A_1095 = arith.muli %select_n3A_1093, %mul3A_1094 : i32
                  %multiple_of3A_1096 = tpu.assume_multiple %mul3A_1095, 16 : i32
                  %get3A_1097 = arith.index_cast %multiple_of3A_1096 : i32 to index
                  %get3A_1098 = tpu.vector_load %arg8[%get3A_1097] {strides = array<i32>} : memref<512xi32, #tpu.memory_space<vmem>>, vector<16xi32>,
                  %jit3A_1099 = arith.constant 16 : i32
                  %eq3A_1100 = arith.constant 0 : i32
                  %eq3A_1101 = arith.cmpi eq, %jit3A_1099, %eq3A_1100 : i32
                  %jit3A_1102 = arith.constant 1 : i32
                  %select_n3A_1103 = arith.select %eq3A_1101, %jit3A_1102, %jit3A_1099 : i32
                  %rem3A_1104 = arith.remsi %add3A_1006, %select_n3A_1103 : i32
                  %ne3A_1105 = arith.constant 0 : i32
                  %ne3A_1106 = arith.cmpi ne, %rem3A_1104, %ne3A_1105 : i32
                  %lt3A_1107 = arith.constant 0 : i32
                  %lt3A_1108 = arith.cmpi slt, %rem3A_1104, %lt3A_1107 : i32
                  %lt3A_1109 = arith.constant 0 : i32
                  %lt3A_1110 = arith.cmpi slt, %select_n3A_1103, %lt3A_1109 : i32
                  %ne3A_1111 = arith.xori %lt3A_1108, %lt3A_1110 : i1
                  %and3A_1112 = arith.andi %ne3A_1111, %ne3A_1106 : i1
                  %add3A_1113 = arith.addi %rem3A_1104, %select_n3A_1103 : i32
                  %select_n3A_1114 = arith.select %and3A_1112, %add3A_1113, %rem3A_1104 : i32
                  %eq3A_1115 = vector.broadcast %select_n3A_1114 : i32 to vector<16xi32>
                  %eq3A_1116 = arith.cmpi eq, %iota3A_1069, %eq3A_1115 : vector<16xi32>
                  %jit3A_1117 = arith.constant 0 : i32
                  %broadcast_in_dim3A_1118 = vector.broadcast %jit3A_1117 : i32 to vector<16xi32>
                  %select_n3A_1119 = arith.select %eq3A_1116, %get3A_1098, %broadcast_in_dim3A_1118 : vector<16xi1>, vector<16xi32>
                  %reduce_sum3A_1120 = arith.constant true
                  %reduce_sum3A_1121 = vector.broadcast %reduce_sum3A_1120 : i1 to vector<16xi1>
                  %reduce_sum3A_1122 = tpu.scan <sum>, %select_n3A_1119 masked %reduce_sum3A_1121 : vector<16xi32>, vector<16xi1> -> vector<16xi32>
                  %reduce_sum3A_1123 = vector.extract %reduce_sum3A_1122[15] : i32 from vector<16xi32>
                  %jit3A_1124 = arith.constant 128 : i32
                  %div3A_1125 = arith.divsi %reduce_sum3A_1068, %jit3A_1124 : i32
                  %sign3A_1126 = arith.constant 0 : i32
                  %sign3A_1127 = arith.cmpi sgt, %reduce_sum3A_1068, %sign3A_1126 : i32
                  %sign3A_1128 = arith.extui %sign3A_1127 : i1 to i32
                  %sign3A_1129 = arith.constant 0 : i32
                  %sign3A_1130 = arith.cmpi slt, %reduce_sum3A_1068, %sign3A_1129 : i32
                  %sign3A_1131 = arith.extui %sign3A_1130 : i1 to i32
                  %sign3A_1132 = arith.subi %sign3A_1128, %sign3A_1131 : i32
                  %sign3A_1133 = arith.constant 0 : i32
                  %sign3A_1134 = arith.cmpi sgt, %jit3A_1124, %sign3A_1133 : i32
                  %sign3A_1135 = arith.extui %sign3A_1134 : i1 to i32
                  %sign3A_1136 = arith.constant 0 : i32
                  %sign3A_1137 = arith.cmpi slt, %jit3A_1124, %sign3A_1136 : i32
                  %sign3A_1138 = arith.extui %sign3A_1137 : i1 to i32
                  %sign3A_1139 = arith.subi %sign3A_1135, %sign3A_1138 : i32
                  %ne3A_1140 = arith.cmpi ne, %sign3A_1132, %sign3A_1139 : i32
                  %rem3A_1141 = arith.remsi %reduce_sum3A_1068, %jit3A_1124 : i32
                  %ne3A_1142 = arith.constant 0 : i32
                  %ne3A_1143 = arith.cmpi ne, %rem3A_1141, %ne3A_1142 : i32
                  %and3A_1144 = arith.andi %ne3A_1140, %ne3A_1143 : i1
                  %sub3A_1145 = arith.constant 1 : i32
                  %sub3A_1146 = arith.subi %div3A_1125, %sub3A_1145 : i32
                  %select_n3A_1147 = arith.select %and3A_1144, %sub3A_1146, %div3A_1125 : i32
                  %mul3A_1148 = arith.constant 128 : i32
                  %mul3A_1149 = arith.muli %select_n3A_1147, %mul3A_1148 : i32
                  %multiple_of3A_1150 = tpu.assume_multiple %mul3A_1149, 128 : i32
                  %jit3A_1151 = arith.constant 128 : i32
                  %div3A_1152 = arith.divsi %reduce_sum3A_1123, %jit3A_1151 : i32
                  %sign3A_1153 = arith.constant 0 : i32
                  %sign3A_1154 = arith.cmpi sgt, %reduce_sum3A_1123, %sign3A_1153 : i32
                  %sign3A_1155 = arith.extui %sign3A_1154 : i1 to i32
                  %sign3A_1156 = arith.constant 0 : i32
                  %sign3A_1157 = arith.cmpi slt, %reduce_sum3A_1123, %sign3A_1156 : i32
                  %sign3A_1158 = arith.extui %sign3A_1157 : i1 to i32
                  %sign3A_1159 = arith.subi %sign3A_1155, %sign3A_1158 : i32
                  %sign3A_1160 = arith.constant 0 : i32
                  %sign3A_1161 = arith.cmpi sgt, %jit3A_1151, %sign3A_1160 : i32
                  %sign3A_1162 = arith.extui %sign3A_1161 : i1 to i32
                  %sign3A_1163 = arith.constant 0 : i32
                  %sign3A_1164 = arith.cmpi slt, %jit3A_1151, %sign3A_1163 : i32
                  %sign3A_1165 = arith.extui %sign3A_1164 : i1 to i32
                  %sign3A_1166 = arith.subi %sign3A_1162, %sign3A_1165 : i32
                  %ne3A_1167 = arith.cmpi ne, %sign3A_1159, %sign3A_1166 : i32
                  %rem3A_1168 = arith.remsi %reduce_sum3A_1123, %jit3A_1151 : i32
                  %ne3A_1169 = arith.constant 0 : i32
                  %ne3A_1170 = arith.cmpi ne, %rem3A_1168, %ne3A_1169 : i32
                  %and3A_1171 = arith.andi %ne3A_1167, %ne3A_1170 : i1
                  %sub3A_1172 = arith.constant 1 : i32
                  %sub3A_1173 = arith.subi %div3A_1152, %sub3A_1172 : i32
                  %select_n3A_1174 = arith.select %and3A_1171, %sub3A_1173, %div3A_1152 : i32
                  %mul3A_1175 = arith.constant 128 : i32
                  %mul3A_1176 = arith.muli %select_n3A_1174, %mul3A_1175 : i32
                  %multiple_of3A_1177 = tpu.assume_multiple %mul3A_1176, 128 : i32
                  %dma_start3A_1178 = arith.constant 0 : i32
                  %dma_start3A_1179 = arith.constant 0 : i32
                  %dma_start3A_1180 = tpu.memref_slice %arg9[%cond3A_1010, %dma_start3A_1178, %dma_start3A_1179] : memref<6x64x128xf32, #tpu.memory_space<vmem>> -> memref<1x64x128xf32, #tpu.memory_space<vmem>>
                  %dma_start3A_1181 = tpu.memref_squeeze %dma_start3A_1180 : memref<1x64x128xf32, #tpu.memory_space<vmem>> -> memref<64x128xf32, #tpu.memory_space<vmem>>
                  %dma_start3A_1182 = arith.constant 0 : i32
                  %dma_start3A_1183 = tpu.memref_slice %arg4[%dma_start3A_1182, %multiple_of3A_1150] : memref<64x1000000xf32, #tpu.memory_space<hbm>> -> memref<64x128xf32, #tpu.memory_space<hbm>>
                  %dma_start3A_1184 = arith.constant 0 : i32
                  %dma_start3A_1185 = arith.constant 0 : i32
                  %dma_start3A_1186 = tpu.memref_slice %arg9[%cond3A_1010, %dma_start3A_1184, %dma_start3A_1185] : memref<6x64x128xf32, #tpu.memory_space<vmem>> -> memref<1x64x128xf32, #tpu.memory_space<vmem>>
                  %dma_start3A_1187 = tpu.memref_squeeze %dma_start3A_1186 : memref<1x64x128xf32, #tpu.memory_space<vmem>> -> memref<64x128xf32, #tpu.memory_space<vmem>>
                  %dma_start3A_1188 = arith.constant 0 : i32
                  %dma_start3A_1189 = tpu.memref_slice %arg4[%dma_start3A_1188, %multiple_of3A_1150] : memref<64x1000000xf32, #tpu.memory_space<hbm>> -> memref<64x128xf32, #tpu.memory_space<hbm>>
                  tpu.enqueue_dma source(%dma_start3A_1189 : memref<64x128xf32, #tpu.memory_space<hbm>>) target(%dma_start3A_1187 : memref<64x128xf32, #tpu.memory_space<vmem>>) target_semaphore(%arg17 : memref<!tpu.dma_semaphore, #tpu.memory_space<semaphore_mem>>)
                  %dma_start3A_1190 = arith.constant 0 : i32
                  %dma_start3A_1191 = arith.constant 0 : i32
                  %dma_start3A_1192 = tpu.memref_slice %arg10[%cond3A_1011, %dma_start3A_1190, %dma_start3A_1191] : memref<6x64x128xf32, #tpu.memory_space<vmem>> -> memref<1x64x128xf32, #tpu.memory_space<vmem>>
                  %dma_start3A_1193 = tpu.memref_squeeze %dma_start3A_1192 : memref<1x64x128xf32, #tpu.memory_space<vmem>> -> memref<64x128xf32, #tpu.memory_space<vmem>>
                  %dma_start3A_1194 = arith.constant 0 : i32
                  %dma_start3A_1195 = tpu.memref_slice %arg5[%dma_start3A_1194, %multiple_of3A_1177] : memref<64x1000000xf32, #tpu.memory_space<hbm>> -> memref<64x128xf32, #tpu.memory_space<hbm>>
                  %dma_start3A_1196 = arith.constant 0 : i32
                  %dma_start3A_1197 = arith.constant 0 : i32
                  %dma_start3A_1198 = tpu.memref_slice %arg10[%cond3A_1011, %dma_start3A_1196, %dma_start3A_1197] : memref<6x64x128xf32, #tpu.memory_space<vmem>> -> memref<1x64x128xf32, #tpu.memory_space<vmem>>
                  %dma_start3A_1199 = tpu.memref_squeeze %dma_start3A_1198 : memref<1x64x128xf32, #tpu.memory_space<vmem>> -> memref<64x128xf32, #tpu.memory_space<vmem>>
                  %dma_start3A_1200 = arith.constant 0 : i32
                  %dma_start3A_1201 = tpu.memref_slice %arg5[%dma_start3A_1200, %multiple_of3A_1177] : memref<64x1000000xf32, #tpu.memory_space<hbm>> -> memref<64x128xf32, #tpu.memory_space<hbm>>
                  tpu.enqueue_dma source(%dma_start3A_1201 : memref<64x128xf32, #tpu.memory_space<hbm>>) target(%dma_start3A_1199 : memref<64x128xf32, #tpu.memory_space<vmem>>) target_semaphore(%arg17 : memref<!tpu.dma_semaphore, #tpu.memory_space<semaphore_mem>>)
                } else {
                }
                scf.yield %select_n3A_1004 : vector<16xf32>
              } else {
                %dma_wait3A = arith.constant 4 : i32
                %dma_wait3A_739 = arith.constant 0 : i32
                %dma_wait3A_740 = arith.constant 0 : i32
                %dma_wait3A_741 = tpu.memref_slice %arg9[%dma_wait3A, %dma_wait3A_739, %dma_wait3A_740] : memref<6x64x128xf32, #tpu.memory_space<vmem>> -> memref<1x64x128xf32, #tpu.memory_space<vmem>>
                %dma_wait3A_742 = tpu.memref_squeeze %dma_wait3A_741 : memref<1x64x128xf32, #tpu.memory_space<vmem>> -> memref<64x128xf32, #tpu.memory_space<vmem>>
                %dma_wait3A_743 = arith.constant 0 : i32
                %dma_wait3A_744 = arith.constant 0 : i32
                %dma_wait3A_745 = tpu.memref_slice %arg4[%dma_wait3A_743, %dma_wait3A_744] : memref<64x1000000xf32, #tpu.memory_space<hbm>> -> memref<64x128xf32, #tpu.memory_space<hbm>>
                %dma_wait3A_746 = arith.constant 0 : i32
                %dma_wait3A_747 = arith.constant 0 : i32
                %dma_wait3A_748 = tpu.memref_slice %arg9[%dma_wait3A, %dma_wait3A_746, %dma_wait3A_747] : memref<6x64x128xf32, #tpu.memory_space<vmem>> -> memref<1x64x128xf32, #tpu.memory_space<vmem>>
                %dma_wait3A_749 = tpu.memref_squeeze %dma_wait3A_748 : memref<1x64x128xf32, #tpu.memory_space<vmem>> -> memref<64x128xf32, #tpu.memory_space<vmem>>
                %dma_wait3A_750 = arith.constant 0 : i32
                %dma_wait3A_751 = arith.constant 0 : i32
                %dma_wait3A_752 = tpu.memref_slice %arg4[%dma_wait3A_750, %dma_wait3A_751] : memref<64x1000000xf32, #tpu.memory_space<hbm>> -> memref<64x128xf32, #tpu.memory_space<hbm>>
                tpu.wait_dma2 semaphore(%arg16 : memref<!tpu.dma_semaphore, #tpu.memory_space<semaphore_mem>>) src(%dma_wait3A_752 : memref<64x128xf32, #tpu.memory_space<hbm>>) dst(%dma_wait3A_749 : memref<64x128xf32, #tpu.memory_space<vmem>>)
                %dma_wait3A_753 = arith.constant 4 : i32
                %dma_wait3A_754 = arith.constant 0 : i32
                %dma_wait3A_755 = arith.constant 0 : i32
                %dma_wait3A_756 = tpu.memref_slice %arg10[%dma_wait3A_753, %dma_wait3A_754, %dma_wait3A_755] : memref<6x64x128xf32, #tpu.memory_space<vmem>> -> memref<1x64x128xf32, #tpu.memory_space<vmem>>
                %dma_wait3A_757 = tpu.memref_squeeze %dma_wait3A_756 : memref<1x64x128xf32, #tpu.memory_space<vmem>> -> memref<64x128xf32, #tpu.memory_space<vmem>>
                %dma_wait3A_758 = arith.constant 0 : i32
                %dma_wait3A_759 = arith.constant 0 : i32
                %dma_wait3A_760 = tpu.memref_slice %arg5[%dma_wait3A_758, %dma_wait3A_759] : memref<64x1000000xf32, #tpu.memory_space<hbm>> -> memref<64x128xf32, #tpu.memory_space<hbm>>
                %dma_wait3A_761 = arith.constant 0 : i32
                %dma_wait3A_762 = arith.constant 0 : i32
                %dma_wait3A_763 = tpu.memref_slice %arg10[%dma_wait3A_753, %dma_wait3A_761, %dma_wait3A_762] : memref<6x64x128xf32, #tpu.memory_space<vmem>> -> memref<1x64x128xf32, #tpu.memory_space<vmem>>
                %dma_wait3A_764 = tpu.memref_squeeze %dma_wait3A_763 : memref<1x64x128xf32, #tpu.memory_space<vmem>> -> memref<64x128xf32, #tpu.memory_space<vmem>>
                %dma_wait3A_765 = arith.constant 0 : i32
                %dma_wait3A_766 = arith.constant 0 : i32
                %dma_wait3A_767 = tpu.memref_slice %arg5[%dma_wait3A_765, %dma_wait3A_766] : memref<64x1000000xf32, #tpu.memory_space<hbm>> -> memref<64x128xf32, #tpu.memory_space<hbm>>
                tpu.wait_dma2 semaphore(%arg16 : memref<!tpu.dma_semaphore, #tpu.memory_space<semaphore_mem>>) src(%dma_wait3A_767 : memref<64x128xf32, #tpu.memory_space<hbm>>) dst(%dma_wait3A_764 : memref<64x128xf32, #tpu.memory_space<vmem>>)
                %iota3A_768 = tpu.iota {dimensions = array<i32: 0>} : vector<16xi32>
                %jit3A_769 = arith.constant 16 : i32
                %div3A_770 = arith.divsi %scan3A_656, %jit3A_769 : i32
                %sign3A_771 = arith.constant 0 : i32
                %sign3A_772 = arith.cmpi sgt, %scan3A_656, %sign3A_771 : i32
                %sign3A_773 = arith.extui %sign3A_772 : i1 to i32
                %sign3A_774 = arith.constant 0 : i32
                %sign3A_775 = arith.cmpi slt, %scan3A_656, %sign3A_774 : i32
                %sign3A_776 = arith.extui %sign3A_775 : i1 to i32
                %sign3A_777 = arith.subi %sign3A_773, %sign3A_776 : i32
                %sign3A_778 = arith.constant 0 : i32
                %sign3A_779 = arith.cmpi sgt, %jit3A_769, %sign3A_778 : i32
                %sign3A_780 = arith.extui %sign3A_779 : i1 to i32
                %sign3A_781 = arith.constant 0 : i32
                %sign3A_782 = arith.cmpi slt, %jit3A_769, %sign3A_781 : i32
                %sign3A_783 = arith.extui %sign3A_782 : i1 to i32
                %sign3A_784 = arith.subi %sign3A_780, %sign3A_783 : i32
                %ne3A_785 = arith.cmpi ne, %sign3A_777, %sign3A_784 : i32
                %rem3A_786 = arith.remsi %scan3A_656, %jit3A_769 : i32
                %ne3A_787 = arith.constant 0 : i32
                %ne3A_788 = arith.cmpi ne, %rem3A_786, %ne3A_787 : i32
                %and3A_789 = arith.andi %ne3A_785, %ne3A_788 : i1
                %sub3A_790 = arith.constant 1 : i32
                %sub3A_791 = arith.subi %div3A_770, %sub3A_790 : i32
                %select_n3A_792 = arith.select %and3A_789, %sub3A_791, %div3A_770 : i32
                %mul3A_793 = arith.constant 16 : i32
                %mul3A_794 = arith.muli %select_n3A_792, %mul3A_793 : i32
                %multiple_of3A_795 = tpu.assume_multiple %mul3A_794, 16 : i32
                %get3A_796 = arith.index_cast %multiple_of3A_795 : i32 to index
                %get3A_797 = tpu.vector_load %arg7[%get3A_796] {strides = array<i32>} : memref<512xi32, #tpu.memory_space<vmem>>, vector<16xi32>,
                %jit3A_798 = arith.constant 16 : i32
                %eq3A_799 = arith.constant 0 : i32
                %eq3A_800 = arith.cmpi eq, %jit3A_798, %eq3A_799 : i32
                %jit3A_801 = arith.constant 1 : i32
                %select_n3A_802 = arith.select %eq3A_800, %jit3A_801, %jit3A_798 : i32
                %rem3A_803 = arith.remsi %scan3A_656, %select_n3A_802 : i32
                %ne3A_804 = arith.constant 0 : i32
                %ne3A_805 = arith.cmpi ne, %rem3A_803, %ne3A_804 : i32
                %lt3A_806 = arith.constant 0 : i32
                %lt3A_807 = arith.cmpi slt, %rem3A_803, %lt3A_806 : i32
                %lt3A_808 = arith.constant 0 : i32
                %lt3A_809 = arith.cmpi slt, %select_n3A_802, %lt3A_808 : i32
                %ne3A_810 = arith.xori %lt3A_807, %lt3A_809 : i1
                %and3A_811 = arith.andi %ne3A_810, %ne3A_805 : i1
                %add3A_812 = arith.addi %rem3A_803, %select_n3A_802 : i32
                %select_n3A_813 = arith.select %and3A_811, %add3A_812, %rem3A_803 : i32
                %eq3A_814 = vector.broadcast %select_n3A_813 : i32 to vector<16xi32>
                %eq3A_815 = arith.cmpi eq, %iota3A_768, %eq3A_814 : vector<16xi32>
                %jit3A_816 = arith.constant 0 : i32
                %broadcast_in_dim3A_817 = vector.broadcast %jit3A_816 : i32 to vector<16xi32>
                %select_n3A_818 = arith.select %eq3A_815, %get3A_797, %broadcast_in_dim3A_817 : vector<16xi1>, vector<16xi32>
                %reduce_sum3A_819 = arith.constant true
                %reduce_sum3A_820 = vector.broadcast %reduce_sum3A_819 : i1 to vector<16xi1>
                %reduce_sum3A_821 = tpu.scan <sum>, %select_n3A_818 masked %reduce_sum3A_820 : vector<16xi32>, vector<16xi1> -> vector<16xi32>
                %reduce_sum3A_822 = vector.extract %reduce_sum3A_821[15] : i32 from vector<16xi32>
                %iota3A_823 = tpu.iota {dimensions = array<i32: 0>} : vector<16xi32>
                %jit3A_824 = arith.constant 16 : i32
                %div3A_825 = arith.divsi %scan3A_656, %jit3A_824 : i32
                %sign3A_826 = arith.constant 0 : i32
                %sign3A_827 = arith.cmpi sgt, %scan3A_656, %sign3A_826 : i32
                %sign3A_828 = arith.extui %sign3A_827 : i1 to i32
                %sign3A_829 = arith.constant 0 : i32
                %sign3A_830 = arith.cmpi slt, %scan3A_656, %sign3A_829 : i32
                %sign3A_831 = arith.extui %sign3A_830 : i1 to i32
                %sign3A_832 = arith.subi %sign3A_828, %sign3A_831 : i32
                %sign3A_833 = arith.constant 0 : i32
                %sign3A_834 = arith.cmpi sgt, %jit3A_824, %sign3A_833 : i32
                %sign3A_835 = arith.extui %sign3A_834 : i1 to i32
                %sign3A_836 = arith.constant 0 : i32
                %sign3A_837 = arith.cmpi slt, %jit3A_824, %sign3A_836 : i32
                %sign3A_838 = arith.extui %sign3A_837 : i1 to i32
                %sign3A_839 = arith.subi %sign3A_835, %sign3A_838 : i32
                %ne3A_840 = arith.cmpi ne, %sign3A_832, %sign3A_839 : i32
                %rem3A_841 = arith.remsi %scan3A_656, %jit3A_824 : i32
                %ne3A_842 = arith.constant 0 : i32
                %ne3A_843 = arith.cmpi ne, %rem3A_841, %ne3A_842 : i32
                %and3A_844 = arith.andi %ne3A_840, %ne3A_843 : i1
                %sub3A_845 = arith.constant 1 : i32
                %sub3A_846 = arith.subi %div3A_825, %sub3A_845 : i32
                %select_n3A_847 = arith.select %and3A_844, %sub3A_846, %div3A_825 : i32
                %mul3A_848 = arith.constant 16 : i32
                %mul3A_849 = arith.muli %select_n3A_847, %mul3A_848 : i32
                %multiple_of3A_850 = tpu.assume_multiple %mul3A_849, 16 : i32
                %get3A_851 = arith.index_cast %multiple_of3A_850 : i32 to index
                %get3A_852 = tpu.vector_load %arg8[%get3A_851] {strides = array<i32>} : memref<512xi32, #tpu.memory_space<vmem>>, vector<16xi32>,
                %jit3A_853 = arith.constant 16 : i32
                %eq3A_854 = arith.constant 0 : i32
                %eq3A_855 = arith.cmpi eq, %jit3A_853, %eq3A_854 : i32
                %jit3A_856 = arith.constant 1 : i32
                %select_n3A_857 = arith.select %eq3A_855, %jit3A_856, %jit3A_853 : i32
                %rem3A_858 = arith.remsi %scan3A_656, %select_n3A_857 : i32
                %ne3A_859 = arith.constant 0 : i32
                %ne3A_860 = arith.cmpi ne, %rem3A_858, %ne3A_859 : i32
                %lt3A_861 = arith.constant 0 : i32
                %lt3A_862 = arith.cmpi slt, %rem3A_858, %lt3A_861 : i32
                %lt3A_863 = arith.constant 0 : i32
                %lt3A_864 = arith.cmpi slt, %select_n3A_857, %lt3A_863 : i32
                %ne3A_865 = arith.xori %lt3A_862, %lt3A_864 : i1
                %and3A_866 = arith.andi %ne3A_865, %ne3A_860 : i1
                %add3A_867 = arith.addi %rem3A_858, %select_n3A_857 : i32
                %select_n3A_868 = arith.select %and3A_866, %add3A_867, %rem3A_858 : i32
                %eq3A_869 = vector.broadcast %select_n3A_868 : i32 to vector<16xi32>
                %eq3A_870 = arith.cmpi eq, %iota3A_823, %eq3A_869 : vector<16xi32>
                %jit3A_871 = arith.constant 0 : i32
                %broadcast_in_dim3A_872 = vector.broadcast %jit3A_871 : i32 to vector<16xi32>
                %select_n3A_873 = arith.select %eq3A_870, %get3A_852, %broadcast_in_dim3A_872 : vector<16xi1>, vector<16xi32>
                %reduce_sum3A_874 = arith.constant true
                %reduce_sum3A_875 = vector.broadcast %reduce_sum3A_874 : i1 to vector<16xi1>
                %reduce_sum3A_876 = tpu.scan <sum>, %select_n3A_873 masked %reduce_sum3A_875 : vector<16xi32>, vector<16xi1> -> vector<16xi32>
                %reduce_sum3A_877 = vector.extract %reduce_sum3A_876[15] : i32 from vector<16xi32>
                %jit3A_878 = arith.constant 128 : i32
                %eq3A_879 = arith.constant 0 : i32
                %eq3A_880 = arith.cmpi eq, %jit3A_878, %eq3A_879 : i32
                %jit3A_881 = arith.constant 1 : i32
                %select_n3A_882 = arith.select %eq3A_880, %jit3A_881, %jit3A_878 : i32
                %rem3A_883 = arith.remsi %reduce_sum3A_822, %select_n3A_882 : i32
                %ne3A_884 = arith.constant 0 : i32
                %ne3A_885 = arith.cmpi ne, %rem3A_883, %ne3A_884 : i32
                %lt3A_886 = arith.constant 0 : i32
                %lt3A_887 = arith.cmpi slt, %rem3A_883, %lt3A_886 : i32
                %lt3A_888 = arith.constant 0 : i32
                %lt3A_889 = arith.cmpi slt, %select_n3A_882, %lt3A_888 : i32
                %ne3A_890 = arith.xori %lt3A_887, %lt3A_889 : i1
                %and3A_891 = arith.andi %ne3A_890, %ne3A_885 : i1
                %add3A_892 = arith.addi %rem3A_883, %select_n3A_882 : i32
                %select_n3A_893 = arith.select %and3A_891, %add3A_892, %rem3A_883 : i32
                %broadcast_in_dim3A_894 = vector.broadcast %select_n3A_893 : i32 to vector<16xi32>
                %jit3A_895 = arith.constant 128 : i32
                %eq3A_896 = arith.constant 0 : i32
                %eq3A_897 = arith.cmpi eq, %jit3A_895, %eq3A_896 : i32
                %jit3A_898 = arith.constant 1 : i32
                %select_n3A_899 = arith.select %eq3A_897, %jit3A_898, %jit3A_895 : i32
                %rem3A_900 = arith.remsi %reduce_sum3A_877, %select_n3A_899 : i32
                %ne3A_901 = arith.constant 0 : i32
                %ne3A_902 = arith.cmpi ne, %rem3A_900, %ne3A_901 : i32
                %lt3A_903 = arith.constant 0 : i32
                %lt3A_904 = arith.cmpi slt, %rem3A_900, %lt3A_903 : i32
                %lt3A_905 = arith.constant 0 : i32
                %lt3A_906 = arith.cmpi slt, %select_n3A_899, %lt3A_905 : i32
                %ne3A_907 = arith.xori %lt3A_904, %lt3A_906 : i1
                %and3A_908 = arith.andi %ne3A_907, %ne3A_902 : i1
                %add3A_909 = arith.addi %rem3A_900, %select_n3A_899 : i32
                %select_n3A_910 = arith.select %and3A_908, %add3A_909, %rem3A_900 : i32
                %broadcast_in_dim3A_911 = vector.broadcast %select_n3A_910 : i32 to vector<16xi32>
                %broadcast_in_dim3A_912 = arith.constant 0.000000e+00 : f32
                %broadcast_in_dim3A_913 = vector.broadcast %broadcast_in_dim3A_912 : f32 to vector<16xf32>
                %add3A_914 = arith.constant 0 : i32
                %add3A_915 = vector.broadcast %add3A_914 : i32 to vector<16xi32>
                %add3A_916 = arith.addi %iota3A_648, %add3A_915 : vector<16xi32>
                %gather3A = arith.constant 4 : i32
                %gather3A_917 = arith.constant 0 : i32
                %gather3A_918 = arith.constant 0 : i32
                %gather3A_919 = tpu.memref_slice %arg9[%gather3A, %gather3A_917, %gather3A_918] : memref<6x64x128xf32, #tpu.memory_space<vmem>> -> memref<1x64x128xf32, #tpu.memory_space<vmem>>
                %gather3A_920 = tpu.memref_squeeze %gather3A_919 : memref<1x64x128xf32, #tpu.memory_space<vmem>> -> memref<64x128xf32, #tpu.memory_space<vmem>>
                %gather3A_921 = tpu.vector_load_idx %gather3A_920[%add3A_916, %broadcast_in_dim3A_894] : memref<64x128xf32, #tpu.memory_space<vmem>>[vector<16xi32>, vector<16xi32>], vector<16xf32>,
                %gather3A_922 = arith.constant 4 : i32
                %gather3A_923 = arith.constant 0 : i32
                %gather3A_924 = arith.constant 0 : i32
                %gather3A_925 = tpu.memref_slice %arg10[%gather3A_922, %gather3A_923, %gather3A_924] : memref<6x64x128xf32, #tpu.memory_space<vmem>> -> memref<1x64x128xf32, #tpu.memory_space<vmem>>
                %gather3A_926 = tpu.memref_squeeze %gather3A_925 : memref<1x64x128xf32, #tpu.memory_space<vmem>> -> memref<64x128xf32, #tpu.memory_space<vmem>>
                %gather3A_927 = tpu.vector_load_idx %gather3A_926[%add3A_916, %broadcast_in_dim3A_911] : memref<64x128xf32, #tpu.memory_space<vmem>>[vector<16xi32>, vector<16xi32>], vector<16xf32>,
                %mul3A_928 = arith.mulf %gather3A_921, %gather3A_927 : vector<16xf32>
                %add3A_929 = arith.addf %broadcast_in_dim3A_913, %mul3A_928 : vector<16xf32>
                %add3A_930 = arith.constant 16 : i32
                %add3A_931 = vector.broadcast %add3A_930 : i32 to vector<16xi32>
                %add3A_932 = arith.addi %iota3A_648, %add3A_931 : vector<16xi32>
                %gather3A_933 = arith.constant 4 : i32
                %gather3A_934 = arith.constant 0 : i32
                %gather3A_935 = arith.constant 0 : i32
                %gather3A_936 = tpu.memref_slice %arg9[%gather3A_933, %gather3A_934, %gather3A_935] : memref<6x64x128xf32, #tpu.memory_space<vmem>> -> memref<1x64x128xf32, #tpu.memory_space<vmem>>
                %gather3A_937 = tpu.memref_squeeze %gather3A_936 : memref<1x64x128xf32, #tpu.memory_space<vmem>> -> memref<64x128xf32, #tpu.memory_space<vmem>>
                %gather3A_938 = tpu.vector_load_idx %gather3A_937[%add3A_932, %broadcast_in_dim3A_894] : memref<64x128xf32, #tpu.memory_space<vmem>>[vector<16xi32>, vector<16xi32>], vector<16xf32>,
                %gather3A_939 = arith.constant 4 : i32
                %gather3A_940 = arith.constant 0 : i32
                %gather3A_941 = arith.constant 0 : i32
                %gather3A_942 = tpu.memref_slice %arg10[%gather3A_939, %gather3A_940, %gather3A_941] : memref<6x64x128xf32, #tpu.memory_space<vmem>> -> memref<1x64x128xf32, #tpu.memory_space<vmem>>
                %gather3A_943 = tpu.memref_squeeze %gather3A_942 : memref<1x64x128xf32, #tpu.memory_space<vmem>> -> memref<64x128xf32, #tpu.memory_space<vmem>>
                %gather3A_944 = tpu.vector_load_idx %gather3A_943[%add3A_932, %broadcast_in_dim3A_911] : memref<64x128xf32, #tpu.memory_space<vmem>>[vector<16xi32>, vector<16xi32>], vector<16xf32>,
                %mul3A_945 = arith.mulf %gather3A_938, %gather3A_944 : vector<16xf32>
                %add3A_946 = arith.addf %add3A_929, %mul3A_945 : vector<16xf32>
                %add3A_947 = arith.constant 32 : i32
                %add3A_948 = vector.broadcast %add3A_947 : i32 to vector<16xi32>
                %add3A_949 = arith.addi %iota3A_648, %add3A_948 : vector<16xi32>
                %gather3A_950 = arith.constant 4 : i32
                %gather3A_951 = arith.constant 0 : i32
                %gather3A_952 = arith.constant 0 : i32
                %gather3A_953 = tpu.memref_slice %arg9[%gather3A_950, %gather3A_951, %gather3A_952] : memref<6x64x128xf32, #tpu.memory_space<vmem>> -> memref<1x64x128xf32, #tpu.memory_space<vmem>>
                %gather3A_954 = tpu.memref_squeeze %gather3A_953 : memref<1x64x128xf32, #tpu.memory_space<vmem>> -> memref<64x128xf32, #tpu.memory_space<vmem>>
                %gather3A_955 = tpu.vector_load_idx %gather3A_954[%add3A_949, %broadcast_in_dim3A_894] : memref<64x128xf32, #tpu.memory_space<vmem>>[vector<16xi32>, vector<16xi32>], vector<16xf32>,
                %gather3A_956 = arith.constant 4 : i32
                %gather3A_957 = arith.constant 0 : i32
                %gather3A_958 = arith.constant 0 : i32
                %gather3A_959 = tpu.memref_slice %arg10[%gather3A_956, %gather3A_957, %gather3A_958] : memref<6x64x128xf32, #tpu.memory_space<vmem>> -> memref<1x64x128xf32, #tpu.memory_space<vmem>>
                %gather3A_960 = tpu.memref_squeeze %gather3A_959 : memref<1x64x128xf32, #tpu.memory_space<vmem>> -> memref<64x128xf32, #tpu.memory_space<vmem>>
                %gather3A_961 = tpu.vector_load_idx %gather3A_960[%add3A_949, %broadcast_in_dim3A_911] : memref<64x128xf32, #tpu.memory_space<vmem>>[vector<16xi32>, vector<16xi32>], vector<16xf32>,
                %mul3A_962 = arith.mulf %gather3A_955, %gather3A_961 : vector<16xf32>
                %add3A_963 = arith.addf %add3A_946, %mul3A_962 : vector<16xf32>
                %add3A_964 = arith.constant 48 : i32
                %add3A_965 = vector.broadcast %add3A_964 : i32 to vector<16xi32>
                %add3A_966 = arith.addi %iota3A_648, %add3A_965 : vector<16xi32>
                %gather3A_967 = arith.constant 4 : i32
                %gather3A_968 = arith.constant 0 : i32
                %gather3A_969 = arith.constant 0 : i32
                %gather3A_970 = tpu.memref_slice %arg9[%gather3A_967, %gather3A_968, %gather3A_969] : memref<6x64x128xf32, #tpu.memory_space<vmem>> -> memref<1x64x128xf32, #tpu.memory_space<vmem>>
                %gather3A_971 = tpu.memref_squeeze %gather3A_970 : memref<1x64x128xf32, #tpu.memory_space<vmem>> -> memref<64x128xf32, #tpu.memory_space<vmem>>
                %gather3A_972 = tpu.vector_load_idx %gather3A_971[%add3A_966, %broadcast_in_dim3A_894] : memref<64x128xf32, #tpu.memory_space<vmem>>[vector<16xi32>, vector<16xi32>], vector<16xf32>,
                %gather3A_973 = arith.constant 4 : i32
                %gather3A_974 = arith.constant 0 : i32
                %gather3A_975 = arith.constant 0 : i32
                %gather3A_976 = tpu.memref_slice %arg10[%gather3A_973, %gather3A_974, %gather3A_975] : memref<6x64x128xf32, #tpu.memory_space<vmem>> -> memref<1x64x128xf32, #tpu.memory_space<vmem>>
                %gather3A_977 = tpu.memref_squeeze %gather3A_976 : memref<1x64x128xf32, #tpu.memory_space<vmem>> -> memref<64x128xf32, #tpu.memory_space<vmem>>
                %gather3A_978 = tpu.vector_load_idx %gather3A_977[%add3A_966, %broadcast_in_dim3A_911] : memref<64x128xf32, #tpu.memory_space<vmem>>[vector<16xi32>, vector<16xi32>], vector<16xf32>,
                %mul3A_979 = arith.mulf %gather3A_972, %gather3A_978 : vector<16xf32>
                %add3A_980 = arith.addf %add3A_963, %mul3A_979 : vector<16xf32>
                %reduce_sum3A_981 = arith.constant true
                %reduce_sum3A_982 = vector.broadcast %reduce_sum3A_981 : i1 to vector<16xi1>
                %reduce_sum3A_983 = tpu.scan <sum>, %add3A_980 masked %reduce_sum3A_982 : vector<16xf32>, vector<16xi1> -> vector<16xf32>
                %reduce_sum3A_984 = vector.extract %reduce_sum3A_983[15] : f32 from vector<16xf32>
                %jit3A_985 = arith.constant 16 : i32
                %eq3A_986 = arith.constant 0 : i32
                %eq3A_987 = arith.cmpi eq, %jit3A_985, %eq3A_986 : i32
                %jit3A_988 = arith.constant 1 : i32
                %select_n3A_989 = arith.select %eq3A_987, %jit3A_988, %jit3A_985 : i32
                %rem3A_990 = arith.remsi %scan3A_656, %select_n3A_989 : i32
                %ne3A_991 = arith.constant 0 : i32
                %ne3A_992 = arith.cmpi ne, %rem3A_990, %ne3A_991 : i32
                %lt3A_993 = arith.constant 0 : i32
                %lt3A_994 = arith.cmpi slt, %rem3A_990, %lt3A_993 : i32
                %lt3A_995 = arith.constant 0 : i32
                %lt3A_996 = arith.cmpi slt, %select_n3A_989, %lt3A_995 : i32
                %ne3A_997 = arith.xori %lt3A_994, %lt3A_996 : i1
                %and3A_998 = arith.andi %ne3A_997, %ne3A_992 : i1
                %add3A_999 = arith.addi %rem3A_990, %select_n3A_989 : i32
                %select_n3A_1000 = arith.select %and3A_998, %add3A_999, %rem3A_990 : i32
                %eq3A_1001 = vector.broadcast %select_n3A_1000 : i32 to vector<16xi32>
                %eq3A_1002 = arith.cmpi eq, %iota3A_648, %eq3A_1001 : vector<16xi32>
                %broadcast_in_dim3A_1003 = vector.broadcast %reduce_sum3A_984 : f32 to vector<16xf32>
                %select_n3A_1004 = arith.select %eq3A_1002, %broadcast_in_dim3A_1003, %scan3A_657 : vector<16xi1>, vector<16xf32>
                %add3A_1005 = arith.constant 6 : i32
                %add3A_1006 = arith.addi %scan3A_656, %add3A_1005 : i32
                %lt3A_1007 = arith.constant 512 : i32
                %lt3A_1008 = arith.cmpi slt, %add3A_1006, %lt3A_1007 : i32
                %convert_element_type3A_1009 = arith.extui %lt3A_1008 : i1 to i32
                %cond3A_1010 = arith.constant 4 : i32
                %cond3A_1011 = arith.constant 4 : i32
                %cond3A_1012 = arith.constant 0 : i32
                %cond3A_1013 = arith.cmpi ne, %convert_element_type3A_1009, %cond3A_1012 : i32
                scf.if %cond3A_1013 {
                  %iota3A_1014 = tpu.iota {dimensions = array<i32: 0>} : vector<16xi32>
                  %jit3A_1015 = arith.constant 16 : i32
                  %div3A_1016 = arith.divsi %add3A_1006, %jit3A_1015 : i32
                  %sign3A_1017 = arith.constant 0 : i32
                  %sign3A_1018 = arith.cmpi sgt, %add3A_1006, %sign3A_1017 : i32
                  %sign3A_1019 = arith.extui %sign3A_1018 : i1 to i32
                  %sign3A_1020 = arith.constant 0 : i32
                  %sign3A_1021 = arith.cmpi slt, %add3A_1006, %sign3A_1020 : i32
                  %sign3A_1022 = arith.extui %sign3A_1021 : i1 to i32
                  %sign3A_1023 = arith.subi %sign3A_1019, %sign3A_1022 : i32
                  %sign3A_1024 = arith.constant 0 : i32
                  %sign3A_1025 = arith.cmpi sgt, %jit3A_1015, %sign3A_1024 : i32
                  %sign3A_1026 = arith.extui %sign3A_1025 : i1 to i32
                  %sign3A_1027 = arith.constant 0 : i32
                  %sign3A_1028 = arith.cmpi slt, %jit3A_1015, %sign3A_1027 : i32
                  %sign3A_1029 = arith.extui %sign3A_1028 : i1 to i32
                  %sign3A_1030 = arith.subi %sign3A_1026, %sign3A_1029 : i32
                  %ne3A_1031 = arith.cmpi ne, %sign3A_1023, %sign3A_1030 : i32
                  %rem3A_1032 = arith.remsi %add3A_1006, %jit3A_1015 : i32
                  %ne3A_1033 = arith.constant 0 : i32
                  %ne3A_1034 = arith.cmpi ne, %rem3A_1032, %ne3A_1033 : i32
                  %and3A_1035 = arith.andi %ne3A_1031, %ne3A_1034 : i1
                  %sub3A_1036 = arith.constant 1 : i32
                  %sub3A_1037 = arith.subi %div3A_1016, %sub3A_1036 : i32
                  %select_n3A_1038 = arith.select %and3A_1035, %sub3A_1037, %div3A_1016 : i32
                  %mul3A_1039 = arith.constant 16 : i32
                  %mul3A_1040 = arith.muli %select_n3A_1038, %mul3A_1039 : i32
                  %multiple_of3A_1041 = tpu.assume_multiple %mul3A_1040, 16 : i32
                  %get3A_1042 = arith.index_cast %multiple_of3A_1041 : i32 to index
                  %get3A_1043 = tpu.vector_load %arg7[%get3A_1042] {strides = array<i32>} : memref<512xi32, #tpu.memory_space<vmem>>, vector<16xi32>,
                  %jit3A_1044 = arith.constant 16 : i32
                  %eq3A_1045 = arith.constant 0 : i32
                  %eq3A_1046 = arith.cmpi eq, %jit3A_1044, %eq3A_1045 : i32
                  %jit3A_1047 = arith.constant 1 : i32
                  %select_n3A_1048 = arith.select %eq3A_1046, %jit3A_1047, %jit3A_1044 : i32
                  %rem3A_1049 = arith.remsi %add3A_1006, %select_n3A_1048 : i32
                  %ne3A_1050 = arith.constant 0 : i32
                  %ne3A_1051 = arith.cmpi ne, %rem3A_1049, %ne3A_1050 : i32
                  %lt3A_1052 = arith.constant 0 : i32
                  %lt3A_1053 = arith.cmpi slt, %rem3A_1049, %lt3A_1052 : i32
                  %lt3A_1054 = arith.constant 0 : i32
                  %lt3A_1055 = arith.cmpi slt, %select_n3A_1048, %lt3A_1054 : i32
                  %ne3A_1056 = arith.xori %lt3A_1053, %lt3A_1055 : i1
                  %and3A_1057 = arith.andi %ne3A_1056, %ne3A_1051 : i1
                  %add3A_1058 = arith.addi %rem3A_1049, %select_n3A_1048 : i32
                  %select_n3A_1059 = arith.select %and3A_1057, %add3A_1058, %rem3A_1049 : i32
                  %eq3A_1060 = vector.broadcast %select_n3A_1059 : i32 to vector<16xi32>
                  %eq3A_1061 = arith.cmpi eq, %iota3A_1014, %eq3A_1060 : vector<16xi32>
                  %jit3A_1062 = arith.constant 0 : i32
                  %broadcast_in_dim3A_1063 = vector.broadcast %jit3A_1062 : i32 to vector<16xi32>
                  %select_n3A_1064 = arith.select %eq3A_1061, %get3A_1043, %broadcast_in_dim3A_1063 : vector<16xi1>, vector<16xi32>
                  %reduce_sum3A_1065 = arith.constant true
                  %reduce_sum3A_1066 = vector.broadcast %reduce_sum3A_1065 : i1 to vector<16xi1>
                  %reduce_sum3A_1067 = tpu.scan <sum>, %select_n3A_1064 masked %reduce_sum3A_1066 : vector<16xi32>, vector<16xi1> -> vector<16xi32>
                  %reduce_sum3A_1068 = vector.extract %reduce_sum3A_1067[15] : i32 from vector<16xi32>
                  %iota3A_1069 = tpu.iota {dimensions = array<i32: 0>} : vector<16xi32>
                  %jit3A_1070 = arith.constant 16 : i32
                  %div3A_1071 = arith.divsi %add3A_1006, %jit3A_1070 : i32
                  %sign3A_1072 = arith.constant 0 : i32
                  %sign3A_1073 = arith.cmpi sgt, %add3A_1006, %sign3A_1072 : i32
                  %sign3A_1074 = arith.extui %sign3A_1073 : i1 to i32
                  %sign3A_1075 = arith.constant 0 : i32
                  %sign3A_1076 = arith.cmpi slt, %add3A_1006, %sign3A_1075 : i32
                  %sign3A_1077 = arith.extui %sign3A_1076 : i1 to i32
                  %sign3A_1078 = arith.subi %sign3A_1074, %sign3A_1077 : i32
                  %sign3A_1079 = arith.constant 0 : i32
                  %sign3A_1080 = arith.cmpi sgt, %jit3A_1070, %sign3A_1079 : i32
                  %sign3A_1081 = arith.extui %sign3A_1080 : i1 to i32
                  %sign3A_1082 = arith.constant 0 : i32
                  %sign3A_1083 = arith.cmpi slt, %jit3A_1070, %sign3A_1082 : i32
                  %sign3A_1084 = arith.extui %sign3A_1083 : i1 to i32
                  %sign3A_1085 = arith.subi %sign3A_1081, %sign3A_1084 : i32
                  %ne3A_1086 = arith.cmpi ne, %sign3A_1078, %sign3A_1085 : i32
                  %rem3A_1087 = arith.remsi %add3A_1006, %jit3A_1070 : i32
                  %ne3A_1088 = arith.constant 0 : i32
                  %ne3A_1089 = arith.cmpi ne, %rem3A_1087, %ne3A_1088 : i32
                  %and3A_1090 = arith.andi %ne3A_1086, %ne3A_1089 : i1
                  %sub3A_1091 = arith.constant 1 : i32
                  %sub3A_1092 = arith.subi %div3A_1071, %sub3A_1091 : i32
                  %select_n3A_1093 = arith.select %and3A_1090, %sub3A_1092, %div3A_1071 : i32
                  %mul3A_1094 = arith.constant 16 : i32
                  %mul3A_1095 = arith.muli %select_n3A_1093, %mul3A_1094 : i32
                  %multiple_of3A_1096 = tpu.assume_multiple %mul3A_1095, 16 : i32
                  %get3A_1097 = arith.index_cast %multiple_of3A_1096 : i32 to index
                  %get3A_1098 = tpu.vector_load %arg8[%get3A_1097] {strides = array<i32>} : memref<512xi32, #tpu.memory_space<vmem>>, vector<16xi32>,
                  %jit3A_1099 = arith.constant 16 : i32
                  %eq3A_1100 = arith.constant 0 : i32
                  %eq3A_1101 = arith.cmpi eq, %jit3A_1099, %eq3A_1100 : i32
                  %jit3A_1102 = arith.constant 1 : i32
                  %select_n3A_1103 = arith.select %eq3A_1101, %jit3A_1102, %jit3A_1099 : i32
                  %rem3A_1104 = arith.remsi %add3A_1006, %select_n3A_1103 : i32
                  %ne3A_1105 = arith.constant 0 : i32
                  %ne3A_1106 = arith.cmpi ne, %rem3A_1104, %ne3A_1105 : i32
                  %lt3A_1107 = arith.constant 0 : i32
                  %lt3A_1108 = arith.cmpi slt, %rem3A_1104, %lt3A_1107 : i32
                  %lt3A_1109 = arith.constant 0 : i32
                  %lt3A_1110 = arith.cmpi slt, %select_n3A_1103, %lt3A_1109 : i32
                  %ne3A_1111 = arith.xori %lt3A_1108, %lt3A_1110 : i1
                  %and3A_1112 = arith.andi %ne3A_1111, %ne3A_1106 : i1
                  %add3A_1113 = arith.addi %rem3A_1104, %select_n3A_1103 : i32
                  %select_n3A_1114 = arith.select %and3A_1112, %add3A_1113, %rem3A_1104 : i32
                  %eq3A_1115 = vector.broadcast %select_n3A_1114 : i32 to vector<16xi32>
                  %eq3A_1116 = arith.cmpi eq, %iota3A_1069, %eq3A_1115 : vector<16xi32>
                  %jit3A_1117 = arith.constant 0 : i32
                  %broadcast_in_dim3A_1118 = vector.broadcast %jit3A_1117 : i32 to vector<16xi32>
                  %select_n3A_1119 = arith.select %eq3A_1116, %get3A_1098, %broadcast_in_dim3A_1118 : vector<16xi1>, vector<16xi32>
                  %reduce_sum3A_1120 = arith.constant true
                  %reduce_sum3A_1121 = vector.broadcast %reduce_sum3A_1120 : i1 to vector<16xi1>
                  %reduce_sum3A_1122 = tpu.scan <sum>, %select_n3A_1119 masked %reduce_sum3A_1121 : vector<16xi32>, vector<16xi1> -> vector<16xi32>
                  %reduce_sum3A_1123 = vector.extract %reduce_sum3A_1122[15] : i32 from vector<16xi32>
                  %jit3A_1124 = arith.constant 128 : i32
                  %div3A_1125 = arith.divsi %reduce_sum3A_1068, %jit3A_1124 : i32
                  %sign3A_1126 = arith.constant 0 : i32
                  %sign3A_1127 = arith.cmpi sgt, %reduce_sum3A_1068, %sign3A_1126 : i32
                  %sign3A_1128 = arith.extui %sign3A_1127 : i1 to i32
                  %sign3A_1129 = arith.constant 0 : i32
                  %sign3A_1130 = arith.cmpi slt, %reduce_sum3A_1068, %sign3A_1129 : i32
                  %sign3A_1131 = arith.extui %sign3A_1130 : i1 to i32
                  %sign3A_1132 = arith.subi %sign3A_1128, %sign3A_1131 : i32
                  %sign3A_1133 = arith.constant 0 : i32
                  %sign3A_1134 = arith.cmpi sgt, %jit3A_1124, %sign3A_1133 : i32
                  %sign3A_1135 = arith.extui %sign3A_1134 : i1 to i32
                  %sign3A_1136 = arith.constant 0 : i32
                  %sign3A_1137 = arith.cmpi slt, %jit3A_1124, %sign3A_1136 : i32
                  %sign3A_1138 = arith.extui %sign3A_1137 : i1 to i32
                  %sign3A_1139 = arith.subi %sign3A_1135, %sign3A_1138 : i32
                  %ne3A_1140 = arith.cmpi ne, %sign3A_1132, %sign3A_1139 : i32
                  %rem3A_1141 = arith.remsi %reduce_sum3A_1068, %jit3A_1124 : i32
                  %ne3A_1142 = arith.constant 0 : i32
                  %ne3A_1143 = arith.cmpi ne, %rem3A_1141, %ne3A_1142 : i32
                  %and3A_1144 = arith.andi %ne3A_1140, %ne3A_1143 : i1
                  %sub3A_1145 = arith.constant 1 : i32
                  %sub3A_1146 = arith.subi %div3A_1125, %sub3A_1145 : i32
                  %select_n3A_1147 = arith.select %and3A_1144, %sub3A_1146, %div3A_1125 : i32
                  %mul3A_1148 = arith.constant 128 : i32
                  %mul3A_1149 = arith.muli %select_n3A_1147, %mul3A_1148 : i32
                  %multiple_of3A_1150 = tpu.assume_multiple %mul3A_1149, 128 : i32
                  %jit3A_1151 = arith.constant 128 : i32
                  %div3A_1152 = arith.divsi %reduce_sum3A_1123, %jit3A_1151 : i32
                  %sign3A_1153 = arith.constant 0 : i32
                  %sign3A_1154 = arith.cmpi sgt, %reduce_sum3A_1123, %sign3A_1153 : i32
                  %sign3A_1155 = arith.extui %sign3A_1154 : i1 to i32
                  %sign3A_1156 = arith.constant 0 : i32
                  %sign3A_1157 = arith.cmpi slt, %reduce_sum3A_1123, %sign3A_1156 : i32
                  %sign3A_1158 = arith.extui %sign3A_1157 : i1 to i32
                  %sign3A_1159 = arith.subi %sign3A_1155, %sign3A_1158 : i32
                  %sign3A_1160 = arith.constant 0 : i32
                  %sign3A_1161 = arith.cmpi sgt, %jit3A_1151, %sign3A_1160 : i32
                  %sign3A_1162 = arith.extui %sign3A_1161 : i1 to i32
                  %sign3A_1163 = arith.constant 0 : i32
                  %sign3A_1164 = arith.cmpi slt, %jit3A_1151, %sign3A_1163 : i32
                  %sign3A_1165 = arith.extui %sign3A_1164 : i1 to i32
                  %sign3A_1166 = arith.subi %sign3A_1162, %sign3A_1165 : i32
                  %ne3A_1167 = arith.cmpi ne, %sign3A_1159, %sign3A_1166 : i32
                  %rem3A_1168 = arith.remsi %reduce_sum3A_1123, %jit3A_1151 : i32
                  %ne3A_1169 = arith.constant 0 : i32
                  %ne3A_1170 = arith.cmpi ne, %rem3A_1168, %ne3A_1169 : i32
                  %and3A_1171 = arith.andi %ne3A_1167, %ne3A_1170 : i1
                  %sub3A_1172 = arith.constant 1 : i32
                  %sub3A_1173 = arith.subi %div3A_1152, %sub3A_1172 : i32
                  %select_n3A_1174 = arith.select %and3A_1171, %sub3A_1173, %div3A_1152 : i32
                  %mul3A_1175 = arith.constant 128 : i32
                  %mul3A_1176 = arith.muli %select_n3A_1174, %mul3A_1175 : i32
                  %multiple_of3A_1177 = tpu.assume_multiple %mul3A_1176, 128 : i32
                  %dma_start3A_1178 = arith.constant 0 : i32
                  %dma_start3A_1179 = arith.constant 0 : i32
                  %dma_start3A_1180 = tpu.memref_slice %arg9[%cond3A_1010, %dma_start3A_1178, %dma_start3A_1179] : memref<6x64x128xf32, #tpu.memory_space<vmem>> -> memref<1x64x128xf32, #tpu.memory_space<vmem>>
                  %dma_start3A_1181 = tpu.memref_squeeze %dma_start3A_1180 : memref<1x64x128xf32, #tpu.memory_space<vmem>> -> memref<64x128xf32, #tpu.memory_space<vmem>>
                  %dma_start3A_1182 = arith.constant 0 : i32
                  %dma_start3A_1183 = tpu.memref_slice %arg4[%dma_start3A_1182, %multiple_of3A_1150] : memref<64x1000000xf32, #tpu.memory_space<hbm>> -> memref<64x128xf32, #tpu.memory_space<hbm>>
                  %dma_start3A_1184 = arith.constant 0 : i32
                  %dma_start3A_1185 = arith.constant 0 : i32
                  %dma_start3A_1186 = tpu.memref_slice %arg9[%cond3A_1010, %dma_start3A_1184, %dma_start3A_1185] : memref<6x64x128xf32, #tpu.memory_space<vmem>> -> memref<1x64x128xf32, #tpu.memory_space<vmem>>
                  %dma_start3A_1187 = tpu.memref_squeeze %dma_start3A_1186 : memref<1x64x128xf32, #tpu.memory_space<vmem>> -> memref<64x128xf32, #tpu.memory_space<vmem>>
                  %dma_start3A_1188 = arith.constant 0 : i32
                  %dma_start3A_1189 = tpu.memref_slice %arg4[%dma_start3A_1188, %multiple_of3A_1150] : memref<64x1000000xf32, #tpu.memory_space<hbm>> -> memref<64x128xf32, #tpu.memory_space<hbm>>
                  tpu.enqueue_dma source(%dma_start3A_1189 : memref<64x128xf32, #tpu.memory_space<hbm>>) target(%dma_start3A_1187 : memref<64x128xf32, #tpu.memory_space<vmem>>) target_semaphore(%arg16 : memref<!tpu.dma_semaphore, #tpu.memory_space<semaphore_mem>>)
                  %dma_start3A_1190 = arith.constant 0 : i32
                  %dma_start3A_1191 = arith.constant 0 : i32
                  %dma_start3A_1192 = tpu.memref_slice %arg10[%cond3A_1011, %dma_start3A_1190, %dma_start3A_1191] : memref<6x64x128xf32, #tpu.memory_space<vmem>> -> memref<1x64x128xf32, #tpu.memory_space<vmem>>
                  %dma_start3A_1193 = tpu.memref_squeeze %dma_start3A_1192 : memref<1x64x128xf32, #tpu.memory_space<vmem>> -> memref<64x128xf32, #tpu.memory_space<vmem>>
                  %dma_start3A_1194 = arith.constant 0 : i32
                  %dma_start3A_1195 = tpu.memref_slice %arg5[%dma_start3A_1194, %multiple_of3A_1177] : memref<64x1000000xf32, #tpu.memory_space<hbm>> -> memref<64x128xf32, #tpu.memory_space<hbm>>
                  %dma_start3A_1196 = arith.constant 0 : i32
                  %dma_start3A_1197 = arith.constant 0 : i32
                  %dma_start3A_1198 = tpu.memref_slice %arg10[%cond3A_1011, %dma_start3A_1196, %dma_start3A_1197] : memref<6x64x128xf32, #tpu.memory_space<vmem>> -> memref<1x64x128xf32, #tpu.memory_space<vmem>>
                  %dma_start3A_1199 = tpu.memref_squeeze %dma_start3A_1198 : memref<1x64x128xf32, #tpu.memory_space<vmem>> -> memref<64x128xf32, #tpu.memory_space<vmem>>
                  %dma_start3A_1200 = arith.constant 0 : i32
                  %dma_start3A_1201 = tpu.memref_slice %arg5[%dma_start3A_1200, %multiple_of3A_1177] : memref<64x1000000xf32, #tpu.memory_space<hbm>> -> memref<64x128xf32, #tpu.memory_space<hbm>>
                  tpu.enqueue_dma source(%dma_start3A_1201 : memref<64x128xf32, #tpu.memory_space<hbm>>) target(%dma_start3A_1199 : memref<64x128xf32, #tpu.memory_space<vmem>>) target_semaphore(%arg16 : memref<!tpu.dma_semaphore, #tpu.memory_space<semaphore_mem>>)
                } else {
                }
                scf.yield %select_n3A_1004 : vector<16xf32>
              }
              scf.yield %cond3A_738 : vector<16xf32>
            } else {
              %dma_wait3A = arith.constant 3 : i32
              %dma_wait3A_734 = arith.constant 0 : i32
              %dma_wait3A_735 = arith.constant 0 : i32
              %dma_wait3A_736 = tpu.memref_slice %arg9[%dma_wait3A, %dma_wait3A_734, %dma_wait3A_735] : memref<6x64x128xf32, #tpu.memory_space<vmem>> -> memref<1x64x128xf32, #tpu.memory_space<vmem>>
              %dma_wait3A_737 = tpu.memref_squeeze %dma_wait3A_736 : memref<1x64x128xf32, #tpu.memory_space<vmem>> -> memref<64x128xf32, #tpu.memory_space<vmem>>
              %dma_wait3A_738 = arith.constant 0 : i32
              %dma_wait3A_739 = arith.constant 0 : i32
              %dma_wait3A_740 = tpu.memref_slice %arg4[%dma_wait3A_738, %dma_wait3A_739] : memref<64x1000000xf32, #tpu.memory_space<hbm>> -> memref<64x128xf32, #tpu.memory_space<hbm>>
              %dma_wait3A_741 = arith.constant 0 : i32
              %dma_wait3A_742 = arith.constant 0 : i32
              %dma_wait3A_743 = tpu.memref_slice %arg9[%dma_wait3A, %dma_wait3A_741, %dma_wait3A_742] : memref<6x64x128xf32, #tpu.memory_space<vmem>> -> memref<1x64x128xf32, #tpu.memory_space<vmem>>
              %dma_wait3A_744 = tpu.memref_squeeze %dma_wait3A_743 : memref<1x64x128xf32, #tpu.memory_space<vmem>> -> memref<64x128xf32, #tpu.memory_space<vmem>>
              %dma_wait3A_745 = arith.constant 0 : i32
              %dma_wait3A_746 = arith.constant 0 : i32
              %dma_wait3A_747 = tpu.memref_slice %arg4[%dma_wait3A_745, %dma_wait3A_746] : memref<64x1000000xf32, #tpu.memory_space<hbm>> -> memref<64x128xf32, #tpu.memory_space<hbm>>
              tpu.wait_dma2 semaphore(%arg15 : memref<!tpu.dma_semaphore, #tpu.memory_space<semaphore_mem>>) src(%dma_wait3A_747 : memref<64x128xf32, #tpu.memory_space<hbm>>) dst(%dma_wait3A_744 : memref<64x128xf32, #tpu.memory_space<vmem>>)
              %dma_wait3A_748 = arith.constant 3 : i32
              %dma_wait3A_749 = arith.constant 0 : i32
              %dma_wait3A_750 = arith.constant 0 : i32
              %dma_wait3A_751 = tpu.memref_slice %arg10[%dma_wait3A_748, %dma_wait3A_749, %dma_wait3A_750] : memref<6x64x128xf32, #tpu.memory_space<vmem>> -> memref<1x64x128xf32, #tpu.memory_space<vmem>>
              %dma_wait3A_752 = tpu.memref_squeeze %dma_wait3A_751 : memref<1x64x128xf32, #tpu.memory_space<vmem>> -> memref<64x128xf32, #tpu.memory_space<vmem>>
              %dma_wait3A_753 = arith.constant 0 : i32
              %dma_wait3A_754 = arith.constant 0 : i32
              %dma_wait3A_755 = tpu.memref_slice %arg5[%dma_wait3A_753, %dma_wait3A_754] : memref<64x1000000xf32, #tpu.memory_space<hbm>> -> memref<64x128xf32, #tpu.memory_space<hbm>>
              %dma_wait3A_756 = arith.constant 0 : i32
              %dma_wait3A_757 = arith.constant 0 : i32
              %dma_wait3A_758 = tpu.memref_slice %arg10[%dma_wait3A_748, %dma_wait3A_756, %dma_wait3A_757] : memref<6x64x128xf32, #tpu.memory_space<vmem>> -> memref<1x64x128xf32, #tpu.memory_space<vmem>>
              %dma_wait3A_759 = tpu.memref_squeeze %dma_wait3A_758 : memref<1x64x128xf32, #tpu.memory_space<vmem>> -> memref<64x128xf32, #tpu.memory_space<vmem>>
              %dma_wait3A_760 = arith.constant 0 : i32
              %dma_wait3A_761 = arith.constant 0 : i32
              %dma_wait3A_762 = tpu.memref_slice %arg5[%dma_wait3A_760, %dma_wait3A_761] : memref<64x1000000xf32, #tpu.memory_space<hbm>> -> memref<64x128xf32, #tpu.memory_space<hbm>>
              tpu.wait_dma2 semaphore(%arg15 : memref<!tpu.dma_semaphore, #tpu.memory_space<semaphore_mem>>) src(%dma_wait3A_762 : memref<64x128xf32, #tpu.memory_space<hbm>>) dst(%dma_wait3A_759 : memref<64x128xf32, #tpu.memory_space<vmem>>)
              %iota3A_763 = tpu.iota {dimensions = array<i32: 0>} : vector<16xi32>
              %jit3A_764 = arith.constant 16 : i32
              %div3A_765 = arith.divsi %scan3A_656, %jit3A_764 : i32
              %sign3A_766 = arith.constant 0 : i32
              %sign3A_767 = arith.cmpi sgt, %scan3A_656, %sign3A_766 : i32
              %sign3A_768 = arith.extui %sign3A_767 : i1 to i32
              %sign3A_769 = arith.constant 0 : i32
              %sign3A_770 = arith.cmpi slt, %scan3A_656, %sign3A_769 : i32
              %sign3A_771 = arith.extui %sign3A_770 : i1 to i32
              %sign3A_772 = arith.subi %sign3A_768, %sign3A_771 : i32
              %sign3A_773 = arith.constant 0 : i32
              %sign3A_774 = arith.cmpi sgt, %jit3A_764, %sign3A_773 : i32
              %sign3A_775 = arith.extui %sign3A_774 : i1 to i32
              %sign3A_776 = arith.constant 0 : i32
              %sign3A_777 = arith.cmpi slt, %jit3A_764, %sign3A_776 : i32
              %sign3A_778 = arith.extui %sign3A_777 : i1 to i32
              %sign3A_779 = arith.subi %sign3A_775, %sign3A_778 : i32
              %ne3A_780 = arith.cmpi ne, %sign3A_772, %sign3A_779 : i32
              %rem3A_781 = arith.remsi %scan3A_656, %jit3A_764 : i32
              %ne3A_782 = arith.constant 0 : i32
              %ne3A_783 = arith.cmpi ne, %rem3A_781, %ne3A_782 : i32
              %and3A_784 = arith.andi %ne3A_780, %ne3A_783 : i1
              %sub3A_785 = arith.constant 1 : i32
              %sub3A_786 = arith.subi %div3A_765, %sub3A_785 : i32
              %select_n3A_787 = arith.select %and3A_784, %sub3A_786, %div3A_765 : i32
              %mul3A_788 = arith.constant 16 : i32
              %mul3A_789 = arith.muli %select_n3A_787, %mul3A_788 : i32
              %multiple_of3A_790 = tpu.assume_multiple %mul3A_789, 16 : i32
              %get3A_791 = arith.index_cast %multiple_of3A_790 : i32 to index
              %get3A_792 = tpu.vector_load %arg7[%get3A_791] {strides = array<i32>} : memref<512xi32, #tpu.memory_space<vmem>>, vector<16xi32>,
              %jit3A_793 = arith.constant 16 : i32
              %eq3A_794 = arith.constant 0 : i32
              %eq3A_795 = arith.cmpi eq, %jit3A_793, %eq3A_794 : i32
              %jit3A_796 = arith.constant 1 : i32
              %select_n3A_797 = arith.select %eq3A_795, %jit3A_796, %jit3A_793 : i32
              %rem3A_798 = arith.remsi %scan3A_656, %select_n3A_797 : i32
              %ne3A_799 = arith.constant 0 : i32
              %ne3A_800 = arith.cmpi ne, %rem3A_798, %ne3A_799 : i32
              %lt3A_801 = arith.constant 0 : i32
              %lt3A_802 = arith.cmpi slt, %rem3A_798, %lt3A_801 : i32
              %lt3A_803 = arith.constant 0 : i32
              %lt3A_804 = arith.cmpi slt, %select_n3A_797, %lt3A_803 : i32
              %ne3A_805 = arith.xori %lt3A_802, %lt3A_804 : i1
              %and3A_806 = arith.andi %ne3A_805, %ne3A_800 : i1
              %add3A_807 = arith.addi %rem3A_798, %select_n3A_797 : i32
              %select_n3A_808 = arith.select %and3A_806, %add3A_807, %rem3A_798 : i32
              %eq3A_809 = vector.broadcast %select_n3A_808 : i32 to vector<16xi32>
              %eq3A_810 = arith.cmpi eq, %iota3A_763, %eq3A_809 : vector<16xi32>
              %jit3A_811 = arith.constant 0 : i32
              %broadcast_in_dim3A_812 = vector.broadcast %jit3A_811 : i32 to vector<16xi32>
              %select_n3A_813 = arith.select %eq3A_810, %get3A_792, %broadcast_in_dim3A_812 : vector<16xi1>, vector<16xi32>
              %reduce_sum3A_814 = arith.constant true
              %reduce_sum3A_815 = vector.broadcast %reduce_sum3A_814 : i1 to vector<16xi1>
              %reduce_sum3A_816 = tpu.scan <sum>, %select_n3A_813 masked %reduce_sum3A_815 : vector<16xi32>, vector<16xi1> -> vector<16xi32>
              %reduce_sum3A_817 = vector.extract %reduce_sum3A_816[15] : i32 from vector<16xi32>
              %iota3A_818 = tpu.iota {dimensions = array<i32: 0>} : vector<16xi32>
              %jit3A_819 = arith.constant 16 : i32
              %div3A_820 = arith.divsi %scan3A_656, %jit3A_819 : i32
              %sign3A_821 = arith.constant 0 : i32
              %sign3A_822 = arith.cmpi sgt, %scan3A_656, %sign3A_821 : i32
              %sign3A_823 = arith.extui %sign3A_822 : i1 to i32
              %sign3A_824 = arith.constant 0 : i32
              %sign3A_825 = arith.cmpi slt, %scan3A_656, %sign3A_824 : i32
              %sign3A_826 = arith.extui %sign3A_825 : i1 to i32
              %sign3A_827 = arith.subi %sign3A_823, %sign3A_826 : i32
              %sign3A_828 = arith.constant 0 : i32
              %sign3A_829 = arith.cmpi sgt, %jit3A_819, %sign3A_828 : i32
              %sign3A_830 = arith.extui %sign3A_829 : i1 to i32
              %sign3A_831 = arith.constant 0 : i32
              %sign3A_832 = arith.cmpi slt, %jit3A_819, %sign3A_831 : i32
              %sign3A_833 = arith.extui %sign3A_832 : i1 to i32
              %sign3A_834 = arith.subi %sign3A_830, %sign3A_833 : i32
              %ne3A_835 = arith.cmpi ne, %sign3A_827, %sign3A_834 : i32
              %rem3A_836 = arith.remsi %scan3A_656, %jit3A_819 : i32
              %ne3A_837 = arith.constant 0 : i32
              %ne3A_838 = arith.cmpi ne, %rem3A_836, %ne3A_837 : i32
              %and3A_839 = arith.andi %ne3A_835, %ne3A_838 : i1
              %sub3A_840 = arith.constant 1 : i32
              %sub3A_841 = arith.subi %div3A_820, %sub3A_840 : i32
              %select_n3A_842 = arith.select %and3A_839, %sub3A_841, %div3A_820 : i32
              %mul3A_843 = arith.constant 16 : i32
              %mul3A_844 = arith.muli %select_n3A_842, %mul3A_843 : i32
              %multiple_of3A_845 = tpu.assume_multiple %mul3A_844, 16 : i32
              %get3A_846 = arith.index_cast %multiple_of3A_845 : i32 to index
              %get3A_847 = tpu.vector_load %arg8[%get3A_846] {strides = array<i32>} : memref<512xi32, #tpu.memory_space<vmem>>, vector<16xi32>,
              %jit3A_848 = arith.constant 16 : i32
              %eq3A_849 = arith.constant 0 : i32
              %eq3A_850 = arith.cmpi eq, %jit3A_848, %eq3A_849 : i32
              %jit3A_851 = arith.constant 1 : i32
              %select_n3A_852 = arith.select %eq3A_850, %jit3A_851, %jit3A_848 : i32
              %rem3A_853 = arith.remsi %scan3A_656, %select_n3A_852 : i32
              %ne3A_854 = arith.constant 0 : i32
              %ne3A_855 = arith.cmpi ne, %rem3A_853, %ne3A_854 : i32
              %lt3A_856 = arith.constant 0 : i32
              %lt3A_857 = arith.cmpi slt, %rem3A_853, %lt3A_856 : i32
              %lt3A_858 = arith.constant 0 : i32
              %lt3A_859 = arith.cmpi slt, %select_n3A_852, %lt3A_858 : i32
              %ne3A_860 = arith.xori %lt3A_857, %lt3A_859 : i1
              %and3A_861 = arith.andi %ne3A_860, %ne3A_855 : i1
              %add3A_862 = arith.addi %rem3A_853, %select_n3A_852 : i32
              %select_n3A_863 = arith.select %and3A_861, %add3A_862, %rem3A_853 : i32
              %eq3A_864 = vector.broadcast %select_n3A_863 : i32 to vector<16xi32>
              %eq3A_865 = arith.cmpi eq, %iota3A_818, %eq3A_864 : vector<16xi32>
              %jit3A_866 = arith.constant 0 : i32
              %broadcast_in_dim3A_867 = vector.broadcast %jit3A_866 : i32 to vector<16xi32>
              %select_n3A_868 = arith.select %eq3A_865, %get3A_847, %broadcast_in_dim3A_867 : vector<16xi1>, vector<16xi32>
              %reduce_sum3A_869 = arith.constant true
              %reduce_sum3A_870 = vector.broadcast %reduce_sum3A_869 : i1 to vector<16xi1>
              %reduce_sum3A_871 = tpu.scan <sum>, %select_n3A_868 masked %reduce_sum3A_870 : vector<16xi32>, vector<16xi1> -> vector<16xi32>
              %reduce_sum3A_872 = vector.extract %reduce_sum3A_871[15] : i32 from vector<16xi32>
              %jit3A_873 = arith.constant 128 : i32
              %eq3A_874 = arith.constant 0 : i32
              %eq3A_875 = arith.cmpi eq, %jit3A_873, %eq3A_874 : i32
              %jit3A_876 = arith.constant 1 : i32
              %select_n3A_877 = arith.select %eq3A_875, %jit3A_876, %jit3A_873 : i32
              %rem3A_878 = arith.remsi %reduce_sum3A_817, %select_n3A_877 : i32
              %ne3A_879 = arith.constant 0 : i32
              %ne3A_880 = arith.cmpi ne, %rem3A_878, %ne3A_879 : i32
              %lt3A_881 = arith.constant 0 : i32
              %lt3A_882 = arith.cmpi slt, %rem3A_878, %lt3A_881 : i32
              %lt3A_883 = arith.constant 0 : i32
              %lt3A_884 = arith.cmpi slt, %select_n3A_877, %lt3A_883 : i32
              %ne3A_885 = arith.xori %lt3A_882, %lt3A_884 : i1
              %and3A_886 = arith.andi %ne3A_885, %ne3A_880 : i1
              %add3A_887 = arith.addi %rem3A_878, %select_n3A_877 : i32
              %select_n3A_888 = arith.select %and3A_886, %add3A_887, %rem3A_878 : i32
              %broadcast_in_dim3A_889 = vector.broadcast %select_n3A_888 : i32 to vector<16xi32>
              %jit3A_890 = arith.constant 128 : i32
              %eq3A_891 = arith.constant 0 : i32
              %eq3A_892 = arith.cmpi eq, %jit3A_890, %eq3A_891 : i32
              %jit3A_893 = arith.constant 1 : i32
              %select_n3A_894 = arith.select %eq3A_892, %jit3A_893, %jit3A_890 : i32
              %rem3A_895 = arith.remsi %reduce_sum3A_872, %select_n3A_894 : i32
              %ne3A_896 = arith.constant 0 : i32
              %ne3A_897 = arith.cmpi ne, %rem3A_895, %ne3A_896 : i32
              %lt3A_898 = arith.constant 0 : i32
              %lt3A_899 = arith.cmpi slt, %rem3A_895, %lt3A_898 : i32
              %lt3A_900 = arith.constant 0 : i32
              %lt3A_901 = arith.cmpi slt, %select_n3A_894, %lt3A_900 : i32
              %ne3A_902 = arith.xori %lt3A_899, %lt3A_901 : i1
              %and3A_903 = arith.andi %ne3A_902, %ne3A_897 : i1
              %add3A_904 = arith.addi %rem3A_895, %select_n3A_894 : i32
              %select_n3A_905 = arith.select %and3A_903, %add3A_904, %rem3A_895 : i32
              %broadcast_in_dim3A_906 = vector.broadcast %select_n3A_905 : i32 to vector<16xi32>
              %broadcast_in_dim3A_907 = arith.constant 0.000000e+00 : f32
              %broadcast_in_dim3A_908 = vector.broadcast %broadcast_in_dim3A_907 : f32 to vector<16xf32>
              %add3A_909 = arith.constant 0 : i32
              %add3A_910 = vector.broadcast %add3A_909 : i32 to vector<16xi32>
              %add3A_911 = arith.addi %iota3A_648, %add3A_910 : vector<16xi32>
              %gather3A = arith.constant 3 : i32
              %gather3A_912 = arith.constant 0 : i32
              %gather3A_913 = arith.constant 0 : i32
              %gather3A_914 = tpu.memref_slice %arg9[%gather3A, %gather3A_912, %gather3A_913] : memref<6x64x128xf32, #tpu.memory_space<vmem>> -> memref<1x64x128xf32, #tpu.memory_space<vmem>>
              %gather3A_915 = tpu.memref_squeeze %gather3A_914 : memref<1x64x128xf32, #tpu.memory_space<vmem>> -> memref<64x128xf32, #tpu.memory_space<vmem>>
              %gather3A_916 = tpu.vector_load_idx %gather3A_915[%add3A_911, %broadcast_in_dim3A_889] : memref<64x128xf32, #tpu.memory_space<vmem>>[vector<16xi32>, vector<16xi32>], vector<16xf32>,
              %gather3A_917 = arith.constant 3 : i32
              %gather3A_918 = arith.constant 0 : i32
              %gather3A_919 = arith.constant 0 : i32
              %gather3A_920 = tpu.memref_slice %arg10[%gather3A_917, %gather3A_918, %gather3A_919] : memref<6x64x128xf32, #tpu.memory_space<vmem>> -> memref<1x64x128xf32, #tpu.memory_space<vmem>>
              %gather3A_921 = tpu.memref_squeeze %gather3A_920 : memref<1x64x128xf32, #tpu.memory_space<vmem>> -> memref<64x128xf32, #tpu.memory_space<vmem>>
              %gather3A_922 = tpu.vector_load_idx %gather3A_921[%add3A_911, %broadcast_in_dim3A_906] : memref<64x128xf32, #tpu.memory_space<vmem>>[vector<16xi32>, vector<16xi32>], vector<16xf32>,
              %mul3A_923 = arith.mulf %gather3A_916, %gather3A_922 : vector<16xf32>
              %add3A_924 = arith.addf %broadcast_in_dim3A_908, %mul3A_923 : vector<16xf32>
              %add3A_925 = arith.constant 16 : i32
              %add3A_926 = vector.broadcast %add3A_925 : i32 to vector<16xi32>
              %add3A_927 = arith.addi %iota3A_648, %add3A_926 : vector<16xi32>
              %gather3A_928 = arith.constant 3 : i32
              %gather3A_929 = arith.constant 0 : i32
              %gather3A_930 = arith.constant 0 : i32
              %gather3A_931 = tpu.memref_slice %arg9[%gather3A_928, %gather3A_929, %gather3A_930] : memref<6x64x128xf32, #tpu.memory_space<vmem>> -> memref<1x64x128xf32, #tpu.memory_space<vmem>>
              %gather3A_932 = tpu.memref_squeeze %gather3A_931 : memref<1x64x128xf32, #tpu.memory_space<vmem>> -> memref<64x128xf32, #tpu.memory_space<vmem>>
              %gather3A_933 = tpu.vector_load_idx %gather3A_932[%add3A_927, %broadcast_in_dim3A_889] : memref<64x128xf32, #tpu.memory_space<vmem>>[vector<16xi32>, vector<16xi32>], vector<16xf32>,
              %gather3A_934 = arith.constant 3 : i32
              %gather3A_935 = arith.constant 0 : i32
              %gather3A_936 = arith.constant 0 : i32
              %gather3A_937 = tpu.memref_slice %arg10[%gather3A_934, %gather3A_935, %gather3A_936] : memref<6x64x128xf32, #tpu.memory_space<vmem>> -> memref<1x64x128xf32, #tpu.memory_space<vmem>>
              %gather3A_938 = tpu.memref_squeeze %gather3A_937 : memref<1x64x128xf32, #tpu.memory_space<vmem>> -> memref<64x128xf32, #tpu.memory_space<vmem>>
              %gather3A_939 = tpu.vector_load_idx %gather3A_938[%add3A_927, %broadcast_in_dim3A_906] : memref<64x128xf32, #tpu.memory_space<vmem>>[vector<16xi32>, vector<16xi32>], vector<16xf32>,
              %mul3A_940 = arith.mulf %gather3A_933, %gather3A_939 : vector<16xf32>
              %add3A_941 = arith.addf %add3A_924, %mul3A_940 : vector<16xf32>
              %add3A_942 = arith.constant 32 : i32
              %add3A_943 = vector.broadcast %add3A_942 : i32 to vector<16xi32>
              %add3A_944 = arith.addi %iota3A_648, %add3A_943 : vector<16xi32>
              %gather3A_945 = arith.constant 3 : i32
              %gather3A_946 = arith.constant 0 : i32
              %gather3A_947 = arith.constant 0 : i32
              %gather3A_948 = tpu.memref_slice %arg9[%gather3A_945, %gather3A_946, %gather3A_947] : memref<6x64x128xf32, #tpu.memory_space<vmem>> -> memref<1x64x128xf32, #tpu.memory_space<vmem>>
              %gather3A_949 = tpu.memref_squeeze %gather3A_948 : memref<1x64x128xf32, #tpu.memory_space<vmem>> -> memref<64x128xf32, #tpu.memory_space<vmem>>
              %gather3A_950 = tpu.vector_load_idx %gather3A_949[%add3A_944, %broadcast_in_dim3A_889] : memref<64x128xf32, #tpu.memory_space<vmem>>[vector<16xi32>, vector<16xi32>], vector<16xf32>,
              %gather3A_951 = arith.constant 3 : i32
              %gather3A_952 = arith.constant 0 : i32
              %gather3A_953 = arith.constant 0 : i32
              %gather3A_954 = tpu.memref_slice %arg10[%gather3A_951, %gather3A_952, %gather3A_953] : memref<6x64x128xf32, #tpu.memory_space<vmem>> -> memref<1x64x128xf32, #tpu.memory_space<vmem>>
              %gather3A_955 = tpu.memref_squeeze %gather3A_954 : memref<1x64x128xf32, #tpu.memory_space<vmem>> -> memref<64x128xf32, #tpu.memory_space<vmem>>
              %gather3A_956 = tpu.vector_load_idx %gather3A_955[%add3A_944, %broadcast_in_dim3A_906] : memref<64x128xf32, #tpu.memory_space<vmem>>[vector<16xi32>, vector<16xi32>], vector<16xf32>,
              %mul3A_957 = arith.mulf %gather3A_950, %gather3A_956 : vector<16xf32>
              %add3A_958 = arith.addf %add3A_941, %mul3A_957 : vector<16xf32>
              %add3A_959 = arith.constant 48 : i32
              %add3A_960 = vector.broadcast %add3A_959 : i32 to vector<16xi32>
              %add3A_961 = arith.addi %iota3A_648, %add3A_960 : vector<16xi32>
              %gather3A_962 = arith.constant 3 : i32
              %gather3A_963 = arith.constant 0 : i32
              %gather3A_964 = arith.constant 0 : i32
              %gather3A_965 = tpu.memref_slice %arg9[%gather3A_962, %gather3A_963, %gather3A_964] : memref<6x64x128xf32, #tpu.memory_space<vmem>> -> memref<1x64x128xf32, #tpu.memory_space<vmem>>
              %gather3A_966 = tpu.memref_squeeze %gather3A_965 : memref<1x64x128xf32, #tpu.memory_space<vmem>> -> memref<64x128xf32, #tpu.memory_space<vmem>>
              %gather3A_967 = tpu.vector_load_idx %gather3A_966[%add3A_961, %broadcast_in_dim3A_889] : memref<64x128xf32, #tpu.memory_space<vmem>>[vector<16xi32>, vector<16xi32>], vector<16xf32>,
              %gather3A_968 = arith.constant 3 : i32
              %gather3A_969 = arith.constant 0 : i32
              %gather3A_970 = arith.constant 0 : i32
              %gather3A_971 = tpu.memref_slice %arg10[%gather3A_968, %gather3A_969, %gather3A_970] : memref<6x64x128xf32, #tpu.memory_space<vmem>> -> memref<1x64x128xf32, #tpu.memory_space<vmem>>
              %gather3A_972 = tpu.memref_squeeze %gather3A_971 : memref<1x64x128xf32, #tpu.memory_space<vmem>> -> memref<64x128xf32, #tpu.memory_space<vmem>>
              %gather3A_973 = tpu.vector_load_idx %gather3A_972[%add3A_961, %broadcast_in_dim3A_906] : memref<64x128xf32, #tpu.memory_space<vmem>>[vector<16xi32>, vector<16xi32>], vector<16xf32>,
              %mul3A_974 = arith.mulf %gather3A_967, %gather3A_973 : vector<16xf32>
              %add3A_975 = arith.addf %add3A_958, %mul3A_974 : vector<16xf32>
              %reduce_sum3A_976 = arith.constant true
              %reduce_sum3A_977 = vector.broadcast %reduce_sum3A_976 : i1 to vector<16xi1>
              %reduce_sum3A_978 = tpu.scan <sum>, %add3A_975 masked %reduce_sum3A_977 : vector<16xf32>, vector<16xi1> -> vector<16xf32>
              %reduce_sum3A_979 = vector.extract %reduce_sum3A_978[15] : f32 from vector<16xf32>
              %jit3A_980 = arith.constant 16 : i32
              %eq3A_981 = arith.constant 0 : i32
              %eq3A_982 = arith.cmpi eq, %jit3A_980, %eq3A_981 : i32
              %jit3A_983 = arith.constant 1 : i32
              %select_n3A_984 = arith.select %eq3A_982, %jit3A_983, %jit3A_980 : i32
              %rem3A_985 = arith.remsi %scan3A_656, %select_n3A_984 : i32
              %ne3A_986 = arith.constant 0 : i32
              %ne3A_987 = arith.cmpi ne, %rem3A_985, %ne3A_986 : i32
              %lt3A_988 = arith.constant 0 : i32
              %lt3A_989 = arith.cmpi slt, %rem3A_985, %lt3A_988 : i32
              %lt3A_990 = arith.constant 0 : i32
              %lt3A_991 = arith.cmpi slt, %select_n3A_984, %lt3A_990 : i32
              %ne3A_992 = arith.xori %lt3A_989, %lt3A_991 : i1
              %and3A_993 = arith.andi %ne3A_992, %ne3A_987 : i1
              %add3A_994 = arith.addi %rem3A_985, %select_n3A_984 : i32
              %select_n3A_995 = arith.select %and3A_993, %add3A_994, %rem3A_985 : i32
              %eq3A_996 = vector.broadcast %select_n3A_995 : i32 to vector<16xi32>
              %eq3A_997 = arith.cmpi eq, %iota3A_648, %eq3A_996 : vector<16xi32>
              %broadcast_in_dim3A_998 = vector.broadcast %reduce_sum3A_979 : f32 to vector<16xf32>
              %select_n3A_999 = arith.select %eq3A_997, %broadcast_in_dim3A_998, %scan3A_657 : vector<16xi1>, vector<16xf32>
              %add3A_1000 = arith.constant 6 : i32
              %add3A_1001 = arith.addi %scan3A_656, %add3A_1000 : i32
              %lt3A_1002 = arith.constant 512 : i32
              %lt3A_1003 = arith.cmpi slt, %add3A_1001, %lt3A_1002 : i32
              %convert_element_type3A_1004 = arith.extui %lt3A_1003 : i1 to i32
              %cond3A_1005 = arith.constant 3 : i32
              %cond3A_1006 = arith.constant 3 : i32
              %cond3A_1007 = arith.constant 0 : i32
              %cond3A_1008 = arith.cmpi ne, %convert_element_type3A_1004, %cond3A_1007 : i32
              scf.if %cond3A_1008 {
                %iota3A_1009 = tpu.iota {dimensions = array<i32: 0>} : vector<16xi32>
                %jit3A_1010 = arith.constant 16 : i32
                %div3A_1011 = arith.divsi %add3A_1001, %jit3A_1010 : i32
                %sign3A_1012 = arith.constant 0 : i32
                %sign3A_1013 = arith.cmpi sgt, %add3A_1001, %sign3A_1012 : i32
                %sign3A_1014 = arith.extui %sign3A_1013 : i1 to i32
                %sign3A_1015 = arith.constant 0 : i32
                %sign3A_1016 = arith.cmpi slt, %add3A_1001, %sign3A_1015 : i32
                %sign3A_1017 = arith.extui %sign3A_1016 : i1 to i32
                %sign3A_1018 = arith.subi %sign3A_1014, %sign3A_1017 : i32
                %sign3A_1019 = arith.constant 0 : i32
                %sign3A_1020 = arith.cmpi sgt, %jit3A_1010, %sign3A_1019 : i32
                %sign3A_1021 = arith.extui %sign3A_1020 : i1 to i32
                %sign3A_1022 = arith.constant 0 : i32
                %sign3A_1023 = arith.cmpi slt, %jit3A_1010, %sign3A_1022 : i32
                %sign3A_1024 = arith.extui %sign3A_1023 : i1 to i32
                %sign3A_1025 = arith.subi %sign3A_1021, %sign3A_1024 : i32
                %ne3A_1026 = arith.cmpi ne, %sign3A_1018, %sign3A_1025 : i32
                %rem3A_1027 = arith.remsi %add3A_1001, %jit3A_1010 : i32
                %ne3A_1028 = arith.constant 0 : i32
                %ne3A_1029 = arith.cmpi ne, %rem3A_1027, %ne3A_1028 : i32
                %and3A_1030 = arith.andi %ne3A_1026, %ne3A_1029 : i1
                %sub3A_1031 = arith.constant 1 : i32
                %sub3A_1032 = arith.subi %div3A_1011, %sub3A_1031 : i32
                %select_n3A_1033 = arith.select %and3A_1030, %sub3A_1032, %div3A_1011 : i32
                %mul3A_1034 = arith.constant 16 : i32
                %mul3A_1035 = arith.muli %select_n3A_1033, %mul3A_1034 : i32
                %multiple_of3A_1036 = tpu.assume_multiple %mul3A_1035, 16 : i32
                %get3A_1037 = arith.index_cast %multiple_of3A_1036 : i32 to index
                %get3A_1038 = tpu.vector_load %arg7[%get3A_1037] {strides = array<i32>} : memref<512xi32, #tpu.memory_space<vmem>>, vector<16xi32>,
                %jit3A_1039 = arith.constant 16 : i32
                %eq3A_1040 = arith.constant 0 : i32
                %eq3A_1041 = arith.cmpi eq, %jit3A_1039, %eq3A_1040 : i32
                %jit3A_1042 = arith.constant 1 : i32
                %select_n3A_1043 = arith.select %eq3A_1041, %jit3A_1042, %jit3A_1039 : i32
                %rem3A_1044 = arith.remsi %add3A_1001, %select_n3A_1043 : i32
                %ne3A_1045 = arith.constant 0 : i32
                %ne3A_1046 = arith.cmpi ne, %rem3A_1044, %ne3A_1045 : i32
                %lt3A_1047 = arith.constant 0 : i32
                %lt3A_1048 = arith.cmpi slt, %rem3A_1044, %lt3A_1047 : i32
                %lt3A_1049 = arith.constant 0 : i32
                %lt3A_1050 = arith.cmpi slt, %select_n3A_1043, %lt3A_1049 : i32
                %ne3A_1051 = arith.xori %lt3A_1048, %lt3A_1050 : i1
                %and3A_1052 = arith.andi %ne3A_1051, %ne3A_1046 : i1
                %add3A_1053 = arith.addi %rem3A_1044, %select_n3A_1043 : i32
                %select_n3A_1054 = arith.select %and3A_1052, %add3A_1053, %rem3A_1044 : i32
                %eq3A_1055 = vector.broadcast %select_n3A_1054 : i32 to vector<16xi32>
                %eq3A_1056 = arith.cmpi eq, %iota3A_1009, %eq3A_1055 : vector<16xi32>
                %jit3A_1057 = arith.constant 0 : i32
                %broadcast_in_dim3A_1058 = vector.broadcast %jit3A_1057 : i32 to vector<16xi32>
                %select_n3A_1059 = arith.select %eq3A_1056, %get3A_1038, %broadcast_in_dim3A_1058 : vector<16xi1>, vector<16xi32>
                %reduce_sum3A_1060 = arith.constant true
                %reduce_sum3A_1061 = vector.broadcast %reduce_sum3A_1060 : i1 to vector<16xi1>
                %reduce_sum3A_1062 = tpu.scan <sum>, %select_n3A_1059 masked %reduce_sum3A_1061 : vector<16xi32>, vector<16xi1> -> vector<16xi32>
                %reduce_sum3A_1063 = vector.extract %reduce_sum3A_1062[15] : i32 from vector<16xi32>
                %iota3A_1064 = tpu.iota {dimensions = array<i32: 0>} : vector<16xi32>
                %jit3A_1065 = arith.constant 16 : i32
                %div3A_1066 = arith.divsi %add3A_1001, %jit3A_1065 : i32
                %sign3A_1067 = arith.constant 0 : i32
                %sign3A_1068 = arith.cmpi sgt, %add3A_1001, %sign3A_1067 : i32
                %sign3A_1069 = arith.extui %sign3A_1068 : i1 to i32
                %sign3A_1070 = arith.constant 0 : i32
                %sign3A_1071 = arith.cmpi slt, %add3A_1001, %sign3A_1070 : i32
                %sign3A_1072 = arith.extui %sign3A_1071 : i1 to i32
                %sign3A_1073 = arith.subi %sign3A_1069, %sign3A_1072 : i32
                %sign3A_1074 = arith.constant 0 : i32
                %sign3A_1075 = arith.cmpi sgt, %jit3A_1065, %sign3A_1074 : i32
                %sign3A_1076 = arith.extui %sign3A_1075 : i1 to i32
                %sign3A_1077 = arith.constant 0 : i32
                %sign3A_1078 = arith.cmpi slt, %jit3A_1065, %sign3A_1077 : i32
                %sign3A_1079 = arith.extui %sign3A_1078 : i1 to i32
                %sign3A_1080 = arith.subi %sign3A_1076, %sign3A_1079 : i32
                %ne3A_1081 = arith.cmpi ne, %sign3A_1073, %sign3A_1080 : i32
                %rem3A_1082 = arith.remsi %add3A_1001, %jit3A_1065 : i32
                %ne3A_1083 = arith.constant 0 : i32
                %ne3A_1084 = arith.cmpi ne, %rem3A_1082, %ne3A_1083 : i32
                %and3A_1085 = arith.andi %ne3A_1081, %ne3A_1084 : i1
                %sub3A_1086 = arith.constant 1 : i32
                %sub3A_1087 = arith.subi %div3A_1066, %sub3A_1086 : i32
                %select_n3A_1088 = arith.select %and3A_1085, %sub3A_1087, %div3A_1066 : i32
                %mul3A_1089 = arith.constant 16 : i32
                %mul3A_1090 = arith.muli %select_n3A_1088, %mul3A_1089 : i32
                %multiple_of3A_1091 = tpu.assume_multiple %mul3A_1090, 16 : i32
                %get3A_1092 = arith.index_cast %multiple_of3A_1091 : i32 to index
                %get3A_1093 = tpu.vector_load %arg8[%get3A_1092] {strides = array<i32>} : memref<512xi32, #tpu.memory_space<vmem>>, vector<16xi32>,
                %jit3A_1094 = arith.constant 16 : i32
                %eq3A_1095 = arith.constant 0 : i32
                %eq3A_1096 = arith.cmpi eq, %jit3A_1094, %eq3A_1095 : i32
                %jit3A_1097 = arith.constant 1 : i32
                %select_n3A_1098 = arith.select %eq3A_1096, %jit3A_1097, %jit3A_1094 : i32
                %rem3A_1099 = arith.remsi %add3A_1001, %select_n3A_1098 : i32
                %ne3A_1100 = arith.constant 0 : i32
                %ne3A_1101 = arith.cmpi ne, %rem3A_1099, %ne3A_1100 : i32
                %lt3A_1102 = arith.constant 0 : i32
                %lt3A_1103 = arith.cmpi slt, %rem3A_1099, %lt3A_1102 : i32
                %lt3A_1104 = arith.constant 0 : i32
                %lt3A_1105 = arith.cmpi slt, %select_n3A_1098, %lt3A_1104 : i32
                %ne3A_1106 = arith.xori %lt3A_1103, %lt3A_1105 : i1
                %and3A_1107 = arith.andi %ne3A_1106, %ne3A_1101 : i1
                %add3A_1108 = arith.addi %rem3A_1099, %select_n3A_1098 : i32
                %select_n3A_1109 = arith.select %and3A_1107, %add3A_1108, %rem3A_1099 : i32
                %eq3A_1110 = vector.broadcast %select_n3A_1109 : i32 to vector<16xi32>
                %eq3A_1111 = arith.cmpi eq, %iota3A_1064, %eq3A_1110 : vector<16xi32>
                %jit3A_1112 = arith.constant 0 : i32
                %broadcast_in_dim3A_1113 = vector.broadcast %jit3A_1112 : i32 to vector<16xi32>
                %select_n3A_1114 = arith.select %eq3A_1111, %get3A_1093, %broadcast_in_dim3A_1113 : vector<16xi1>, vector<16xi32>
                %reduce_sum3A_1115 = arith.constant true
                %reduce_sum3A_1116 = vector.broadcast %reduce_sum3A_1115 : i1 to vector<16xi1>
                %reduce_sum3A_1117 = tpu.scan <sum>, %select_n3A_1114 masked %reduce_sum3A_1116 : vector<16xi32>, vector<16xi1> -> vector<16xi32>
                %reduce_sum3A_1118 = vector.extract %reduce_sum3A_1117[15] : i32 from vector<16xi32>
                %jit3A_1119 = arith.constant 128 : i32
                %div3A_1120 = arith.divsi %reduce_sum3A_1063, %jit3A_1119 : i32
                %sign3A_1121 = arith.constant 0 : i32
                %sign3A_1122 = arith.cmpi sgt, %reduce_sum3A_1063, %sign3A_1121 : i32
                %sign3A_1123 = arith.extui %sign3A_1122 : i1 to i32
                %sign3A_1124 = arith.constant 0 : i32
                %sign3A_1125 = arith.cmpi slt, %reduce_sum3A_1063, %sign3A_1124 : i32
                %sign3A_1126 = arith.extui %sign3A_1125 : i1 to i32
                %sign3A_1127 = arith.subi %sign3A_1123, %sign3A_1126 : i32
                %sign3A_1128 = arith.constant 0 : i32
                %sign3A_1129 = arith.cmpi sgt, %jit3A_1119, %sign3A_1128 : i32
                %sign3A_1130 = arith.extui %sign3A_1129 : i1 to i32
                %sign3A_1131 = arith.constant 0 : i32
                %sign3A_1132 = arith.cmpi slt, %jit3A_1119, %sign3A_1131 : i32
                %sign3A_1133 = arith.extui %sign3A_1132 : i1 to i32
                %sign3A_1134 = arith.subi %sign3A_1130, %sign3A_1133 : i32
                %ne3A_1135 = arith.cmpi ne, %sign3A_1127, %sign3A_1134 : i32
                %rem3A_1136 = arith.remsi %reduce_sum3A_1063, %jit3A_1119 : i32
                %ne3A_1137 = arith.constant 0 : i32
                %ne3A_1138 = arith.cmpi ne, %rem3A_1136, %ne3A_1137 : i32
                %and3A_1139 = arith.andi %ne3A_1135, %ne3A_1138 : i1
                %sub3A_1140 = arith.constant 1 : i32
                %sub3A_1141 = arith.subi %div3A_1120, %sub3A_1140 : i32
                %select_n3A_1142 = arith.select %and3A_1139, %sub3A_1141, %div3A_1120 : i32
                %mul3A_1143 = arith.constant 128 : i32
                %mul3A_1144 = arith.muli %select_n3A_1142, %mul3A_1143 : i32
                %multiple_of3A_1145 = tpu.assume_multiple %mul3A_1144, 128 : i32
                %jit3A_1146 = arith.constant 128 : i32
                %div3A_1147 = arith.divsi %reduce_sum3A_1118, %jit3A_1146 : i32
                %sign3A_1148 = arith.constant 0 : i32
                %sign3A_1149 = arith.cmpi sgt, %reduce_sum3A_1118, %sign3A_1148 : i32
                %sign3A_1150 = arith.extui %sign3A_1149 : i1 to i32
                %sign3A_1151 = arith.constant 0 : i32
                %sign3A_1152 = arith.cmpi slt, %reduce_sum3A_1118, %sign3A_1151 : i32
                %sign3A_1153 = arith.extui %sign3A_1152 : i1 to i32
                %sign3A_1154 = arith.subi %sign3A_1150, %sign3A_1153 : i32
                %sign3A_1155 = arith.constant 0 : i32
                %sign3A_1156 = arith.cmpi sgt, %jit3A_1146, %sign3A_1155 : i32
                %sign3A_1157 = arith.extui %sign3A_1156 : i1 to i32
                %sign3A_1158 = arith.constant 0 : i32
                %sign3A_1159 = arith.cmpi slt, %jit3A_1146, %sign3A_1158 : i32
                %sign3A_1160 = arith.extui %sign3A_1159 : i1 to i32
                %sign3A_1161 = arith.subi %sign3A_1157, %sign3A_1160 : i32
                %ne3A_1162 = arith.cmpi ne, %sign3A_1154, %sign3A_1161 : i32
                %rem3A_1163 = arith.remsi %reduce_sum3A_1118, %jit3A_1146 : i32
                %ne3A_1164 = arith.constant 0 : i32
                %ne3A_1165 = arith.cmpi ne, %rem3A_1163, %ne3A_1164 : i32
                %and3A_1166 = arith.andi %ne3A_1162, %ne3A_1165 : i1
                %sub3A_1167 = arith.constant 1 : i32
                %sub3A_1168 = arith.subi %div3A_1147, %sub3A_1167 : i32
                %select_n3A_1169 = arith.select %and3A_1166, %sub3A_1168, %div3A_1147 : i32
                %mul3A_1170 = arith.constant 128 : i32
                %mul3A_1171 = arith.muli %select_n3A_1169, %mul3A_1170 : i32
                %multiple_of3A_1172 = tpu.assume_multiple %mul3A_1171, 128 : i32
                %dma_start3A_1173 = arith.constant 0 : i32
                %dma_start3A_1174 = arith.constant 0 : i32
                %dma_start3A_1175 = tpu.memref_slice %arg9[%cond3A_1005, %dma_start3A_1173, %dma_start3A_1174] : memref<6x64x128xf32, #tpu.memory_space<vmem>> -> memref<1x64x128xf32, #tpu.memory_space<vmem>>
                %dma_start3A_1176 = tpu.memref_squeeze %dma_start3A_1175 : memref<1x64x128xf32, #tpu.memory_space<vmem>> -> memref<64x128xf32, #tpu.memory_space<vmem>>
                %dma_start3A_1177 = arith.constant 0 : i32
                %dma_start3A_1178 = tpu.memref_slice %arg4[%dma_start3A_1177, %multiple_of3A_1145] : memref<64x1000000xf32, #tpu.memory_space<hbm>> -> memref<64x128xf32, #tpu.memory_space<hbm>>
                %dma_start3A_1179 = arith.constant 0 : i32
                %dma_start3A_1180 = arith.constant 0 : i32
                %dma_start3A_1181 = tpu.memref_slice %arg9[%cond3A_1005, %dma_start3A_1179, %dma_start3A_1180] : memref<6x64x128xf32, #tpu.memory_space<vmem>> -> memref<1x64x128xf32, #tpu.memory_space<vmem>>
                %dma_start3A_1182 = tpu.memref_squeeze %dma_start3A_1181 : memref<1x64x128xf32, #tpu.memory_space<vmem>> -> memref<64x128xf32, #tpu.memory_space<vmem>>
                %dma_start3A_1183 = arith.constant 0 : i32
                %dma_start3A_1184 = tpu.memref_slice %arg4[%dma_start3A_1183, %multiple_of3A_1145] : memref<64x1000000xf32, #tpu.memory_space<hbm>> -> memref<64x128xf32, #tpu.memory_space<hbm>>
                tpu.enqueue_dma source(%dma_start3A_1184 : memref<64x128xf32, #tpu.memory_space<hbm>>) target(%dma_start3A_1182 : memref<64x128xf32, #tpu.memory_space<vmem>>) target_semaphore(%arg15 : memref<!tpu.dma_semaphore, #tpu.memory_space<semaphore_mem>>)
                %dma_start3A_1185 = arith.constant 0 : i32
                %dma_start3A_1186 = arith.constant 0 : i32
                %dma_start3A_1187 = tpu.memref_slice %arg10[%cond3A_1006, %dma_start3A_1185, %dma_start3A_1186] : memref<6x64x128xf32, #tpu.memory_space<vmem>> -> memref<1x64x128xf32, #tpu.memory_space<vmem>>
                %dma_start3A_1188 = tpu.memref_squeeze %dma_start3A_1187 : memref<1x64x128xf32, #tpu.memory_space<vmem>> -> memref<64x128xf32, #tpu.memory_space<vmem>>
                %dma_start3A_1189 = arith.constant 0 : i32
                %dma_start3A_1190 = tpu.memref_slice %arg5[%dma_start3A_1189, %multiple_of3A_1172] : memref<64x1000000xf32, #tpu.memory_space<hbm>> -> memref<64x128xf32, #tpu.memory_space<hbm>>
                %dma_start3A_1191 = arith.constant 0 : i32
                %dma_start3A_1192 = arith.constant 0 : i32
                %dma_start3A_1193 = tpu.memref_slice %arg10[%cond3A_1006, %dma_start3A_1191, %dma_start3A_1192] : memref<6x64x128xf32, #tpu.memory_space<vmem>> -> memref<1x64x128xf32, #tpu.memory_space<vmem>>
                %dma_start3A_1194 = tpu.memref_squeeze %dma_start3A_1193 : memref<1x64x128xf32, #tpu.memory_space<vmem>> -> memref<64x128xf32, #tpu.memory_space<vmem>>
                %dma_start3A_1195 = arith.constant 0 : i32
                %dma_start3A_1196 = tpu.memref_slice %arg5[%dma_start3A_1195, %multiple_of3A_1172] : memref<64x1000000xf32, #tpu.memory_space<hbm>> -> memref<64x128xf32, #tpu.memory_space<hbm>>
                tpu.enqueue_dma source(%dma_start3A_1196 : memref<64x128xf32, #tpu.memory_space<hbm>>) target(%dma_start3A_1194 : memref<64x128xf32, #tpu.memory_space<vmem>>) target_semaphore(%arg15 : memref<!tpu.dma_semaphore, #tpu.memory_space<semaphore_mem>>)
              } else {
              }
              scf.yield %select_n3A_999 : vector<16xf32>
            }
            scf.yield %cond3A_733 : vector<16xf32>
          } else {
            %dma_wait3A = arith.constant 2 : i32
            %dma_wait3A_729 = arith.constant 0 : i32
            %dma_wait3A_730 = arith.constant 0 : i32
            %dma_wait3A_731 = tpu.memref_slice %arg9[%dma_wait3A, %dma_wait3A_729, %dma_wait3A_730] : memref<6x64x128xf32, #tpu.memory_space<vmem>> -> memref<1x64x128xf32, #tpu.memory_space<vmem>>
            %dma_wait3A_732 = tpu.memref_squeeze %dma_wait3A_731 : memref<1x64x128xf32, #tpu.memory_space<vmem>> -> memref<64x128xf32, #tpu.memory_space<vmem>>
            %dma_wait3A_733 = arith.constant 0 : i32
            %dma_wait3A_734 = arith.constant 0 : i32
            %dma_wait3A_735 = tpu.memref_slice %arg4[%dma_wait3A_733, %dma_wait3A_734] : memref<64x1000000xf32, #tpu.memory_space<hbm>> -> memref<64x128xf32, #tpu.memory_space<hbm>>
            %dma_wait3A_736 = arith.constant 0 : i32
            %dma_wait3A_737 = arith.constant 0 : i32
            %dma_wait3A_738 = tpu.memref_slice %arg9[%dma_wait3A, %dma_wait3A_736, %dma_wait3A_737] : memref<6x64x128xf32, #tpu.memory_space<vmem>> -> memref<1x64x128xf32, #tpu.memory_space<vmem>>
            %dma_wait3A_739 = tpu.memref_squeeze %dma_wait3A_738 : memref<1x64x128xf32, #tpu.memory_space<vmem>> -> memref<64x128xf32, #tpu.memory_space<vmem>>
            %dma_wait3A_740 = arith.constant 0 : i32
            %dma_wait3A_741 = arith.constant 0 : i32
            %dma_wait3A_742 = tpu.memref_slice %arg4[%dma_wait3A_740, %dma_wait3A_741] : memref<64x1000000xf32, #tpu.memory_space<hbm>> -> memref<64x128xf32, #tpu.memory_space<hbm>>
            tpu.wait_dma2 semaphore(%arg14 : memref<!tpu.dma_semaphore, #tpu.memory_space<semaphore_mem>>) src(%dma_wait3A_742 : memref<64x128xf32, #tpu.memory_space<hbm>>) dst(%dma_wait3A_739 : memref<64x128xf32, #tpu.memory_space<vmem>>)
            %dma_wait3A_743 = arith.constant 2 : i32
            %dma_wait3A_744 = arith.constant 0 : i32
            %dma_wait3A_745 = arith.constant 0 : i32
            %dma_wait3A_746 = tpu.memref_slice %arg10[%dma_wait3A_743, %dma_wait3A_744, %dma_wait3A_745] : memref<6x64x128xf32, #tpu.memory_space<vmem>> -> memref<1x64x128xf32, #tpu.memory_space<vmem>>
            %dma_wait3A_747 = tpu.memref_squeeze %dma_wait3A_746 : memref<1x64x128xf32, #tpu.memory_space<vmem>> -> memref<64x128xf32, #tpu.memory_space<vmem>>
            %dma_wait3A_748 = arith.constant 0 : i32
            %dma_wait3A_749 = arith.constant 0 : i32
            %dma_wait3A_750 = tpu.memref_slice %arg5[%dma_wait3A_748, %dma_wait3A_749] : memref<64x1000000xf32, #tpu.memory_space<hbm>> -> memref<64x128xf32, #tpu.memory_space<hbm>>
            %dma_wait3A_751 = arith.constant 0 : i32
            %dma_wait3A_752 = arith.constant 0 : i32
            %dma_wait3A_753 = tpu.memref_slice %arg10[%dma_wait3A_743, %dma_wait3A_751, %dma_wait3A_752] : memref<6x64x128xf32, #tpu.memory_space<vmem>> -> memref<1x64x128xf32, #tpu.memory_space<vmem>>
            %dma_wait3A_754 = tpu.memref_squeeze %dma_wait3A_753 : memref<1x64x128xf32, #tpu.memory_space<vmem>> -> memref<64x128xf32, #tpu.memory_space<vmem>>
            %dma_wait3A_755 = arith.constant 0 : i32
            %dma_wait3A_756 = arith.constant 0 : i32
            %dma_wait3A_757 = tpu.memref_slice %arg5[%dma_wait3A_755, %dma_wait3A_756] : memref<64x1000000xf32, #tpu.memory_space<hbm>> -> memref<64x128xf32, #tpu.memory_space<hbm>>
            tpu.wait_dma2 semaphore(%arg14 : memref<!tpu.dma_semaphore, #tpu.memory_space<semaphore_mem>>) src(%dma_wait3A_757 : memref<64x128xf32, #tpu.memory_space<hbm>>) dst(%dma_wait3A_754 : memref<64x128xf32, #tpu.memory_space<vmem>>)
            %iota3A_758 = tpu.iota {dimensions = array<i32: 0>} : vector<16xi32>
            %jit3A_759 = arith.constant 16 : i32
            %div3A_760 = arith.divsi %scan3A_656, %jit3A_759 : i32
            %sign3A_761 = arith.constant 0 : i32
            %sign3A_762 = arith.cmpi sgt, %scan3A_656, %sign3A_761 : i32
            %sign3A_763 = arith.extui %sign3A_762 : i1 to i32
            %sign3A_764 = arith.constant 0 : i32
            %sign3A_765 = arith.cmpi slt, %scan3A_656, %sign3A_764 : i32
            %sign3A_766 = arith.extui %sign3A_765 : i1 to i32
            %sign3A_767 = arith.subi %sign3A_763, %sign3A_766 : i32
            %sign3A_768 = arith.constant 0 : i32
            %sign3A_769 = arith.cmpi sgt, %jit3A_759, %sign3A_768 : i32
            %sign3A_770 = arith.extui %sign3A_769 : i1 to i32
            %sign3A_771 = arith.constant 0 : i32
            %sign3A_772 = arith.cmpi slt, %jit3A_759, %sign3A_771 : i32
            %sign3A_773 = arith.extui %sign3A_772 : i1 to i32
            %sign3A_774 = arith.subi %sign3A_770, %sign3A_773 : i32
            %ne3A_775 = arith.cmpi ne, %sign3A_767, %sign3A_774 : i32
            %rem3A_776 = arith.remsi %scan3A_656, %jit3A_759 : i32
            %ne3A_777 = arith.constant 0 : i32
            %ne3A_778 = arith.cmpi ne, %rem3A_776, %ne3A_777 : i32
            %and3A_779 = arith.andi %ne3A_775, %ne3A_778 : i1
            %sub3A_780 = arith.constant 1 : i32
            %sub3A_781 = arith.subi %div3A_760, %sub3A_780 : i32
            %select_n3A_782 = arith.select %and3A_779, %sub3A_781, %div3A_760 : i32
            %mul3A_783 = arith.constant 16 : i32
            %mul3A_784 = arith.muli %select_n3A_782, %mul3A_783 : i32
            %multiple_of3A_785 = tpu.assume_multiple %mul3A_784, 16 : i32
            %get3A_786 = arith.index_cast %multiple_of3A_785 : i32 to index
            %get3A_787 = tpu.vector_load %arg7[%get3A_786] {strides = array<i32>} : memref<512xi32, #tpu.memory_space<vmem>>, vector<16xi32>,
            %jit3A_788 = arith.constant 16 : i32
            %eq3A_789 = arith.constant 0 : i32
            %eq3A_790 = arith.cmpi eq, %jit3A_788, %eq3A_789 : i32
            %jit3A_791 = arith.constant 1 : i32
            %select_n3A_792 = arith.select %eq3A_790, %jit3A_791, %jit3A_788 : i32
            %rem3A_793 = arith.remsi %scan3A_656, %select_n3A_792 : i32
            %ne3A_794 = arith.constant 0 : i32
            %ne3A_795 = arith.cmpi ne, %rem3A_793, %ne3A_794 : i32
            %lt3A_796 = arith.constant 0 : i32
            %lt3A_797 = arith.cmpi slt, %rem3A_793, %lt3A_796 : i32
            %lt3A_798 = arith.constant 0 : i32
            %lt3A_799 = arith.cmpi slt, %select_n3A_792, %lt3A_798 : i32
            %ne3A_800 = arith.xori %lt3A_797, %lt3A_799 : i1
            %and3A_801 = arith.andi %ne3A_800, %ne3A_795 : i1
            %add3A_802 = arith.addi %rem3A_793, %select_n3A_792 : i32
            %select_n3A_803 = arith.select %and3A_801, %add3A_802, %rem3A_793 : i32
            %eq3A_804 = vector.broadcast %select_n3A_803 : i32 to vector<16xi32>
            %eq3A_805 = arith.cmpi eq, %iota3A_758, %eq3A_804 : vector<16xi32>
            %jit3A_806 = arith.constant 0 : i32
            %broadcast_in_dim3A_807 = vector.broadcast %jit3A_806 : i32 to vector<16xi32>
            %select_n3A_808 = arith.select %eq3A_805, %get3A_787, %broadcast_in_dim3A_807 : vector<16xi1>, vector<16xi32>
            %reduce_sum3A_809 = arith.constant true
            %reduce_sum3A_810 = vector.broadcast %reduce_sum3A_809 : i1 to vector<16xi1>
            %reduce_sum3A_811 = tpu.scan <sum>, %select_n3A_808 masked %reduce_sum3A_810 : vector<16xi32>, vector<16xi1> -> vector<16xi32>
            %reduce_sum3A_812 = vector.extract %reduce_sum3A_811[15] : i32 from vector<16xi32>
            %iota3A_813 = tpu.iota {dimensions = array<i32: 0>} : vector<16xi32>
            %jit3A_814 = arith.constant 16 : i32
            %div3A_815 = arith.divsi %scan3A_656, %jit3A_814 : i32
            %sign3A_816 = arith.constant 0 : i32
            %sign3A_817 = arith.cmpi sgt, %scan3A_656, %sign3A_816 : i32
            %sign3A_818 = arith.extui %sign3A_817 : i1 to i32
            %sign3A_819 = arith.constant 0 : i32
            %sign3A_820 = arith.cmpi slt, %scan3A_656, %sign3A_819 : i32
            %sign3A_821 = arith.extui %sign3A_820 : i1 to i32
            %sign3A_822 = arith.subi %sign3A_818, %sign3A_821 : i32
            %sign3A_823 = arith.constant 0 : i32
            %sign3A_824 = arith.cmpi sgt, %jit3A_814, %sign3A_823 : i32
            %sign3A_825 = arith.extui %sign3A_824 : i1 to i32
            %sign3A_826 = arith.constant 0 : i32
            %sign3A_827 = arith.cmpi slt, %jit3A_814, %sign3A_826 : i32
            %sign3A_828 = arith.extui %sign3A_827 : i1 to i32
            %sign3A_829 = arith.subi %sign3A_825, %sign3A_828 : i32
            %ne3A_830 = arith.cmpi ne, %sign3A_822, %sign3A_829 : i32
            %rem3A_831 = arith.remsi %scan3A_656, %jit3A_814 : i32
            %ne3A_832 = arith.constant 0 : i32
            %ne3A_833 = arith.cmpi ne, %rem3A_831, %ne3A_832 : i32
            %and3A_834 = arith.andi %ne3A_830, %ne3A_833 : i1
            %sub3A_835 = arith.constant 1 : i32
            %sub3A_836 = arith.subi %div3A_815, %sub3A_835 : i32
            %select_n3A_837 = arith.select %and3A_834, %sub3A_836, %div3A_815 : i32
            %mul3A_838 = arith.constant 16 : i32
            %mul3A_839 = arith.muli %select_n3A_837, %mul3A_838 : i32
            %multiple_of3A_840 = tpu.assume_multiple %mul3A_839, 16 : i32
            %get3A_841 = arith.index_cast %multiple_of3A_840 : i32 to index
            %get3A_842 = tpu.vector_load %arg8[%get3A_841] {strides = array<i32>} : memref<512xi32, #tpu.memory_space<vmem>>, vector<16xi32>,
            %jit3A_843 = arith.constant 16 : i32
            %eq3A_844 = arith.constant 0 : i32
            %eq3A_845 = arith.cmpi eq, %jit3A_843, %eq3A_844 : i32
            %jit3A_846 = arith.constant 1 : i32
            %select_n3A_847 = arith.select %eq3A_845, %jit3A_846, %jit3A_843 : i32
            %rem3A_848 = arith.remsi %scan3A_656, %select_n3A_847 : i32
            %ne3A_849 = arith.constant 0 : i32
            %ne3A_850 = arith.cmpi ne, %rem3A_848, %ne3A_849 : i32
            %lt3A_851 = arith.constant 0 : i32
            %lt3A_852 = arith.cmpi slt, %rem3A_848, %lt3A_851 : i32
            %lt3A_853 = arith.constant 0 : i32
            %lt3A_854 = arith.cmpi slt, %select_n3A_847, %lt3A_853 : i32
            %ne3A_855 = arith.xori %lt3A_852, %lt3A_854 : i1
            %and3A_856 = arith.andi %ne3A_855, %ne3A_850 : i1
            %add3A_857 = arith.addi %rem3A_848, %select_n3A_847 : i32
            %select_n3A_858 = arith.select %and3A_856, %add3A_857, %rem3A_848 : i32
            %eq3A_859 = vector.broadcast %select_n3A_858 : i32 to vector<16xi32>
            %eq3A_860 = arith.cmpi eq, %iota3A_813, %eq3A_859 : vector<16xi32>
            %jit3A_861 = arith.constant 0 : i32
            %broadcast_in_dim3A_862 = vector.broadcast %jit3A_861 : i32 to vector<16xi32>
            %select_n3A_863 = arith.select %eq3A_860, %get3A_842, %broadcast_in_dim3A_862 : vector<16xi1>, vector<16xi32>
            %reduce_sum3A_864 = arith.constant true
            %reduce_sum3A_865 = vector.broadcast %reduce_sum3A_864 : i1 to vector<16xi1>
            %reduce_sum3A_866 = tpu.scan <sum>, %select_n3A_863 masked %reduce_sum3A_865 : vector<16xi32>, vector<16xi1> -> vector<16xi32>
            %reduce_sum3A_867 = vector.extract %reduce_sum3A_866[15] : i32 from vector<16xi32>
            %jit3A_868 = arith.constant 128 : i32
            %eq3A_869 = arith.constant 0 : i32
            %eq3A_870 = arith.cmpi eq, %jit3A_868, %eq3A_869 : i32
            %jit3A_871 = arith.constant 1 : i32
            %select_n3A_872 = arith.select %eq3A_870, %jit3A_871, %jit3A_868 : i32
            %rem3A_873 = arith.remsi %reduce_sum3A_812, %select_n3A_872 : i32
            %ne3A_874 = arith.constant 0 : i32
            %ne3A_875 = arith.cmpi ne, %rem3A_873, %ne3A_874 : i32
            %lt3A_876 = arith.constant 0 : i32
            %lt3A_877 = arith.cmpi slt, %rem3A_873, %lt3A_876 : i32
            %lt3A_878 = arith.constant 0 : i32
            %lt3A_879 = arith.cmpi slt, %select_n3A_872, %lt3A_878 : i32
            %ne3A_880 = arith.xori %lt3A_877, %lt3A_879 : i1
            %and3A_881 = arith.andi %ne3A_880, %ne3A_875 : i1
            %add3A_882 = arith.addi %rem3A_873, %select_n3A_872 : i32
            %select_n3A_883 = arith.select %and3A_881, %add3A_882, %rem3A_873 : i32
            %broadcast_in_dim3A_884 = vector.broadcast %select_n3A_883 : i32 to vector<16xi32>
            %jit3A_885 = arith.constant 128 : i32
            %eq3A_886 = arith.constant 0 : i32
            %eq3A_887 = arith.cmpi eq, %jit3A_885, %eq3A_886 : i32
            %jit3A_888 = arith.constant 1 : i32
            %select_n3A_889 = arith.select %eq3A_887, %jit3A_888, %jit3A_885 : i32
            %rem3A_890 = arith.remsi %reduce_sum3A_867, %select_n3A_889 : i32
            %ne3A_891 = arith.constant 0 : i32
            %ne3A_892 = arith.cmpi ne, %rem3A_890, %ne3A_891 : i32
            %lt3A_893 = arith.constant 0 : i32
            %lt3A_894 = arith.cmpi slt, %rem3A_890, %lt3A_893 : i32
            %lt3A_895 = arith.constant 0 : i32
            %lt3A_896 = arith.cmpi slt, %select_n3A_889, %lt3A_895 : i32
            %ne3A_897 = arith.xori %lt3A_894, %lt3A_896 : i1
            %and3A_898 = arith.andi %ne3A_897, %ne3A_892 : i1
            %add3A_899 = arith.addi %rem3A_890, %select_n3A_889 : i32
            %select_n3A_900 = arith.select %and3A_898, %add3A_899, %rem3A_890 : i32
            %broadcast_in_dim3A_901 = vector.broadcast %select_n3A_900 : i32 to vector<16xi32>
            %broadcast_in_dim3A_902 = arith.constant 0.000000e+00 : f32
            %broadcast_in_dim3A_903 = vector.broadcast %broadcast_in_dim3A_902 : f32 to vector<16xf32>
            %add3A_904 = arith.constant 0 : i32
            %add3A_905 = vector.broadcast %add3A_904 : i32 to vector<16xi32>
            %add3A_906 = arith.addi %iota3A_648, %add3A_905 : vector<16xi32>
            %gather3A = arith.constant 2 : i32
            %gather3A_907 = arith.constant 0 : i32
            %gather3A_908 = arith.constant 0 : i32
            %gather3A_909 = tpu.memref_slice %arg9[%gather3A, %gather3A_907, %gather3A_908] : memref<6x64x128xf32, #tpu.memory_space<vmem>> -> memref<1x64x128xf32, #tpu.memory_space<vmem>>
            %gather3A_910 = tpu.memref_squeeze %gather3A_909 : memref<1x64x128xf32, #tpu.memory_space<vmem>> -> memref<64x128xf32, #tpu.memory_space<vmem>>
            %gather3A_911 = tpu.vector_load_idx %gather3A_910[%add3A_906, %broadcast_in_dim3A_884] : memref<64x128xf32, #tpu.memory_space<vmem>>[vector<16xi32>, vector<16xi32>], vector<16xf32>,
            %gather3A_912 = arith.constant 2 : i32
            %gather3A_913 = arith.constant 0 : i32
            %gather3A_914 = arith.constant 0 : i32
            %gather3A_915 = tpu.memref_slice %arg10[%gather3A_912, %gather3A_913, %gather3A_914] : memref<6x64x128xf32, #tpu.memory_space<vmem>> -> memref<1x64x128xf32, #tpu.memory_space<vmem>>
            %gather3A_916 = tpu.memref_squeeze %gather3A_915 : memref<1x64x128xf32, #tpu.memory_space<vmem>> -> memref<64x128xf32, #tpu.memory_space<vmem>>
            %gather3A_917 = tpu.vector_load_idx %gather3A_916[%add3A_906, %broadcast_in_dim3A_901] : memref<64x128xf32, #tpu.memory_space<vmem>>[vector<16xi32>, vector<16xi32>], vector<16xf32>,
            %mul3A_918 = arith.mulf %gather3A_911, %gather3A_917 : vector<16xf32>
            %add3A_919 = arith.addf %broadcast_in_dim3A_903, %mul3A_918 : vector<16xf32>
            %add3A_920 = arith.constant 16 : i32
            %add3A_921 = vector.broadcast %add3A_920 : i32 to vector<16xi32>
            %add3A_922 = arith.addi %iota3A_648, %add3A_921 : vector<16xi32>
            %gather3A_923 = arith.constant 2 : i32
            %gather3A_924 = arith.constant 0 : i32
            %gather3A_925 = arith.constant 0 : i32
            %gather3A_926 = tpu.memref_slice %arg9[%gather3A_923, %gather3A_924, %gather3A_925] : memref<6x64x128xf32, #tpu.memory_space<vmem>> -> memref<1x64x128xf32, #tpu.memory_space<vmem>>
            %gather3A_927 = tpu.memref_squeeze %gather3A_926 : memref<1x64x128xf32, #tpu.memory_space<vmem>> -> memref<64x128xf32, #tpu.memory_space<vmem>>
            %gather3A_928 = tpu.vector_load_idx %gather3A_927[%add3A_922, %broadcast_in_dim3A_884] : memref<64x128xf32, #tpu.memory_space<vmem>>[vector<16xi32>, vector<16xi32>], vector<16xf32>,
            %gather3A_929 = arith.constant 2 : i32
            %gather3A_930 = arith.constant 0 : i32
            %gather3A_931 = arith.constant 0 : i32
            %gather3A_932 = tpu.memref_slice %arg10[%gather3A_929, %gather3A_930, %gather3A_931] : memref<6x64x128xf32, #tpu.memory_space<vmem>> -> memref<1x64x128xf32, #tpu.memory_space<vmem>>
            %gather3A_933 = tpu.memref_squeeze %gather3A_932 : memref<1x64x128xf32, #tpu.memory_space<vmem>> -> memref<64x128xf32, #tpu.memory_space<vmem>>
            %gather3A_934 = tpu.vector_load_idx %gather3A_933[%add3A_922, %broadcast_in_dim3A_901] : memref<64x128xf32, #tpu.memory_space<vmem>>[vector<16xi32>, vector<16xi32>], vector<16xf32>,
            %mul3A_935 = arith.mulf %gather3A_928, %gather3A_934 : vector<16xf32>
            %add3A_936 = arith.addf %add3A_919, %mul3A_935 : vector<16xf32>
            %add3A_937 = arith.constant 32 : i32
            %add3A_938 = vector.broadcast %add3A_937 : i32 to vector<16xi32>
            %add3A_939 = arith.addi %iota3A_648, %add3A_938 : vector<16xi32>
            %gather3A_940 = arith.constant 2 : i32
            %gather3A_941 = arith.constant 0 : i32
            %gather3A_942 = arith.constant 0 : i32
            %gather3A_943 = tpu.memref_slice %arg9[%gather3A_940, %gather3A_941, %gather3A_942] : memref<6x64x128xf32, #tpu.memory_space<vmem>> -> memref<1x64x128xf32, #tpu.memory_space<vmem>>
            %gather3A_944 = tpu.memref_squeeze %gather3A_943 : memref<1x64x128xf32, #tpu.memory_space<vmem>> -> memref<64x128xf32, #tpu.memory_space<vmem>>
            %gather3A_945 = tpu.vector_load_idx %gather3A_944[%add3A_939, %broadcast_in_dim3A_884] : memref<64x128xf32, #tpu.memory_space<vmem>>[vector<16xi32>, vector<16xi32>], vector<16xf32>,
            %gather3A_946 = arith.constant 2 : i32
            %gather3A_947 = arith.constant 0 : i32
            %gather3A_948 = arith.constant 0 : i32
            %gather3A_949 = tpu.memref_slice %arg10[%gather3A_946, %gather3A_947, %gather3A_948] : memref<6x64x128xf32, #tpu.memory_space<vmem>> -> memref<1x64x128xf32, #tpu.memory_space<vmem>>
            %gather3A_950 = tpu.memref_squeeze %gather3A_949 : memref<1x64x128xf32, #tpu.memory_space<vmem>> -> memref<64x128xf32, #tpu.memory_space<vmem>>
            %gather3A_951 = tpu.vector_load_idx %gather3A_950[%add3A_939, %broadcast_in_dim3A_901] : memref<64x128xf32, #tpu.memory_space<vmem>>[vector<16xi32>, vector<16xi32>], vector<16xf32>,
            %mul3A_952 = arith.mulf %gather3A_945, %gather3A_951 : vector<16xf32>
            %add3A_953 = arith.addf %add3A_936, %mul3A_952 : vector<16xf32>
            %add3A_954 = arith.constant 48 : i32
            %add3A_955 = vector.broadcast %add3A_954 : i32 to vector<16xi32>
            %add3A_956 = arith.addi %iota3A_648, %add3A_955 : vector<16xi32>
            %gather3A_957 = arith.constant 2 : i32
            %gather3A_958 = arith.constant 0 : i32
            %gather3A_959 = arith.constant 0 : i32
            %gather3A_960 = tpu.memref_slice %arg9[%gather3A_957, %gather3A_958, %gather3A_959] : memref<6x64x128xf32, #tpu.memory_space<vmem>> -> memref<1x64x128xf32, #tpu.memory_space<vmem>>
            %gather3A_961 = tpu.memref_squeeze %gather3A_960 : memref<1x64x128xf32, #tpu.memory_space<vmem>> -> memref<64x128xf32, #tpu.memory_space<vmem>>
            %gather3A_962 = tpu.vector_load_idx %gather3A_961[%add3A_956, %broadcast_in_dim3A_884] : memref<64x128xf32, #tpu.memory_space<vmem>>[vector<16xi32>, vector<16xi32>], vector<16xf32>,
            %gather3A_963 = arith.constant 2 : i32
            %gather3A_964 = arith.constant 0 : i32
            %gather3A_965 = arith.constant 0 : i32
            %gather3A_966 = tpu.memref_slice %arg10[%gather3A_963, %gather3A_964, %gather3A_965] : memref<6x64x128xf32, #tpu.memory_space<vmem>> -> memref<1x64x128xf32, #tpu.memory_space<vmem>>
            %gather3A_967 = tpu.memref_squeeze %gather3A_966 : memref<1x64x128xf32, #tpu.memory_space<vmem>> -> memref<64x128xf32, #tpu.memory_space<vmem>>
            %gather3A_968 = tpu.vector_load_idx %gather3A_967[%add3A_956, %broadcast_in_dim3A_901] : memref<64x128xf32, #tpu.memory_space<vmem>>[vector<16xi32>, vector<16xi32>], vector<16xf32>,
            %mul3A_969 = arith.mulf %gather3A_962, %gather3A_968 : vector<16xf32>
            %add3A_970 = arith.addf %add3A_953, %mul3A_969 : vector<16xf32>
            %reduce_sum3A_971 = arith.constant true
            %reduce_sum3A_972 = vector.broadcast %reduce_sum3A_971 : i1 to vector<16xi1>
            %reduce_sum3A_973 = tpu.scan <sum>, %add3A_970 masked %reduce_sum3A_972 : vector<16xf32>, vector<16xi1> -> vector<16xf32>
            %reduce_sum3A_974 = vector.extract %reduce_sum3A_973[15] : f32 from vector<16xf32>
            %jit3A_975 = arith.constant 16 : i32
            %eq3A_976 = arith.constant 0 : i32
            %eq3A_977 = arith.cmpi eq, %jit3A_975, %eq3A_976 : i32
            %jit3A_978 = arith.constant 1 : i32
            %select_n3A_979 = arith.select %eq3A_977, %jit3A_978, %jit3A_975 : i32
            %rem3A_980 = arith.remsi %scan3A_656, %select_n3A_979 : i32
            %ne3A_981 = arith.constant 0 : i32
            %ne3A_982 = arith.cmpi ne, %rem3A_980, %ne3A_981 : i32
            %lt3A_983 = arith.constant 0 : i32
            %lt3A_984 = arith.cmpi slt, %rem3A_980, %lt3A_983 : i32
            %lt3A_985 = arith.constant 0 : i32
            %lt3A_986 = arith.cmpi slt, %select_n3A_979, %lt3A_985 : i32
            %ne3A_987 = arith.xori %lt3A_984, %lt3A_986 : i1
            %and3A_988 = arith.andi %ne3A_987, %ne3A_982 : i1
            %add3A_989 = arith.addi %rem3A_980, %select_n3A_979 : i32
            %select_n3A_990 = arith.select %and3A_988, %add3A_989, %rem3A_980 : i32
            %eq3A_991 = vector.broadcast %select_n3A_990 : i32 to vector<16xi32>
            %eq3A_992 = arith.cmpi eq, %iota3A_648, %eq3A_991 : vector<16xi32>
            %broadcast_in_dim3A_993 = vector.broadcast %reduce_sum3A_974 : f32 to vector<16xf32>
            %select_n3A_994 = arith.select %eq3A_992, %broadcast_in_dim3A_993, %scan3A_657 : vector<16xi1>, vector<16xf32>
            %add3A_995 = arith.constant 6 : i32
            %add3A_996 = arith.addi %scan3A_656, %add3A_995 : i32
            %lt3A_997 = arith.constant 512 : i32
            %lt3A_998 = arith.cmpi slt, %add3A_996, %lt3A_997 : i32
            %convert_element_type3A_999 = arith.extui %lt3A_998 : i1 to i32
            %cond3A_1000 = arith.constant 2 : i32
            %cond3A_1001 = arith.constant 2 : i32
            %cond3A_1002 = arith.constant 0 : i32
            %cond3A_1003 = arith.cmpi ne, %convert_element_type3A_999, %cond3A_1002 : i32
            scf.if %cond3A_1003 {
              %iota3A_1004 = tpu.iota {dimensions = array<i32: 0>} : vector<16xi32>
              %jit3A_1005 = arith.constant 16 : i32
              %div3A_1006 = arith.divsi %add3A_996, %jit3A_1005 : i32
              %sign3A_1007 = arith.constant 0 : i32
              %sign3A_1008 = arith.cmpi sgt, %add3A_996, %sign3A_1007 : i32
              %sign3A_1009 = arith.extui %sign3A_1008 : i1 to i32
              %sign3A_1010 = arith.constant 0 : i32
              %sign3A_1011 = arith.cmpi slt, %add3A_996, %sign3A_1010 : i32
              %sign3A_1012 = arith.extui %sign3A_1011 : i1 to i32
              %sign3A_1013 = arith.subi %sign3A_1009, %sign3A_1012 : i32
              %sign3A_1014 = arith.constant 0 : i32
              %sign3A_1015 = arith.cmpi sgt, %jit3A_1005, %sign3A_1014 : i32
              %sign3A_1016 = arith.extui %sign3A_1015 : i1 to i32
              %sign3A_1017 = arith.constant 0 : i32
              %sign3A_1018 = arith.cmpi slt, %jit3A_1005, %sign3A_1017 : i32
              %sign3A_1019 = arith.extui %sign3A_1018 : i1 to i32
              %sign3A_1020 = arith.subi %sign3A_1016, %sign3A_1019 : i32
              %ne3A_1021 = arith.cmpi ne, %sign3A_1013, %sign3A_1020 : i32
              %rem3A_1022 = arith.remsi %add3A_996, %jit3A_1005 : i32
              %ne3A_1023 = arith.constant 0 : i32
              %ne3A_1024 = arith.cmpi ne, %rem3A_1022, %ne3A_1023 : i32
              %and3A_1025 = arith.andi %ne3A_1021, %ne3A_1024 : i1
              %sub3A_1026 = arith.constant 1 : i32
              %sub3A_1027 = arith.subi %div3A_1006, %sub3A_1026 : i32
              %select_n3A_1028 = arith.select %and3A_1025, %sub3A_1027, %div3A_1006 : i32
              %mul3A_1029 = arith.constant 16 : i32
              %mul3A_1030 = arith.muli %select_n3A_1028, %mul3A_1029 : i32
              %multiple_of3A_1031 = tpu.assume_multiple %mul3A_1030, 16 : i32
              %get3A_1032 = arith.index_cast %multiple_of3A_1031 : i32 to index
              %get3A_1033 = tpu.vector_load %arg7[%get3A_1032] {strides = array<i32>} : memref<512xi32, #tpu.memory_space<vmem>>, vector<16xi32>,
              %jit3A_1034 = arith.constant 16 : i32
              %eq3A_1035 = arith.constant 0 : i32
              %eq3A_1036 = arith.cmpi eq, %jit3A_1034, %eq3A_1035 : i32
              %jit3A_1037 = arith.constant 1 : i32
              %select_n3A_1038 = arith.select %eq3A_1036, %jit3A_1037, %jit3A_1034 : i32
              %rem3A_1039 = arith.remsi %add3A_996, %select_n3A_1038 : i32
              %ne3A_1040 = arith.constant 0 : i32
              %ne3A_1041 = arith.cmpi ne, %rem3A_1039, %ne3A_1040 : i32
              %lt3A_1042 = arith.constant 0 : i32
              %lt3A_1043 = arith.cmpi slt, %rem3A_1039, %lt3A_1042 : i32
              %lt3A_1044 = arith.constant 0 : i32
              %lt3A_1045 = arith.cmpi slt, %select_n3A_1038, %lt3A_1044 : i32
              %ne3A_1046 = arith.xori %lt3A_1043, %lt3A_1045 : i1
              %and3A_1047 = arith.andi %ne3A_1046, %ne3A_1041 : i1
              %add3A_1048 = arith.addi %rem3A_1039, %select_n3A_1038 : i32
              %select_n3A_1049 = arith.select %and3A_1047, %add3A_1048, %rem3A_1039 : i32
              %eq3A_1050 = vector.broadcast %select_n3A_1049 : i32 to vector<16xi32>
              %eq3A_1051 = arith.cmpi eq, %iota3A_1004, %eq3A_1050 : vector<16xi32>
              %jit3A_1052 = arith.constant 0 : i32
              %broadcast_in_dim3A_1053 = vector.broadcast %jit3A_1052 : i32 to vector<16xi32>
              %select_n3A_1054 = arith.select %eq3A_1051, %get3A_1033, %broadcast_in_dim3A_1053 : vector<16xi1>, vector<16xi32>
              %reduce_sum3A_1055 = arith.constant true
              %reduce_sum3A_1056 = vector.broadcast %reduce_sum3A_1055 : i1 to vector<16xi1>
              %reduce_sum3A_1057 = tpu.scan <sum>, %select_n3A_1054 masked %reduce_sum3A_1056 : vector<16xi32>, vector<16xi1> -> vector<16xi32>
              %reduce_sum3A_1058 = vector.extract %reduce_sum3A_1057[15] : i32 from vector<16xi32>
              %iota3A_1059 = tpu.iota {dimensions = array<i32: 0>} : vector<16xi32>
              %jit3A_1060 = arith.constant 16 : i32
              %div3A_1061 = arith.divsi %add3A_996, %jit3A_1060 : i32
              %sign3A_1062 = arith.constant 0 : i32
              %sign3A_1063 = arith.cmpi sgt, %add3A_996, %sign3A_1062 : i32
              %sign3A_1064 = arith.extui %sign3A_1063 : i1 to i32
              %sign3A_1065 = arith.constant 0 : i32
              %sign3A_1066 = arith.cmpi slt, %add3A_996, %sign3A_1065 : i32
              %sign3A_1067 = arith.extui %sign3A_1066 : i1 to i32
              %sign3A_1068 = arith.subi %sign3A_1064, %sign3A_1067 : i32
              %sign3A_1069 = arith.constant 0 : i32
              %sign3A_1070 = arith.cmpi sgt, %jit3A_1060, %sign3A_1069 : i32
              %sign3A_1071 = arith.extui %sign3A_1070 : i1 to i32
              %sign3A_1072 = arith.constant 0 : i32
              %sign3A_1073 = arith.cmpi slt, %jit3A_1060, %sign3A_1072 : i32
              %sign3A_1074 = arith.extui %sign3A_1073 : i1 to i32
              %sign3A_1075 = arith.subi %sign3A_1071, %sign3A_1074 : i32
              %ne3A_1076 = arith.cmpi ne, %sign3A_1068, %sign3A_1075 : i32
              %rem3A_1077 = arith.remsi %add3A_996, %jit3A_1060 : i32
              %ne3A_1078 = arith.constant 0 : i32
              %ne3A_1079 = arith.cmpi ne, %rem3A_1077, %ne3A_1078 : i32
              %and3A_1080 = arith.andi %ne3A_1076, %ne3A_1079 : i1
              %sub3A_1081 = arith.constant 1 : i32
              %sub3A_1082 = arith.subi %div3A_1061, %sub3A_1081 : i32
              %select_n3A_1083 = arith.select %and3A_1080, %sub3A_1082, %div3A_1061 : i32
              %mul3A_1084 = arith.constant 16 : i32
              %mul3A_1085 = arith.muli %select_n3A_1083, %mul3A_1084 : i32
              %multiple_of3A_1086 = tpu.assume_multiple %mul3A_1085, 16 : i32
              %get3A_1087 = arith.index_cast %multiple_of3A_1086 : i32 to index
              %get3A_1088 = tpu.vector_load %arg8[%get3A_1087] {strides = array<i32>} : memref<512xi32, #tpu.memory_space<vmem>>, vector<16xi32>,
              %jit3A_1089 = arith.constant 16 : i32
              %eq3A_1090 = arith.constant 0 : i32
              %eq3A_1091 = arith.cmpi eq, %jit3A_1089, %eq3A_1090 : i32
              %jit3A_1092 = arith.constant 1 : i32
              %select_n3A_1093 = arith.select %eq3A_1091, %jit3A_1092, %jit3A_1089 : i32
              %rem3A_1094 = arith.remsi %add3A_996, %select_n3A_1093 : i32
              %ne3A_1095 = arith.constant 0 : i32
              %ne3A_1096 = arith.cmpi ne, %rem3A_1094, %ne3A_1095 : i32
              %lt3A_1097 = arith.constant 0 : i32
              %lt3A_1098 = arith.cmpi slt, %rem3A_1094, %lt3A_1097 : i32
              %lt3A_1099 = arith.constant 0 : i32
              %lt3A_1100 = arith.cmpi slt, %select_n3A_1093, %lt3A_1099 : i32
              %ne3A_1101 = arith.xori %lt3A_1098, %lt3A_1100 : i1
              %and3A_1102 = arith.andi %ne3A_1101, %ne3A_1096 : i1
              %add3A_1103 = arith.addi %rem3A_1094, %select_n3A_1093 : i32
              %select_n3A_1104 = arith.select %and3A_1102, %add3A_1103, %rem3A_1094 : i32
              %eq3A_1105 = vector.broadcast %select_n3A_1104 : i32 to vector<16xi32>
              %eq3A_1106 = arith.cmpi eq, %iota3A_1059, %eq3A_1105 : vector<16xi32>
              %jit3A_1107 = arith.constant 0 : i32
              %broadcast_in_dim3A_1108 = vector.broadcast %jit3A_1107 : i32 to vector<16xi32>
              %select_n3A_1109 = arith.select %eq3A_1106, %get3A_1088, %broadcast_in_dim3A_1108 : vector<16xi1>, vector<16xi32>
              %reduce_sum3A_1110 = arith.constant true
              %reduce_sum3A_1111 = vector.broadcast %reduce_sum3A_1110 : i1 to vector<16xi1>
              %reduce_sum3A_1112 = tpu.scan <sum>, %select_n3A_1109 masked %reduce_sum3A_1111 : vector<16xi32>, vector<16xi1> -> vector<16xi32>
              %reduce_sum3A_1113 = vector.extract %reduce_sum3A_1112[15] : i32 from vector<16xi32>
              %jit3A_1114 = arith.constant 128 : i32
              %div3A_1115 = arith.divsi %reduce_sum3A_1058, %jit3A_1114 : i32
              %sign3A_1116 = arith.constant 0 : i32
              %sign3A_1117 = arith.cmpi sgt, %reduce_sum3A_1058, %sign3A_1116 : i32
              %sign3A_1118 = arith.extui %sign3A_1117 : i1 to i32
              %sign3A_1119 = arith.constant 0 : i32
              %sign3A_1120 = arith.cmpi slt, %reduce_sum3A_1058, %sign3A_1119 : i32
              %sign3A_1121 = arith.extui %sign3A_1120 : i1 to i32
              %sign3A_1122 = arith.subi %sign3A_1118, %sign3A_1121 : i32
              %sign3A_1123 = arith.constant 0 : i32
              %sign3A_1124 = arith.cmpi sgt, %jit3A_1114, %sign3A_1123 : i32
              %sign3A_1125 = arith.extui %sign3A_1124 : i1 to i32
              %sign3A_1126 = arith.constant 0 : i32
              %sign3A_1127 = arith.cmpi slt, %jit3A_1114, %sign3A_1126 : i32
              %sign3A_1128 = arith.extui %sign3A_1127 : i1 to i32
              %sign3A_1129 = arith.subi %sign3A_1125, %sign3A_1128 : i32
              %ne3A_1130 = arith.cmpi ne, %sign3A_1122, %sign3A_1129 : i32
              %rem3A_1131 = arith.remsi %reduce_sum3A_1058, %jit3A_1114 : i32
              %ne3A_1132 = arith.constant 0 : i32
              %ne3A_1133 = arith.cmpi ne, %rem3A_1131, %ne3A_1132 : i32
              %and3A_1134 = arith.andi %ne3A_1130, %ne3A_1133 : i1
              %sub3A_1135 = arith.constant 1 : i32
              %sub3A_1136 = arith.subi %div3A_1115, %sub3A_1135 : i32
              %select_n3A_1137 = arith.select %and3A_1134, %sub3A_1136, %div3A_1115 : i32
              %mul3A_1138 = arith.constant 128 : i32
              %mul3A_1139 = arith.muli %select_n3A_1137, %mul3A_1138 : i32
              %multiple_of3A_1140 = tpu.assume_multiple %mul3A_1139, 128 : i32
              %jit3A_1141 = arith.constant 128 : i32
              %div3A_1142 = arith.divsi %reduce_sum3A_1113, %jit3A_1141 : i32
              %sign3A_1143 = arith.constant 0 : i32
              %sign3A_1144 = arith.cmpi sgt, %reduce_sum3A_1113, %sign3A_1143 : i32
              %sign3A_1145 = arith.extui %sign3A_1144 : i1 to i32
              %sign3A_1146 = arith.constant 0 : i32
              %sign3A_1147 = arith.cmpi slt, %reduce_sum3A_1113, %sign3A_1146 : i32
              %sign3A_1148 = arith.extui %sign3A_1147 : i1 to i32
              %sign3A_1149 = arith.subi %sign3A_1145, %sign3A_1148 : i32
              %sign3A_1150 = arith.constant 0 : i32
              %sign3A_1151 = arith.cmpi sgt, %jit3A_1141, %sign3A_1150 : i32
              %sign3A_1152 = arith.extui %sign3A_1151 : i1 to i32
              %sign3A_1153 = arith.constant 0 : i32
              %sign3A_1154 = arith.cmpi slt, %jit3A_1141, %sign3A_1153 : i32
              %sign3A_1155 = arith.extui %sign3A_1154 : i1 to i32
              %sign3A_1156 = arith.subi %sign3A_1152, %sign3A_1155 : i32
              %ne3A_1157 = arith.cmpi ne, %sign3A_1149, %sign3A_1156 : i32
              %rem3A_1158 = arith.remsi %reduce_sum3A_1113, %jit3A_1141 : i32
              %ne3A_1159 = arith.constant 0 : i32
              %ne3A_1160 = arith.cmpi ne, %rem3A_1158, %ne3A_1159 : i32
              %and3A_1161 = arith.andi %ne3A_1157, %ne3A_1160 : i1
              %sub3A_1162 = arith.constant 1 : i32
              %sub3A_1163 = arith.subi %div3A_1142, %sub3A_1162 : i32
              %select_n3A_1164 = arith.select %and3A_1161, %sub3A_1163, %div3A_1142 : i32
              %mul3A_1165 = arith.constant 128 : i32
              %mul3A_1166 = arith.muli %select_n3A_1164, %mul3A_1165 : i32
              %multiple_of3A_1167 = tpu.assume_multiple %mul3A_1166, 128 : i32
              %dma_start3A_1168 = arith.constant 0 : i32
              %dma_start3A_1169 = arith.constant 0 : i32
              %dma_start3A_1170 = tpu.memref_slice %arg9[%cond3A_1000, %dma_start3A_1168, %dma_start3A_1169] : memref<6x64x128xf32, #tpu.memory_space<vmem>> -> memref<1x64x128xf32, #tpu.memory_space<vmem>>
              %dma_start3A_1171 = tpu.memref_squeeze %dma_start3A_1170 : memref<1x64x128xf32, #tpu.memory_space<vmem>> -> memref<64x128xf32, #tpu.memory_space<vmem>>
              %dma_start3A_1172 = arith.constant 0 : i32
              %dma_start3A_1173 = tpu.memref_slice %arg4[%dma_start3A_1172, %multiple_of3A_1140] : memref<64x1000000xf32, #tpu.memory_space<hbm>> -> memref<64x128xf32, #tpu.memory_space<hbm>>
              %dma_start3A_1174 = arith.constant 0 : i32
              %dma_start3A_1175 = arith.constant 0 : i32
              %dma_start3A_1176 = tpu.memref_slice %arg9[%cond3A_1000, %dma_start3A_1174, %dma_start3A_1175] : memref<6x64x128xf32, #tpu.memory_space<vmem>> -> memref<1x64x128xf32, #tpu.memory_space<vmem>>
              %dma_start3A_1177 = tpu.memref_squeeze %dma_start3A_1176 : memref<1x64x128xf32, #tpu.memory_space<vmem>> -> memref<64x128xf32, #tpu.memory_space<vmem>>
              %dma_start3A_1178 = arith.constant 0 : i32
              %dma_start3A_1179 = tpu.memref_slice %arg4[%dma_start3A_1178, %multiple_of3A_1140] : memref<64x1000000xf32, #tpu.memory_space<hbm>> -> memref<64x128xf32, #tpu.memory_space<hbm>>
              tpu.enqueue_dma source(%dma_start3A_1179 : memref<64x128xf32, #tpu.memory_space<hbm>>) target(%dma_start3A_1177 : memref<64x128xf32, #tpu.memory_space<vmem>>) target_semaphore(%arg14 : memref<!tpu.dma_semaphore, #tpu.memory_space<semaphore_mem>>)
              %dma_start3A_1180 = arith.constant 0 : i32
              %dma_start3A_1181 = arith.constant 0 : i32
              %dma_start3A_1182 = tpu.memref_slice %arg10[%cond3A_1001, %dma_start3A_1180, %dma_start3A_1181] : memref<6x64x128xf32, #tpu.memory_space<vmem>> -> memref<1x64x128xf32, #tpu.memory_space<vmem>>
              %dma_start3A_1183 = tpu.memref_squeeze %dma_start3A_1182 : memref<1x64x128xf32, #tpu.memory_space<vmem>> -> memref<64x128xf32, #tpu.memory_space<vmem>>
              %dma_start3A_1184 = arith.constant 0 : i32
              %dma_start3A_1185 = tpu.memref_slice %arg5[%dma_start3A_1184, %multiple_of3A_1167] : memref<64x1000000xf32, #tpu.memory_space<hbm>> -> memref<64x128xf32, #tpu.memory_space<hbm>>
              %dma_start3A_1186 = arith.constant 0 : i32
              %dma_start3A_1187 = arith.constant 0 : i32
              %dma_start3A_1188 = tpu.memref_slice %arg10[%cond3A_1001, %dma_start3A_1186, %dma_start3A_1187] : memref<6x64x128xf32, #tpu.memory_space<vmem>> -> memref<1x64x128xf32, #tpu.memory_space<vmem>>
              %dma_start3A_1189 = tpu.memref_squeeze %dma_start3A_1188 : memref<1x64x128xf32, #tpu.memory_space<vmem>> -> memref<64x128xf32, #tpu.memory_space<vmem>>
              %dma_start3A_1190 = arith.constant 0 : i32
              %dma_start3A_1191 = tpu.memref_slice %arg5[%dma_start3A_1190, %multiple_of3A_1167] : memref<64x1000000xf32, #tpu.memory_space<hbm>> -> memref<64x128xf32, #tpu.memory_space<hbm>>
              tpu.enqueue_dma source(%dma_start3A_1191 : memref<64x128xf32, #tpu.memory_space<hbm>>) target(%dma_start3A_1189 : memref<64x128xf32, #tpu.memory_space<vmem>>) target_semaphore(%arg14 : memref<!tpu.dma_semaphore, #tpu.memory_space<semaphore_mem>>)
            } else {
            }
            scf.yield %select_n3A_994 : vector<16xf32>
          }
          scf.yield %cond3A_728 : vector<16xf32>
        } else {
          %dma_wait3A = arith.constant 1 : i32
          %dma_wait3A_724 = arith.constant 0 : i32
          %dma_wait3A_725 = arith.constant 0 : i32
          %dma_wait3A_726 = tpu.memref_slice %arg9[%dma_wait3A, %dma_wait3A_724, %dma_wait3A_725] : memref<6x64x128xf32, #tpu.memory_space<vmem>> -> memref<1x64x128xf32, #tpu.memory_space<vmem>>
          %dma_wait3A_727 = tpu.memref_squeeze %dma_wait3A_726 : memref<1x64x128xf32, #tpu.memory_space<vmem>> -> memref<64x128xf32, #tpu.memory_space<vmem>>
          %dma_wait3A_728 = arith.constant 0 : i32
          %dma_wait3A_729 = arith.constant 0 : i32
          %dma_wait3A_730 = tpu.memref_slice %arg4[%dma_wait3A_728, %dma_wait3A_729] : memref<64x1000000xf32, #tpu.memory_space<hbm>> -> memref<64x128xf32, #tpu.memory_space<hbm>>
          %dma_wait3A_731 = arith.constant 0 : i32
          %dma_wait3A_732 = arith.constant 0 : i32
          %dma_wait3A_733 = tpu.memref_slice %arg9[%dma_wait3A, %dma_wait3A_731, %dma_wait3A_732] : memref<6x64x128xf32, #tpu.memory_space<vmem>> -> memref<1x64x128xf32, #tpu.memory_space<vmem>>
          %dma_wait3A_734 = tpu.memref_squeeze %dma_wait3A_733 : memref<1x64x128xf32, #tpu.memory_space<vmem>> -> memref<64x128xf32, #tpu.memory_space<vmem>>
          %dma_wait3A_735 = arith.constant 0 : i32
          %dma_wait3A_736 = arith.constant 0 : i32
          %dma_wait3A_737 = tpu.memref_slice %arg4[%dma_wait3A_735, %dma_wait3A_736] : memref<64x1000000xf32, #tpu.memory_space<hbm>> -> memref<64x128xf32, #tpu.memory_space<hbm>>
          tpu.wait_dma2 semaphore(%arg13 : memref<!tpu.dma_semaphore, #tpu.memory_space<semaphore_mem>>) src(%dma_wait3A_737 : memref<64x128xf32, #tpu.memory_space<hbm>>) dst(%dma_wait3A_734 : memref<64x128xf32, #tpu.memory_space<vmem>>)
          %dma_wait3A_738 = arith.constant 1 : i32
          %dma_wait3A_739 = arith.constant 0 : i32
          %dma_wait3A_740 = arith.constant 0 : i32
          %dma_wait3A_741 = tpu.memref_slice %arg10[%dma_wait3A_738, %dma_wait3A_739, %dma_wait3A_740] : memref<6x64x128xf32, #tpu.memory_space<vmem>> -> memref<1x64x128xf32, #tpu.memory_space<vmem>>
          %dma_wait3A_742 = tpu.memref_squeeze %dma_wait3A_741 : memref<1x64x128xf32, #tpu.memory_space<vmem>> -> memref<64x128xf32, #tpu.memory_space<vmem>>
          %dma_wait3A_743 = arith.constant 0 : i32
          %dma_wait3A_744 = arith.constant 0 : i32
          %dma_wait3A_745 = tpu.memref_slice %arg5[%dma_wait3A_743, %dma_wait3A_744] : memref<64x1000000xf32, #tpu.memory_space<hbm>> -> memref<64x128xf32, #tpu.memory_space<hbm>>
          %dma_wait3A_746 = arith.constant 0 : i32
          %dma_wait3A_747 = arith.constant 0 : i32
          %dma_wait3A_748 = tpu.memref_slice %arg10[%dma_wait3A_738, %dma_wait3A_746, %dma_wait3A_747] : memref<6x64x128xf32, #tpu.memory_space<vmem>> -> memref<1x64x128xf32, #tpu.memory_space<vmem>>
          %dma_wait3A_749 = tpu.memref_squeeze %dma_wait3A_748 : memref<1x64x128xf32, #tpu.memory_space<vmem>> -> memref<64x128xf32, #tpu.memory_space<vmem>>
          %dma_wait3A_750 = arith.constant 0 : i32
          %dma_wait3A_751 = arith.constant 0 : i32
          %dma_wait3A_752 = tpu.memref_slice %arg5[%dma_wait3A_750, %dma_wait3A_751] : memref<64x1000000xf32, #tpu.memory_space<hbm>> -> memref<64x128xf32, #tpu.memory_space<hbm>>
          tpu.wait_dma2 semaphore(%arg13 : memref<!tpu.dma_semaphore, #tpu.memory_space<semaphore_mem>>) src(%dma_wait3A_752 : memref<64x128xf32, #tpu.memory_space<hbm>>) dst(%dma_wait3A_749 : memref<64x128xf32, #tpu.memory_space<vmem>>)
          %iota3A_753 = tpu.iota {dimensions = array<i32: 0>} : vector<16xi32>
          %jit3A_754 = arith.constant 16 : i32
          %div3A_755 = arith.divsi %scan3A_656, %jit3A_754 : i32
          %sign3A_756 = arith.constant 0 : i32
          %sign3A_757 = arith.cmpi sgt, %scan3A_656, %sign3A_756 : i32
          %sign3A_758 = arith.extui %sign3A_757 : i1 to i32
          %sign3A_759 = arith.constant 0 : i32
          %sign3A_760 = arith.cmpi slt, %scan3A_656, %sign3A_759 : i32
          %sign3A_761 = arith.extui %sign3A_760 : i1 to i32
          %sign3A_762 = arith.subi %sign3A_758, %sign3A_761 : i32
          %sign3A_763 = arith.constant 0 : i32
          %sign3A_764 = arith.cmpi sgt, %jit3A_754, %sign3A_763 : i32
          %sign3A_765 = arith.extui %sign3A_764 : i1 to i32
          %sign3A_766 = arith.constant 0 : i32
          %sign3A_767 = arith.cmpi slt, %jit3A_754, %sign3A_766 : i32
          %sign3A_768 = arith.extui %sign3A_767 : i1 to i32
          %sign3A_769 = arith.subi %sign3A_765, %sign3A_768 : i32
          %ne3A_770 = arith.cmpi ne, %sign3A_762, %sign3A_769 : i32
          %rem3A_771 = arith.remsi %scan3A_656, %jit3A_754 : i32
          %ne3A_772 = arith.constant 0 : i32
          %ne3A_773 = arith.cmpi ne, %rem3A_771, %ne3A_772 : i32
          %and3A_774 = arith.andi %ne3A_770, %ne3A_773 : i1
          %sub3A_775 = arith.constant 1 : i32
          %sub3A_776 = arith.subi %div3A_755, %sub3A_775 : i32
          %select_n3A_777 = arith.select %and3A_774, %sub3A_776, %div3A_755 : i32
          %mul3A_778 = arith.constant 16 : i32
          %mul3A_779 = arith.muli %select_n3A_777, %mul3A_778 : i32
          %multiple_of3A_780 = tpu.assume_multiple %mul3A_779, 16 : i32
          %get3A_781 = arith.index_cast %multiple_of3A_780 : i32 to index
          %get3A_782 = tpu.vector_load %arg7[%get3A_781] {strides = array<i32>} : memref<512xi32, #tpu.memory_space<vmem>>, vector<16xi32>,
          %jit3A_783 = arith.constant 16 : i32
          %eq3A_784 = arith.constant 0 : i32
          %eq3A_785 = arith.cmpi eq, %jit3A_783, %eq3A_784 : i32
          %jit3A_786 = arith.constant 1 : i32
          %select_n3A_787 = arith.select %eq3A_785, %jit3A_786, %jit3A_783 : i32
          %rem3A_788 = arith.remsi %scan3A_656, %select_n3A_787 : i32
          %ne3A_789 = arith.constant 0 : i32
          %ne3A_790 = arith.cmpi ne, %rem3A_788, %ne3A_789 : i32
          %lt3A_791 = arith.constant 0 : i32
          %lt3A_792 = arith.cmpi slt, %rem3A_788, %lt3A_791 : i32
          %lt3A_793 = arith.constant 0 : i32
          %lt3A_794 = arith.cmpi slt, %select_n3A_787, %lt3A_793 : i32
          %ne3A_795 = arith.xori %lt3A_792, %lt3A_794 : i1
          %and3A_796 = arith.andi %ne3A_795, %ne3A_790 : i1
          %add3A_797 = arith.addi %rem3A_788, %select_n3A_787 : i32
          %select_n3A_798 = arith.select %and3A_796, %add3A_797, %rem3A_788 : i32
          %eq3A_799 = vector.broadcast %select_n3A_798 : i32 to vector<16xi32>
          %eq3A_800 = arith.cmpi eq, %iota3A_753, %eq3A_799 : vector<16xi32>
          %jit3A_801 = arith.constant 0 : i32
          %broadcast_in_dim3A_802 = vector.broadcast %jit3A_801 : i32 to vector<16xi32>
          %select_n3A_803 = arith.select %eq3A_800, %get3A_782, %broadcast_in_dim3A_802 : vector<16xi1>, vector<16xi32>
          %reduce_sum3A_804 = arith.constant true
          %reduce_sum3A_805 = vector.broadcast %reduce_sum3A_804 : i1 to vector<16xi1>
          %reduce_sum3A_806 = tpu.scan <sum>, %select_n3A_803 masked %reduce_sum3A_805 : vector<16xi32>, vector<16xi1> -> vector<16xi32>
          %reduce_sum3A_807 = vector.extract %reduce_sum3A_806[15] : i32 from vector<16xi32>
          %iota3A_808 = tpu.iota {dimensions = array<i32: 0>} : vector<16xi32>
          %jit3A_809 = arith.constant 16 : i32
          %div3A_810 = arith.divsi %scan3A_656, %jit3A_809 : i32
          %sign3A_811 = arith.constant 0 : i32
          %sign3A_812 = arith.cmpi sgt, %scan3A_656, %sign3A_811 : i32
          %sign3A_813 = arith.extui %sign3A_812 : i1 to i32
          %sign3A_814 = arith.constant 0 : i32
          %sign3A_815 = arith.cmpi slt, %scan3A_656, %sign3A_814 : i32
          %sign3A_816 = arith.extui %sign3A_815 : i1 to i32
          %sign3A_817 = arith.subi %sign3A_813, %sign3A_816 : i32
          %sign3A_818 = arith.constant 0 : i32
          %sign3A_819 = arith.cmpi sgt, %jit3A_809, %sign3A_818 : i32
          %sign3A_820 = arith.extui %sign3A_819 : i1 to i32
          %sign3A_821 = arith.constant 0 : i32
          %sign3A_822 = arith.cmpi slt, %jit3A_809, %sign3A_821 : i32
          %sign3A_823 = arith.extui %sign3A_822 : i1 to i32
          %sign3A_824 = arith.subi %sign3A_820, %sign3A_823 : i32
          %ne3A_825 = arith.cmpi ne, %sign3A_817, %sign3A_824 : i32
          %rem3A_826 = arith.remsi %scan3A_656, %jit3A_809 : i32
          %ne3A_827 = arith.constant 0 : i32
          %ne3A_828 = arith.cmpi ne, %rem3A_826, %ne3A_827 : i32
          %and3A_829 = arith.andi %ne3A_825, %ne3A_828 : i1
          %sub3A_830 = arith.constant 1 : i32
          %sub3A_831 = arith.subi %div3A_810, %sub3A_830 : i32
          %select_n3A_832 = arith.select %and3A_829, %sub3A_831, %div3A_810 : i32
          %mul3A_833 = arith.constant 16 : i32
          %mul3A_834 = arith.muli %select_n3A_832, %mul3A_833 : i32
          %multiple_of3A_835 = tpu.assume_multiple %mul3A_834, 16 : i32
          %get3A_836 = arith.index_cast %multiple_of3A_835 : i32 to index
          %get3A_837 = tpu.vector_load %arg8[%get3A_836] {strides = array<i32>} : memref<512xi32, #tpu.memory_space<vmem>>, vector<16xi32>,
          %jit3A_838 = arith.constant 16 : i32
          %eq3A_839 = arith.constant 0 : i32
          %eq3A_840 = arith.cmpi eq, %jit3A_838, %eq3A_839 : i32
          %jit3A_841 = arith.constant 1 : i32
          %select_n3A_842 = arith.select %eq3A_840, %jit3A_841, %jit3A_838 : i32
          %rem3A_843 = arith.remsi %scan3A_656, %select_n3A_842 : i32
          %ne3A_844 = arith.constant 0 : i32
          %ne3A_845 = arith.cmpi ne, %rem3A_843, %ne3A_844 : i32
          %lt3A_846 = arith.constant 0 : i32
          %lt3A_847 = arith.cmpi slt, %rem3A_843, %lt3A_846 : i32
          %lt3A_848 = arith.constant 0 : i32
          %lt3A_849 = arith.cmpi slt, %select_n3A_842, %lt3A_848 : i32
          %ne3A_850 = arith.xori %lt3A_847, %lt3A_849 : i1
          %and3A_851 = arith.andi %ne3A_850, %ne3A_845 : i1
          %add3A_852 = arith.addi %rem3A_843, %select_n3A_842 : i32
          %select_n3A_853 = arith.select %and3A_851, %add3A_852, %rem3A_843 : i32
          %eq3A_854 = vector.broadcast %select_n3A_853 : i32 to vector<16xi32>
          %eq3A_855 = arith.cmpi eq, %iota3A_808, %eq3A_854 : vector<16xi32>
          %jit3A_856 = arith.constant 0 : i32
          %broadcast_in_dim3A_857 = vector.broadcast %jit3A_856 : i32 to vector<16xi32>
          %select_n3A_858 = arith.select %eq3A_855, %get3A_837, %broadcast_in_dim3A_857 : vector<16xi1>, vector<16xi32>
          %reduce_sum3A_859 = arith.constant true
          %reduce_sum3A_860 = vector.broadcast %reduce_sum3A_859 : i1 to vector<16xi1>
          %reduce_sum3A_861 = tpu.scan <sum>, %select_n3A_858 masked %reduce_sum3A_860 : vector<16xi32>, vector<16xi1> -> vector<16xi32>
          %reduce_sum3A_862 = vector.extract %reduce_sum3A_861[15] : i32 from vector<16xi32>
          %jit3A_863 = arith.constant 128 : i32
          %eq3A_864 = arith.constant 0 : i32
          %eq3A_865 = arith.cmpi eq, %jit3A_863, %eq3A_864 : i32
          %jit3A_866 = arith.constant 1 : i32
          %select_n3A_867 = arith.select %eq3A_865, %jit3A_866, %jit3A_863 : i32
          %rem3A_868 = arith.remsi %reduce_sum3A_807, %select_n3A_867 : i32
          %ne3A_869 = arith.constant 0 : i32
          %ne3A_870 = arith.cmpi ne, %rem3A_868, %ne3A_869 : i32
          %lt3A_871 = arith.constant 0 : i32
          %lt3A_872 = arith.cmpi slt, %rem3A_868, %lt3A_871 : i32
          %lt3A_873 = arith.constant 0 : i32
          %lt3A_874 = arith.cmpi slt, %select_n3A_867, %lt3A_873 : i32
          %ne3A_875 = arith.xori %lt3A_872, %lt3A_874 : i1
          %and3A_876 = arith.andi %ne3A_875, %ne3A_870 : i1
          %add3A_877 = arith.addi %rem3A_868, %select_n3A_867 : i32
          %select_n3A_878 = arith.select %and3A_876, %add3A_877, %rem3A_868 : i32
          %broadcast_in_dim3A_879 = vector.broadcast %select_n3A_878 : i32 to vector<16xi32>
          %jit3A_880 = arith.constant 128 : i32
          %eq3A_881 = arith.constant 0 : i32
          %eq3A_882 = arith.cmpi eq, %jit3A_880, %eq3A_881 : i32
          %jit3A_883 = arith.constant 1 : i32
          %select_n3A_884 = arith.select %eq3A_882, %jit3A_883, %jit3A_880 : i32
          %rem3A_885 = arith.remsi %reduce_sum3A_862, %select_n3A_884 : i32
          %ne3A_886 = arith.constant 0 : i32
          %ne3A_887 = arith.cmpi ne, %rem3A_885, %ne3A_886 : i32
          %lt3A_888 = arith.constant 0 : i32
          %lt3A_889 = arith.cmpi slt, %rem3A_885, %lt3A_888 : i32
          %lt3A_890 = arith.constant 0 : i32
          %lt3A_891 = arith.cmpi slt, %select_n3A_884, %lt3A_890 : i32
          %ne3A_892 = arith.xori %lt3A_889, %lt3A_891 : i1
          %and3A_893 = arith.andi %ne3A_892, %ne3A_887 : i1
          %add3A_894 = arith.addi %rem3A_885, %select_n3A_884 : i32
          %select_n3A_895 = arith.select %and3A_893, %add3A_894, %rem3A_885 : i32
          %broadcast_in_dim3A_896 = vector.broadcast %select_n3A_895 : i32 to vector<16xi32>
          %broadcast_in_dim3A_897 = arith.constant 0.000000e+00 : f32
          %broadcast_in_dim3A_898 = vector.broadcast %broadcast_in_dim3A_897 : f32 to vector<16xf32>
          %add3A_899 = arith.constant 0 : i32
          %add3A_900 = vector.broadcast %add3A_899 : i32 to vector<16xi32>
          %add3A_901 = arith.addi %iota3A_648, %add3A_900 : vector<16xi32>
          %gather3A = arith.constant 1 : i32
          %gather3A_902 = arith.constant 0 : i32
          %gather3A_903 = arith.constant 0 : i32
          %gather3A_904 = tpu.memref_slice %arg9[%gather3A, %gather3A_902, %gather3A_903] : memref<6x64x128xf32, #tpu.memory_space<vmem>> -> memref<1x64x128xf32, #tpu.memory_space<vmem>>
          %gather3A_905 = tpu.memref_squeeze %gather3A_904 : memref<1x64x128xf32, #tpu.memory_space<vmem>> -> memref<64x128xf32, #tpu.memory_space<vmem>>
          %gather3A_906 = tpu.vector_load_idx %gather3A_905[%add3A_901, %broadcast_in_dim3A_879] : memref<64x128xf32, #tpu.memory_space<vmem>>[vector<16xi32>, vector<16xi32>], vector<16xf32>,
          %gather3A_907 = arith.constant 1 : i32
          %gather3A_908 = arith.constant 0 : i32
          %gather3A_909 = arith.constant 0 : i32
          %gather3A_910 = tpu.memref_slice %arg10[%gather3A_907, %gather3A_908, %gather3A_909] : memref<6x64x128xf32, #tpu.memory_space<vmem>> -> memref<1x64x128xf32, #tpu.memory_space<vmem>>
          %gather3A_911 = tpu.memref_squeeze %gather3A_910 : memref<1x64x128xf32, #tpu.memory_space<vmem>> -> memref<64x128xf32, #tpu.memory_space<vmem>>
          %gather3A_912 = tpu.vector_load_idx %gather3A_911[%add3A_901, %broadcast_in_dim3A_896] : memref<64x128xf32, #tpu.memory_space<vmem>>[vector<16xi32>, vector<16xi32>], vector<16xf32>,
          %mul3A_913 = arith.mulf %gather3A_906, %gather3A_912 : vector<16xf32>
          %add3A_914 = arith.addf %broadcast_in_dim3A_898, %mul3A_913 : vector<16xf32>
          %add3A_915 = arith.constant 16 : i32
          %add3A_916 = vector.broadcast %add3A_915 : i32 to vector<16xi32>
          %add3A_917 = arith.addi %iota3A_648, %add3A_916 : vector<16xi32>
          %gather3A_918 = arith.constant 1 : i32
          %gather3A_919 = arith.constant 0 : i32
          %gather3A_920 = arith.constant 0 : i32
          %gather3A_921 = tpu.memref_slice %arg9[%gather3A_918, %gather3A_919, %gather3A_920] : memref<6x64x128xf32, #tpu.memory_space<vmem>> -> memref<1x64x128xf32, #tpu.memory_space<vmem>>
          %gather3A_922 = tpu.memref_squeeze %gather3A_921 : memref<1x64x128xf32, #tpu.memory_space<vmem>> -> memref<64x128xf32, #tpu.memory_space<vmem>>
          %gather3A_923 = tpu.vector_load_idx %gather3A_922[%add3A_917, %broadcast_in_dim3A_879] : memref<64x128xf32, #tpu.memory_space<vmem>>[vector<16xi32>, vector<16xi32>], vector<16xf32>,
          %gather3A_924 = arith.constant 1 : i32
          %gather3A_925 = arith.constant 0 : i32
          %gather3A_926 = arith.constant 0 : i32
          %gather3A_927 = tpu.memref_slice %arg10[%gather3A_924, %gather3A_925, %gather3A_926] : memref<6x64x128xf32, #tpu.memory_space<vmem>> -> memref<1x64x128xf32, #tpu.memory_space<vmem>>
          %gather3A_928 = tpu.memref_squeeze %gather3A_927 : memref<1x64x128xf32, #tpu.memory_space<vmem>> -> memref<64x128xf32, #tpu.memory_space<vmem>>
          %gather3A_929 = tpu.vector_load_idx %gather3A_928[%add3A_917, %broadcast_in_dim3A_896] : memref<64x128xf32, #tpu.memory_space<vmem>>[vector<16xi32>, vector<16xi32>], vector<16xf32>,
          %mul3A_930 = arith.mulf %gather3A_923, %gather3A_929 : vector<16xf32>
          %add3A_931 = arith.addf %add3A_914, %mul3A_930 : vector<16xf32>
          %add3A_932 = arith.constant 32 : i32
          %add3A_933 = vector.broadcast %add3A_932 : i32 to vector<16xi32>
          %add3A_934 = arith.addi %iota3A_648, %add3A_933 : vector<16xi32>
          %gather3A_935 = arith.constant 1 : i32
          %gather3A_936 = arith.constant 0 : i32
          %gather3A_937 = arith.constant 0 : i32
          %gather3A_938 = tpu.memref_slice %arg9[%gather3A_935, %gather3A_936, %gather3A_937] : memref<6x64x128xf32, #tpu.memory_space<vmem>> -> memref<1x64x128xf32, #tpu.memory_space<vmem>>
          %gather3A_939 = tpu.memref_squeeze %gather3A_938 : memref<1x64x128xf32, #tpu.memory_space<vmem>> -> memref<64x128xf32, #tpu.memory_space<vmem>>
          %gather3A_940 = tpu.vector_load_idx %gather3A_939[%add3A_934, %broadcast_in_dim3A_879] : memref<64x128xf32, #tpu.memory_space<vmem>>[vector<16xi32>, vector<16xi32>], vector<16xf32>,
          %gather3A_941 = arith.constant 1 : i32
          %gather3A_942 = arith.constant 0 : i32
          %gather3A_943 = arith.constant 0 : i32
          %gather3A_944 = tpu.memref_slice %arg10[%gather3A_941, %gather3A_942, %gather3A_943] : memref<6x64x128xf32, #tpu.memory_space<vmem>> -> memref<1x64x128xf32, #tpu.memory_space<vmem>>
          %gather3A_945 = tpu.memref_squeeze %gather3A_944 : memref<1x64x128xf32, #tpu.memory_space<vmem>> -> memref<64x128xf32, #tpu.memory_space<vmem>>
          %gather3A_946 = tpu.vector_load_idx %gather3A_945[%add3A_934, %broadcast_in_dim3A_896] : memref<64x128xf32, #tpu.memory_space<vmem>>[vector<16xi32>, vector<16xi32>], vector<16xf32>,
          %mul3A_947 = arith.mulf %gather3A_940, %gather3A_946 : vector<16xf32>
          %add3A_948 = arith.addf %add3A_931, %mul3A_947 : vector<16xf32>
          %add3A_949 = arith.constant 48 : i32
          %add3A_950 = vector.broadcast %add3A_949 : i32 to vector<16xi32>
          %add3A_951 = arith.addi %iota3A_648, %add3A_950 : vector<16xi32>
          %gather3A_952 = arith.constant 1 : i32
          %gather3A_953 = arith.constant 0 : i32
          %gather3A_954 = arith.constant 0 : i32
          %gather3A_955 = tpu.memref_slice %arg9[%gather3A_952, %gather3A_953, %gather3A_954] : memref<6x64x128xf32, #tpu.memory_space<vmem>> -> memref<1x64x128xf32, #tpu.memory_space<vmem>>
          %gather3A_956 = tpu.memref_squeeze %gather3A_955 : memref<1x64x128xf32, #tpu.memory_space<vmem>> -> memref<64x128xf32, #tpu.memory_space<vmem>>
          %gather3A_957 = tpu.vector_load_idx %gather3A_956[%add3A_951, %broadcast_in_dim3A_879] : memref<64x128xf32, #tpu.memory_space<vmem>>[vector<16xi32>, vector<16xi32>], vector<16xf32>,
          %gather3A_958 = arith.constant 1 : i32
          %gather3A_959 = arith.constant 0 : i32
          %gather3A_960 = arith.constant 0 : i32
          %gather3A_961 = tpu.memref_slice %arg10[%gather3A_958, %gather3A_959, %gather3A_960] : memref<6x64x128xf32, #tpu.memory_space<vmem>> -> memref<1x64x128xf32, #tpu.memory_space<vmem>>
          %gather3A_962 = tpu.memref_squeeze %gather3A_961 : memref<1x64x128xf32, #tpu.memory_space<vmem>> -> memref<64x128xf32, #tpu.memory_space<vmem>>
          %gather3A_963 = tpu.vector_load_idx %gather3A_962[%add3A_951, %broadcast_in_dim3A_896] : memref<64x128xf32, #tpu.memory_space<vmem>>[vector<16xi32>, vector<16xi32>], vector<16xf32>,
          %mul3A_964 = arith.mulf %gather3A_957, %gather3A_963 : vector<16xf32>
          %add3A_965 = arith.addf %add3A_948, %mul3A_964 : vector<16xf32>
          %reduce_sum3A_966 = arith.constant true
          %reduce_sum3A_967 = vector.broadcast %reduce_sum3A_966 : i1 to vector<16xi1>
          %reduce_sum3A_968 = tpu.scan <sum>, %add3A_965 masked %reduce_sum3A_967 : vector<16xf32>, vector<16xi1> -> vector<16xf32>
          %reduce_sum3A_969 = vector.extract %reduce_sum3A_968[15] : f32 from vector<16xf32>
          %jit3A_970 = arith.constant 16 : i32
          %eq3A_971 = arith.constant 0 : i32
          %eq3A_972 = arith.cmpi eq, %jit3A_970, %eq3A_971 : i32
          %jit3A_973 = arith.constant 1 : i32
          %select_n3A_974 = arith.select %eq3A_972, %jit3A_973, %jit3A_970 : i32
          %rem3A_975 = arith.remsi %scan3A_656, %select_n3A_974 : i32
          %ne3A_976 = arith.constant 0 : i32
          %ne3A_977 = arith.cmpi ne, %rem3A_975, %ne3A_976 : i32
          %lt3A_978 = arith.constant 0 : i32
          %lt3A_979 = arith.cmpi slt, %rem3A_975, %lt3A_978 : i32
          %lt3A_980 = arith.constant 0 : i32
          %lt3A_981 = arith.cmpi slt, %select_n3A_974, %lt3A_980 : i32
          %ne3A_982 = arith.xori %lt3A_979, %lt3A_981 : i1
          %and3A_983 = arith.andi %ne3A_982, %ne3A_977 : i1
          %add3A_984 = arith.addi %rem3A_975, %select_n3A_974 : i32
          %select_n3A_985 = arith.select %and3A_983, %add3A_984, %rem3A_975 : i32
          %eq3A_986 = vector.broadcast %select_n3A_985 : i32 to vector<16xi32>
          %eq3A_987 = arith.cmpi eq, %iota3A_648, %eq3A_986 : vector<16xi32>
          %broadcast_in_dim3A_988 = vector.broadcast %reduce_sum3A_969 : f32 to vector<16xf32>
          %select_n3A_989 = arith.select %eq3A_987, %broadcast_in_dim3A_988, %scan3A_657 : vector<16xi1>, vector<16xf32>
          %add3A_990 = arith.constant 6 : i32
          %add3A_991 = arith.addi %scan3A_656, %add3A_990 : i32
          %lt3A_992 = arith.constant 512 : i32
          %lt3A_993 = arith.cmpi slt, %add3A_991, %lt3A_992 : i32
          %convert_element_type3A_994 = arith.extui %lt3A_993 : i1 to i32
          %cond3A_995 = arith.constant 1 : i32
          %cond3A_996 = arith.constant 1 : i32
          %cond3A_997 = arith.constant 0 : i32
          %cond3A_998 = arith.cmpi ne, %convert_element_type3A_994, %cond3A_997 : i32
          scf.if %cond3A_998 {
            %iota3A_999 = tpu.iota {dimensions = array<i32: 0>} : vector<16xi32>
            %jit3A_1000 = arith.constant 16 : i32
            %div3A_1001 = arith.divsi %add3A_991, %jit3A_1000 : i32
            %sign3A_1002 = arith.constant 0 : i32
            %sign3A_1003 = arith.cmpi sgt, %add3A_991, %sign3A_1002 : i32
            %sign3A_1004 = arith.extui %sign3A_1003 : i1 to i32
            %sign3A_1005 = arith.constant 0 : i32
            %sign3A_1006 = arith.cmpi slt, %add3A_991, %sign3A_1005 : i32
            %sign3A_1007 = arith.extui %sign3A_1006 : i1 to i32
            %sign3A_1008 = arith.subi %sign3A_1004, %sign3A_1007 : i32
            %sign3A_1009 = arith.constant 0 : i32
            %sign3A_1010 = arith.cmpi sgt, %jit3A_1000, %sign3A_1009 : i32
            %sign3A_1011 = arith.extui %sign3A_1010 : i1 to i32
            %sign3A_1012 = arith.constant 0 : i32
            %sign3A_1013 = arith.cmpi slt, %jit3A_1000, %sign3A_1012 : i32
            %sign3A_1014 = arith.extui %sign3A_1013 : i1 to i32
            %sign3A_1015 = arith.subi %sign3A_1011, %sign3A_1014 : i32
            %ne3A_1016 = arith.cmpi ne, %sign3A_1008, %sign3A_1015 : i32
            %rem3A_1017 = arith.remsi %add3A_991, %jit3A_1000 : i32
            %ne3A_1018 = arith.constant 0 : i32
            %ne3A_1019 = arith.cmpi ne, %rem3A_1017, %ne3A_1018 : i32
            %and3A_1020 = arith.andi %ne3A_1016, %ne3A_1019 : i1
            %sub3A_1021 = arith.constant 1 : i32
            %sub3A_1022 = arith.subi %div3A_1001, %sub3A_1021 : i32
            %select_n3A_1023 = arith.select %and3A_1020, %sub3A_1022, %div3A_1001 : i32
            %mul3A_1024 = arith.constant 16 : i32
            %mul3A_1025 = arith.muli %select_n3A_1023, %mul3A_1024 : i32
            %multiple_of3A_1026 = tpu.assume_multiple %mul3A_1025, 16 : i32
            %get3A_1027 = arith.index_cast %multiple_of3A_1026 : i32 to index
            %get3A_1028 = tpu.vector_load %arg7[%get3A_1027] {strides = array<i32>} : memref<512xi32, #tpu.memory_space<vmem>>, vector<16xi32>,
            %jit3A_1029 = arith.constant 16 : i32
            %eq3A_1030 = arith.constant 0 : i32
            %eq3A_1031 = arith.cmpi eq, %jit3A_1029, %eq3A_1030 : i32
            %jit3A_1032 = arith.constant 1 : i32
            %select_n3A_1033 = arith.select %eq3A_1031, %jit3A_1032, %jit3A_1029 : i32
            %rem3A_1034 = arith.remsi %add3A_991, %select_n3A_1033 : i32
            %ne3A_1035 = arith.constant 0 : i32
            %ne3A_1036 = arith.cmpi ne, %rem3A_1034, %ne3A_1035 : i32
            %lt3A_1037 = arith.constant 0 : i32
            %lt3A_1038 = arith.cmpi slt, %rem3A_1034, %lt3A_1037 : i32
            %lt3A_1039 = arith.constant 0 : i32
            %lt3A_1040 = arith.cmpi slt, %select_n3A_1033, %lt3A_1039 : i32
            %ne3A_1041 = arith.xori %lt3A_1038, %lt3A_1040 : i1
            %and3A_1042 = arith.andi %ne3A_1041, %ne3A_1036 : i1
            %add3A_1043 = arith.addi %rem3A_1034, %select_n3A_1033 : i32
            %select_n3A_1044 = arith.select %and3A_1042, %add3A_1043, %rem3A_1034 : i32
            %eq3A_1045 = vector.broadcast %select_n3A_1044 : i32 to vector<16xi32>
            %eq3A_1046 = arith.cmpi eq, %iota3A_999, %eq3A_1045 : vector<16xi32>
            %jit3A_1047 = arith.constant 0 : i32
            %broadcast_in_dim3A_1048 = vector.broadcast %jit3A_1047 : i32 to vector<16xi32>
            %select_n3A_1049 = arith.select %eq3A_1046, %get3A_1028, %broadcast_in_dim3A_1048 : vector<16xi1>, vector<16xi32>
            %reduce_sum3A_1050 = arith.constant true
            %reduce_sum3A_1051 = vector.broadcast %reduce_sum3A_1050 : i1 to vector<16xi1>
            %reduce_sum3A_1052 = tpu.scan <sum>, %select_n3A_1049 masked %reduce_sum3A_1051 : vector<16xi32>, vector<16xi1> -> vector<16xi32>
            %reduce_sum3A_1053 = vector.extract %reduce_sum3A_1052[15] : i32 from vector<16xi32>
            %iota3A_1054 = tpu.iota {dimensions = array<i32: 0>} : vector<16xi32>
            %jit3A_1055 = arith.constant 16 : i32
            %div3A_1056 = arith.divsi %add3A_991, %jit3A_1055 : i32
            %sign3A_1057 = arith.constant 0 : i32
            %sign3A_1058 = arith.cmpi sgt, %add3A_991, %sign3A_1057 : i32
            %sign3A_1059 = arith.extui %sign3A_1058 : i1 to i32
            %sign3A_1060 = arith.constant 0 : i32
            %sign3A_1061 = arith.cmpi slt, %add3A_991, %sign3A_1060 : i32
            %sign3A_1062 = arith.extui %sign3A_1061 : i1 to i32
            %sign3A_1063 = arith.subi %sign3A_1059, %sign3A_1062 : i32
            %sign3A_1064 = arith.constant 0 : i32
            %sign3A_1065 = arith.cmpi sgt, %jit3A_1055, %sign3A_1064 : i32
            %sign3A_1066 = arith.extui %sign3A_1065 : i1 to i32
            %sign3A_1067 = arith.constant 0 : i32
            %sign3A_1068 = arith.cmpi slt, %jit3A_1055, %sign3A_1067 : i32
            %sign3A_1069 = arith.extui %sign3A_1068 : i1 to i32
            %sign3A_1070 = arith.subi %sign3A_1066, %sign3A_1069 : i32
            %ne3A_1071 = arith.cmpi ne, %sign3A_1063, %sign3A_1070 : i32
            %rem3A_1072 = arith.remsi %add3A_991, %jit3A_1055 : i32
            %ne3A_1073 = arith.constant 0 : i32
            %ne3A_1074 = arith.cmpi ne, %rem3A_1072, %ne3A_1073 : i32
            %and3A_1075 = arith.andi %ne3A_1071, %ne3A_1074 : i1
            %sub3A_1076 = arith.constant 1 : i32
            %sub3A_1077 = arith.subi %div3A_1056, %sub3A_1076 : i32
            %select_n3A_1078 = arith.select %and3A_1075, %sub3A_1077, %div3A_1056 : i32
            %mul3A_1079 = arith.constant 16 : i32
            %mul3A_1080 = arith.muli %select_n3A_1078, %mul3A_1079 : i32
            %multiple_of3A_1081 = tpu.assume_multiple %mul3A_1080, 16 : i32
            %get3A_1082 = arith.index_cast %multiple_of3A_1081 : i32 to index
            %get3A_1083 = tpu.vector_load %arg8[%get3A_1082] {strides = array<i32>} : memref<512xi32, #tpu.memory_space<vmem>>, vector<16xi32>,
            %jit3A_1084 = arith.constant 16 : i32
            %eq3A_1085 = arith.constant 0 : i32
            %eq3A_1086 = arith.cmpi eq, %jit3A_1084, %eq3A_1085 : i32
            %jit3A_1087 = arith.constant 1 : i32
            %select_n3A_1088 = arith.select %eq3A_1086, %jit3A_1087, %jit3A_1084 : i32
            %rem3A_1089 = arith.remsi %add3A_991, %select_n3A_1088 : i32
            %ne3A_1090 = arith.constant 0 : i32
            %ne3A_1091 = arith.cmpi ne, %rem3A_1089, %ne3A_1090 : i32
            %lt3A_1092 = arith.constant 0 : i32
            %lt3A_1093 = arith.cmpi slt, %rem3A_1089, %lt3A_1092 : i32
            %lt3A_1094 = arith.constant 0 : i32
            %lt3A_1095 = arith.cmpi slt, %select_n3A_1088, %lt3A_1094 : i32
            %ne3A_1096 = arith.xori %lt3A_1093, %lt3A_1095 : i1
            %and3A_1097 = arith.andi %ne3A_1096, %ne3A_1091 : i1
            %add3A_1098 = arith.addi %rem3A_1089, %select_n3A_1088 : i32
            %select_n3A_1099 = arith.select %and3A_1097, %add3A_1098, %rem3A_1089 : i32
            %eq3A_1100 = vector.broadcast %select_n3A_1099 : i32 to vector<16xi32>
            %eq3A_1101 = arith.cmpi eq, %iota3A_1054, %eq3A_1100 : vector<16xi32>
            %jit3A_1102 = arith.constant 0 : i32
            %broadcast_in_dim3A_1103 = vector.broadcast %jit3A_1102 : i32 to vector<16xi32>
            %select_n3A_1104 = arith.select %eq3A_1101, %get3A_1083, %broadcast_in_dim3A_1103 : vector<16xi1>, vector<16xi32>
            %reduce_sum3A_1105 = arith.constant true
            %reduce_sum3A_1106 = vector.broadcast %reduce_sum3A_1105 : i1 to vector<16xi1>
            %reduce_sum3A_1107 = tpu.scan <sum>, %select_n3A_1104 masked %reduce_sum3A_1106 : vector<16xi32>, vector<16xi1> -> vector<16xi32>
            %reduce_sum3A_1108 = vector.extract %reduce_sum3A_1107[15] : i32 from vector<16xi32>
            %jit3A_1109 = arith.constant 128 : i32
            %div3A_1110 = arith.divsi %reduce_sum3A_1053, %jit3A_1109 : i32
            %sign3A_1111 = arith.constant 0 : i32
            %sign3A_1112 = arith.cmpi sgt, %reduce_sum3A_1053, %sign3A_1111 : i32
            %sign3A_1113 = arith.extui %sign3A_1112 : i1 to i32
            %sign3A_1114 = arith.constant 0 : i32
            %sign3A_1115 = arith.cmpi slt, %reduce_sum3A_1053, %sign3A_1114 : i32
            %sign3A_1116 = arith.extui %sign3A_1115 : i1 to i32
            %sign3A_1117 = arith.subi %sign3A_1113, %sign3A_1116 : i32
            %sign3A_1118 = arith.constant 0 : i32
            %sign3A_1119 = arith.cmpi sgt, %jit3A_1109, %sign3A_1118 : i32
            %sign3A_1120 = arith.extui %sign3A_1119 : i1 to i32
            %sign3A_1121 = arith.constant 0 : i32
            %sign3A_1122 = arith.cmpi slt, %jit3A_1109, %sign3A_1121 : i32
            %sign3A_1123 = arith.extui %sign3A_1122 : i1 to i32
            %sign3A_1124 = arith.subi %sign3A_1120, %sign3A_1123 : i32
            %ne3A_1125 = arith.cmpi ne, %sign3A_1117, %sign3A_1124 : i32
            %rem3A_1126 = arith.remsi %reduce_sum3A_1053, %jit3A_1109 : i32
            %ne3A_1127 = arith.constant 0 : i32
            %ne3A_1128 = arith.cmpi ne, %rem3A_1126, %ne3A_1127 : i32
            %and3A_1129 = arith.andi %ne3A_1125, %ne3A_1128 : i1
            %sub3A_1130 = arith.constant 1 : i32
            %sub3A_1131 = arith.subi %div3A_1110, %sub3A_1130 : i32
            %select_n3A_1132 = arith.select %and3A_1129, %sub3A_1131, %div3A_1110 : i32
            %mul3A_1133 = arith.constant 128 : i32
            %mul3A_1134 = arith.muli %select_n3A_1132, %mul3A_1133 : i32
            %multiple_of3A_1135 = tpu.assume_multiple %mul3A_1134, 128 : i32
            %jit3A_1136 = arith.constant 128 : i32
            %div3A_1137 = arith.divsi %reduce_sum3A_1108, %jit3A_1136 : i32
            %sign3A_1138 = arith.constant 0 : i32
            %sign3A_1139 = arith.cmpi sgt, %reduce_sum3A_1108, %sign3A_1138 : i32
            %sign3A_1140 = arith.extui %sign3A_1139 : i1 to i32
            %sign3A_1141 = arith.constant 0 : i32
            %sign3A_1142 = arith.cmpi slt, %reduce_sum3A_1108, %sign3A_1141 : i32
            %sign3A_1143 = arith.extui %sign3A_1142 : i1 to i32
            %sign3A_1144 = arith.subi %sign3A_1140, %sign3A_1143 : i32
            %sign3A_1145 = arith.constant 0 : i32
            %sign3A_1146 = arith.cmpi sgt, %jit3A_1136, %sign3A_1145 : i32
            %sign3A_1147 = arith.extui %sign3A_1146 : i1 to i32
            %sign3A_1148 = arith.constant 0 : i32
            %sign3A_1149 = arith.cmpi slt, %jit3A_1136, %sign3A_1148 : i32
            %sign3A_1150 = arith.extui %sign3A_1149 : i1 to i32
            %sign3A_1151 = arith.subi %sign3A_1147, %sign3A_1150 : i32
            %ne3A_1152 = arith.cmpi ne, %sign3A_1144, %sign3A_1151 : i32
            %rem3A_1153 = arith.remsi %reduce_sum3A_1108, %jit3A_1136 : i32
            %ne3A_1154 = arith.constant 0 : i32
            %ne3A_1155 = arith.cmpi ne, %rem3A_1153, %ne3A_1154 : i32
            %and3A_1156 = arith.andi %ne3A_1152, %ne3A_1155 : i1
            %sub3A_1157 = arith.constant 1 : i32
            %sub3A_1158 = arith.subi %div3A_1137, %sub3A_1157 : i32
            %select_n3A_1159 = arith.select %and3A_1156, %sub3A_1158, %div3A_1137 : i32
            %mul3A_1160 = arith.constant 128 : i32
            %mul3A_1161 = arith.muli %select_n3A_1159, %mul3A_1160 : i32
            %multiple_of3A_1162 = tpu.assume_multiple %mul3A_1161, 128 : i32
            %dma_start3A_1163 = arith.constant 0 : i32
            %dma_start3A_1164 = arith.constant 0 : i32
            %dma_start3A_1165 = tpu.memref_slice %arg9[%cond3A_995, %dma_start3A_1163, %dma_start3A_1164] : memref<6x64x128xf32, #tpu.memory_space<vmem>> -> memref<1x64x128xf32, #tpu.memory_space<vmem>>
            %dma_start3A_1166 = tpu.memref_squeeze %dma_start3A_1165 : memref<1x64x128xf32, #tpu.memory_space<vmem>> -> memref<64x128xf32, #tpu.memory_space<vmem>>
            %dma_start3A_1167 = arith.constant 0 : i32
            %dma_start3A_1168 = tpu.memref_slice %arg4[%dma_start3A_1167, %multiple_of3A_1135] : memref<64x1000000xf32, #tpu.memory_space<hbm>> -> memref<64x128xf32, #tpu.memory_space<hbm>>
            %dma_start3A_1169 = arith.constant 0 : i32
            %dma_start3A_1170 = arith.constant 0 : i32
            %dma_start3A_1171 = tpu.memref_slice %arg9[%cond3A_995, %dma_start3A_1169, %dma_start3A_1170] : memref<6x64x128xf32, #tpu.memory_space<vmem>> -> memref<1x64x128xf32, #tpu.memory_space<vmem>>
            %dma_start3A_1172 = tpu.memref_squeeze %dma_start3A_1171 : memref<1x64x128xf32, #tpu.memory_space<vmem>> -> memref<64x128xf32, #tpu.memory_space<vmem>>
            %dma_start3A_1173 = arith.constant 0 : i32
            %dma_start3A_1174 = tpu.memref_slice %arg4[%dma_start3A_1173, %multiple_of3A_1135] : memref<64x1000000xf32, #tpu.memory_space<hbm>> -> memref<64x128xf32, #tpu.memory_space<hbm>>
            tpu.enqueue_dma source(%dma_start3A_1174 : memref<64x128xf32, #tpu.memory_space<hbm>>) target(%dma_start3A_1172 : memref<64x128xf32, #tpu.memory_space<vmem>>) target_semaphore(%arg13 : memref<!tpu.dma_semaphore, #tpu.memory_space<semaphore_mem>>)
            %dma_start3A_1175 = arith.constant 0 : i32
            %dma_start3A_1176 = arith.constant 0 : i32
            %dma_start3A_1177 = tpu.memref_slice %arg10[%cond3A_996, %dma_start3A_1175, %dma_start3A_1176] : memref<6x64x128xf32, #tpu.memory_space<vmem>> -> memref<1x64x128xf32, #tpu.memory_space<vmem>>
            %dma_start3A_1178 = tpu.memref_squeeze %dma_start3A_1177 : memref<1x64x128xf32, #tpu.memory_space<vmem>> -> memref<64x128xf32, #tpu.memory_space<vmem>>
            %dma_start3A_1179 = arith.constant 0 : i32
            %dma_start3A_1180 = tpu.memref_slice %arg5[%dma_start3A_1179, %multiple_of3A_1162] : memref<64x1000000xf32, #tpu.memory_space<hbm>> -> memref<64x128xf32, #tpu.memory_space<hbm>>
            %dma_start3A_1181 = arith.constant 0 : i32
            %dma_start3A_1182 = arith.constant 0 : i32
            %dma_start3A_1183 = tpu.memref_slice %arg10[%cond3A_996, %dma_start3A_1181, %dma_start3A_1182] : memref<6x64x128xf32, #tpu.memory_space<vmem>> -> memref<1x64x128xf32, #tpu.memory_space<vmem>>
            %dma_start3A_1184 = tpu.memref_squeeze %dma_start3A_1183 : memref<1x64x128xf32, #tpu.memory_space<vmem>> -> memref<64x128xf32, #tpu.memory_space<vmem>>
            %dma_start3A_1185 = arith.constant 0 : i32
            %dma_start3A_1186 = tpu.memref_slice %arg5[%dma_start3A_1185, %multiple_of3A_1162] : memref<64x1000000xf32, #tpu.memory_space<hbm>> -> memref<64x128xf32, #tpu.memory_space<hbm>>
            tpu.enqueue_dma source(%dma_start3A_1186 : memref<64x128xf32, #tpu.memory_space<hbm>>) target(%dma_start3A_1184 : memref<64x128xf32, #tpu.memory_space<vmem>>) target_semaphore(%arg13 : memref<!tpu.dma_semaphore, #tpu.memory_space<semaphore_mem>>)
          } else {
          }
          scf.yield %select_n3A_989 : vector<16xf32>
        }
        scf.yield %cond3A_723 : vector<16xf32>
      } else {
        %dma_wait3A = arith.constant 0 : i32
        %dma_wait3A_719 = arith.constant 0 : i32
        %dma_wait3A_720 = arith.constant 0 : i32
        %dma_wait3A_721 = tpu.memref_slice %arg9[%dma_wait3A, %dma_wait3A_719, %dma_wait3A_720] : memref<6x64x128xf32, #tpu.memory_space<vmem>> -> memref<1x64x128xf32, #tpu.memory_space<vmem>>
        %dma_wait3A_722 = tpu.memref_squeeze %dma_wait3A_721 : memref<1x64x128xf32, #tpu.memory_space<vmem>> -> memref<64x128xf32, #tpu.memory_space<vmem>>
        %dma_wait3A_723 = arith.constant 0 : i32
        %dma_wait3A_724 = arith.constant 0 : i32
        %dma_wait3A_725 = tpu.memref_slice %arg4[%dma_wait3A_723, %dma_wait3A_724] : memref<64x1000000xf32, #tpu.memory_space<hbm>> -> memref<64x128xf32, #tpu.memory_space<hbm>>
        %dma_wait3A_726 = arith.constant 0 : i32
        %dma_wait3A_727 = arith.constant 0 : i32
        %dma_wait3A_728 = tpu.memref_slice %arg9[%dma_wait3A, %dma_wait3A_726, %dma_wait3A_727] : memref<6x64x128xf32, #tpu.memory_space<vmem>> -> memref<1x64x128xf32, #tpu.memory_space<vmem>>
        %dma_wait3A_729 = tpu.memref_squeeze %dma_wait3A_728 : memref<1x64x128xf32, #tpu.memory_space<vmem>> -> memref<64x128xf32, #tpu.memory_space<vmem>>
        %dma_wait3A_730 = arith.constant 0 : i32
        %dma_wait3A_731 = arith.constant 0 : i32
        %dma_wait3A_732 = tpu.memref_slice %arg4[%dma_wait3A_730, %dma_wait3A_731] : memref<64x1000000xf32, #tpu.memory_space<hbm>> -> memref<64x128xf32, #tpu.memory_space<hbm>>
        tpu.wait_dma2 semaphore(%arg12 : memref<!tpu.dma_semaphore, #tpu.memory_space<semaphore_mem>>) src(%dma_wait3A_732 : memref<64x128xf32, #tpu.memory_space<hbm>>) dst(%dma_wait3A_729 : memref<64x128xf32, #tpu.memory_space<vmem>>)
        %dma_wait3A_733 = arith.constant 0 : i32
        %dma_wait3A_734 = arith.constant 0 : i32
        %dma_wait3A_735 = arith.constant 0 : i32
        %dma_wait3A_736 = tpu.memref_slice %arg10[%dma_wait3A_733, %dma_wait3A_734, %dma_wait3A_735] : memref<6x64x128xf32, #tpu.memory_space<vmem>> -> memref<1x64x128xf32, #tpu.memory_space<vmem>>
        %dma_wait3A_737 = tpu.memref_squeeze %dma_wait3A_736 : memref<1x64x128xf32, #tpu.memory_space<vmem>> -> memref<64x128xf32, #tpu.memory_space<vmem>>
        %dma_wait3A_738 = arith.constant 0 : i32
        %dma_wait3A_739 = arith.constant 0 : i32
        %dma_wait3A_740 = tpu.memref_slice %arg5[%dma_wait3A_738, %dma_wait3A_739] : memref<64x1000000xf32, #tpu.memory_space<hbm>> -> memref<64x128xf32, #tpu.memory_space<hbm>>
        %dma_wait3A_741 = arith.constant 0 : i32
        %dma_wait3A_742 = arith.constant 0 : i32
        %dma_wait3A_743 = tpu.memref_slice %arg10[%dma_wait3A_733, %dma_wait3A_741, %dma_wait3A_742] : memref<6x64x128xf32, #tpu.memory_space<vmem>> -> memref<1x64x128xf32, #tpu.memory_space<vmem>>
        %dma_wait3A_744 = tpu.memref_squeeze %dma_wait3A_743 : memref<1x64x128xf32, #tpu.memory_space<vmem>> -> memref<64x128xf32, #tpu.memory_space<vmem>>
        %dma_wait3A_745 = arith.constant 0 : i32
        %dma_wait3A_746 = arith.constant 0 : i32
        %dma_wait3A_747 = tpu.memref_slice %arg5[%dma_wait3A_745, %dma_wait3A_746] : memref<64x1000000xf32, #tpu.memory_space<hbm>> -> memref<64x128xf32, #tpu.memory_space<hbm>>
        tpu.wait_dma2 semaphore(%arg12 : memref<!tpu.dma_semaphore, #tpu.memory_space<semaphore_mem>>) src(%dma_wait3A_747 : memref<64x128xf32, #tpu.memory_space<hbm>>) dst(%dma_wait3A_744 : memref<64x128xf32, #tpu.memory_space<vmem>>)
        %iota3A_748 = tpu.iota {dimensions = array<i32: 0>} : vector<16xi32>
        %jit3A_749 = arith.constant 16 : i32
        %div3A_750 = arith.divsi %scan3A_656, %jit3A_749 : i32
        %sign3A_751 = arith.constant 0 : i32
        %sign3A_752 = arith.cmpi sgt, %scan3A_656, %sign3A_751 : i32
        %sign3A_753 = arith.extui %sign3A_752 : i1 to i32
        %sign3A_754 = arith.constant 0 : i32
        %sign3A_755 = arith.cmpi slt, %scan3A_656, %sign3A_754 : i32
        %sign3A_756 = arith.extui %sign3A_755 : i1 to i32
        %sign3A_757 = arith.subi %sign3A_753, %sign3A_756 : i32
        %sign3A_758 = arith.constant 0 : i32
        %sign3A_759 = arith.cmpi sgt, %jit3A_749, %sign3A_758 : i32
        %sign3A_760 = arith.extui %sign3A_759 : i1 to i32
        %sign3A_761 = arith.constant 0 : i32
        %sign3A_762 = arith.cmpi slt, %jit3A_749, %sign3A_761 : i32
        %sign3A_763 = arith.extui %sign3A_762 : i1 to i32
        %sign3A_764 = arith.subi %sign3A_760, %sign3A_763 : i32
        %ne3A_765 = arith.cmpi ne, %sign3A_757, %sign3A_764 : i32
        %rem3A_766 = arith.remsi %scan3A_656, %jit3A_749 : i32
        %ne3A_767 = arith.constant 0 : i32
        %ne3A_768 = arith.cmpi ne, %rem3A_766, %ne3A_767 : i32
        %and3A_769 = arith.andi %ne3A_765, %ne3A_768 : i1
        %sub3A_770 = arith.constant 1 : i32
        %sub3A_771 = arith.subi %div3A_750, %sub3A_770 : i32
        %select_n3A_772 = arith.select %and3A_769, %sub3A_771, %div3A_750 : i32
        %mul3A_773 = arith.constant 16 : i32
        %mul3A_774 = arith.muli %select_n3A_772, %mul3A_773 : i32
        %multiple_of3A_775 = tpu.assume_multiple %mul3A_774, 16 : i32
        %get3A_776 = arith.index_cast %multiple_of3A_775 : i32 to index
        %get3A_777 = tpu.vector_load %arg7[%get3A_776] {strides = array<i32>} : memref<512xi32, #tpu.memory_space<vmem>>, vector<16xi32>,
        %jit3A_778 = arith.constant 16 : i32
        %eq3A_779 = arith.constant 0 : i32
        %eq3A_780 = arith.cmpi eq, %jit3A_778, %eq3A_779 : i32
        %jit3A_781 = arith.constant 1 : i32
        %select_n3A_782 = arith.select %eq3A_780, %jit3A_781, %jit3A_778 : i32
        %rem3A_783 = arith.remsi %scan3A_656, %select_n3A_782 : i32
        %ne3A_784 = arith.constant 0 : i32
        %ne3A_785 = arith.cmpi ne, %rem3A_783, %ne3A_784 : i32
        %lt3A_786 = arith.constant 0 : i32
        %lt3A_787 = arith.cmpi slt, %rem3A_783, %lt3A_786 : i32
        %lt3A_788 = arith.constant 0 : i32
        %lt3A_789 = arith.cmpi slt, %select_n3A_782, %lt3A_788 : i32
        %ne3A_790 = arith.xori %lt3A_787, %lt3A_789 : i1
        %and3A_791 = arith.andi %ne3A_790, %ne3A_785 : i1
        %add3A_792 = arith.addi %rem3A_783, %select_n3A_782 : i32
        %select_n3A_793 = arith.select %and3A_791, %add3A_792, %rem3A_783 : i32
        %eq3A_794 = vector.broadcast %select_n3A_793 : i32 to vector<16xi32>
        %eq3A_795 = arith.cmpi eq, %iota3A_748, %eq3A_794 : vector<16xi32>
        %jit3A_796 = arith.constant 0 : i32
        %broadcast_in_dim3A_797 = vector.broadcast %jit3A_796 : i32 to vector<16xi32>
        %select_n3A_798 = arith.select %eq3A_795, %get3A_777, %broadcast_in_dim3A_797 : vector<16xi1>, vector<16xi32>
        %reduce_sum3A_799 = arith.constant true
        %reduce_sum3A_800 = vector.broadcast %reduce_sum3A_799 : i1 to vector<16xi1>
        %reduce_sum3A_801 = tpu.scan <sum>, %select_n3A_798 masked %reduce_sum3A_800 : vector<16xi32>, vector<16xi1> -> vector<16xi32>
        %reduce_sum3A_802 = vector.extract %reduce_sum3A_801[15] : i32 from vector<16xi32>
        %iota3A_803 = tpu.iota {dimensions = array<i32: 0>} : vector<16xi32>
        %jit3A_804 = arith.constant 16 : i32
        %div3A_805 = arith.divsi %scan3A_656, %jit3A_804 : i32
        %sign3A_806 = arith.constant 0 : i32
        %sign3A_807 = arith.cmpi sgt, %scan3A_656, %sign3A_806 : i32
        %sign3A_808 = arith.extui %sign3A_807 : i1 to i32
        %sign3A_809 = arith.constant 0 : i32
        %sign3A_810 = arith.cmpi slt, %scan3A_656, %sign3A_809 : i32
        %sign3A_811 = arith.extui %sign3A_810 : i1 to i32
        %sign3A_812 = arith.subi %sign3A_808, %sign3A_811 : i32
        %sign3A_813 = arith.constant 0 : i32
        %sign3A_814 = arith.cmpi sgt, %jit3A_804, %sign3A_813 : i32
        %sign3A_815 = arith.extui %sign3A_814 : i1 to i32
        %sign3A_816 = arith.constant 0 : i32
        %sign3A_817 = arith.cmpi slt, %jit3A_804, %sign3A_816 : i32
        %sign3A_818 = arith.extui %sign3A_817 : i1 to i32
        %sign3A_819 = arith.subi %sign3A_815, %sign3A_818 : i32
        %ne3A_820 = arith.cmpi ne, %sign3A_812, %sign3A_819 : i32
        %rem3A_821 = arith.remsi %scan3A_656, %jit3A_804 : i32
        %ne3A_822 = arith.constant 0 : i32
        %ne3A_823 = arith.cmpi ne, %rem3A_821, %ne3A_822 : i32
        %and3A_824 = arith.andi %ne3A_820, %ne3A_823 : i1
        %sub3A_825 = arith.constant 1 : i32
        %sub3A_826 = arith.subi %div3A_805, %sub3A_825 : i32
        %select_n3A_827 = arith.select %and3A_824, %sub3A_826, %div3A_805 : i32
        %mul3A_828 = arith.constant 16 : i32
        %mul3A_829 = arith.muli %select_n3A_827, %mul3A_828 : i32
        %multiple_of3A_830 = tpu.assume_multiple %mul3A_829, 16 : i32
        %get3A_831 = arith.index_cast %multiple_of3A_830 : i32 to index
        %get3A_832 = tpu.vector_load %arg8[%get3A_831] {strides = array<i32>} : memref<512xi32, #tpu.memory_space<vmem>>, vector<16xi32>,
        %jit3A_833 = arith.constant 16 : i32
        %eq3A_834 = arith.constant 0 : i32
        %eq3A_835 = arith.cmpi eq, %jit3A_833, %eq3A_834 : i32
        %jit3A_836 = arith.constant 1 : i32
        %select_n3A_837 = arith.select %eq3A_835, %jit3A_836, %jit3A_833 : i32
        %rem3A_838 = arith.remsi %scan3A_656, %select_n3A_837 : i32
        %ne3A_839 = arith.constant 0 : i32
        %ne3A_840 = arith.cmpi ne, %rem3A_838, %ne3A_839 : i32
        %lt3A_841 = arith.constant 0 : i32
        %lt3A_842 = arith.cmpi slt, %rem3A_838, %lt3A_841 : i32
        %lt3A_843 = arith.constant 0 : i32
        %lt3A_844 = arith.cmpi slt, %select_n3A_837, %lt3A_843 : i32
        %ne3A_845 = arith.xori %lt3A_842, %lt3A_844 : i1
        %and3A_846 = arith.andi %ne3A_845, %ne3A_840 : i1
        %add3A_847 = arith.addi %rem3A_838, %select_n3A_837 : i32
        %select_n3A_848 = arith.select %and3A_846, %add3A_847, %rem3A_838 : i32
        %eq3A_849 = vector.broadcast %select_n3A_848 : i32 to vector<16xi32>
        %eq3A_850 = arith.cmpi eq, %iota3A_803, %eq3A_849 : vector<16xi32>
        %jit3A_851 = arith.constant 0 : i32
        %broadcast_in_dim3A_852 = vector.broadcast %jit3A_851 : i32 to vector<16xi32>
        %select_n3A_853 = arith.select %eq3A_850, %get3A_832, %broadcast_in_dim3A_852 : vector<16xi1>, vector<16xi32>
        %reduce_sum3A_854 = arith.constant true
        %reduce_sum3A_855 = vector.broadcast %reduce_sum3A_854 : i1 to vector<16xi1>
        %reduce_sum3A_856 = tpu.scan <sum>, %select_n3A_853 masked %reduce_sum3A_855 : vector<16xi32>, vector<16xi1> -> vector<16xi32>
        %reduce_sum3A_857 = vector.extract %reduce_sum3A_856[15] : i32 from vector<16xi32>
        %jit3A_858 = arith.constant 128 : i32
        %eq3A_859 = arith.constant 0 : i32
        %eq3A_860 = arith.cmpi eq, %jit3A_858, %eq3A_859 : i32
        %jit3A_861 = arith.constant 1 : i32
        %select_n3A_862 = arith.select %eq3A_860, %jit3A_861, %jit3A_858 : i32
        %rem3A_863 = arith.remsi %reduce_sum3A_802, %select_n3A_862 : i32
        %ne3A_864 = arith.constant 0 : i32
        %ne3A_865 = arith.cmpi ne, %rem3A_863, %ne3A_864 : i32
        %lt3A_866 = arith.constant 0 : i32
        %lt3A_867 = arith.cmpi slt, %rem3A_863, %lt3A_866 : i32
        %lt3A_868 = arith.constant 0 : i32
        %lt3A_869 = arith.cmpi slt, %select_n3A_862, %lt3A_868 : i32
        %ne3A_870 = arith.xori %lt3A_867, %lt3A_869 : i1
        %and3A_871 = arith.andi %ne3A_870, %ne3A_865 : i1
        %add3A_872 = arith.addi %rem3A_863, %select_n3A_862 : i32
        %select_n3A_873 = arith.select %and3A_871, %add3A_872, %rem3A_863 : i32
        %broadcast_in_dim3A_874 = vector.broadcast %select_n3A_873 : i32 to vector<16xi32>
        %jit3A_875 = arith.constant 128 : i32
        %eq3A_876 = arith.constant 0 : i32
        %eq3A_877 = arith.cmpi eq, %jit3A_875, %eq3A_876 : i32
        %jit3A_878 = arith.constant 1 : i32
        %select_n3A_879 = arith.select %eq3A_877, %jit3A_878, %jit3A_875 : i32
        %rem3A_880 = arith.remsi %reduce_sum3A_857, %select_n3A_879 : i32
        %ne3A_881 = arith.constant 0 : i32
        %ne3A_882 = arith.cmpi ne, %rem3A_880, %ne3A_881 : i32
        %lt3A_883 = arith.constant 0 : i32
        %lt3A_884 = arith.cmpi slt, %rem3A_880, %lt3A_883 : i32
        %lt3A_885 = arith.constant 0 : i32
        %lt3A_886 = arith.cmpi slt, %select_n3A_879, %lt3A_885 : i32
        %ne3A_887 = arith.xori %lt3A_884, %lt3A_886 : i1
        %and3A_888 = arith.andi %ne3A_887, %ne3A_882 : i1
        %add3A_889 = arith.addi %rem3A_880, %select_n3A_879 : i32
        %select_n3A_890 = arith.select %and3A_888, %add3A_889, %rem3A_880 : i32
        %broadcast_in_dim3A_891 = vector.broadcast %select_n3A_890 : i32 to vector<16xi32>
        %broadcast_in_dim3A_892 = arith.constant 0.000000e+00 : f32
        %broadcast_in_dim3A_893 = vector.broadcast %broadcast_in_dim3A_892 : f32 to vector<16xf32>
        %add3A_894 = arith.constant 0 : i32
        %add3A_895 = vector.broadcast %add3A_894 : i32 to vector<16xi32>
        %add3A_896 = arith.addi %iota3A_648, %add3A_895 : vector<16xi32>
        %gather3A = arith.constant 0 : i32
        %gather3A_897 = arith.constant 0 : i32
        %gather3A_898 = arith.constant 0 : i32
        %gather3A_899 = tpu.memref_slice %arg9[%gather3A, %gather3A_897, %gather3A_898] : memref<6x64x128xf32, #tpu.memory_space<vmem>> -> memref<1x64x128xf32, #tpu.memory_space<vmem>>
        %gather3A_900 = tpu.memref_squeeze %gather3A_899 : memref<1x64x128xf32, #tpu.memory_space<vmem>> -> memref<64x128xf32, #tpu.memory_space<vmem>>
        %gather3A_901 = tpu.vector_load_idx %gather3A_900[%add3A_896, %broadcast_in_dim3A_874] : memref<64x128xf32, #tpu.memory_space<vmem>>[vector<16xi32>, vector<16xi32>], vector<16xf32>,
        %gather3A_902 = arith.constant 0 : i32
        %gather3A_903 = arith.constant 0 : i32
        %gather3A_904 = arith.constant 0 : i32
        %gather3A_905 = tpu.memref_slice %arg10[%gather3A_902, %gather3A_903, %gather3A_904] : memref<6x64x128xf32, #tpu.memory_space<vmem>> -> memref<1x64x128xf32, #tpu.memory_space<vmem>>
        %gather3A_906 = tpu.memref_squeeze %gather3A_905 : memref<1x64x128xf32, #tpu.memory_space<vmem>> -> memref<64x128xf32, #tpu.memory_space<vmem>>
        %gather3A_907 = tpu.vector_load_idx %gather3A_906[%add3A_896, %broadcast_in_dim3A_891] : memref<64x128xf32, #tpu.memory_space<vmem>>[vector<16xi32>, vector<16xi32>], vector<16xf32>,
        %mul3A_908 = arith.mulf %gather3A_901, %gather3A_907 : vector<16xf32>
        %add3A_909 = arith.addf %broadcast_in_dim3A_893, %mul3A_908 : vector<16xf32>
        %add3A_910 = arith.constant 16 : i32
        %add3A_911 = vector.broadcast %add3A_910 : i32 to vector<16xi32>
        %add3A_912 = arith.addi %iota3A_648, %add3A_911 : vector<16xi32>
        %gather3A_913 = arith.constant 0 : i32
        %gather3A_914 = arith.constant 0 : i32
        %gather3A_915 = arith.constant 0 : i32
        %gather3A_916 = tpu.memref_slice %arg9[%gather3A_913, %gather3A_914, %gather3A_915] : memref<6x64x128xf32, #tpu.memory_space<vmem>> -> memref<1x64x128xf32, #tpu.memory_space<vmem>>
        %gather3A_917 = tpu.memref_squeeze %gather3A_916 : memref<1x64x128xf32, #tpu.memory_space<vmem>> -> memref<64x128xf32, #tpu.memory_space<vmem>>
        %gather3A_918 = tpu.vector_load_idx %gather3A_917[%add3A_912, %broadcast_in_dim3A_874] : memref<64x128xf32, #tpu.memory_space<vmem>>[vector<16xi32>, vector<16xi32>], vector<16xf32>,
        %gather3A_919 = arith.constant 0 : i32
        %gather3A_920 = arith.constant 0 : i32
        %gather3A_921 = arith.constant 0 : i32
        %gather3A_922 = tpu.memref_slice %arg10[%gather3A_919, %gather3A_920, %gather3A_921] : memref<6x64x128xf32, #tpu.memory_space<vmem>> -> memref<1x64x128xf32, #tpu.memory_space<vmem>>
        %gather3A_923 = tpu.memref_squeeze %gather3A_922 : memref<1x64x128xf32, #tpu.memory_space<vmem>> -> memref<64x128xf32, #tpu.memory_space<vmem>>
        %gather3A_924 = tpu.vector_load_idx %gather3A_923[%add3A_912, %broadcast_in_dim3A_891] : memref<64x128xf32, #tpu.memory_space<vmem>>[vector<16xi32>, vector<16xi32>], vector<16xf32>,
        %mul3A_925 = arith.mulf %gather3A_918, %gather3A_924 : vector<16xf32>
        %add3A_926 = arith.addf %add3A_909, %mul3A_925 : vector<16xf32>
        %add3A_927 = arith.constant 32 : i32
        %add3A_928 = vector.broadcast %add3A_927 : i32 to vector<16xi32>
        %add3A_929 = arith.addi %iota3A_648, %add3A_928 : vector<16xi32>
        %gather3A_930 = arith.constant 0 : i32
        %gather3A_931 = arith.constant 0 : i32
        %gather3A_932 = arith.constant 0 : i32
        %gather3A_933 = tpu.memref_slice %arg9[%gather3A_930, %gather3A_931, %gather3A_932] : memref<6x64x128xf32, #tpu.memory_space<vmem>> -> memref<1x64x128xf32, #tpu.memory_space<vmem>>
        %gather3A_934 = tpu.memref_squeeze %gather3A_933 : memref<1x64x128xf32, #tpu.memory_space<vmem>> -> memref<64x128xf32, #tpu.memory_space<vmem>>
        %gather3A_935 = tpu.vector_load_idx %gather3A_934[%add3A_929, %broadcast_in_dim3A_874] : memref<64x128xf32, #tpu.memory_space<vmem>>[vector<16xi32>, vector<16xi32>], vector<16xf32>,
        %gather3A_936 = arith.constant 0 : i32
        %gather3A_937 = arith.constant 0 : i32
        %gather3A_938 = arith.constant 0 : i32
        %gather3A_939 = tpu.memref_slice %arg10[%gather3A_936, %gather3A_937, %gather3A_938] : memref<6x64x128xf32, #tpu.memory_space<vmem>> -> memref<1x64x128xf32, #tpu.memory_space<vmem>>
        %gather3A_940 = tpu.memref_squeeze %gather3A_939 : memref<1x64x128xf32, #tpu.memory_space<vmem>> -> memref<64x128xf32, #tpu.memory_space<vmem>>
        %gather3A_941 = tpu.vector_load_idx %gather3A_940[%add3A_929, %broadcast_in_dim3A_891] : memref<64x128xf32, #tpu.memory_space<vmem>>[vector<16xi32>, vector<16xi32>], vector<16xf32>,
        %mul3A_942 = arith.mulf %gather3A_935, %gather3A_941 : vector<16xf32>
        %add3A_943 = arith.addf %add3A_926, %mul3A_942 : vector<16xf32>
        %add3A_944 = arith.constant 48 : i32
        %add3A_945 = vector.broadcast %add3A_944 : i32 to vector<16xi32>
        %add3A_946 = arith.addi %iota3A_648, %add3A_945 : vector<16xi32>
        %gather3A_947 = arith.constant 0 : i32
        %gather3A_948 = arith.constant 0 : i32
        %gather3A_949 = arith.constant 0 : i32
        %gather3A_950 = tpu.memref_slice %arg9[%gather3A_947, %gather3A_948, %gather3A_949] : memref<6x64x128xf32, #tpu.memory_space<vmem>> -> memref<1x64x128xf32, #tpu.memory_space<vmem>>
        %gather3A_951 = tpu.memref_squeeze %gather3A_950 : memref<1x64x128xf32, #tpu.memory_space<vmem>> -> memref<64x128xf32, #tpu.memory_space<vmem>>
        %gather3A_952 = tpu.vector_load_idx %gather3A_951[%add3A_946, %broadcast_in_dim3A_874] : memref<64x128xf32, #tpu.memory_space<vmem>>[vector<16xi32>, vector<16xi32>], vector<16xf32>,
        %gather3A_953 = arith.constant 0 : i32
        %gather3A_954 = arith.constant 0 : i32
        %gather3A_955 = arith.constant 0 : i32
        %gather3A_956 = tpu.memref_slice %arg10[%gather3A_953, %gather3A_954, %gather3A_955] : memref<6x64x128xf32, #tpu.memory_space<vmem>> -> memref<1x64x128xf32, #tpu.memory_space<vmem>>
        %gather3A_957 = tpu.memref_squeeze %gather3A_956 : memref<1x64x128xf32, #tpu.memory_space<vmem>> -> memref<64x128xf32, #tpu.memory_space<vmem>>
        %gather3A_958 = tpu.vector_load_idx %gather3A_957[%add3A_946, %broadcast_in_dim3A_891] : memref<64x128xf32, #tpu.memory_space<vmem>>[vector<16xi32>, vector<16xi32>], vector<16xf32>,
        %mul3A_959 = arith.mulf %gather3A_952, %gather3A_958 : vector<16xf32>
        %add3A_960 = arith.addf %add3A_943, %mul3A_959 : vector<16xf32>
        %reduce_sum3A_961 = arith.constant true
        %reduce_sum3A_962 = vector.broadcast %reduce_sum3A_961 : i1 to vector<16xi1>
        %reduce_sum3A_963 = tpu.scan <sum>, %add3A_960 masked %reduce_sum3A_962 : vector<16xf32>, vector<16xi1> -> vector<16xf32>
        %reduce_sum3A_964 = vector.extract %reduce_sum3A_963[15] : f32 from vector<16xf32>
        %jit3A_965 = arith.constant 16 : i32
        %eq3A_966 = arith.constant 0 : i32
        %eq3A_967 = arith.cmpi eq, %jit3A_965, %eq3A_966 : i32
        %jit3A_968 = arith.constant 1 : i32
        %select_n3A_969 = arith.select %eq3A_967, %jit3A_968, %jit3A_965 : i32
        %rem3A_970 = arith.remsi %scan3A_656, %select_n3A_969 : i32
        %ne3A_971 = arith.constant 0 : i32
        %ne3A_972 = arith.cmpi ne, %rem3A_970, %ne3A_971 : i32
        %lt3A_973 = arith.constant 0 : i32
        %lt3A_974 = arith.cmpi slt, %rem3A_970, %lt3A_973 : i32
        %lt3A_975 = arith.constant 0 : i32
        %lt3A_976 = arith.cmpi slt, %select_n3A_969, %lt3A_975 : i32
        %ne3A_977 = arith.xori %lt3A_974, %lt3A_976 : i1
        %and3A_978 = arith.andi %ne3A_977, %ne3A_972 : i1
        %add3A_979 = arith.addi %rem3A_970, %select_n3A_969 : i32
        %select_n3A_980 = arith.select %and3A_978, %add3A_979, %rem3A_970 : i32
        %eq3A_981 = vector.broadcast %select_n3A_980 : i32 to vector<16xi32>
        %eq3A_982 = arith.cmpi eq, %iota3A_648, %eq3A_981 : vector<16xi32>
        %broadcast_in_dim3A_983 = vector.broadcast %reduce_sum3A_964 : f32 to vector<16xf32>
        %select_n3A_984 = arith.select %eq3A_982, %broadcast_in_dim3A_983, %scan3A_657 : vector<16xi1>, vector<16xf32>
        %add3A_985 = arith.constant 6 : i32
        %add3A_986 = arith.addi %scan3A_656, %add3A_985 : i32
        %lt3A_987 = arith.constant 512 : i32
        %lt3A_988 = arith.cmpi slt, %add3A_986, %lt3A_987 : i32
        %convert_element_type3A_989 = arith.extui %lt3A_988 : i1 to i32
        %cond3A_990 = arith.constant 0 : i32
        %cond3A_991 = arith.constant 0 : i32
        %cond3A_992 = arith.constant 0 : i32
        %cond3A_993 = arith.cmpi ne, %convert_element_type3A_989, %cond3A_992 : i32
        scf.if %cond3A_993 {
          %iota3A_994 = tpu.iota {dimensions = array<i32: 0>} : vector<16xi32>
          %jit3A_995 = arith.constant 16 : i32
          %div3A_996 = arith.divsi %add3A_986, %jit3A_995 : i32
          %sign3A_997 = arith.constant 0 : i32
          %sign3A_998 = arith.cmpi sgt, %add3A_986, %sign3A_997 : i32
          %sign3A_999 = arith.extui %sign3A_998 : i1 to i32
          %sign3A_1000 = arith.constant 0 : i32
          %sign3A_1001 = arith.cmpi slt, %add3A_986, %sign3A_1000 : i32
          %sign3A_1002 = arith.extui %sign3A_1001 : i1 to i32
          %sign3A_1003 = arith.subi %sign3A_999, %sign3A_1002 : i32
          %sign3A_1004 = arith.constant 0 : i32
          %sign3A_1005 = arith.cmpi sgt, %jit3A_995, %sign3A_1004 : i32
          %sign3A_1006 = arith.extui %sign3A_1005 : i1 to i32
          %sign3A_1007 = arith.constant 0 : i32
          %sign3A_1008 = arith.cmpi slt, %jit3A_995, %sign3A_1007 : i32
          %sign3A_1009 = arith.extui %sign3A_1008 : i1 to i32
          %sign3A_1010 = arith.subi %sign3A_1006, %sign3A_1009 : i32
          %ne3A_1011 = arith.cmpi ne, %sign3A_1003, %sign3A_1010 : i32
          %rem3A_1012 = arith.remsi %add3A_986, %jit3A_995 : i32
          %ne3A_1013 = arith.constant 0 : i32
          %ne3A_1014 = arith.cmpi ne, %rem3A_1012, %ne3A_1013 : i32
          %and3A_1015 = arith.andi %ne3A_1011, %ne3A_1014 : i1
          %sub3A_1016 = arith.constant 1 : i32
          %sub3A_1017 = arith.subi %div3A_996, %sub3A_1016 : i32
          %select_n3A_1018 = arith.select %and3A_1015, %sub3A_1017, %div3A_996 : i32
          %mul3A_1019 = arith.constant 16 : i32
          %mul3A_1020 = arith.muli %select_n3A_1018, %mul3A_1019 : i32
          %multiple_of3A_1021 = tpu.assume_multiple %mul3A_1020, 16 : i32
          %get3A_1022 = arith.index_cast %multiple_of3A_1021 : i32 to index
          %get3A_1023 = tpu.vector_load %arg7[%get3A_1022] {strides = array<i32>} : memref<512xi32, #tpu.memory_space<vmem>>, vector<16xi32>,
          %jit3A_1024 = arith.constant 16 : i32
          %eq3A_1025 = arith.constant 0 : i32
          %eq3A_1026 = arith.cmpi eq, %jit3A_1024, %eq3A_1025 : i32
          %jit3A_1027 = arith.constant 1 : i32
          %select_n3A_1028 = arith.select %eq3A_1026, %jit3A_1027, %jit3A_1024 : i32
          %rem3A_1029 = arith.remsi %add3A_986, %select_n3A_1028 : i32
          %ne3A_1030 = arith.constant 0 : i32
          %ne3A_1031 = arith.cmpi ne, %rem3A_1029, %ne3A_1030 : i32
          %lt3A_1032 = arith.constant 0 : i32
          %lt3A_1033 = arith.cmpi slt, %rem3A_1029, %lt3A_1032 : i32
          %lt3A_1034 = arith.constant 0 : i32
          %lt3A_1035 = arith.cmpi slt, %select_n3A_1028, %lt3A_1034 : i32
          %ne3A_1036 = arith.xori %lt3A_1033, %lt3A_1035 : i1
          %and3A_1037 = arith.andi %ne3A_1036, %ne3A_1031 : i1
          %add3A_1038 = arith.addi %rem3A_1029, %select_n3A_1028 : i32
          %select_n3A_1039 = arith.select %and3A_1037, %add3A_1038, %rem3A_1029 : i32
          %eq3A_1040 = vector.broadcast %select_n3A_1039 : i32 to vector<16xi32>
          %eq3A_1041 = arith.cmpi eq, %iota3A_994, %eq3A_1040 : vector<16xi32>
          %jit3A_1042 = arith.constant 0 : i32
          %broadcast_in_dim3A_1043 = vector.broadcast %jit3A_1042 : i32 to vector<16xi32>
          %select_n3A_1044 = arith.select %eq3A_1041, %get3A_1023, %broadcast_in_dim3A_1043 : vector<16xi1>, vector<16xi32>
          %reduce_sum3A_1045 = arith.constant true
          %reduce_sum3A_1046 = vector.broadcast %reduce_sum3A_1045 : i1 to vector<16xi1>
          %reduce_sum3A_1047 = tpu.scan <sum>, %select_n3A_1044 masked %reduce_sum3A_1046 : vector<16xi32>, vector<16xi1> -> vector<16xi32>
          %reduce_sum3A_1048 = vector.extract %reduce_sum3A_1047[15] : i32 from vector<16xi32>
          %iota3A_1049 = tpu.iota {dimensions = array<i32: 0>} : vector<16xi32>
          %jit3A_1050 = arith.constant 16 : i32
          %div3A_1051 = arith.divsi %add3A_986, %jit3A_1050 : i32
          %sign3A_1052 = arith.constant 0 : i32
          %sign3A_1053 = arith.cmpi sgt, %add3A_986, %sign3A_1052 : i32
          %sign3A_1054 = arith.extui %sign3A_1053 : i1 to i32
          %sign3A_1055 = arith.constant 0 : i32
          %sign3A_1056 = arith.cmpi slt, %add3A_986, %sign3A_1055 : i32
          %sign3A_1057 = arith.extui %sign3A_1056 : i1 to i32
          %sign3A_1058 = arith.subi %sign3A_1054, %sign3A_1057 : i32
          %sign3A_1059 = arith.constant 0 : i32
          %sign3A_1060 = arith.cmpi sgt, %jit3A_1050, %sign3A_1059 : i32
          %sign3A_1061 = arith.extui %sign3A_1060 : i1 to i32
          %sign3A_1062 = arith.constant 0 : i32
          %sign3A_1063 = arith.cmpi slt, %jit3A_1050, %sign3A_1062 : i32
          %sign3A_1064 = arith.extui %sign3A_1063 : i1 to i32
          %sign3A_1065 = arith.subi %sign3A_1061, %sign3A_1064 : i32
          %ne3A_1066 = arith.cmpi ne, %sign3A_1058, %sign3A_1065 : i32
          %rem3A_1067 = arith.remsi %add3A_986, %jit3A_1050 : i32
          %ne3A_1068 = arith.constant 0 : i32
          %ne3A_1069 = arith.cmpi ne, %rem3A_1067, %ne3A_1068 : i32
          %and3A_1070 = arith.andi %ne3A_1066, %ne3A_1069 : i1
          %sub3A_1071 = arith.constant 1 : i32
          %sub3A_1072 = arith.subi %div3A_1051, %sub3A_1071 : i32
          %select_n3A_1073 = arith.select %and3A_1070, %sub3A_1072, %div3A_1051 : i32
          %mul3A_1074 = arith.constant 16 : i32
          %mul3A_1075 = arith.muli %select_n3A_1073, %mul3A_1074 : i32
          %multiple_of3A_1076 = tpu.assume_multiple %mul3A_1075, 16 : i32
          %get3A_1077 = arith.index_cast %multiple_of3A_1076 : i32 to index
          %get3A_1078 = tpu.vector_load %arg8[%get3A_1077] {strides = array<i32>} : memref<512xi32, #tpu.memory_space<vmem>>, vector<16xi32>,
          %jit3A_1079 = arith.constant 16 : i32
          %eq3A_1080 = arith.constant 0 : i32
          %eq3A_1081 = arith.cmpi eq, %jit3A_1079, %eq3A_1080 : i32
          %jit3A_1082 = arith.constant 1 : i32
          %select_n3A_1083 = arith.select %eq3A_1081, %jit3A_1082, %jit3A_1079 : i32
          %rem3A_1084 = arith.remsi %add3A_986, %select_n3A_1083 : i32
          %ne3A_1085 = arith.constant 0 : i32
          %ne3A_1086 = arith.cmpi ne, %rem3A_1084, %ne3A_1085 : i32
          %lt3A_1087 = arith.constant 0 : i32
          %lt3A_1088 = arith.cmpi slt, %rem3A_1084, %lt3A_1087 : i32
          %lt3A_1089 = arith.constant 0 : i32
          %lt3A_1090 = arith.cmpi slt, %select_n3A_1083, %lt3A_1089 : i32
          %ne3A_1091 = arith.xori %lt3A_1088, %lt3A_1090 : i1
          %and3A_1092 = arith.andi %ne3A_1091, %ne3A_1086 : i1
          %add3A_1093 = arith.addi %rem3A_1084, %select_n3A_1083 : i32
          %select_n3A_1094 = arith.select %and3A_1092, %add3A_1093, %rem3A_1084 : i32
          %eq3A_1095 = vector.broadcast %select_n3A_1094 : i32 to vector<16xi32>
          %eq3A_1096 = arith.cmpi eq, %iota3A_1049, %eq3A_1095 : vector<16xi32>
          %jit3A_1097 = arith.constant 0 : i32
          %broadcast_in_dim3A_1098 = vector.broadcast %jit3A_1097 : i32 to vector<16xi32>
          %select_n3A_1099 = arith.select %eq3A_1096, %get3A_1078, %broadcast_in_dim3A_1098 : vector<16xi1>, vector<16xi32>
          %reduce_sum3A_1100 = arith.constant true
          %reduce_sum3A_1101 = vector.broadcast %reduce_sum3A_1100 : i1 to vector<16xi1>
          %reduce_sum3A_1102 = tpu.scan <sum>, %select_n3A_1099 masked %reduce_sum3A_1101 : vector<16xi32>, vector<16xi1> -> vector<16xi32>
          %reduce_sum3A_1103 = vector.extract %reduce_sum3A_1102[15] : i32 from vector<16xi32>
          %jit3A_1104 = arith.constant 128 : i32
          %div3A_1105 = arith.divsi %reduce_sum3A_1048, %jit3A_1104 : i32
          %sign3A_1106 = arith.constant 0 : i32
          %sign3A_1107 = arith.cmpi sgt, %reduce_sum3A_1048, %sign3A_1106 : i32
          %sign3A_1108 = arith.extui %sign3A_1107 : i1 to i32
          %sign3A_1109 = arith.constant 0 : i32
          %sign3A_1110 = arith.cmpi slt, %reduce_sum3A_1048, %sign3A_1109 : i32
          %sign3A_1111 = arith.extui %sign3A_1110 : i1 to i32
          %sign3A_1112 = arith.subi %sign3A_1108, %sign3A_1111 : i32
          %sign3A_1113 = arith.constant 0 : i32
          %sign3A_1114 = arith.cmpi sgt, %jit3A_1104, %sign3A_1113 : i32
          %sign3A_1115 = arith.extui %sign3A_1114 : i1 to i32
          %sign3A_1116 = arith.constant 0 : i32
          %sign3A_1117 = arith.cmpi slt, %jit3A_1104, %sign3A_1116 : i32
          %sign3A_1118 = arith.extui %sign3A_1117 : i1 to i32
          %sign3A_1119 = arith.subi %sign3A_1115, %sign3A_1118 : i32
          %ne3A_1120 = arith.cmpi ne, %sign3A_1112, %sign3A_1119 : i32
          %rem3A_1121 = arith.remsi %reduce_sum3A_1048, %jit3A_1104 : i32
          %ne3A_1122 = arith.constant 0 : i32
          %ne3A_1123 = arith.cmpi ne, %rem3A_1121, %ne3A_1122 : i32
          %and3A_1124 = arith.andi %ne3A_1120, %ne3A_1123 : i1
          %sub3A_1125 = arith.constant 1 : i32
          %sub3A_1126 = arith.subi %div3A_1105, %sub3A_1125 : i32
          %select_n3A_1127 = arith.select %and3A_1124, %sub3A_1126, %div3A_1105 : i32
          %mul3A_1128 = arith.constant 128 : i32
          %mul3A_1129 = arith.muli %select_n3A_1127, %mul3A_1128 : i32
          %multiple_of3A_1130 = tpu.assume_multiple %mul3A_1129, 128 : i32
          %jit3A_1131 = arith.constant 128 : i32
          %div3A_1132 = arith.divsi %reduce_sum3A_1103, %jit3A_1131 : i32
          %sign3A_1133 = arith.constant 0 : i32
          %sign3A_1134 = arith.cmpi sgt, %reduce_sum3A_1103, %sign3A_1133 : i32
          %sign3A_1135 = arith.extui %sign3A_1134 : i1 to i32
          %sign3A_1136 = arith.constant 0 : i32
          %sign3A_1137 = arith.cmpi slt, %reduce_sum3A_1103, %sign3A_1136 : i32
          %sign3A_1138 = arith.extui %sign3A_1137 : i1 to i32
          %sign3A_1139 = arith.subi %sign3A_1135, %sign3A_1138 : i32
          %sign3A_1140 = arith.constant 0 : i32
          %sign3A_1141 = arith.cmpi sgt, %jit3A_1131, %sign3A_1140 : i32
          %sign3A_1142 = arith.extui %sign3A_1141 : i1 to i32
          %sign3A_1143 = arith.constant 0 : i32
          %sign3A_1144 = arith.cmpi slt, %jit3A_1131, %sign3A_1143 : i32
          %sign3A_1145 = arith.extui %sign3A_1144 : i1 to i32
          %sign3A_1146 = arith.subi %sign3A_1142, %sign3A_1145 : i32
          %ne3A_1147 = arith.cmpi ne, %sign3A_1139, %sign3A_1146 : i32
          %rem3A_1148 = arith.remsi %reduce_sum3A_1103, %jit3A_1131 : i32
          %ne3A_1149 = arith.constant 0 : i32
          %ne3A_1150 = arith.cmpi ne, %rem3A_1148, %ne3A_1149 : i32
          %and3A_1151 = arith.andi %ne3A_1147, %ne3A_1150 : i1
          %sub3A_1152 = arith.constant 1 : i32
          %sub3A_1153 = arith.subi %div3A_1132, %sub3A_1152 : i32
          %select_n3A_1154 = arith.select %and3A_1151, %sub3A_1153, %div3A_1132 : i32
          %mul3A_1155 = arith.constant 128 : i32
          %mul3A_1156 = arith.muli %select_n3A_1154, %mul3A_1155 : i32
          %multiple_of3A_1157 = tpu.assume_multiple %mul3A_1156, 128 : i32
          %dma_start3A_1158 = arith.constant 0 : i32
          %dma_start3A_1159 = arith.constant 0 : i32
          %dma_start3A_1160 = tpu.memref_slice %arg9[%cond3A_990, %dma_start3A_1158, %dma_start3A_1159] : memref<6x64x128xf32, #tpu.memory_space<vmem>> -> memref<1x64x128xf32, #tpu.memory_space<vmem>>
          %dma_start3A_1161 = tpu.memref_squeeze %dma_start3A_1160 : memref<1x64x128xf32, #tpu.memory_space<vmem>> -> memref<64x128xf32, #tpu.memory_space<vmem>>
          %dma_start3A_1162 = arith.constant 0 : i32
          %dma_start3A_1163 = tpu.memref_slice %arg4[%dma_start3A_1162, %multiple_of3A_1130] : memref<64x1000000xf32, #tpu.memory_space<hbm>> -> memref<64x128xf32, #tpu.memory_space<hbm>>
          %dma_start3A_1164 = arith.constant 0 : i32
          %dma_start3A_1165 = arith.constant 0 : i32
          %dma_start3A_1166 = tpu.memref_slice %arg9[%cond3A_990, %dma_start3A_1164, %dma_start3A_1165] : memref<6x64x128xf32, #tpu.memory_space<vmem>> -> memref<1x64x128xf32, #tpu.memory_space<vmem>>
          %dma_start3A_1167 = tpu.memref_squeeze %dma_start3A_1166 : memref<1x64x128xf32, #tpu.memory_space<vmem>> -> memref<64x128xf32, #tpu.memory_space<vmem>>
          %dma_start3A_1168 = arith.constant 0 : i32
          %dma_start3A_1169 = tpu.memref_slice %arg4[%dma_start3A_1168, %multiple_of3A_1130] : memref<64x1000000xf32, #tpu.memory_space<hbm>> -> memref<64x128xf32, #tpu.memory_space<hbm>>
          tpu.enqueue_dma source(%dma_start3A_1169 : memref<64x128xf32, #tpu.memory_space<hbm>>) target(%dma_start3A_1167 : memref<64x128xf32, #tpu.memory_space<vmem>>) target_semaphore(%arg12 : memref<!tpu.dma_semaphore, #tpu.memory_space<semaphore_mem>>)
          %dma_start3A_1170 = arith.constant 0 : i32
          %dma_start3A_1171 = arith.constant 0 : i32
          %dma_start3A_1172 = tpu.memref_slice %arg10[%cond3A_991, %dma_start3A_1170, %dma_start3A_1171] : memref<6x64x128xf32, #tpu.memory_space<vmem>> -> memref<1x64x128xf32, #tpu.memory_space<vmem>>
          %dma_start3A_1173 = tpu.memref_squeeze %dma_start3A_1172 : memref<1x64x128xf32, #tpu.memory_space<vmem>> -> memref<64x128xf32, #tpu.memory_space<vmem>>
          %dma_start3A_1174 = arith.constant 0 : i32
          %dma_start3A_1175 = tpu.memref_slice %arg5[%dma_start3A_1174, %multiple_of3A_1157] : memref<64x1000000xf32, #tpu.memory_space<hbm>> -> memref<64x128xf32, #tpu.memory_space<hbm>>
          %dma_start3A_1176 = arith.constant 0 : i32
          %dma_start3A_1177 = arith.constant 0 : i32
          %dma_start3A_1178 = tpu.memref_slice %arg10[%cond3A_991, %dma_start3A_1176, %dma_start3A_1177] : memref<6x64x128xf32, #tpu.memory_space<vmem>> -> memref<1x64x128xf32, #tpu.memory_space<vmem>>
          %dma_start3A_1179 = tpu.memref_squeeze %dma_start3A_1178 : memref<1x64x128xf32, #tpu.memory_space<vmem>> -> memref<64x128xf32, #tpu.memory_space<vmem>>
          %dma_start3A_1180 = arith.constant 0 : i32
          %dma_start3A_1181 = tpu.memref_slice %arg5[%dma_start3A_1180, %multiple_of3A_1157] : memref<64x1000000xf32, #tpu.memory_space<hbm>> -> memref<64x128xf32, #tpu.memory_space<hbm>>
          tpu.enqueue_dma source(%dma_start3A_1181 : memref<64x128xf32, #tpu.memory_space<hbm>>) target(%dma_start3A_1179 : memref<64x128xf32, #tpu.memory_space<vmem>>) target_semaphore(%arg12 : memref<!tpu.dma_semaphore, #tpu.memory_space<semaphore_mem>>)
        } else {
        }
        scf.yield %select_n3A_984 : vector<16xf32>
      }
      %jit3A_678 = arith.constant 16 : i32
      %eq3A_679 = arith.constant 0 : i32
      %eq3A_680 = arith.cmpi eq, %jit3A_678, %eq3A_679 : i32
      %jit3A_681 = arith.constant 1 : i32
      %select_n3A_682 = arith.select %eq3A_680, %jit3A_681, %jit3A_678 : i32
      %rem3A_683 = arith.remsi %scan3A_656, %select_n3A_682 : i32
      %ne3A_684 = arith.constant 0 : i32
      %ne3A_685 = arith.cmpi ne, %rem3A_683, %ne3A_684 : i32
      %lt3A_686 = arith.constant 0 : i32
      %lt3A_687 = arith.cmpi slt, %rem3A_683, %lt3A_686 : i32
      %lt3A_688 = arith.constant 0 : i32
      %lt3A_689 = arith.cmpi slt, %select_n3A_682, %lt3A_688 : i32
      %ne3A_690 = arith.xori %lt3A_687, %lt3A_689 : i1
      %and3A_691 = arith.andi %ne3A_690, %ne3A_685 : i1
      %add3A_692 = arith.addi %rem3A_683, %select_n3A_682 : i32
      %select_n3A_693 = arith.select %and3A_691, %add3A_692, %rem3A_683 : i32
      %eq3A_694 = arith.constant 15 : i32
      %eq3A_695 = arith.cmpi eq, %select_n3A_693, %eq3A_694 : i32
      %convert_element_type3A = arith.extui %eq3A_695 : i1 to i32
      %cond3A_696 = arith.constant 0 : i32
      %cond3A_697 = arith.cmpi ne, %convert_element_type3A, %cond3A_696 : i32
      scf.if %cond3A_697 {
        %jit3A_719 = arith.constant 16 : i32
        %div3A_720 = arith.divsi %scan3A_656, %jit3A_719 : i32
        %sign3A_721 = arith.constant 0 : i32
        %sign3A_722 = arith.cmpi sgt, %scan3A_656, %sign3A_721 : i32
        %sign3A_723 = arith.extui %sign3A_722 : i1 to i32
        %sign3A_724 = arith.constant 0 : i32
        %sign3A_725 = arith.cmpi slt, %scan3A_656, %sign3A_724 : i32
        %sign3A_726 = arith.extui %sign3A_725 : i1 to i32
        %sign3A_727 = arith.subi %sign3A_723, %sign3A_726 : i32
        %sign3A_728 = arith.constant 0 : i32
        %sign3A_729 = arith.cmpi sgt, %jit3A_719, %sign3A_728 : i32
        %sign3A_730 = arith.extui %sign3A_729 : i1 to i32
        %sign3A_731 = arith.constant 0 : i32
        %sign3A_732 = arith.cmpi slt, %jit3A_719, %sign3A_731 : i32
        %sign3A_733 = arith.extui %sign3A_732 : i1 to i32
        %sign3A_734 = arith.subi %sign3A_730, %sign3A_733 : i32
        %ne3A_735 = arith.cmpi ne, %sign3A_727, %sign3A_734 : i32
        %rem3A_736 = arith.remsi %scan3A_656, %jit3A_719 : i32
        %ne3A_737 = arith.constant 0 : i32
        %ne3A_738 = arith.cmpi ne, %rem3A_736, %ne3A_737 : i32
        %and3A_739 = arith.andi %ne3A_735, %ne3A_738 : i1
        %sub3A_740 = arith.constant 1 : i32
        %sub3A_741 = arith.subi %div3A_720, %sub3A_740 : i32
        %select_n3A_742 = arith.select %and3A_739, %sub3A_741, %div3A_720 : i32
        %mul3A_743 = arith.constant 16 : i32
        %mul3A_744 = arith.muli %select_n3A_742, %mul3A_743 : i32
        %multiple_of3A_745 = tpu.assume_multiple %mul3A_744, 16 : i32
        %swap3A = arith.index_cast %multiple_of3A_745 : i32 to index
        %swap3A_746 = tpu.vector_load %arg11[%swap3A] {strides = array<i32>} : memref<512xf32, #tpu.memory_space<vmem>>, vector<16xf32>,
        tpu.vector_store %arg11[%swap3A], %cond3A_677 {strides = array<i32>} : memref<512xf32, #tpu.memory_space<vmem>>, vector<16xf32>,
      } else {
      }
      %jit3A_698 = arith.constant 16 : i32
      %eq3A_699 = arith.constant 0 : i32
      %eq3A_700 = arith.cmpi eq, %jit3A_698, %eq3A_699 : i32
      %jit3A_701 = arith.constant 1 : i32
      %select_n3A_702 = arith.select %eq3A_700, %jit3A_701, %jit3A_698 : i32
      %rem3A_703 = arith.remsi %scan3A_656, %select_n3A_702 : i32
      %ne3A_704 = arith.constant 0 : i32
      %ne3A_705 = arith.cmpi ne, %rem3A_703, %ne3A_704 : i32
      %lt3A_706 = arith.constant 0 : i32
      %lt3A_707 = arith.cmpi slt, %rem3A_703, %lt3A_706 : i32
      %lt3A_708 = arith.constant 0 : i32
      %lt3A_709 = arith.cmpi slt, %select_n3A_702, %lt3A_708 : i32
      %ne3A_710 = arith.xori %lt3A_707, %lt3A_709 : i1
      %and3A_711 = arith.andi %ne3A_710, %ne3A_705 : i1
      %add3A_712 = arith.addi %rem3A_703, %select_n3A_702 : i32
      %select_n3A_713 = arith.select %and3A_711, %add3A_712, %rem3A_703 : i32
      %eq3A_714 = arith.constant 15 : i32
      %eq3A_715 = arith.cmpi eq, %select_n3A_713, %eq3A_714 : i32
      %broadcast_in_dim3A_716 = arith.constant 0.000000e+00 : f32
      %broadcast_in_dim3A_717 = vector.broadcast %broadcast_in_dim3A_716 : f32 to vector<16xf32>
      %select_n3A_718 = arith.select %eq3A_715, %broadcast_in_dim3A_717, %cond3A_677 : vector<16xf32>
      scf.yield %select_n3A_718 : vector<16xf32>
    }
    %scan3A_655 = arith.constant 512 : i32
    "tpu.region"() ({
      %run_scoped3A = tpu.sem_alloc : memref<!tpu.dma_semaphore, #tpu.memory_space<semaphore_mem>>
      %dma_start3A_656 = tpu.memref_slice %arg6[%mul3A_2] : memref<16384xf32, #tpu.memory_space<hbm>> -> memref<512xf32, #tpu.memory_space<hbm>>
      %dma_start3A_657 = tpu.memref_slice %arg6[%mul3A_2] : memref<16384xf32, #tpu.memory_space<hbm>> -> memref<512xf32, #tpu.memory_space<hbm>>
      tpu.enqueue_dma source(%arg11 : memref<512xf32, #tpu.memory_space<vmem>>) target(%dma_start3A_657 : memref<512xf32, #tpu.memory_space<hbm>>) target_semaphore(%run_scoped3A : memref<!tpu.dma_semaphore, #tpu.memory_space<semaphore_mem>>)
      %dma_wait3A = tpu.memref_slice %arg6[%mul3A_2] : memref<16384xf32, #tpu.memory_space<hbm>> -> memref<512xf32, #tpu.memory_space<hbm>>
      %dma_wait3A_658 = tpu.memref_slice %arg6[%mul3A_2] : memref<16384xf32, #tpu.memory_space<hbm>> -> memref<512xf32, #tpu.memory_space<hbm>>
      tpu.wait_dma2 semaphore(%run_scoped3A : memref<!tpu.dma_semaphore, #tpu.memory_space<semaphore_mem>>) src(%arg11 : memref<512xf32, #tpu.memory_space<vmem>>) dst(%dma_wait3A_658 : memref<512xf32, #tpu.memory_space<hbm>>)
      tpu.yield
    }) : () -> ()
    return
  }
}

#map = affine_map<(d0, d1) -> (0)>
module attributes {stable_mosaic.version = 14 : i64} {
  func.func @_mf_bias(%arg0: i32, %arg1: i32, %arg2: memref<16384xf32, #tpu.memory_space<hbm>>, %arg3: memref<16384xi32, #tpu.memory_space<hbm>>, %arg4: memref<16384xi32, #tpu.memory_space<hbm>>, %arg5: memref<1000000xf32, #tpu.memory_space<hbm>>, %arg6: memref<1000000xf32, #tpu.memory_space<hbm>>, %arg7: memref<16384xf32, #tpu.memory_space<hbm>>, %arg8: memref<512xi32, #tpu.memory_space<vmem>>, %arg9: memref<512xi32, #tpu.memory_space<vmem>>, %arg10: memref<512xf32, #tpu.memory_space<vmem>>, %arg11: memref<512xf32, #tpu.memory_space<vmem>>, %arg12: memref<512xf32, #tpu.memory_space<vmem>>, %arg13: memref<512xf32, #tpu.memory_space<vmem>>, %arg14: memref<!tpu.dma_semaphore, #tpu.memory_space<semaphore_mem>>) attributes {dimension_semantics = [#tpu.dimension_semantics<core_parallel>, #tpu.dimension_semantics<subcore_parallel>], iteration_bounds = array<i64: 2, 16>, scalar_prefetch = 0 : i64, scratch_operands = 7 : i64, tpu.core_type = #tpu.core_type<sc_vector_subcore>, window_params = [{transform_indices = #map}, {transform_indices = #map}, {transform_indices = #map}, {transform_indices = #map}, {transform_indices = #map}, {transform_indices = #map}]} {
    %mul3A = arith.constant 2 : i32
    %mul3A_0 = arith.muli %arg1, %mul3A : i32
    %add3A = arith.addi %mul3A_0, %arg0 : i32
    %mul3A_1 = arith.constant 512 : i32
    %mul3A_2 = arith.muli %add3A, %mul3A_1 : i32
    "tpu.region"() ({
      %run_scoped3A = tpu.sem_alloc : memref<!tpu.dma_semaphore, #tpu.memory_space<semaphore_mem>>
      %dma_start3A_103 = tpu.memref_slice %arg3[%mul3A_2] : memref<16384xi32, #tpu.memory_space<hbm>> -> memref<512xi32, #tpu.memory_space<hbm>>
      %dma_start3A_104 = tpu.memref_slice %arg3[%mul3A_2] : memref<16384xi32, #tpu.memory_space<hbm>> -> memref<512xi32, #tpu.memory_space<hbm>>
      tpu.enqueue_dma source(%dma_start3A_104 : memref<512xi32, #tpu.memory_space<hbm>>) target(%arg8 : memref<512xi32, #tpu.memory_space<vmem>>) target_semaphore(%run_scoped3A : memref<!tpu.dma_semaphore, #tpu.memory_space<semaphore_mem>>)
      %dma_wait3A_105 = tpu.memref_slice %arg3[%mul3A_2] : memref<16384xi32, #tpu.memory_space<hbm>> -> memref<512xi32, #tpu.memory_space<hbm>>
      %dma_wait3A_106 = tpu.memref_slice %arg3[%mul3A_2] : memref<16384xi32, #tpu.memory_space<hbm>> -> memref<512xi32, #tpu.memory_space<hbm>>
      tpu.wait_dma2 semaphore(%run_scoped3A : memref<!tpu.dma_semaphore, #tpu.memory_space<semaphore_mem>>) src(%dma_wait3A_106 : memref<512xi32, #tpu.memory_space<hbm>>) dst(%arg8 : memref<512xi32, #tpu.memory_space<vmem>>)
      tpu.yield
    }) : () -> ()
    "tpu.region"() ({
      %run_scoped3A = tpu.sem_alloc : memref<!tpu.dma_semaphore, #tpu.memory_space<semaphore_mem>>
      %dma_start3A_103 = tpu.memref_slice %arg4[%mul3A_2] : memref<16384xi32, #tpu.memory_space<hbm>> -> memref<512xi32, #tpu.memory_space<hbm>>
      %dma_start3A_104 = tpu.memref_slice %arg4[%mul3A_2] : memref<16384xi32, #tpu.memory_space<hbm>> -> memref<512xi32, #tpu.memory_space<hbm>>
      tpu.enqueue_dma source(%dma_start3A_104 : memref<512xi32, #tpu.memory_space<hbm>>) target(%arg9 : memref<512xi32, #tpu.memory_space<vmem>>) target_semaphore(%run_scoped3A : memref<!tpu.dma_semaphore, #tpu.memory_space<semaphore_mem>>)
      %dma_wait3A_105 = tpu.memref_slice %arg4[%mul3A_2] : memref<16384xi32, #tpu.memory_space<hbm>> -> memref<512xi32, #tpu.memory_space<hbm>>
      %dma_wait3A_106 = tpu.memref_slice %arg4[%mul3A_2] : memref<16384xi32, #tpu.memory_space<hbm>> -> memref<512xi32, #tpu.memory_space<hbm>>
      tpu.wait_dma2 semaphore(%run_scoped3A : memref<!tpu.dma_semaphore, #tpu.memory_space<semaphore_mem>>) src(%dma_wait3A_106 : memref<512xi32, #tpu.memory_space<hbm>>) dst(%arg9 : memref<512xi32, #tpu.memory_space<vmem>>)
      tpu.yield
    }) : () -> ()
    "tpu.region"() ({
      %run_scoped3A = tpu.sem_alloc : memref<!tpu.dma_semaphore, #tpu.memory_space<semaphore_mem>>
      %dma_start3A_103 = tpu.memref_slice %arg2[%mul3A_2] : memref<16384xf32, #tpu.memory_space<hbm>> -> memref<512xf32, #tpu.memory_space<hbm>>
      %dma_start3A_104 = tpu.memref_slice %arg2[%mul3A_2] : memref<16384xf32, #tpu.memory_space<hbm>> -> memref<512xf32, #tpu.memory_space<hbm>>
      tpu.enqueue_dma source(%dma_start3A_104 : memref<512xf32, #tpu.memory_space<hbm>>) target(%arg10 : memref<512xf32, #tpu.memory_space<vmem>>) target_semaphore(%run_scoped3A : memref<!tpu.dma_semaphore, #tpu.memory_space<semaphore_mem>>)
      %dma_wait3A_105 = tpu.memref_slice %arg2[%mul3A_2] : memref<16384xf32, #tpu.memory_space<hbm>> -> memref<512xf32, #tpu.memory_space<hbm>>
      %dma_wait3A_106 = tpu.memref_slice %arg2[%mul3A_2] : memref<16384xf32, #tpu.memory_space<hbm>> -> memref<512xf32, #tpu.memory_space<hbm>>
      tpu.wait_dma2 semaphore(%run_scoped3A : memref<!tpu.dma_semaphore, #tpu.memory_space<semaphore_mem>>) src(%dma_wait3A_106 : memref<512xf32, #tpu.memory_space<hbm>>) dst(%arg10 : memref<512xf32, #tpu.memory_space<vmem>>)
      tpu.yield
    }) : () -> ()
    %dma_start3A = arith.constant 0 : i32
    %dma_start3A_3 = tpu.memref_slice %arg11[%dma_start3A] : memref<512xf32, #tpu.memory_space<vmem>> -> memref<128xf32, #tpu.memory_space<vmem>>
    %dma_start3A_4 = arith.constant 0 : i32
    %dma_start3A_5 = tpu.memref_slice %arg8[%dma_start3A_4] : memref<512xi32, #tpu.memory_space<vmem>> -> memref<128xi32, #tpu.memory_space<vmem>>
    %dma_start3A_6 = arith.constant 0 : i32
    %dma_start3A_7 = tpu.memref_slice %arg5[%dma_start3A_6] : memref<1000000xf32, #tpu.memory_space<hbm>> -> memref<1000000xf32, #tpu.memory_space<hbm>>
    tpu.enqueue_indirect_dma source(%dma_start3A_7 : memref<1000000xf32, #tpu.memory_space<hbm>>) target(%dma_start3A_3 : memref<128xf32, #tpu.memory_space<vmem>>) offsets(%dma_start3A_5 : memref<128xi32, #tpu.memory_space<vmem>>) semaphore(%arg14 : memref<!tpu.dma_semaphore, #tpu.memory_space<semaphore_mem>>)
    %dma_start3A_8 = arith.constant 0 : i32
    %dma_start3A_9 = tpu.memref_slice %arg12[%dma_start3A_8] : memref<512xf32, #tpu.memory_space<vmem>> -> memref<128xf32, #tpu.memory_space<vmem>>
    %dma_start3A_10 = arith.constant 0 : i32
    %dma_start3A_11 = tpu.memref_slice %arg9[%dma_start3A_10] : memref<512xi32, #tpu.memory_space<vmem>> -> memref<128xi32, #tpu.memory_space<vmem>>
    %dma_start3A_12 = arith.constant 0 : i32
    %dma_start3A_13 = tpu.memref_slice %arg6[%dma_start3A_12] : memref<1000000xf32, #tpu.memory_space<hbm>> -> memref<1000000xf32, #tpu.memory_space<hbm>>
    tpu.enqueue_indirect_dma source(%dma_start3A_13 : memref<1000000xf32, #tpu.memory_space<hbm>>) target(%dma_start3A_9 : memref<128xf32, #tpu.memory_space<vmem>>) offsets(%dma_start3A_11 : memref<128xi32, #tpu.memory_space<vmem>>) semaphore(%arg14 : memref<!tpu.dma_semaphore, #tpu.memory_space<semaphore_mem>>)
    %dma_start3A_14 = arith.constant 128 : i32
    %dma_start3A_15 = tpu.memref_slice %arg11[%dma_start3A_14] : memref<512xf32, #tpu.memory_space<vmem>> -> memref<128xf32, #tpu.memory_space<vmem>>
    %dma_start3A_16 = arith.constant 128 : i32
    %dma_start3A_17 = tpu.memref_slice %arg8[%dma_start3A_16] : memref<512xi32, #tpu.memory_space<vmem>> -> memref<128xi32, #tpu.memory_space<vmem>>
    %dma_start3A_18 = arith.constant 0 : i32
    %dma_start3A_19 = tpu.memref_slice %arg5[%dma_start3A_18] : memref<1000000xf32, #tpu.memory_space<hbm>> -> memref<1000000xf32, #tpu.memory_space<hbm>>
    tpu.enqueue_indirect_dma source(%dma_start3A_19 : memref<1000000xf32, #tpu.memory_space<hbm>>) target(%dma_start3A_15 : memref<128xf32, #tpu.memory_space<vmem>>) offsets(%dma_start3A_17 : memref<128xi32, #tpu.memory_space<vmem>>) semaphore(%arg14 : memref<!tpu.dma_semaphore, #tpu.memory_space<semaphore_mem>>)
    %dma_start3A_20 = arith.constant 128 : i32
    %dma_start3A_21 = tpu.memref_slice %arg12[%dma_start3A_20] : memref<512xf32, #tpu.memory_space<vmem>> -> memref<128xf32, #tpu.memory_space<vmem>>
    %dma_start3A_22 = arith.constant 128 : i32
    %dma_start3A_23 = tpu.memref_slice %arg9[%dma_start3A_22] : memref<512xi32, #tpu.memory_space<vmem>> -> memref<128xi32, #tpu.memory_space<vmem>>
    %dma_start3A_24 = arith.constant 0 : i32
    %dma_start3A_25 = tpu.memref_slice %arg6[%dma_start3A_24] : memref<1000000xf32, #tpu.memory_space<hbm>> -> memref<1000000xf32, #tpu.memory_space<hbm>>
    tpu.enqueue_indirect_dma source(%dma_start3A_25 : memref<1000000xf32, #tpu.memory_space<hbm>>) target(%dma_start3A_21 : memref<128xf32, #tpu.memory_space<vmem>>) offsets(%dma_start3A_23 : memref<128xi32, #tpu.memory_space<vmem>>) semaphore(%arg14 : memref<!tpu.dma_semaphore, #tpu.memory_space<semaphore_mem>>)
    %dma_start3A_26 = arith.constant 256 : i32
    %dma_start3A_27 = tpu.memref_slice %arg11[%dma_start3A_26] : memref<512xf32, #tpu.memory_space<vmem>> -> memref<128xf32, #tpu.memory_space<vmem>>
    %dma_start3A_28 = arith.constant 256 : i32
    %dma_start3A_29 = tpu.memref_slice %arg8[%dma_start3A_28] : memref<512xi32, #tpu.memory_space<vmem>> -> memref<128xi32, #tpu.memory_space<vmem>>
    %dma_start3A_30 = arith.constant 0 : i32
    %dma_start3A_31 = tpu.memref_slice %arg5[%dma_start3A_30] : memref<1000000xf32, #tpu.memory_space<hbm>> -> memref<1000000xf32, #tpu.memory_space<hbm>>
    tpu.enqueue_indirect_dma source(%dma_start3A_31 : memref<1000000xf32, #tpu.memory_space<hbm>>) target(%dma_start3A_27 : memref<128xf32, #tpu.memory_space<vmem>>) offsets(%dma_start3A_29 : memref<128xi32, #tpu.memory_space<vmem>>) semaphore(%arg14 : memref<!tpu.dma_semaphore, #tpu.memory_space<semaphore_mem>>)
    %dma_start3A_32 = arith.constant 256 : i32
    %dma_start3A_33 = tpu.memref_slice %arg12[%dma_start3A_32] : memref<512xf32, #tpu.memory_space<vmem>> -> memref<128xf32, #tpu.memory_space<vmem>>
    %dma_start3A_34 = arith.constant 256 : i32
    %dma_start3A_35 = tpu.memref_slice %arg9[%dma_start3A_34] : memref<512xi32, #tpu.memory_space<vmem>> -> memref<128xi32, #tpu.memory_space<vmem>>
    %dma_start3A_36 = arith.constant 0 : i32
    %dma_start3A_37 = tpu.memref_slice %arg6[%dma_start3A_36] : memref<1000000xf32, #tpu.memory_space<hbm>> -> memref<1000000xf32, #tpu.memory_space<hbm>>
    tpu.enqueue_indirect_dma source(%dma_start3A_37 : memref<1000000xf32, #tpu.memory_space<hbm>>) target(%dma_start3A_33 : memref<128xf32, #tpu.memory_space<vmem>>) offsets(%dma_start3A_35 : memref<128xi32, #tpu.memory_space<vmem>>) semaphore(%arg14 : memref<!tpu.dma_semaphore, #tpu.memory_space<semaphore_mem>>)
    %dma_start3A_38 = arith.constant 384 : i32
    %dma_start3A_39 = tpu.memref_slice %arg11[%dma_start3A_38] : memref<512xf32, #tpu.memory_space<vmem>> -> memref<128xf32, #tpu.memory_space<vmem>>
    %dma_start3A_40 = arith.constant 384 : i32
    %dma_start3A_41 = tpu.memref_slice %arg8[%dma_start3A_40] : memref<512xi32, #tpu.memory_space<vmem>> -> memref<128xi32, #tpu.memory_space<vmem>>
    %dma_start3A_42 = arith.constant 0 : i32
    %dma_start3A_43 = tpu.memref_slice %arg5[%dma_start3A_42] : memref<1000000xf32, #tpu.memory_space<hbm>> -> memref<1000000xf32, #tpu.memory_space<hbm>>
    tpu.enqueue_indirect_dma source(%dma_start3A_43 : memref<1000000xf32, #tpu.memory_space<hbm>>) target(%dma_start3A_39 : memref<128xf32, #tpu.memory_space<vmem>>) offsets(%dma_start3A_41 : memref<128xi32, #tpu.memory_space<vmem>>) semaphore(%arg14 : memref<!tpu.dma_semaphore, #tpu.memory_space<semaphore_mem>>)
    %dma_start3A_44 = arith.constant 384 : i32
    %dma_start3A_45 = tpu.memref_slice %arg12[%dma_start3A_44] : memref<512xf32, #tpu.memory_space<vmem>> -> memref<128xf32, #tpu.memory_space<vmem>>
    %dma_start3A_46 = arith.constant 384 : i32
    %dma_start3A_47 = tpu.memref_slice %arg9[%dma_start3A_46] : memref<512xi32, #tpu.memory_space<vmem>> -> memref<128xi32, #tpu.memory_space<vmem>>
    %dma_start3A_48 = arith.constant 0 : i32
    %dma_start3A_49 = tpu.memref_slice %arg6[%dma_start3A_48] : memref<1000000xf32, #tpu.memory_space<hbm>> -> memref<1000000xf32, #tpu.memory_space<hbm>>
    tpu.enqueue_indirect_dma source(%dma_start3A_49 : memref<1000000xf32, #tpu.memory_space<hbm>>) target(%dma_start3A_45 : memref<128xf32, #tpu.memory_space<vmem>>) offsets(%dma_start3A_47 : memref<128xi32, #tpu.memory_space<vmem>>) semaphore(%arg14 : memref<!tpu.dma_semaphore, #tpu.memory_space<semaphore_mem>>)
    %dma_wait3A = arith.constant 0 : i32
    %dma_wait3A_50 = tpu.memref_slice %arg11[%dma_wait3A] : memref<512xf32, #tpu.memory_space<vmem>> -> memref<128xf32, #tpu.memory_space<vmem>>
    %dma_wait3A_51 = arith.constant 0 : i32
    %dma_wait3A_52 = tpu.memref_slice %arg8[%dma_wait3A_51] : memref<512xi32, #tpu.memory_space<vmem>> -> memref<128xi32, #tpu.memory_space<vmem>>
    %dma_wait3A_53 = arith.constant 0 : i32
    %dma_wait3A_54 = tpu.memref_slice %arg5[%dma_wait3A_53] : memref<1000000xf32, #tpu.memory_space<hbm>> -> memref<1000000xf32, #tpu.memory_space<hbm>>
    tpu.wait_indirect_dma semaphore(%arg14 : memref<!tpu.dma_semaphore, #tpu.memory_space<semaphore_mem>>) src(%dma_wait3A_54 : memref<1000000xf32, #tpu.memory_space<hbm>>) dst(%dma_wait3A_50 : memref<128xf32, #tpu.memory_space<vmem>>)
    %dma_wait3A_55 = arith.constant 0 : i32
    %dma_wait3A_56 = tpu.memref_slice %arg12[%dma_wait3A_55] : memref<512xf32, #tpu.memory_space<vmem>> -> memref<128xf32, #tpu.memory_space<vmem>>
    %dma_wait3A_57 = arith.constant 0 : i32
    %dma_wait3A_58 = tpu.memref_slice %arg9[%dma_wait3A_57] : memref<512xi32, #tpu.memory_space<vmem>> -> memref<128xi32, #tpu.memory_space<vmem>>
    %dma_wait3A_59 = arith.constant 0 : i32
    %dma_wait3A_60 = tpu.memref_slice %arg6[%dma_wait3A_59] : memref<1000000xf32, #tpu.memory_space<hbm>> -> memref<1000000xf32, #tpu.memory_space<hbm>>
    tpu.wait_indirect_dma semaphore(%arg14 : memref<!tpu.dma_semaphore, #tpu.memory_space<semaphore_mem>>) src(%dma_wait3A_60 : memref<1000000xf32, #tpu.memory_space<hbm>>) dst(%dma_wait3A_56 : memref<128xf32, #tpu.memory_space<vmem>>)
    %dma_wait3A_61 = arith.constant 128 : i32
    %dma_wait3A_62 = tpu.memref_slice %arg11[%dma_wait3A_61] : memref<512xf32, #tpu.memory_space<vmem>> -> memref<128xf32, #tpu.memory_space<vmem>>
    %dma_wait3A_63 = arith.constant 128 : i32
    %dma_wait3A_64 = tpu.memref_slice %arg8[%dma_wait3A_63] : memref<512xi32, #tpu.memory_space<vmem>> -> memref<128xi32, #tpu.memory_space<vmem>>
    %dma_wait3A_65 = arith.constant 0 : i32
    %dma_wait3A_66 = tpu.memref_slice %arg5[%dma_wait3A_65] : memref<1000000xf32, #tpu.memory_space<hbm>> -> memref<1000000xf32, #tpu.memory_space<hbm>>
    tpu.wait_indirect_dma semaphore(%arg14 : memref<!tpu.dma_semaphore, #tpu.memory_space<semaphore_mem>>) src(%dma_wait3A_66 : memref<1000000xf32, #tpu.memory_space<hbm>>) dst(%dma_wait3A_62 : memref<128xf32, #tpu.memory_space<vmem>>)
    %dma_wait3A_67 = arith.constant 128 : i32
    %dma_wait3A_68 = tpu.memref_slice %arg12[%dma_wait3A_67] : memref<512xf32, #tpu.memory_space<vmem>> -> memref<128xf32, #tpu.memory_space<vmem>>
    %dma_wait3A_69 = arith.constant 128 : i32
    %dma_wait3A_70 = tpu.memref_slice %arg9[%dma_wait3A_69] : memref<512xi32, #tpu.memory_space<vmem>> -> memref<128xi32, #tpu.memory_space<vmem>>
    %dma_wait3A_71 = arith.constant 0 : i32
    %dma_wait3A_72 = tpu.memref_slice %arg6[%dma_wait3A_71] : memref<1000000xf32, #tpu.memory_space<hbm>> -> memref<1000000xf32, #tpu.memory_space<hbm>>
    tpu.wait_indirect_dma semaphore(%arg14 : memref<!tpu.dma_semaphore, #tpu.memory_space<semaphore_mem>>) src(%dma_wait3A_72 : memref<1000000xf32, #tpu.memory_space<hbm>>) dst(%dma_wait3A_68 : memref<128xf32, #tpu.memory_space<vmem>>)
    %dma_wait3A_73 = arith.constant 256 : i32
    %dma_wait3A_74 = tpu.memref_slice %arg11[%dma_wait3A_73] : memref<512xf32, #tpu.memory_space<vmem>> -> memref<128xf32, #tpu.memory_space<vmem>>
    %dma_wait3A_75 = arith.constant 256 : i32
    %dma_wait3A_76 = tpu.memref_slice %arg8[%dma_wait3A_75] : memref<512xi32, #tpu.memory_space<vmem>> -> memref<128xi32, #tpu.memory_space<vmem>>
    %dma_wait3A_77 = arith.constant 0 : i32
    %dma_wait3A_78 = tpu.memref_slice %arg5[%dma_wait3A_77] : memref<1000000xf32, #tpu.memory_space<hbm>> -> memref<1000000xf32, #tpu.memory_space<hbm>>
    tpu.wait_indirect_dma semaphore(%arg14 : memref<!tpu.dma_semaphore, #tpu.memory_space<semaphore_mem>>) src(%dma_wait3A_78 : memref<1000000xf32, #tpu.memory_space<hbm>>) dst(%dma_wait3A_74 : memref<128xf32, #tpu.memory_space<vmem>>)
    %dma_wait3A_79 = arith.constant 256 : i32
    %dma_wait3A_80 = tpu.memref_slice %arg12[%dma_wait3A_79] : memref<512xf32, #tpu.memory_space<vmem>> -> memref<128xf32, #tpu.memory_space<vmem>>
    %dma_wait3A_81 = arith.constant 256 : i32
    %dma_wait3A_82 = tpu.memref_slice %arg9[%dma_wait3A_81] : memref<512xi32, #tpu.memory_space<vmem>> -> memref<128xi32, #tpu.memory_space<vmem>>
    %dma_wait3A_83 = arith.constant 0 : i32
    %dma_wait3A_84 = tpu.memref_slice %arg6[%dma_wait3A_83] : memref<1000000xf32, #tpu.memory_space<hbm>> -> memref<1000000xf32, #tpu.memory_space<hbm>>
    tpu.wait_indirect_dma semaphore(%arg14 : memref<!tpu.dma_semaphore, #tpu.memory_space<semaphore_mem>>) src(%dma_wait3A_84 : memref<1000000xf32, #tpu.memory_space<hbm>>) dst(%dma_wait3A_80 : memref<128xf32, #tpu.memory_space<vmem>>)
    %dma_wait3A_85 = arith.constant 384 : i32
    %dma_wait3A_86 = tpu.memref_slice %arg11[%dma_wait3A_85] : memref<512xf32, #tpu.memory_space<vmem>> -> memref<128xf32, #tpu.memory_space<vmem>>
    %dma_wait3A_87 = arith.constant 384 : i32
    %dma_wait3A_88 = tpu.memref_slice %arg8[%dma_wait3A_87] : memref<512xi32, #tpu.memory_space<vmem>> -> memref<128xi32, #tpu.memory_space<vmem>>
    %dma_wait3A_89 = arith.constant 0 : i32
    %dma_wait3A_90 = tpu.memref_slice %arg5[%dma_wait3A_89] : memref<1000000xf32, #tpu.memory_space<hbm>> -> memref<1000000xf32, #tpu.memory_space<hbm>>
    tpu.wait_indirect_dma semaphore(%arg14 : memref<!tpu.dma_semaphore, #tpu.memory_space<semaphore_mem>>) src(%dma_wait3A_90 : memref<1000000xf32, #tpu.memory_space<hbm>>) dst(%dma_wait3A_86 : memref<128xf32, #tpu.memory_space<vmem>>)
    %dma_wait3A_91 = arith.constant 384 : i32
    %dma_wait3A_92 = tpu.memref_slice %arg12[%dma_wait3A_91] : memref<512xf32, #tpu.memory_space<vmem>> -> memref<128xf32, #tpu.memory_space<vmem>>
    %dma_wait3A_93 = arith.constant 384 : i32
    %dma_wait3A_94 = tpu.memref_slice %arg9[%dma_wait3A_93] : memref<512xi32, #tpu.memory_space<vmem>> -> memref<128xi32, #tpu.memory_space<vmem>>
    %dma_wait3A_95 = arith.constant 0 : i32
    %dma_wait3A_96 = tpu.memref_slice %arg6[%dma_wait3A_95] : memref<1000000xf32, #tpu.memory_space<hbm>> -> memref<1000000xf32, #tpu.memory_space<hbm>>
    tpu.wait_indirect_dma semaphore(%arg14 : memref<!tpu.dma_semaphore, #tpu.memory_space<semaphore_mem>>) src(%dma_wait3A_96 : memref<1000000xf32, #tpu.memory_space<hbm>>) dst(%dma_wait3A_92 : memref<128xf32, #tpu.memory_space<vmem>>)
    %scan3A = arith.constant 0 : i32
    %scan3A_97 = arith.constant 0 : i32
    %scan3A_98 = arith.constant 32 : i32
    %scan3A_99 = arith.addi %scan3A_97, %scan3A_98 : i32
    %scan3A_100 = arith.constant 1 : i32
    %scan3A_101 = scf.for %scan3A_103 = %scan3A_97 to %scan3A_99 step %scan3A_100 iter_args(%scan3A_104 = %scan3A) -> (i32)  : i32 {
      %mul3A_105 = arith.constant 16 : i32
      %mul3A_106 = arith.muli %scan3A_103, %mul3A_105 : i32
      %get3A = arith.index_cast %mul3A_106 : i32 to index
      %get3A_107 = tpu.vector_load %arg10[%get3A] {strides = array<i32>} : memref<512xf32, #tpu.memory_space<vmem>>, vector<16xf32>,
      %get3A_108 = arith.index_cast %mul3A_106 : i32 to index
      %get3A_109 = tpu.vector_load %arg11[%get3A_108] {strides = array<i32>} : memref<512xf32, #tpu.memory_space<vmem>>, vector<16xf32>,
      %add3A_110 = arith.addf %get3A_107, %get3A_109 : vector<16xf32>
      %get3A_111 = arith.index_cast %mul3A_106 : i32 to index
      %get3A_112 = tpu.vector_load %arg12[%get3A_111] {strides = array<i32>} : memref<512xf32, #tpu.memory_space<vmem>>, vector<16xf32>,
      %add3A_113 = arith.addf %add3A_110, %get3A_112 : vector<16xf32>
      %add3A_114 = arith.constant 3.500000e+00 : f32
      %add3A_115 = vector.broadcast %add3A_114 : f32 to vector<16xf32>
      %add3A_116 = arith.addf %add3A_113, %add3A_115 : vector<16xf32>
      %swap3A = arith.index_cast %mul3A_106 : i32 to index
      %swap3A_117 = tpu.vector_load %arg13[%swap3A] {strides = array<i32>} : memref<512xf32, #tpu.memory_space<vmem>>, vector<16xf32>,
      tpu.vector_store %arg13[%swap3A], %add3A_116 {strides = array<i32>} : memref<512xf32, #tpu.memory_space<vmem>>, vector<16xf32>,
      %scan3A_118 = arith.constant 0 : i32
      scf.yield %scan3A_118 : i32
    }
    %scan3A_102 = arith.constant 32 : i32
    "tpu.region"() ({
      %run_scoped3A = tpu.sem_alloc : memref<!tpu.dma_semaphore, #tpu.memory_space<semaphore_mem>>
      %dma_start3A_103 = tpu.memref_slice %arg7[%mul3A_2] : memref<16384xf32, #tpu.memory_space<hbm>> -> memref<512xf32, #tpu.memory_space<hbm>>
      %dma_start3A_104 = tpu.memref_slice %arg7[%mul3A_2] : memref<16384xf32, #tpu.memory_space<hbm>> -> memref<512xf32, #tpu.memory_space<hbm>>
      tpu.enqueue_dma source(%arg13 : memref<512xf32, #tpu.memory_space<vmem>>) target(%dma_start3A_104 : memref<512xf32, #tpu.memory_space<hbm>>) target_semaphore(%run_scoped3A : memref<!tpu.dma_semaphore, #tpu.memory_space<semaphore_mem>>)
      %dma_wait3A_105 = tpu.memref_slice %arg7[%mul3A_2] : memref<16384xf32, #tpu.memory_space<hbm>> -> memref<512xf32, #tpu.memory_space<hbm>>
      %dma_wait3A_106 = tpu.memref_slice %arg7[%mul3A_2] : memref<16384xf32, #tpu.memory_space<hbm>> -> memref<512xf32, #tpu.memory_space<hbm>>
      tpu.wait_dma2 semaphore(%run_scoped3A : memref<!tpu.dma_semaphore, #tpu.memory_space<semaphore_mem>>) src(%arg13 : memref<512xf32, #tpu.memory_space<vmem>>) dst(%dma_wait3A_106 : memref<512xf32, #tpu.memory_space<hbm>>)
      tpu.yield
    }) : () -> ()
    return
  }
}

</mosaic_0001>

<sc_bundles>
// kernel: kernel.4.cloned.1.call-start
scs
__scs_entry_jumppad:
0x0: {  	(pc) =	sbr.rel $0x88, $3  }
0x1: {  	(tag) =	ssettag $0x0;
	lr =	simm.s32 $0x1  }
0x2: {  	[smem:$0x3F9B] =	sst lr;
	_ =	strace $0xD0000000  }
0x3: {  	_ = 	snop  }
0x4: {  	_ = 	snop  }
0x5: {  	_ = 	snop  }
0x6: {  	_ = 	snop  }
0x7: {  	_ = 	snop  }
__scs_overlays_trampoline_lowered:
0x8: {  	[smem:$0x3FAA] =	sst s0  }
0x9: {  	[smem:$0x3FAB] =	sst s1  }
0xa: {  	[smem:$0x3FAC] =	sst s2  }
0xb: {  	[smem:$0x3FAD] =	sst s3  }
0xc: {  	[smem:$0x3FAE] =	sst s4  }
0xd: {  	[smem:$0x3FAF] =	sst s5  }
0xe: {  	[smem:$0x3FB0] =	sst s6  }
0xf: {  	[smem:$0x3FB1] =	sst s7  }
0x10: {  	[smem:$0x3FB2] =	sst s8  }
0x11: {  	[smem:$0x3FB3] =	sst s9;
	s0 =	simm.s32 @!p0 $0x0  }
0x12: {  	s1 =	sld [smem:$0x3F99];
	s0 =	simm.s32 @p0 $0x1  }
0x13: {  	[smem:$0x3FB4] =	sst s0;
	s0 =	simm.s32 @!p1 $0x0  }
0x14: {  	s2 =	sld [smem:$0x3F98];
	s0 =	simm.s32 @p1 $0x1  }
0x15: {  	[smem:$0x3FB5] =	sst s0;
	s0 =	simm.s32 @!p2 $0x0  }
0x16: {  	s3 =	sld [smem:$0x3FDB];
	s0 =	simm.s32 @p2 $0x1  }
0x17: {  	s4 =	simm.s32 $0x1BF5;
	[smem:$0x3FB7] =	sst s0  }
0x18: {  	s0 =	sld [smem:$0x3F9A];
	_ =	swait.ge [sflag:s4], $0x0  }
0x19: {  	s7 =	sld [smem:$0x3F9B]  }
0x1a: {  	s8 =	sadd.s32 $0xFFFFE003, lr  }
0x1b: {  	s9 =	sadd.s32 $0xFFFFFEF7, lr;
	s5 =	simm.s32 $0xFFFFFFFF;
	p2 =	slt.u32 s8, $0xFFFFF086  }
0x1c: {  	p1 =	slt.u32 s9, $0xF7A;
	s5 =	simm.s32 @!p2 $0x0  }
0x1d: {  	s5 =	simm.s32 @p1 $0x1;
	p0 =	seq.s32 s7, s2  }
0x1e: {  	s7 =	smul.u32 @!p0 $0xF7A, s2;
	p2 =	seq.s32 @!p0 s5, $0x0  }
0x1f: {  	s9 =	smul.u32 $0xF7A, s1;
	s8 =	simm.s32 @!p0 $0x1BF5;
	p2 =	por !p2, p0  }
0x20: {  	[sflag:s8] =	ssyncset.s32 @!p0 $0xFFFFF086;
	s6 =	sadd.s32 @!p0 s3, s7;
	s7 =	simm.s32 @!p0 $0x108  }
0x21: {  	s3 =	sadd.s32 s3, s9;
	s6 =	sadd.s32 @!p0 $0x88, s6;
	s7 =	simm.s32 @p2 $0x1082  }
0x22: {  	[simem:s7], [sflag:s8] =	dma.local @!p0 [hbm:s6], $0xF7A  }
0x23: {  	s9 =	sor.u32 $0xD0000000, s2;
	s6 =	simm.s32 $0x108;
	_ =	swait.ge @!p0 [sflag:s8], $0x0  }
0x24: {  	s3 =	sadd.s32 $0x88, s3;
	s6 =	simm.s32 @!p1 $0x1082;
	[sflag:s4] =	ssyncset.s32 $0xFFFFF086  }
0x25: {  	[simem:s6], [sflag:s4] =	dma.local [hbm:s3], $0xF7A  }
0x26: {  	[smem:$0x3F9B] =	sst s1;
	(tag) =	ssettag s2;
	_ =	strace s9  }
0x27: {  	s1 =	sld [smem:$0x3FAB]  }
0x28: {  	s2 =	sld [smem:$0x3FAC]  }
0x29: {  	s4 =	sld [smem:$0x3FAE]  }
0x2a: {  	p0 =	seq.s32 s5, $0x0;
	s5 =	sld [smem:$0x3FAF]  }
0x2b: {  	s6 =	sld [smem:$0x3FB0]  }
0x2c: {  	s7 =	sld [smem:$0x3FB1]  }
0x2d: {  	s3 =	simm.s32 $0x108;
	s8 =	sld [smem:$0x3FB2]  }
0x2e: {  	s3 =	simm.s32 @!p0 $0x1082;
	s9 =	sld [smem:$0x3FB3]  }
0x2f: {  	lr =	sadd.s32 s0, s3;
	s0 =	sld [smem:$0x3FAA]  }
0x30: {  	s3 =	sld [smem:$0x3FAD]  }
0x31: {  	[smem:$0x3FB6] =	sst s10  }
0x32: {  	s10 =	sld [smem:$0x3FB4];
	_ =	sdelay $0x3  }
0x33: {  	p0 =	seq.s32 s10, $0x1;
	s10 =	sld [smem:$0x3FB6];
	_ =	sdelay $0x3  }
0x34: {  	[smem:$0x3FB6] =	sst s10  }
0x35: {  	s10 =	sld [smem:$0x3FB5];
	_ =	sdelay $0x3  }
0x36: {  	p1 =	seq.s32 s10, $0x1;
	s10 =	sld [smem:$0x3FB6];
	_ =	sdelay $0x3  }
0x37: {  	[smem:$0x3FB6] =	sst s10  }
0x38: {  	s10 =	sld [smem:$0x3FB7]  }
0x39: {  	_ = 	snop;
	(pc) =	sbr.ind lr, $3  }
0x3a: {  	_ = 	snop  }
0x3b: {  	_ = 	snop  }
0x3c: {  	p2 =	seq.s32 s10, $0x1;
	s10 =	sld [smem:$0x3FB6]  }
0x3d: {  	_ =	shalt  }
0x3e: {  	_ =	shalt  }
0x3f: {  	_ =	shalt  }
0x40: {  	_ =	shalt  }
0x41: {  	_ =	shalt  }
0x42: {  	_ =	shalt  }
0x43: {  	_ =	shalt  }
0x44: {  	_ =	shalt  }
0x45: {  	_ =	shalt  }
0x46: {  	_ =	shalt  }
0x47: {  	_ =	shalt  }
0x48: {  	_ =	shalt  }
0x49: {  	_ =	shalt  }
0x4a: {  	_ =	shalt  }
0x4b: {  	_ =	shalt  }
0x4c: {  	_ =	shalt  }
0x4d: {  	_ =	shalt  }
0x4e: {  	_ =	shalt  }
0x4f: {  	_ =	shalt  }
0x50: {  	_ =	shalt  }
0x51: {  	_ =	shalt  }
0x52: {  	_ =	shalt  }
0x53: {  	_ =	shalt  }
0x54: {  	_ =	shalt  }
0x55: {  	_ =	shalt  }
0x56: {  	_ =	shalt  }
0x57: {  	_ =	shalt  }
0x58: {  	_ =	shalt  }
0x59: {  	_ =	shalt  }
0x5a: {  	_ =	shalt  }
0x5b: {  	_ =	shalt  }
0x5c: {  	_ =	shalt  }
0x5d: {  	_ =	shalt  }
0x5e: {  	_ =	shalt  }
0x5f: {  	_ =	shalt  }
0x60: {  	_ =	shalt  }
0x61: {  	_ =	shalt  }
0x62: {  	_ =	shalt  }
0x63: {  	_ =	shalt  }
0x64: {  	_ =	shalt  }
0x65: {  	_ =	shalt  }
0x66: {  	_ =	shalt  }
0x67: {  	_ =	shalt  }
0x68: {  	_ =	shalt  }
0x69: {  	_ =	shalt  }
0x6a: {  	_ =	shalt  }
0x6b: {  	_ =	shalt  }
0x6c: {  	_ =	shalt  }
0x6d: {  	_ =	shalt  }
0x6e: {  	_ =	shalt  }
0x6f: {  	_ =	shalt  }
0x70: {  	_ =	shalt  }
0x71: {  	_ =	shalt  }
0x72: {  	_ =	shalt  }
0x73: {  	_ =	shalt  }
0x74: {  	_ =	shalt  }
0x75: {  	_ =	shalt  }
0x76: {  	_ =	shalt  }
0x77: {  	_ =	shalt  }
0x78: {  	_ =	shalt  }
0x79: {  	_ =	shalt  }
0x7a: {  	_ =	shalt  }
0x7b: {  	_ =	shalt  }
0x7c: {  	_ =	shalt  }
0x7d: {  	_ =	shalt  }
0x7e: {  	_ =	shalt  }
0x7f: {  	_ =	shalt  }
0x80: {  	_ =	shalt  }
0x81: {  	_ =	shalt  }
0x82: {  	_ =	shalt  }
0x83: {  	_ =	shalt  }
0x84: {  	_ =	shalt  }
0x85: {  	_ =	shalt  }
0x86: {  	_ =	shalt  }
0x87: {  	_ =	shalt  }
.Lfunc_end0:
.L_simem_size_0:
called_computation_lowered:
.L_overlay_start_0:
0x88: {  	s2 =	sld [smem:$0x3FD9]  }
0x89: {  	s3 =	sld [smem:$0x3FFE];
	_ =	sdelay $0x1  }
0x8a: {  	s1 =	srdreg.scid  }
0x8b: {  	s0 =	sand.u32 $0x1, s1  }
0x8c: {  	s17 =	sshll.u32 s0, $0xA;
	s2 =	sadd.s32 s3, s2  }
0x8d: {  	s2 =	sadd.s32 s2, s17  }
0x8e: {  	[smem:$0x3FC2] =	sst s2  }
0x8f: {  	_ = 	snop  }
0x90: {  	s2 =	sld [smem:$0x3FC9]  }
0x91: {  	s18 =	sld [smem:$0x3FC8]  }
0x92: {  	s4 =	sld [smem:$0x3FC7]  }
0x93: {  	s5 =	sld [smem:$0x3FC6];
	(tm) =	ssettm $0x1  }
0x94: {  	s6 =	sld [smem:$0x3FFB];
	_ =	sdelay $0x3  }
0x95: {  	_ =	strace s6  }
0x96: {  	s6 =	sld [smem:$0x3FFC];
	_ =	sdelay $0x3  }
0x97: {  	_ =	strace s6  }
0x98: {  	s6 =	sld [smem:$0x3FFD];
	_ =	sdelay $0x3  }
0x99: {  	_ =	strace s6  }
0x9a: {  	_ =	strace $0x8FFFFFFF  }
0x9b: {  	s19 =	sld [smem:$0x3FDB];
	_ =	sdelay $0x1  }
0x9c: {  	s7 =	simm.s32 $_scs_section_size  }
0x9d: {  	s8 =	simm.s32 $_size__tile_overlayer_lowered;
	s9 =	simm.s32 $_tile_overlayer_lowered  }
0x9e: {  	s22 =	simm.s32 $0x1BFF;
	s21 =	sshll.u32 s9, $0x1;
	s6 =	sadd.s32 s7, s19  }
0x9f: {  	s10 =	simm.s32 $0x0;
	s20 =	sshll.u32 s8, $0x1;
	s8 =	sadd.s32 s21, s6  }
0xa0: {  	[timem:s10], [sflag:s22] =	dma.local [hbm:s8], s20  }
0xa1: {  	_ =	swait.ge [sflag:s22], s20  }
0xa2: {  	s7 =	ssub.s32 $0x0, s20;
	[sflag:s22] =	ssyncset.done $0x0  }
0xa3: {  	[sflag:s22] =	ssyncadd.s32 s7;
	_ =	sdelay $0x1  }
0xa4: {  	s23 =	simm.s32 $0x1B8B  }
0xa5: {  	_ =	swait.ge [sflag:s23], $0x1  }
0xa6: {  	[sflag:s23] =	ssyncset.done $0x0  }
0xa7: {  	s25 =	simm.s32 $0x1B8E;
	s24 =	sld [smem:$0x3FFE];
	[sflag:s23] =	ssyncadd.s32 $0xFFFFFFFF  }
0xa8: {  	s26 =	simm.s32 $execute0_lowered;
	[smem:$0x3FD2] =	sst s25  }
0xa9: {  	s8 =	sshll.u32 s26, $0x1;
	_ =	strace $0x80000046;
	[dreg:$0x1] =	wrdreg $0xFFFFFFFF  }
0xaa: {  	s28 =	simm.s32 $_size_execute0_lowered;
	s6 =	sadd.s32 s6, s8;
	[dreg:$0x0] =	wrdreg $0x0  }
0xab: {  	s8 =	sshll.u32 s28, $0x1;
	[dreg:$0x2] =	wrdreg s6  }
0xac: {  	[dreg:$0x3] =	wrdreg s8  }
0xad: {  	[dreg:$0x4] =	wrdreg $0xC0  }
0xae: {  	_ =	task [dreg:s10], $0x5FFFF  }
0xaf: {  	[dreg:$0x1] =	wrdreg $0xFFFFFFFF  }
0xb0: {  	[dreg:$0x0] =	wrdreg $0x60  }
0xb1: {  	[dreg:$0x2] =	wrdreg s2  }
0xb2: {  	[dreg:$0x3] =	wrdreg s18  }
0xb3: {  	[dreg:$0x4] =	wrdreg s4  }
0xb4: {  	[dreg:$0x5] =	wrdreg s5  }
0xb5: {  	[dreg:$0x6] =	wrdreg s24  }
0xb6: {  	[dreg:$0x7] =	wrdreg $0x9  }
0xb7: {  	_ =	task.clear_ibuf [dreg:s10], $0x8FFFF;
	_ =	strace $0x90000046  }
0xb8: {  	s29 =	simm.s32 $0x9;
	_ =	strace $0x80000048  }
0xb9: {  	_ =	swait.ge [sflag:s29], $0x1  }
0xba: {  	[sflag:s29] =	ssyncadd.s32 $0xFFFFFFFF  }
0xbb: {  	_ =	strace $0x90000048  }
0xbc: {  	_ =	sfence  }
0xbd: {  	s30 =	sld [smem:$0x0];
	_ =	sdelay $0x2  }
0xbe: {  	s31 =	sshll.u32 s1, $0xD;
	s1 =	sshrl.u32 s1, $0x2  }
0xbf: {  	s3 =	sand.u32 $0x4000, s31;
	s1 =	sadd.s32 s1, s30  }
0xc0: {  	s0 =	sor.u32 s3, s0;
	s1 =	sshll.u32 s1, $0x11  }
0xc1: {  	s0 =	sor.u32 s1, s0  }
0xc2: {  	s0 =	sadd.s32 $0x8F2B, s0  }
0xc3: {  	[sflag:s0] =	ssyncadd.remote.s32 $0x1  }
0xc4: {  	_ =	sfence.sel $0xFFFF  }
0xc5: {  	[dreg:$0x0] =	wrdreg $0xFFFFFFFF;
	(pc) =	sbr.abs _section_cstart, $3  }
0xc6: {  	[dreg:$0x1] =	wrdreg $0xFFFFFFFF  }
0xc7: {  	_ =	task.clear_ibuf [dreg:s10], $0x2FFFF;
	_ =	strace $0x9FFFFFFF  }
0xc8: {  	(tm) =	ssettm $0x7FFFFFFF  }
0xc9: {  	_ =	shalt  }
tec
execute0_lowered:
.L_overlay_start_1:
0x0: {  	(tag) =	ssettag $0x1  }
0x1: {  	s0 =	rddreg [dreg:$0x0]  }
0x2: {  	s3 =	rddreg [dreg:$0x1]  }
0x3: {  	s1 =	rddreg [dreg:$0x2]  }
0x4: {  	s2 =	rddreg [dreg:$0x3]  }
0x5: {  	s5 =	rddreg [dreg:$0x4];
	s6 =	srdreg.scid  }
0x6: {  	s10 =	simm.s32 $0x0;
	s4 =	stileid.u32;
	s9 =	simm.s32 $0x7  }
0x7: {  	s11 =	simm.s32 $0x1;
	s12 =	simm.s32 $0x7A1400;
	s13 =	simm.s32 $0x400  }
0x8: {  	s14 =	simm.s32 $0xC400;
	s15 =	simm.s32 $0x2400;
	s16 =	simm.s32 $0xE400  }
0x9: {  	s17 =	simm.s32 $0x4400;
	s18 =	simm.s32 $0x10400;
	s19 =	simm.s32 $0x6400  }
0xa: {  	s20 =	simm.s32 $0x12400;
	s21 =	simm.s32 $0x8400;
	s22 =	simm.s32 $0x14400  }
0xb: {  	s28 =	simm.s32 $0x6;
	s29 =	simm.s32 $0x3;
	s30 =	simm.s32 $0x4  }
0xc: {  	s31 =	simm.s32 $0x5;
	s6 =	sand.u32 $0x1, s6;
	s7 =	sshll.u32 s4, $0x7  }
0xd: {  	[smem:$0x7FF] =	sst s10;
	s8 =	sshll.u32 s6, $0x6;
	s6 =	ssub.s32 $0x2, s6  }
0xe: {  	_ =	strace $0x80000047;
	s7 =	sor.u32 s8, s7;
	s23 =	sshrl.u32 s6, $0x1  }
.Ltmp0:
0xf: {  	s5 =	sadd.s32 s7, s5;
	s0 =	sadd.s32 s0, s7;
	(pc) =	sbr.rel .LBB2_1-.Ltmp0, $4  }
0x10: {  	vm0 =	vmmov $0x1;
	v0 =	vlaneseq.u32;
	s6 =	ssub.s32 s6, s23;
	s24 =	sadd.s32 s3, s7;
	[dreg:$0x6] =	wrdreg s0  }
0x11: {  	vm1 =	vcmask $0x308;
	vm2 =	vcmask $0x70C;
	v1 =	vmul.u32 $0x80, v0;
	s23 =	simm.s32 $0xA400;
	[dreg:$0x7] =	wrdreg s24;
	s25 =	sadd.s32 $0x200, s5  }
0x12: {  	vm3 =	vcmask $0xB10;
	vm4 =	vcmask $0xF14;
	vm5 =	vcmask $0x1318;
	s26 =	smax.u32 s6, $0x1;
	s24 =	simm.s32 $0x16400;
	[dreg:$0x8] =	wrdreg s25  }
0x13: {  	v2 =	vor.u32 $0x800, v1;
	v3 =	vor.u32 $0x1000, v1;
	v4 =	vor.u32 $0x1800, v1;
	s0 =	simm.s32 $0x0;
	[dreg:$0x9] =	wrdreg s26;
	s25 =	simm.s32 $0x2  }
.LBB2_15:
0x14: {  	s10 =	simm.s32 $0x0;
	s3 =	rddreg [dreg:$0x8];
	s4 =	simm.s32 $0x18400  }
0x15: {  	[hbm4b:s3+s10] =	stream.linear.scatter [tilespmem:s4], [sflag:$0x7], $0x200, $0x38;
	[tilespmem:$0x18600] =	vst v63  }
0x16: {  	_ =	swait.ge [sflag:s9], $0x200  }
0x17: {  	s0 =	sadd.s32 $0x1, s0;
	s26 =	rddreg [dreg:$0x9]  }
0x18: {  	p0 =	sne.s32 s0, s26  }
.Ltmp1:
0x19: {  	_ = 	snop;
	(pc) =	sbr.rel @!p0 .LBB2_16-.Ltmp1, $3  }
0x1a: {  	_ =	sdelay $0x1  }
0x1b: {  	[sflag:s9] =	ssyncset.done $0x0  }
0x1c: {  	[sflag:s9] =	ssyncadd.s32 $0xFFFFFE00  }
.LBB2_1:
0x1d: {  	s3 =	rddreg [dreg:$0x6]  }
0x1e: {  	[tilespmem:s10], [sflag:$0x7] =	stream.linear.gather [hbm4b:s3+s10], $0x200, $0x38;
	[tilespmem:$0x18600] =	vst v63  }
0x1f: {  	_ =	swait.ge [sflag:s9], $0x200  }
0x20: {  	[sflag:s9] =	ssyncset.done $0x0  }
0x21: {  	s4 =	simm.s32 $0x200;
	s8 =	rddreg [dreg:$0x7];
	[sflag:s9] =	ssyncadd.s32 $0xFFFFFE00  }
0x22: {  	[tilespmem:s4], [sflag:$0x7] =	stream.linear.gather [hbm4b:s8+s10], $0x200, $0x38;
	[tilespmem:$0x18600] =	vst v63  }
0x23: {  	_ =	swait.ge [sflag:s9], $0x200  }
0x24: {  	[sflag:s9] =	ssyncset.done $0x0  }
0x25: {  	[sflag:s9] =	ssyncadd.s32 $0xFFFFFE00  }
0x26: {  	v5 =	vld [tilespmem:$0x200];
	_ =	sdelay $0x1  }
0x27: {  	v6 =	vld [tilespmem:$0x0];
	_ =	sdelay $0x2  }
0x28: {  	v5 =	vnsel vm0, $0x0, v5  }
0x29: {  	(xrf0) =	vadd.scan.msk.s32 $0xffff, v5  }
0x2a: {  	v5 =	vnsel vm0, $0x0, v6  }
0x2b: {  	(xrf0) =	vadd.scan.msk.s32 $0xffff, v5;
	_ =	sdelay $0x3  }
0x2c: {  	v5, _, _ =	vpop (xrf0)  }
0x2d: {  	(v2sf) =	vpush v5, $0xF  }
0x2e: {  	v5, _, _ =	vpop (xrf0)  }
0x2f: {  	(v2sf) =	vpush v5, $0xF;
	_ =	sdelay $0xc  }
0x30: {  	s26 =	spop (v2sf)  }
0x31: {  	s5 =	sand.u32 $0x7F, s26  }
0x32: {  	s6 =	spop (v2sf);
	s4 =	sshra.s32 s26, $0x1F;
	p6 =	slt.s32 s26, $0x1  }
0x33: {  	p0 =	sne.s32 s5, $0x0;
	s7 =	sand.u32 $0x7F, s6;
	s8 =	sshra.s32 s6, $0x1F  }
0x34: {  	p2 =	slt.s32 s6, $0x1;
	s10 =	sshrl.u32 s4, $0x19;
	p1 =	sne.s32 s7, $0x0  }
0x35: {  	s5 =	sshrl.u32 s8, $0x19;
	s3 =	sadd.s32 s10, s26;
	p1 =	por !p2, !p1  }
0x36: {  	s5 =	sadd.s32 s5, s6;
	s6 =	simm.s32 $0x1;
	p1 =	por !p1, !p1  }
0x37: {  	p0 =	por !p6, !p0;
	s5 =	sshrl.u32 s5, $0x7;
	s6 =	simm.s32 @!p1 $0x0  }
0x38: {  	p0 =	por !p0, !p0;
	s5 =	ssub.s32 s5, s6;
	s6 =	simm.s32 $0x1  }
0x39: {  	s3 =	sshrl.u32 s3, $0x7;
	s5 =	sshll.u32 s5, $0x7;
	s6 =	simm.s32 @!p0 $0x0  }
0x3a: {  	s5 =	sand.u32 $0x1FFFFF80, s5;
	s3 =	ssub.s32 s3, s6  }
0x3b: {  	s5 =	sadd.s32 s1, s5;
	s3 =	sshll.u32 s3, $0x7  }
0x3c: {  	[tilespmem:s13], [sflag:$0x1] =	stream.strided.gather [hbm4b:s5+s13], $0x2000, s12, s13, $0x38;
	[tilespmem:$0x18600] =	vst v63  }
0x3d: {  	s3 =	sand.u32 $0x1FFFFF80, s3  }
0x3e: {  	s3 =	sadd.s32 s2, s3  }
0x3f: {  	[tilespmem:s14], [sflag:$0x1] =	stream.strided.gather [hbm4b:s3+s13], $0x2000, s12, s13, $0x38;
	[tilespmem:$0x18600] =	vst v63  }
0x40: {  	v5 =	vld [tilespmem:$0x200]  }
0x41: {  	v6 =	vld [tilespmem:$0x0];
	_ =	sdelay $0x3  }
0x42: {  	v5 =	vsel vm1, $0x0, v5  }
0x43: {  	(xrf0) =	vadd.scan.msk.s32 $0xffff, v5;
	v5 =	vsel vm1, $0x0, v6  }
0x44: {  	(xrf0) =	vadd.scan.msk.s32 $0xffff, v5;
	_ =	sdelay $0x4  }
0x45: {  	v5, _, _ =	vpop (xrf0)  }
0x46: {  	(v2sf) =	vpush v5, $0xF;
	v5, _, _ =	vpop (xrf0)  }
0x47: {  	(v2sf) =	vpush v5, $0xF;
	_ =	sdelay $0xd  }
0x48: {  	s6 =	simm.s32 $0x1;
	s3 =	spop (v2sf)  }
0x49: {  	s10 =	sand.u32 $0x7F, s3;
	s26 =	spop (v2sf);
	s4 =	sshra.s32 s3, $0x1F  }
0x4a: {  	p6 =	slt.s32 s3, $0x1;
	p3 =	sne.s32 s10, $0x0;
	s7 =	sand.u32 $0x7F, s26  }
0x4b: {  	s8 =	sshra.s32 s26, $0x1F;
	p5 =	slt.s32 s26, $0x1;
	p4 =	sne.s32 s7, $0x0  }
0x4c: {  	s10 =	sshrl.u32 s4, $0x19;
	s5 =	sshrl.u32 s8, $0x19;
	p1 =	por !p5, !p4  }
0x4d: {  	s3 =	sadd.s32 s10, s3;
	s5 =	sadd.s32 s5, s26;
	p1 =	por !p1, !p1  }
0x4e: {  	p0 =	por !p6, !p3;
	s5 =	sshrl.u32 s5, $0x7;
	s6 =	simm.s32 @!p1 $0x0  }
0x4f: {  	p0 =	por !p0, !p0;
	s5 =	ssub.s32 s5, s6;
	s6 =	simm.s32 $0x1  }
0x50: {  	s3 =	sshrl.u32 s3, $0x7;
	s5 =	sshll.u32 s5, $0x7;
	s6 =	simm.s32 @!p0 $0x0  }
0x51: {  	s5 =	sand.u32 $0x1FFFFF80, s5;
	s3 =	ssub.s32 s3, s6  }
0x52: {  	s5 =	sadd.s32 s1, s5;
	s3 =	sshll.u32 s3, $0x7  }
0x53: {  	[tilespmem:s15], [sflag:$0x2] =	stream.strided.gather [hbm4b:s5+s13], $0x2000, s12, s13, $0x38;
	[tilespmem:$0x18600] =	vst v63  }
0x54: {  	s3 =	sand.u32 $0x1FFFFF80, s3  }
0x55: {  	s3 =	sadd.s32 s2, s3  }
0x56: {  	[tilespmem:s16], [sflag:$0x2] =	stream.strided.gather [hbm4b:s3+s13], $0x2000, s12, s13, $0x38;
	[tilespmem:$0x18600] =	vst v63  }
0x57: {  	v5 =	vld [tilespmem:$0x200]  }
0x58: {  	v6 =	vld [tilespmem:$0x0];
	_ =	sdelay $0x3  }
0x59: {  	v5 =	vsel vm2, $0x0, v5  }
0x5a: {  	(xrf0) =	vadd.scan.msk.s32 $0xffff, v5;
	v5 =	vsel vm2, $0x0, v6  }
0x5b: {  	(xrf0) =	vadd.scan.msk.s32 $0xffff, v5;
	_ =	sdelay $0x4  }
0x5c: {  	v5, _, _ =	vpop (xrf0)  }
0x5d: {  	(v2sf) =	vpush v5, $0xF;
	v5, _, _ =	vpop (xrf0)  }
0x5e: {  	(v2sf) =	vpush v5, $0xF;
	_ =	sdelay $0xd  }
0x5f: {  	s6 =	simm.s32 $0x1;
	s3 =	spop (v2sf)  }
0x60: {  	s10 =	sand.u32 $0x7F, s3;
	s26 =	spop (v2sf);
	s4 =	sshra.s32 s3, $0x1F  }
0x61: {  	p6 =	slt.s32 s3, $0x1;
	p3 =	sne.s32 s10, $0x0;
	s7 =	sand.u32 $0x7F, s26  }
0x62: {  	s8 =	sshra.s32 s26, $0x1F;
	p5 =	slt.s32 s26, $0x1;
	p4 =	sne.s32 s7, $0x0  }
0x63: {  	s10 =	sshrl.u32 s4, $0x19;
	s5 =	sshrl.u32 s8, $0x19;
	p1 =	por !p5, !p4  }
0x64: {  	s3 =	sadd.s32 s10, s3;
	s5 =	sadd.s32 s5, s26;
	p1 =	por !p1, !p1  }
0x65: {  	p0 =	por !p6, !p3;
	s5 =	sshrl.u32 s5, $0x7;
	s6 =	simm.s32 @!p1 $0x0  }
0x66: {  	p0 =	por !p0, !p0;
	s5 =	ssub.s32 s5, s6;
	s6 =	simm.s32 $0x1  }
0x67: {  	s3 =	sshrl.u32 s3, $0x7;
	s5 =	sshll.u32 s5, $0x7;
	s6 =	simm.s32 @!p0 $0x0  }
0x68: {  	s5 =	sand.u32 $0x1FFFFF80, s5;
	s3 =	ssub.s32 s3, s6  }
0x69: {  	s5 =	sadd.s32 s1, s5;
	s3 =	sshll.u32 s3, $0x7  }
0x6a: {  	[tilespmem:s17], [sflag:$0x3] =	stream.strided.gather [hbm4b:s5+s13], $0x2000, s12, s13, $0x38;
	[tilespmem:$0x18600] =	vst v63  }
0x6b: {  	s3 =	sand.u32 $0x1FFFFF80, s3  }
0x6c: {  	s3 =	sadd.s32 s2, s3  }
0x6d: {  	[tilespmem:s18], [sflag:$0x3] =	stream.strided.gather [hbm4b:s3+s13], $0x2000, s12, s13, $0x38;
	[tilespmem:$0x18600] =	vst v63  }
0x6e: {  	v5 =	vld [tilespmem:$0x200]  }
0x6f: {  	v6 =	vld [tilespmem:$0x0];
	_ =	sdelay $0x3  }
0x70: {  	v5 =	vsel vm3, $0x0, v5  }
0x71: {  	(xrf0) =	vadd.scan.msk.s32 $0xffff, v5;
	v5 =	vsel vm3, $0x0, v6  }
0x72: {  	(xrf0) =	vadd.scan.msk.s32 $0xffff, v5;
	_ =	sdelay $0x4  }
0x73: {  	v5, _, _ =	vpop (xrf0)  }
0x74: {  	(v2sf) =	vpush v5, $0xF;
	v5, _, _ =	vpop (xrf0)  }
0x75: {  	(v2sf) =	vpush v5, $0xF;
	_ =	sdelay $0xd  }
0x76: {  	s6 =	simm.s32 $0x1;
	s3 =	spop (v2sf)  }
0x77: {  	s10 =	sand.u32 $0x7F, s3;
	s26 =	spop (v2sf);
	s4 =	sshra.s32 s3, $0x1F  }
0x78: {  	p6 =	slt.s32 s3, $0x1;
	p3 =	sne.s32 s10, $0x0;
	s7 =	sand.u32 $0x7F, s26  }
0x79: {  	s8 =	sshra.s32 s26, $0x1F;
	p5 =	slt.s32 s26, $0x1;
	p4 =	sne.s32 s7, $0x0  }
0x7a: {  	s10 =	sshrl.u32 s4, $0x19;
	s5 =	sshrl.u32 s8, $0x19;
	p1 =	por !p5, !p4  }
0x7b: {  	s3 =	sadd.s32 s10, s3;
	s5 =	sadd.s32 s5, s26;
	p1 =	por !p1, !p1  }
0x7c: {  	p0 =	por !p6, !p3;
	s5 =	sshrl.u32 s5, $0x7;
	s6 =	simm.s32 @!p1 $0x0  }
0x7d: {  	p0 =	por !p0, !p0;
	s5 =	ssub.s32 s5, s6;
	s6 =	simm.s32 $0x1  }
0x7e: {  	s3 =	sshrl.u32 s3, $0x7;
	s5 =	sshll.u32 s5, $0x7;
	s6 =	simm.s32 @!p0 $0x0  }
0x7f: {  	s5 =	sand.u32 $0x1FFFFF80, s5;
	s3 =	ssub.s32 s3, s6  }
0x80: {  	s5 =	sadd.s32 s1, s5;
	s3 =	sshll.u32 s3, $0x7  }
0x81: {  	[tilespmem:s19], [sflag:$0x4] =	stream.strided.gather [hbm4b:s5+s13], $0x2000, s12, s13, $0x38;
	[tilespmem:$0x18600] =	vst v63  }
0x82: {  	s3 =	sand.u32 $0x1FFFFF80, s3  }
0x83: {  	s3 =	sadd.s32 s2, s3  }
0x84: {  	[tilespmem:s20], [sflag:$0x4] =	stream.strided.gather [hbm4b:s3+s13], $0x2000, s12, s13, $0x38;
	[tilespmem:$0x18600] =	vst v63  }
0x85: {  	v5 =	vld [tilespmem:$0x200]  }
0x86: {  	v6 =	vld [tilespmem:$0x0];
	_ =	sdelay $0x3  }
0x87: {  	v5 =	vsel vm4, $0x0, v5  }
0x88: {  	(xrf0) =	vadd.scan.msk.s32 $0xffff, v5;
	v5 =	vsel vm4, $0x0, v6  }
0x89: {  	(xrf0) =	vadd.scan.msk.s32 $0xffff, v5;
	_ =	sdelay $0x4  }
0x8a: {  	v5, _, _ =	vpop (xrf0)  }
0x8b: {  	(v2sf) =	vpush v5, $0xF;
	v5, _, _ =	vpop (xrf0)  }
0x8c: {  	(v2sf) =	vpush v5, $0xF;
	_ =	sdelay $0xd  }
0x8d: {  	s6 =	simm.s32 $0x1;
	s3 =	spop (v2sf)  }
0x8e: {  	s10 =	sand.u32 $0x7F, s3;
	s26 =	spop (v2sf);
	s4 =	sshra.s32 s3, $0x1F  }
0x8f: {  	p6 =	slt.s32 s3, $0x1;
	p3 =	sne.s32 s10, $0x0;
	s7 =	sand.u32 $0x7F, s26  }
0x90: {  	s8 =	sshra.s32 s26, $0x1F;
	p5 =	slt.s32 s26, $0x1;
	p4 =	sne.s32 s7, $0x0  }
0x91: {  	s10 =	sshrl.u32 s4, $0x19;
	s5 =	sshrl.u32 s8, $0x19;
	p1 =	por !p5, !p4  }
0x92: {  	s3 =	sadd.s32 s10, s3;
	s5 =	sadd.s32 s5, s26;
	p1 =	por !p1, !p1  }
0x93: {  	p0 =	por !p6, !p3;
	s5 =	sshrl.u32 s5, $0x7;
	s6 =	simm.s32 @!p1 $0x0  }
0x94: {  	p0 =	por !p0, !p0;
	s5 =	ssub.s32 s5, s6;
	s6 =	simm.s32 $0x1  }
0x95: {  	s3 =	sshrl.u32 s3, $0x7;
	s5 =	sshll.u32 s5, $0x7;
	s6 =	simm.s32 @!p0 $0x0  }
0x96: {  	s5 =	sand.u32 $0x1FFFFF80, s5;
	s3 =	ssub.s32 s3, s6  }
0x97: {  	s5 =	sadd.s32 s1, s5;
	s3 =	sshll.u32 s3, $0x7  }
0x98: {  	[tilespmem:s21], [sflag:$0x5] =	stream.strided.gather [hbm4b:s5+s13], $0x2000, s12, s13, $0x38;
	[tilespmem:$0x18600] =	vst v63  }
0x99: {  	s3 =	sand.u32 $0x1FFFFF80, s3  }
0x9a: {  	s3 =	sadd.s32 s2, s3  }
0x9b: {  	[tilespmem:s22], [sflag:$0x5] =	stream.strided.gather [hbm4b:s3+s13], $0x2000, s12, s13, $0x38;
	[tilespmem:$0x18600] =	vst v63  }
0x9c: {  	v5 =	vld [tilespmem:$0x200]  }
0x9d: {  	v6 =	vld [tilespmem:$0x0];
	_ =	sdelay $0x3  }
0x9e: {  	v5 =	vsel vm5, $0x0, v5  }
0x9f: {  	(xrf0) =	vadd.scan.msk.s32 $0xffff, v5;
	v5 =	vsel vm5, $0x0, v6  }
0xa0: {  	(xrf0) =	vadd.scan.msk.s32 $0xffff, v5;
	_ =	sdelay $0x4  }
0xa1: {  	v5, _, _ =	vpop (xrf0)  }
0xa2: {  	(v2sf) =	vpush v5, $0xF;
	v5, _, _ =	vpop (xrf0)  }
0xa3: {  	(v2sf) =	vpush v5, $0xF;
	_ =	sdelay $0xd  }
0xa4: {  	s3 =	spop (v2sf)  }
0xa5: {  	s26 =	sand.u32 $0x7F, s3;
	s4 =	spop (v2sf)  }
0xa6: {  	s6 =	simm.s32 $0x1;
	p3 =	sne.s32 s26, $0x0;
	s8 =	sand.u32 $0x7F, s4  }
0xa7: {  	s26 =	sshra.s32 s4, $0x1F;
	p5 =	slt.s32 s4, $0x1;
	p4 =	sne.s32 s8, $0x0  }
0xa8: {  	s7 =	sshra.s32 s3, $0x1F;
	s5 =	sshrl.u32 s26, $0x19;
	p1 =	por !p5, !p4  }
0xa9: {  	p6 =	slt.s32 s3, $0x1;
	s5 =	sadd.s32 s5, s4;
	p1 =	por !p1, !p1  }
0xaa: {  	s10 =	sshrl.u32 s7, $0x19;
	s5 =	sshrl.u32 s5, $0x7;
	s6 =	simm.s32 @!p1 $0x0  }
0xab: {  	s3 =	sadd.s32 s10, s3;
	p0 =	por !p6, !p3;
	s5 =	ssub.s32 s5, s6  }
0xac: {  	p0 =	por !p0, !p0;
	s6 =	simm.s32 $0x1;
	s5 =	sshll.u32 s5, $0x7  }
0xad: {  	s3 =	sshrl.u32 s3, $0x7;
	s6 =	simm.s32 @!p0 $0x0;
	s5 =	sand.u32 $0x1FFFFF80, s5  }
0xae: {  	s3 =	ssub.s32 s3, s6;
	s5 =	sadd.s32 s1, s5  }
0xaf: {  	[tilespmem:s23], [sflag:$0x6] =	stream.strided.gather [hbm4b:s5+s13], $0x2000, s12, s13, $0x38;
	[tilespmem:$0x18600] =	vst v63  }
.Ltmp2:
0xb0: {  	s3 =	sshll.u32 s3, $0x7;
	(pc) =	sbr.rel .LBB2_2-.Ltmp2, $4  }
0xb1: {  	s3 =	sand.u32 $0x1FFFFF80, s3  }
0xb2: {  	s3 =	sadd.s32 s2, s3  }
0xb3: {  	[tilespmem:s24], [sflag:$0x6] =	stream.strided.gather [hbm4b:s3+s13], $0x2000, s12, s13, $0x38;
	[tilespmem:$0x18600] =	vst v63  }
0xb4: {  	v5 =	vimm.f32 $0.0e+00;
	s10 =	simm.s32 $0x0;
	s3 =	simm.s32 $0x0  }
.LBB2_12:
0xb5: {  	_ =	swait.ge [sflag:s29], $0x2000  }
0xb6: {  	[sflag:s29] =	ssyncset.done $0x0  }
0xb7: {  	[sflag:s29] =	ssyncadd.s32 $0xFFFFE000  }
0xb8: {  	_ =	swait.ge [sflag:s29], $0x2000  }
0xb9: {  	[sflag:s29] =	ssyncset.done $0x0  }
0xba: {  	[sflag:s29] =	ssyncadd.s32 $0xFFFFE000  }
0xbb: {  	v7 =	vld [tilespmem:s5+$0x0]  }
0xbc: {  	v8 =	vld [tilespmem:s5+$0x200];
	_ =	sdelay $0x2  }
0xbd: {  	vm6 =	veq.s32 v6, v0  }
0xbe: {  	v6 =	vnsel vm6, $0x0, v7  }
0xbf: {  	(xrf0) =	vadd.scan.msk.s32 $0xffff, v6;
	v6 =	vnsel vm6, $0x0, v8  }
0xc0: {  	(xrf0) =	vadd.scan.msk.s32 $0xffff, v6;
	_ =	sdelay $0x4  }
0xc1: {  	v6, _, _ =	vpop (xrf0)  }
0xc2: {  	(v2sf) =	vpush v6, $0xF;
	v6, _, _ =	vpop (xrf0)  }
0xc3: {  	(v2sf) =	vpush v6, $0xF  }
0xc4: {  	p0 =	sgt.u32 s10, $0x1F9  }
0xc5: {  	s4 =	sadd.s32 @!p0 $0x6, s10  }
0xc6: {  	s5 =	sand.u32 @!p0 $0x3F0, s4  }
0xc7: {  	v6 =	vld @!p0 [tilespmem:s5+$0x200]  }
0xc8: {  	v7 =	vld @!p0 [tilespmem:s5+$0x0]  }
0xc9: {  	s4 =	sand.u32 @!p0 $0xF, s4  }
0xca: {  	v9 =	vlaneseq.u32 @!p0;
	v8 =	vmov @!p0 s4  }
0xcb: {  	vm7 =	veq.s32 @!p0 v8, v9  }
0xcc: {  	v6 =	vnsel @!p0 vm7, $0x0, v6  }
0xcd: {  	v7 =	vnsel @!p0 vm7, $0x0, v7;
	(xrf0) =	vadd.scan.msk.s32 @!p0 $0xffff, v6  }
0xce: {  	(xrf0) =	vadd.scan.msk.s32 @!p0 $0xffff, v7;
	_ =	sdelay $0x2  }
0xcf: {  	s7 =	spop (v2sf)  }
0xd0: {  	s8 =	spop (v2sf);
	s4 =	sand.u32 $0x7F, s7  }
0xd1: {  	v6, _, _ =	vpop @!p0 (xrf0);
	s5 =	sand.u32 $0x7F, s8;
	v7 =	vor.u32 s4, v1  }
0xd2: {  	(v2sf) =	vpush @!p0 v6, $0xF;
	v6, _, _ =	vpop @!p0 (xrf0);
	v60 =	vor.u32 s5, v1  }
0xd3: {  	(v2sf) =	vpush @!p0 v6, $0xF;
	v6 =	vor.u32 s4, v2  }
0xd4: {  	v61 =	vor.u32 s5, v2  }
0xd5: {  	v10 =	vor.u32 s4, v3  }
0xd6: {  	v11 =	vor.u32 s5, v3;
	v7 =	vld.idx.msk [tilespmem:v7+s17+$0x0], $0xffff  }
0xd7: {  	v12 =	vor.u32 s4, v4;
	v8 =	vld.idx.msk [tilespmem:v60+s18+$0x0], $0xffff  }
0xd8: {  	v13 =	vor.u32 s5, v4;
	v6 =	vld.idx.msk [tilespmem:v6+s17+$0x0], $0xffff  }
0xd9: {  	v9 =	vld.idx.msk [tilespmem:v61+s18+$0x0], $0xffff  }
0xda: {  	v10 =	vld.idx.msk [tilespmem:v10+s17+$0x0], $0xffff  }
0xdb: {  	v11 =	vld.idx.msk [tilespmem:v11+s18+$0x0], $0xffff  }
0xdc: {  	v62 =	vld.idx.msk [tilespmem:v12+s17+$0x0], $0xffff;
	v7 =	vmul.f32 v8, v7  }
0xdd: {  	v63 =	vld.idx.msk [tilespmem:v13+s18+$0x0], $0xffff  }
0xde: {  	v6 =	vmul.f32 v9, v6;
	v7 =	vadd.f32 $0.0e+00, v7;
	_ =	sdelay $0x1  }
0xdf: {  	v6 =	vadd.f32 v6, v7;
	v7 =	vmul.f32 v11, v10;
	_ =	sdelay $0x1  }
0xe0: {  	v6 =	vadd.f32 v7, v6;
	v7 =	vmul.f32 v63, v62;
	_ =	sdelay $0x1  }
0xe1: {  	s4 =	spop @!p0 (v2sf);
	v6 =	vadd.f32 v7, v6  }
0xe2: {  	s8 =	simm.s32 @!p0 $0x1;
	s5 =	spop @!p0 (v2sf)  }
0xe3: {  	p1 =	slt.s32 @!p0 s4, $0x1;
	s6 =	sand.u32 @!p0 $0x7F, s4;
	s7 =	sand.u32 @!p0 $0x7F, s5;
	(xrf2) =	vadd.scan.msk.f32 $0xffff, v6  }
0xe4: {  	p2 =	sne.s32 @!p0 s6, $0x0;
	p3 =	slt.s32 @!p0 s5, $0x1;
	s6 =	sshra.s32 @!p0 s5, $0x1F  }
0xe5: {  	p4 =	sne.s32 @!p0 s7, $0x0;
	p1 =	por @!p0 !p1, !p2;
	s6 =	sshrl.u32 @!p0 s6, $0x19  }
0xe6: {  	s7 =	sshra.s32 @!p0 s4, $0x1F;
	p2 =	por @!p0 !p3, !p4;
	s5 =	sadd.s32 @!p0 s6, s5  }
0xe7: {  	s6 =	sshrl.u32 @!p0 s7, $0x19;
	p1 =	por @!p0 !p1, !p1;
	p2 =	por @!p0 !p2, !p2  }
0xe8: {  	s5 =	sshrl.u32 @!p0 s5, $0x7;
	s4 =	sadd.s32 @!p0 s6, s4;
	p2 =	por !p2, p0  }
0xe9: {  	p1 =	por !p1, p0;
	s6 =	simm.s32 @!p0 $0x1;
	s8 =	simm.s32 @p2 $0x0  }
0xea: {  	s4 =	sshrl.u32 @!p0 s4, $0x7;
	s6 =	simm.s32 @p1 $0x0;
	s5 =	ssub.s32 @!p0 s5, s8  }
0xeb: {  	s7 =	simm.s32 @!p0 $0x7A1400;
	s4 =	ssub.s32 @!p0 s4, s6;
	s5 =	sshll.u32 @!p0 s5, $0x7  }
0xec: {  	s6 =	simm.s32 @!p0 $0x400;
	s4 =	sshll.u32 @!p0 s4, $0x7;
	s5 =	sand.u32 @!p0 $0x1FFFFF80, s5  }
0xed: {  	s8 =	simm.s32 @!p0 $0x4400;
	s4 =	sand.u32 @!p0 $0x1FFFFF80, s4;
	s5 =	sadd.s32 @!p0 s1, s5;
	v6, _, _ =	vpop (xrf2)  }
0xee: {  	[tilespmem:s8], [sflag:$0x3] =	stream.strided.gather @!p0 [hbm4b:s5+s6], $0x2000, s7, s6, $0x38;
	v6 =	vbroadcast v6, $0xF;
	[tilespmem:$0x18600] =	vst v63  }
0xef: {  	s4 =	sadd.s32 @!p0 s2, s4;
	s5 =	simm.s32 @!p0 $0x10400  }
0xf0: {  	[tilespmem:s5], [sflag:$0x3] =	stream.strided.gather @!p0 [hbm4b:s4+s6], $0x2000, s7, s6, $0x38;
	v5 =	vsel vm6, v6, v5;
	[tilespmem:$0x18600] =	vst v63  }
.LBB2_14:
0xf1: {  	s10 =	sadd.s32 $0x1, s10  }
0xf2: {  	p1 =	sne.s32 s10, $0x200  }
.Ltmp3:
0xf3: {  	_ = 	snop;
	(pc) =	sbr.rel @!p1 .LBB2_15-.Ltmp3, $4  }
0xf4: {  	p0 =	sne.s32 s26, $0xF  }
0xf5: {  	s4 =	sand.u32 @!p0 $0x7C0, s3  }
0xf6: {  	s4 =	sshrl.u32 @!p0 s4, $0x2  }
0xf7: {  	s3 =	sadd.s32 $0x4, s3;
	[tilespmem:s4+$0x18400] =	vst @!p0 v5;
	v5 =	vpsel !p0, $0x0, v5  }
.LBB2_2:
0xf8: {  	s5 =	smul.u32 $0xAAAB, s10;
	_ =	sdelay $0x1  }
0xf9: {  	s5 =	sshrl.u32 s5, $0x12  }
0xfa: {  	s5 =	smul.u32 $0x6, s5;
	_ =	sdelay $0x1  }
0xfb: {  	s5 =	ssub.s32 s10, s5  }
0xfc: {  	s6 =	sand.u32 $0xFFFF, s5  }
0xfd: {  	p0 =	sgt.s32 s6, $0x1  }
.Ltmp4:
0xfe: {  	_ = 	snop;
	(pc) =	sbr.rel @!p0 .LBB2_3-.Ltmp4, $3  }
0xff: {  	_ =	sdelay $0x1  }
0x100: {  	s26 =	sand.u32 $0xF, s10  }
0x101: {  	v6 =	vmov s26;
	s5 =	sand.u32 $0x1F0, s10  }
0x102: {  	p0 =	seq.s32 s6, $0x2  }
.Ltmp5:
0x103: {  	_ = 	snop;
	(pc) =	sbr.rel @p0 .LBB2_12-.Ltmp5, $1  }
0x104: {  	_ =	sdelay $0x3  }
0x105: {  	p0 =	seq.s32 s6, $0x3  }
.Ltmp6:
0x106: {  	_ = 	snop;
	(pc) =	sbr.rel @p0 .LBB2_11-.Ltmp6, $1  }
0x107: {  	_ =	sdelay $0x3  }
0x108: {  	p0 =	seq.s32 s6, $0x4  }
.Ltmp7:
0x109: {  	_ = 	snop;
	(pc) =	sbr.rel @!p0 .LBB2_9-.Ltmp7, $1  }
0x10a: {  	_ =	sdelay $0x3  }
0x10b: {  	_ =	swait.ge [sflag:s31], $0x2000  }
0x10c: {  	[sflag:s31] =	ssyncset.done $0x0  }
0x10d: {  	[sflag:s31] =	ssyncadd.s32 $0xFFFFE000  }
0x10e: {  	_ =	swait.ge [sflag:s31], $0x2000  }
0x10f: {  	[sflag:s31] =	ssyncset.done $0x0  }
0x110: {  	[sflag:s31] =	ssyncadd.s32 $0xFFFFE000  }
0x111: {  	v7 =	vld [tilespmem:s5+$0x0]  }
0x112: {  	v8 =	vld [tilespmem:s5+$0x200];
	_ =	sdelay $0x2  }
0x113: {  	vm6 =	veq.s32 v6, v0  }
0x114: {  	v6 =	vnsel vm6, $0x0, v7  }
0x115: {  	(xrf0) =	vadd.scan.msk.s32 $0xffff, v6;
	v6 =	vnsel vm6, $0x0, v8  }
0x116: {  	(xrf0) =	vadd.scan.msk.s32 $0xffff, v6;
	_ =	sdelay $0x4  }
0x117: {  	v6, _, _ =	vpop (xrf0)  }
0x118: {  	(v2sf) =	vpush v6, $0xF;
	v6, _, _ =	vpop (xrf0)  }
0x119: {  	(v2sf) =	vpush v6, $0xF  }
0x11a: {  	p0 =	sgt.u32 s10, $0x1F9  }
0x11b: {  	s4 =	sadd.s32 @!p0 $0x6, s10  }
0x11c: {  	s5 =	sand.u32 @!p0 $0x3F0, s4  }
0x11d: {  	v6 =	vld @!p0 [tilespmem:s5+$0x200]  }
0x11e: {  	v7 =	vld @!p0 [tilespmem:s5+$0x0]  }
0x11f: {  	s4 =	sand.u32 @!p0 $0xF, s4  }
0x120: {  	v9 =	vlaneseq.u32 @!p0;
	v8 =	vmov @!p0 s4  }
0x121: {  	vm7 =	veq.s32 @!p0 v8, v9  }
0x122: {  	v6 =	vnsel @!p0 vm7, $0x0, v6  }
0x123: {  	v7 =	vnsel @!p0 vm7, $0x0, v7;
	(xrf0) =	vadd.scan.msk.s32 @!p0 $0xffff, v6  }
0x124: {  	(xrf0) =	vadd.scan.msk.s32 @!p0 $0xffff, v7;
	_ =	sdelay $0x2  }
0x125: {  	s7 =	spop (v2sf)  }
0x126: {  	s8 =	spop (v2sf);
	s4 =	sand.u32 $0x7F, s7  }
0x127: {  	v6, _, _ =	vpop @!p0 (xrf0);
	s5 =	sand.u32 $0x7F, s8;
	v7 =	vor.u32 s4, v1  }
0x128: {  	(v2sf) =	vpush @!p0 v6, $0xF;
	v6, _, _ =	vpop @!p0 (xrf0);
	v60 =	vor.u32 s5, v1  }
0x129: {  	(v2sf) =	vpush @!p0 v6, $0xF;
	v6 =	vor.u32 s4, v2  }
0x12a: {  	v61 =	vor.u32 s5, v2  }
0x12b: {  	v10 =	vor.u32 s4, v3  }
0x12c: {  	v11 =	vor.u32 s5, v3;
	v7 =	vld.idx.msk [tilespmem:v7+s21+$0x0], $0xffff  }
0x12d: {  	v12 =	vor.u32 s4, v4;
	v8 =	vld.idx.msk [tilespmem:v60+s22+$0x0], $0xffff  }
0x12e: {  	v13 =	vor.u32 s5, v4;
	v6 =	vld.idx.msk [tilespmem:v6+s21+$0x0], $0xffff  }
0x12f: {  	v9 =	vld.idx.msk [tilespmem:v61+s22+$0x0], $0xffff  }
0x130: {  	v10 =	vld.idx.msk [tilespmem:v10+s21+$0x0], $0xffff  }
0x131: {  	v11 =	vld.idx.msk [tilespmem:v11+s22+$0x0], $0xffff  }
0x132: {  	v62 =	vld.idx.msk [tilespmem:v12+s21+$0x0], $0xffff;
	v7 =	vmul.f32 v8, v7  }
0x133: {  	v63 =	vld.idx.msk [tilespmem:v13+s22+$0x0], $0xffff  }
0x134: {  	v6 =	vmul.f32 v9, v6;
	v7 =	vadd.f32 $0.0e+00, v7;
	_ =	sdelay $0x1  }
0x135: {  	v6 =	vadd.f32 v6, v7;
	v7 =	vmul.f32 v11, v10;
	_ =	sdelay $0x1  }
0x136: {  	v6 =	vadd.f32 v7, v6;
	v7 =	vmul.f32 v63, v62;
	_ =	sdelay $0x1  }
0x137: {  	s4 =	spop @!p0 (v2sf);
	v6 =	vadd.f32 v7, v6  }
0x138: {  	s8 =	simm.s32 @!p0 $0x1;
	s5 =	spop @!p0 (v2sf);
	s6 =	sand.u32 @!p0 $0x7F, s4  }
0x139: {  	p1 =	slt.s32 @!p0 s4, $0x1;
	s7 =	sand.u32 @!p0 $0x7F, s5;
	p2 =	sne.s32 @!p0 s6, $0x0;
	(xrf2) =	vadd.scan.msk.f32 $0xffff, v6  }
0x13a: {  	p3 =	slt.s32 @!p0 s5, $0x1;
	s6 =	sshra.s32 @!p0 s5, $0x1F;
	p4 =	sne.s32 @!p0 s7, $0x0  }
0x13b: {  	p1 =	por @!p0 !p1, !p2;
	s7 =	sshra.s32 @!p0 s4, $0x1F;
	s6 =	sshrl.u32 @!p0 s6, $0x19  }
0x13c: {  	p2 =	por @!p0 !p3, !p4;
	s5 =	sadd.s32 @!p0 s6, s5;
	s6 =	sshrl.u32 @!p0 s7, $0x19  }
0x13d: {  	p1 =	por @!p0 !p1, !p1;
	s7 =	simm.s32 @!p0 $0x7A1400;
	p2 =	por @!p0 !p2, !p2  }
0x13e: {  	s5 =	sshrl.u32 @!p0 s5, $0x7;
	s4 =	sadd.s32 @!p0 s6, s4;
	p2 =	por !p2, p0  }
0x13f: {  	p1 =	por !p1, p0;
	s6 =	simm.s32 @!p0 $0x1;
	s8 =	simm.s32 @p2 $0x0  }
0x140: {  	s4 =	sshrl.u32 @!p0 s4, $0x7;
	s6 =	simm.s32 @p1 $0x0;
	s5 =	ssub.s32 @!p0 s5, s8  }
0x141: {  	s4 =	ssub.s32 @!p0 s4, s6;
	s6 =	simm.s32 @!p0 $0x400;
	s5 =	sshll.u32 @!p0 s5, $0x7  }
.Ltmp8:
0x142: {  	s4 =	sshll.u32 @!p0 s4, $0x7;
	s5 =	sand.u32 @!p0 $0x1FFFFF80, s5;
	(pc) =	sbr.rel .LBB2_14-.Ltmp8, $4  }
0x143: {  	s8 =	simm.s32 @!p0 $0x8400;
	s4 =	sand.u32 @!p0 $0x1FFFFF80, s4;
	s5 =	sadd.s32 @!p0 s1, s5;
	v6, _, _ =	vpop (xrf2)  }
0x144: {  	[tilespmem:s8], [sflag:$0x5] =	stream.strided.gather @!p0 [hbm4b:s5+s6], $0x2000, s7, s6, $0x38;
	v6 =	vbroadcast v6, $0xF;
	[tilespmem:$0x18600] =	vst v63  }
0x145: {  	s4 =	sadd.s32 @!p0 s2, s4;
	s5 =	simm.s32 @!p0 $0x14400  }
0x146: {  	[tilespmem:s5], [sflag:$0x5] =	stream.strided.gather @!p0 [hbm4b:s4+s6], $0x2000, s7, s6, $0x38;
	v5 =	vsel vm6, v6, v5;
	[tilespmem:$0x18600] =	vst v63  }
.LBB2_3:
0x147: {  	p0 =	seq.s32 s6, $0x0  }
.Ltmp9:
0x148: {  	_ = 	snop;
	(pc) =	sbr.rel @p0 .LBB2_13-.Ltmp9, $1  }
0x149: {  	_ =	sdelay $0x3  }
0x14a: {  	p0 =	seq.s32 s6, $0x1  }
.Ltmp10:
0x14b: {  	_ = 	snop;
	(pc) =	sbr.rel @!p0 .LBB2_9-.Ltmp10, $1  }
0x14c: {  	_ =	sdelay $0x3  }
0x14d: {  	_ =	swait.ge [sflag:s25], $0x2000  }
0x14e: {  	[sflag:s25] =	ssyncset.done $0x0  }
0x14f: {  	[sflag:s25] =	ssyncadd.s32 $0xFFFFE000  }
0x150: {  	_ =	swait.ge [sflag:s25], $0x2000  }
0x151: {  	[sflag:s25] =	ssyncset.done $0x0  }
0x152: {  	[sflag:s25] =	ssyncadd.s32 $0xFFFFE000  }
0x153: {  	v7 =	vld [tilespmem:s5+$0x0]  }
0x154: {  	v8 =	vld [tilespmem:s5+$0x200];
	_ =	sdelay $0x2  }
0x155: {  	vm6 =	veq.s32 v6, v0  }
0x156: {  	v6 =	vnsel vm6, $0x0, v7  }
0x157: {  	(xrf0) =	vadd.scan.msk.s32 $0xffff, v6;
	v6 =	vnsel vm6, $0x0, v8  }
0x158: {  	(xrf0) =	vadd.scan.msk.s32 $0xffff, v6;
	_ =	sdelay $0x4  }
0x159: {  	v6, _, _ =	vpop (xrf0)  }
0x15a: {  	(v2sf) =	vpush v6, $0xF;
	v6, _, _ =	vpop (xrf0)  }
0x15b: {  	(v2sf) =	vpush v6, $0xF  }
0x15c: {  	p0 =	sgt.u32 s10, $0x1F9  }
0x15d: {  	s4 =	sadd.s32 @!p0 $0x6, s10  }
0x15e: {  	s5 =	sand.u32 @!p0 $0x3F0, s4  }
0x15f: {  	v6 =	vld @!p0 [tilespmem:s5+$0x200]  }
0x160: {  	v7 =	vld @!p0 [tilespmem:s5+$0x0]  }
0x161: {  	s4 =	sand.u32 @!p0 $0xF, s4  }
0x162: {  	v9 =	vlaneseq.u32 @!p0;
	v8 =	vmov @!p0 s4  }
0x163: {  	vm7 =	veq.s32 @!p0 v8, v9  }
0x164: {  	v6 =	vnsel @!p0 vm7, $0x0, v6  }
0x165: {  	v7 =	vnsel @!p0 vm7, $0x0, v7;
	(xrf0) =	vadd.scan.msk.s32 @!p0 $0xffff, v6  }
0x166: {  	(xrf0) =	vadd.scan.msk.s32 @!p0 $0xffff, v7;
	_ =	sdelay $0x2  }
0x167: {  	s7 =	spop (v2sf)  }
0x168: {  	s8 =	spop (v2sf);
	s4 =	sand.u32 $0x7F, s7  }
0x169: {  	v6, _, _ =	vpop @!p0 (xrf0);
	s5 =	sand.u32 $0x7F, s8;
	v7 =	vor.u32 s4, v1  }
0x16a: {  	(v2sf) =	vpush @!p0 v6, $0xF;
	v6, _, _ =	vpop @!p0 (xrf0);
	v60 =	vor.u32 s5, v1  }
0x16b: {  	(v2sf) =	vpush @!p0 v6, $0xF;
	v6 =	vor.u32 s4, v2  }
0x16c: {  	v61 =	vor.u32 s5, v2  }
0x16d: {  	v10 =	vor.u32 s4, v3  }
0x16e: {  	v11 =	vor.u32 s5, v3;
	v7 =	vld.idx.msk [tilespmem:v7+s15+$0x0], $0xffff  }
0x16f: {  	v12 =	vor.u32 s4, v4;
	v8 =	vld.idx.msk [tilespmem:v60+s16+$0x0], $0xffff  }
0x170: {  	v13 =	vor.u32 s5, v4;
	v6 =	vld.idx.msk [tilespmem:v6+s15+$0x0], $0xffff  }
0x171: {  	v9 =	vld.idx.msk [tilespmem:v61+s16+$0x0], $0xffff  }
0x172: {  	v10 =	vld.idx.msk [tilespmem:v10+s15+$0x0], $0xffff  }
0x173: {  	v11 =	vld.idx.msk [tilespmem:v11+s16+$0x0], $0xffff  }
0x174: {  	v62 =	vld.idx.msk [tilespmem:v12+s15+$0x0], $0xffff;
	v7 =	vmul.f32 v8, v7  }
0x175: {  	v63 =	vld.idx.msk [tilespmem:v13+s16+$0x0], $0xffff  }
0x176: {  	v6 =	vmul.f32 v9, v6;
	v7 =	vadd.f32 $0.0e+00, v7;
	_ =	sdelay $0x1  }
0x177: {  	v6 =	vadd.f32 v6, v7;
	v7 =	vmul.f32 v11, v10;
	_ =	sdelay $0x1  }
0x178: {  	v6 =	vadd.f32 v7, v6;
	v7 =	vmul.f32 v63, v62;
	_ =	sdelay $0x1  }
0x179: {  	s4 =	spop @!p0 (v2sf);
	v6 =	vadd.f32 v7, v6  }
0x17a: {  	s8 =	simm.s32 @!p0 $0x1;
	s5 =	spop @!p0 (v2sf);
	s6 =	sand.u32 @!p0 $0x7F, s4  }
0x17b: {  	p1 =	slt.s32 @!p0 s4, $0x1;
	s7 =	sand.u32 @!p0 $0x7F, s5;
	p2 =	sne.s32 @!p0 s6, $0x0;
	(xrf2) =	vadd.scan.msk.f32 $0xffff, v6  }
0x17c: {  	p3 =	slt.s32 @!p0 s5, $0x1;
	s6 =	sshra.s32 @!p0 s5, $0x1F;
	p4 =	sne.s32 @!p0 s7, $0x0  }
0x17d: {  	p1 =	por @!p0 !p1, !p2;
	s7 =	sshra.s32 @!p0 s4, $0x1F;
	s6 =	sshrl.u32 @!p0 s6, $0x19  }
0x17e: {  	p2 =	por @!p0 !p3, !p4;
	s5 =	sadd.s32 @!p0 s6, s5;
	s6 =	sshrl.u32 @!p0 s7, $0x19  }
0x17f: {  	p1 =	por @!p0 !p1, !p1;
	s7 =	simm.s32 @!p0 $0x7A1400;
	p2 =	por @!p0 !p2, !p2  }
0x180: {  	s5 =	sshrl.u32 @!p0 s5, $0x7;
	s4 =	sadd.s32 @!p0 s6, s4;
	p2 =	por !p2, p0  }
0x181: {  	p1 =	por !p1, p0;
	s6 =	simm.s32 @!p0 $0x1;
	s8 =	simm.s32 @p2 $0x0  }
0x182: {  	s4 =	sshrl.u32 @!p0 s4, $0x7;
	s6 =	simm.s32 @p1 $0x0;
	s5 =	ssub.s32 @!p0 s5, s8  }
0x183: {  	s4 =	ssub.s32 @!p0 s4, s6;
	s6 =	simm.s32 @!p0 $0x400;
	s5 =	sshll.u32 @!p0 s5, $0x7  }
.Ltmp11:
0x184: {  	s4 =	sshll.u32 @!p0 s4, $0x7;
	s5 =	sand.u32 @!p0 $0x1FFFFF80, s5;
	(pc) =	sbr.rel .LBB2_14-.Ltmp11, $4  }
0x185: {  	s8 =	simm.s32 @!p0 $0x2400;
	s4 =	sand.u32 @!p0 $0x1FFFFF80, s4;
	s5 =	sadd.s32 @!p0 s1, s5;
	v6, _, _ =	vpop (xrf2)  }
0x186: {  	[tilespmem:s8], [sflag:$0x2] =	stream.strided.gather @!p0 [hbm4b:s5+s6], $0x2000, s7, s6, $0x38;
	v6 =	vbroadcast v6, $0xF;
	[tilespmem:$0x18600] =	vst v63  }
0x187: {  	s4 =	sadd.s32 @!p0 s2, s4;
	s5 =	simm.s32 @!p0 $0xE400  }
0x188: {  	[tilespmem:s5], [sflag:$0x2] =	stream.strided.gather @!p0 [hbm4b:s4+s6], $0x2000, s7, s6, $0x38;
	v5 =	vsel vm6, v6, v5;
	[tilespmem:$0x18600] =	vst v63  }
.LBB2_11:
0x189: {  	_ =	swait.ge [sflag:s30], $0x2000  }
0x18a: {  	[sflag:s30] =	ssyncset.done $0x0  }
0x18b: {  	[sflag:s30] =	ssyncadd.s32 $0xFFFFE000  }
0x18c: {  	_ =	swait.ge [sflag:s30], $0x2000  }
0x18d: {  	[sflag:s30] =	ssyncset.done $0x0  }
0x18e: {  	[sflag:s30] =	ssyncadd.s32 $0xFFFFE000  }
0x18f: {  	v7 =	vld [tilespmem:s5+$0x0]  }
0x190: {  	v8 =	vld [tilespmem:s5+$0x200];
	_ =	sdelay $0x2  }
0x191: {  	vm6 =	veq.s32 v6, v0  }
0x192: {  	v6 =	vnsel vm6, $0x0, v7  }
0x193: {  	(xrf0) =	vadd.scan.msk.s32 $0xffff, v6;
	v6 =	vnsel vm6, $0x0, v8  }
0x194: {  	(xrf0) =	vadd.scan.msk.s32 $0xffff, v6;
	_ =	sdelay $0x4  }
0x195: {  	v6, _, _ =	vpop (xrf0)  }
0x196: {  	(v2sf) =	vpush v6, $0xF;
	v6, _, _ =	vpop (xrf0)  }
0x197: {  	(v2sf) =	vpush v6, $0xF  }
0x198: {  	p0 =	sgt.u32 s10, $0x1F9  }
0x199: {  	s4 =	sadd.s32 @!p0 $0x6, s10  }
0x19a: {  	s5 =	sand.u32 @!p0 $0x3F0, s4  }
0x19b: {  	v6 =	vld @!p0 [tilespmem:s5+$0x200]  }
0x19c: {  	v7 =	vld @!p0 [tilespmem:s5+$0x0]  }
0x19d: {  	s4 =	sand.u32 @!p0 $0xF, s4  }
0x19e: {  	v9 =	vlaneseq.u32 @!p0;
	v8 =	vmov @!p0 s4  }
0x19f: {  	vm7 =	veq.s32 @!p0 v8, v9  }
0x1a0: {  	v6 =	vnsel @!p0 vm7, $0x0, v6  }
0x1a1: {  	v7 =	vnsel @!p0 vm7, $0x0, v7;
	(xrf0) =	vadd.scan.msk.s32 @!p0 $0xffff, v6  }
0x1a2: {  	(xrf0) =	vadd.scan.msk.s32 @!p0 $0xffff, v7;
	_ =	sdelay $0x2  }
0x1a3: {  	s7 =	spop (v2sf)  }
0x1a4: {  	s8 =	spop (v2sf);
	s4 =	sand.u32 $0x7F, s7  }
0x1a5: {  	v6, _, _ =	vpop @!p0 (xrf0);
	s5 =	sand.u32 $0x7F, s8;
	v7 =	vor.u32 s4, v1  }
0x1a6: {  	(v2sf) =	vpush @!p0 v6, $0xF;
	v6, _, _ =	vpop @!p0 (xrf0);
	v60 =	vor.u32 s5, v1  }
0x1a7: {  	(v2sf) =	vpush @!p0 v6, $0xF;
	v6 =	vor.u32 s4, v2  }
0x1a8: {  	v61 =	vor.u32 s5, v2  }
0x1a9: {  	v10 =	vor.u32 s4, v3  }
0x1aa: {  	v11 =	vor.u32 s5, v3;
	v7 =	vld.idx.msk [tilespmem:v7+s19+$0x0], $0xffff  }
0x1ab: {  	v12 =	vor.u32 s4, v4;
	v8 =	vld.idx.msk [tilespmem:v60+s20+$0x0], $0xffff  }
0x1ac: {  	v13 =	vor.u32 s5, v4;
	v6 =	vld.idx.msk [tilespmem:v6+s19+$0x0], $0xffff  }
0x1ad: {  	v9 =	vld.idx.msk [tilespmem:v61+s20+$0x0], $0xffff  }
0x1ae: {  	v10 =	vld.idx.msk [tilespmem:v10+s19+$0x0], $0xffff  }
0x1af: {  	v11 =	vld.idx.msk [tilespmem:v11+s20+$0x0], $0xffff  }
0x1b0: {  	v62 =	vld.idx.msk [tilespmem:v12+s19+$0x0], $0xffff;
	v7 =	vmul.f32 v8, v7  }
0x1b1: {  	v63 =	vld.idx.msk [tilespmem:v13+s20+$0x0], $0xffff  }
0x1b2: {  	v6 =	vmul.f32 v9, v6;
	v7 =	vadd.f32 $0.0e+00, v7;
	_ =	sdelay $0x1  }
0x1b3: {  	v6 =	vadd.f32 v6, v7;
	v7 =	vmul.f32 v11, v10;
	_ =	sdelay $0x1  }
0x1b4: {  	v6 =	vadd.f32 v7, v6;
	v7 =	vmul.f32 v63, v62;
	_ =	sdelay $0x1  }
0x1b5: {  	s4 =	spop @!p0 (v2sf);
	v6 =	vadd.f32 v7, v6  }
0x1b6: {  	s8 =	simm.s32 @!p0 $0x1;
	s5 =	spop @!p0 (v2sf);
	s6 =	sand.u32 @!p0 $0x7F, s4  }
0x1b7: {  	p1 =	slt.s32 @!p0 s4, $0x1;
	s7 =	sand.u32 @!p0 $0x7F, s5;
	p2 =	sne.s32 @!p0 s6, $0x0;
	(xrf2) =	vadd.scan.msk.f32 $0xffff, v6  }
0x1b8: {  	p3 =	slt.s32 @!p0 s5, $0x1;
	s6 =	sshra.s32 @!p0 s5, $0x1F;
	p4 =	sne.s32 @!p0 s7, $0x0  }
0x1b9: {  	p1 =	por @!p0 !p1, !p2;
	s7 =	sshra.s32 @!p0 s4, $0x1F;
	s6 =	sshrl.u32 @!p0 s6, $0x19  }
0x1ba: {  	p2 =	por @!p0 !p3, !p4;
	s5 =	sadd.s32 @!p0 s6, s5;
	s6 =	sshrl.u32 @!p0 s7, $0x19  }
0x1bb: {  	p1 =	por @!p0 !p1, !p1;
	s7 =	simm.s32 @!p0 $0x7A1400;
	p2 =	por @!p0 !p2, !p2  }
0x1bc: {  	s5 =	sshrl.u32 @!p0 s5, $0x7;
	s4 =	sadd.s32 @!p0 s6, s4;
	p2 =	por !p2, p0  }
0x1bd: {  	p1 =	por !p1, p0;
	s6 =	simm.s32 @!p0 $0x1;
	s8 =	simm.s32 @p2 $0x0  }
0x1be: {  	s4 =	sshrl.u32 @!p0 s4, $0x7;
	s6 =	simm.s32 @p1 $0x0;
	s5 =	ssub.s32 @!p0 s5, s8  }
0x1bf: {  	s4 =	ssub.s32 @!p0 s4, s6;
	s6 =	simm.s32 @!p0 $0x400;
	s5 =	sshll.u32 @!p0 s5, $0x7  }
.Ltmp12:
0x1c0: {  	s4 =	sshll.u32 @!p0 s4, $0x7;
	s5 =	sand.u32 @!p0 $0x1FFFFF80, s5;
	(pc) =	sbr.rel .LBB2_14-.Ltmp12, $4  }
0x1c1: {  	s8 =	simm.s32 @!p0 $0x6400;
	s4 =	sand.u32 @!p0 $0x1FFFFF80, s4;
	s5 =	sadd.s32 @!p0 s1, s5;
	v6, _, _ =	vpop (xrf2)  }
0x1c2: {  	[tilespmem:s8], [sflag:$0x4] =	stream.strided.gather @!p0 [hbm4b:s5+s6], $0x2000, s7, s6, $0x38;
	v6 =	vbroadcast v6, $0xF;
	[tilespmem:$0x18600] =	vst v63  }
0x1c3: {  	s4 =	sadd.s32 @!p0 s2, s4;
	s5 =	simm.s32 @!p0 $0x12400  }
0x1c4: {  	[tilespmem:s5], [sflag:$0x4] =	stream.strided.gather @!p0 [hbm4b:s4+s6], $0x2000, s7, s6, $0x38;
	v5 =	vsel vm6, v6, v5;
	[tilespmem:$0x18600] =	vst v63  }
.LBB2_13:
0x1c5: {  	_ =	swait.ge [sflag:s11], $0x2000  }
0x1c6: {  	[sflag:s11] =	ssyncset.done $0x0  }
0x1c7: {  	[sflag:s11] =	ssyncadd.s32 $0xFFFFE000  }
0x1c8: {  	_ =	swait.ge [sflag:s11], $0x2000  }
0x1c9: {  	[sflag:s11] =	ssyncset.done $0x0  }
0x1ca: {  	[sflag:s11] =	ssyncadd.s32 $0xFFFFE000  }
0x1cb: {  	v7 =	vld [tilespmem:s5+$0x0]  }
0x1cc: {  	v8 =	vld [tilespmem:s5+$0x200];
	_ =	sdelay $0x2  }
0x1cd: {  	vm6 =	veq.s32 v6, v0  }
0x1ce: {  	v6 =	vnsel vm6, $0x0, v7  }
0x1cf: {  	(xrf0) =	vadd.scan.msk.s32 $0xffff, v6;
	v6 =	vnsel vm6, $0x0, v8  }
0x1d0: {  	(xrf0) =	vadd.scan.msk.s32 $0xffff, v6;
	_ =	sdelay $0x4  }
0x1d1: {  	v6, _, _ =	vpop (xrf0)  }
0x1d2: {  	(v2sf) =	vpush v6, $0xF;
	v6, _, _ =	vpop (xrf0)  }
0x1d3: {  	(v2sf) =	vpush v6, $0xF;
	_ =	sdelay $0x1  }
0x1d4: {  	p0 =	sgt.u32 s10, $0x1F9  }
0x1d5: {  	s4 =	sadd.s32 @!p0 $0x6, s10  }
0x1d6: {  	s5 =	sand.u32 @!p0 $0x3F0, s4  }
0x1d7: {  	v6 =	vld @!p0 [tilespmem:s5+$0x200]  }
0x1d8: {  	v7 =	vld @!p0 [tilespmem:s5+$0x0]  }
0x1d9: {  	s4 =	sand.u32 @!p0 $0xF, s4  }
0x1da: {  	v9 =	vlaneseq.u32 @!p0;
	v8 =	vmov @!p0 s4  }
0x1db: {  	vm7 =	veq.s32 @!p0 v8, v9  }
0x1dc: {  	v6 =	vnsel @!p0 vm7, $0x0, v6  }
0x1dd: {  	v7 =	vnsel @!p0 vm7, $0x0, v7;
	(xrf0) =	vadd.scan.msk.s32 @!p0 $0xffff, v6  }
0x1de: {  	(xrf0) =	vadd.scan.msk.s32 @!p0 $0xffff, v7;
	_ =	sdelay $0x1  }
0x1df: {  	s7 =	spop (v2sf)  }
0x1e0: {  	s8 =	spop (v2sf);
	s4 =	sand.u32 $0x7F, s7  }
0x1e1: {  	s5 =	sand.u32 $0x7F, s8;
	v7 =	vor.u32 s4, v1  }
0x1e2: {  	v6, _, _ =	vpop @!p0 (xrf0);
	v60 =	vor.u32 s5, v1  }
0x1e3: {  	(v2sf) =	vpush @!p0 v6, $0xF;
	v6, _, _ =	vpop @!p0 (xrf0);
	v61 =	vor.u32 s4, v2  }
0x1e4: {  	(v2sf) =	vpush @!p0 v6, $0xF;
	v6 =	vor.u32 s5, v2  }
0x1e5: {  	v10 =	vor.u32 s4, v3  }
0x1e6: {  	v11 =	vor.u32 s5, v3;
	v7 =	vld.idx.msk [tilespmem:v7+s13+$0x0], $0xffff  }
0x1e7: {  	v12 =	vor.u32 s4, v4;
	v8 =	vld.idx.msk [tilespmem:v60+s14+$0x0], $0xffff  }
0x1e8: {  	v13 =	vor.u32 s5, v4;
	v9 =	vld.idx.msk [tilespmem:v61+s13+$0x0], $0xffff  }
0x1e9: {  	v6 =	vld.idx.msk [tilespmem:v6+s14+$0x0], $0xffff  }
0x1ea: {  	v10 =	vld.idx.msk [tilespmem:v10+s13+$0x0], $0xffff  }
0x1eb: {  	v11 =	vld.idx.msk [tilespmem:v11+s14+$0x0], $0xffff  }
0x1ec: {  	v62 =	vld.idx.msk [tilespmem:v12+s13+$0x0], $0xffff;
	v7 =	vmul.f32 v8, v7  }
0x1ed: {  	v63 =	vld.idx.msk [tilespmem:v13+s14+$0x0], $0xffff  }
0x1ee: {  	v6 =	vmul.f32 v6, v9;
	v7 =	vadd.f32 $0.0e+00, v7;
	_ =	sdelay $0x1  }
0x1ef: {  	v6 =	vadd.f32 v6, v7;
	v7 =	vmul.f32 v11, v10;
	_ =	sdelay $0x1  }
0x1f0: {  	v6 =	vadd.f32 v7, v6;
	v7 =	vmul.f32 v63, v62;
	_ =	sdelay $0x1  }
0x1f1: {  	s4 =	spop @!p0 (v2sf);
	v6 =	vadd.f32 v7, v6  }
0x1f2: {  	s5 =	sshra.s32 @!p0 s4, $0x1F;
	s6 =	sand.u32 @!p0 $0x7F, s4  }
0x1f3: {  	s7 =	spop @!p0 (v2sf);
	p1 =	slt.s32 @!p0 s4, $0x1;
	p2 =	sne.s32 @!p0 s6, $0x0;
	(xrf2) =	vadd.scan.msk.f32 $0xffff, v6  }
0x1f4: {  	s6 =	sand.u32 @!p0 $0x7F, s7;
	s5 =	sshrl.u32 @!p0 s5, $0x19;
	p1 =	por @!p0 !p1, !p2  }
0x1f5: {  	p2 =	slt.s32 @!p0 s7, $0x1;
	p3 =	sne.s32 @!p0 s6, $0x0;
	s6 =	sshra.s32 @!p0 s7, $0x1F  }
0x1f6: {  	s4 =	sadd.s32 @!p0 s5, s4;
	p2 =	por @!p0 !p2, !p3;
	s5 =	sshrl.u32 @!p0 s6, $0x19  }
0x1f7: {  	s6 =	simm.s32 @!p0 $0x1;
	p1 =	por @!p0 !p1, !p1;
	p2 =	por @!p0 !p2, !p2  }
0x1f8: {  	s5 =	sadd.s32 @!p0 s5, s7;
	p1 =	por !p1, p0;
	p2 =	por !p2, p0  }
0x1f9: {  	s7 =	simm.s32 @!p0 $0x1;
	s5 =	sshrl.u32 @!p0 s5, $0x7;
	s6 =	simm.s32 @p2 $0x0  }
0x1fa: {  	s4 =	sshrl.u32 @!p0 s4, $0x7;
	s7 =	simm.s32 @p1 $0x0;
	s5 =	ssub.s32 @!p0 s5, s6  }
0x1fb: {  	s4 =	ssub.s32 @!p0 s4, s7;
	s7 =	simm.s32 @!p0 $0x400;
	s5 =	sshll.u32 @!p0 s5, $0x7  }
.Ltmp13:
0x1fc: {  	s4 =	sshll.u32 @!p0 s4, $0x7;
	s5 =	sand.u32 @!p0 $0x1FFFFF80, s5;
	(pc) =	sbr.rel .LBB2_14-.Ltmp13, $4  }
0x1fd: {  	s6 =	simm.s32 @!p0 $0x7A1400;
	s4 =	sand.u32 @!p0 $0x1FFFFF80, s4;
	s5 =	sadd.s32 @!p0 s1, s5;
	v6, _, _ =	vpop (xrf2)  }
0x1fe: {  	[tilespmem:s7], [sflag:$0x1] =	stream.strided.gather @!p0 [hbm4b:s5+s7], $0x2000, s6, s7, $0x38;
	v6 =	vbroadcast v6, $0xF;
	[tilespmem:$0x18600] =	vst v63  }
0x1ff: {  	s4 =	sadd.s32 @!p0 s2, s4;
	s5 =	simm.s32 @!p0 $0xC400  }
0x200: {  	[tilespmem:s5], [sflag:$0x1] =	stream.strided.gather @!p0 [hbm4b:s4+s7], $0x2000, s6, s7, $0x38;
	v5 =	vsel vm6, v6, v5;
	[tilespmem:$0x18600] =	vst v63  }
.LBB2_9:
0x201: {  	_ =	swait.ge [sflag:s28], $0x2000  }
0x202: {  	[sflag:s28] =	ssyncset.done $0x0  }
0x203: {  	[sflag:s28] =	ssyncadd.s32 $0xFFFFE000  }
0x204: {  	_ =	swait.ge [sflag:s28], $0x2000  }
0x205: {  	[sflag:s28] =	ssyncset.done $0x0  }
0x206: {  	[sflag:s28] =	ssyncadd.s32 $0xFFFFE000  }
0x207: {  	v7 =	vld [tilespmem:s5+$0x0]  }
0x208: {  	v8 =	vld [tilespmem:s5+$0x200];
	_ =	sdelay $0x2  }
0x209: {  	vm6 =	veq.s32 v6, v0  }
0x20a: {  	v6 =	vnsel vm6, $0x0, v7  }
0x20b: {  	(xrf0) =	vadd.scan.msk.s32 $0xffff, v6;
	v6 =	vnsel vm6, $0x0, v8  }
0x20c: {  	(xrf0) =	vadd.scan.msk.s32 $0xffff, v6;
	_ =	sdelay $0x4  }
0x20d: {  	v6, _, _ =	vpop (xrf0)  }
0x20e: {  	(v2sf) =	vpush v6, $0xF;
	v6, _, _ =	vpop (xrf0)  }
0x20f: {  	(v2sf) =	vpush v6, $0xF  }
0x210: {  	p0 =	sgt.u32 s10, $0x1F9  }
0x211: {  	s5 =	sadd.s32 @!p0 $0x6, s10  }
0x212: {  	s6 =	sand.u32 @!p0 $0x3F0, s5  }
0x213: {  	v6 =	vld @!p0 [tilespmem:s6+$0x200]  }
0x214: {  	v7 =	vld @!p0 [tilespmem:s6+$0x0]  }
0x215: {  	s5 =	sand.u32 @!p0 $0xF, s5  }
0x216: {  	v9 =	vlaneseq.u32 @!p0;
	v8 =	vmov @!p0 s5  }
0x217: {  	vm7 =	veq.s32 @!p0 v8, v9  }
0x218: {  	v6 =	vnsel @!p0 vm7, $0x0, v6  }
0x219: {  	v7 =	vnsel @!p0 vm7, $0x0, v7;
	(xrf0) =	vadd.scan.msk.s32 @!p0 $0xffff, v6  }
0x21a: {  	(xrf0) =	vadd.scan.msk.s32 @!p0 $0xffff, v7;
	_ =	sdelay $0x2  }
0x21b: {  	s7 =	spop (v2sf)  }
0x21c: {  	s8 =	spop (v2sf);
	s5 =	sand.u32 $0x7F, s7  }
0x21d: {  	v6, _, _ =	vpop @!p0 (xrf0);
	s6 =	sand.u32 $0x7F, s8;
	v7 =	vor.u32 s5, v1  }
0x21e: {  	(v2sf) =	vpush @!p0 v6, $0xF;
	v6, _, _ =	vpop @!p0 (xrf0);
	v60 =	vor.u32 s6, v1  }
0x21f: {  	(v2sf) =	vpush @!p0 v6, $0xF;
	v6 =	vor.u32 s5, v2  }
0x220: {  	v61 =	vor.u32 s6, v2  }
0x221: {  	v10 =	vor.u32 s5, v3  }
0x222: {  	v11 =	vor.u32 s6, v3;
	v7 =	vld.idx.msk [tilespmem:v7+s23+$0x0], $0xffff  }
0x223: {  	v12 =	vor.u32 s5, v4;
	v8 =	vld.idx.msk [tilespmem:v60+s24+$0x0], $0xffff  }
0x224: {  	v13 =	vor.u32 s6, v4;
	v6 =	vld.idx.msk [tilespmem:v6+s23+$0x0], $0xffff  }
0x225: {  	v9 =	vld.idx.msk [tilespmem:v61+s24+$0x0], $0xffff  }
0x226: {  	v10 =	vld.idx.msk [tilespmem:v10+s23+$0x0], $0xffff  }
0x227: {  	v11 =	vld.idx.msk [tilespmem:v11+s24+$0x0], $0xffff  }
0x228: {  	v62 =	vld.idx.msk [tilespmem:v12+s23+$0x0], $0xffff;
	v7 =	vmul.f32 v8, v7  }
0x229: {  	v63 =	vld.idx.msk [tilespmem:v13+s24+$0x0], $0xffff  }
0x22a: {  	v6 =	vmul.f32 v9, v6;
	v7 =	vadd.f32 $0.0e+00, v7;
	_ =	sdelay $0x1  }
0x22b: {  	v6 =	vadd.f32 v6, v7;
	v7 =	vmul.f32 v11, v10;
	_ =	sdelay $0x1  }
0x22c: {  	s5 =	spop @!p0 (v2sf);
	v6 =	vadd.f32 v7, v6;
	v7 =	vmul.f32 v63, v62  }
0x22d: {  	s4 =	simm.s32 @!p0 $0x1;
	s6 =	spop @!p0 (v2sf);
	s7 =	sand.u32 @!p0 $0x7F, s5  }
0x22e: {  	p1 =	slt.s32 @!p0 s5, $0x1;
	s8 =	sand.u32 @!p0 $0x7F, s6;
	p2 =	sne.s32 @!p0 s7, $0x0;
	v6 =	vadd.f32 v7, v6  }
0x22f: {  	p3 =	slt.s32 @!p0 s6, $0x1;
	s7 =	sshra.s32 @!p0 s6, $0x1F;
	p4 =	sne.s32 @!p0 s8, $0x0  }
0x230: {  	p1 =	por @!p0 !p1, !p2;
	s7 =	sshrl.u32 @!p0 s7, $0x19;
	p2 =	por @!p0 !p3, !p4;
	(xrf2) =	vadd.scan.msk.f32 $0xffff, v6  }
0x231: {  	s8 =	sshra.s32 @!p0 s5, $0x1F;
	s6 =	sadd.s32 @!p0 s7, s6;
	p2 =	por @!p0 !p2, !p2  }
0x232: {  	s7 =	sshrl.u32 @!p0 s8, $0x19;
	p1 =	por @!p0 !p1, !p1;
	p2 =	por !p2, p0  }
0x233: {  	s8 =	simm.s32 @!p0 $0xA400;
	s6 =	sshrl.u32 @!p0 s6, $0x7;
	s4 =	simm.s32 @p2 $0x0  }
0x234: {  	s5 =	sadd.s32 @!p0 s7, s5;
	p1 =	por !p1, p0;
	s4 =	ssub.s32 @!p0 s6, s4  }
0x235: {  	s7 =	simm.s32 @!p0 $0x7A1400;
	s6 =	simm.s32 @!p0 $0x1;
	s4 =	sshll.u32 @!p0 s4, $0x7  }
0x236: {  	s5 =	sshrl.u32 @!p0 s5, $0x7;
	s6 =	simm.s32 @p1 $0x0;
	s4 =	sand.u32 @!p0 $0x1FFFFF80, s4  }
0x237: {  	s5 =	ssub.s32 @!p0 s5, s6;
	s6 =	simm.s32 @!p0 $0x400;
	s4 =	sadd.s32 @!p0 s1, s4  }
0x238: {  	[tilespmem:s8], [sflag:$0x6] =	stream.strided.gather @!p0 [hbm4b:s4+s6], $0x2000, s7, s6, $0x38;
	[tilespmem:$0x18600] =	vst v63  }
.Ltmp14:
0x239: {  	_ = 	snop;
	(pc) =	sbr.rel .LBB2_14-.Ltmp14, $4  }
0x23a: {  	s4 =	sshll.u32 @!p0 s5, $0x7;
	v6, _, _ =	vpop (xrf2)  }
0x23b: {  	s4 =	sand.u32 @!p0 $0x1FFFFF80, s4;
	v6 =	vbroadcast v6, $0xF  }
0x23c: {  	s5 =	simm.s32 @!p0 $0x16400;
	s4 =	sadd.s32 @!p0 s2, s4  }
0x23d: {  	[tilespmem:s5], [sflag:$0x6] =	stream.strided.gather @!p0 [hbm4b:s4+s6], $0x2000, s7, s6, $0x38;
	v5 =	vsel vm6, v6, v5;
	[tilespmem:$0x18600] =	vst v63  }
.LBB2_16:
0x23e: {  	_ =	sfence.sel $0x180000  }
0x23f: {  	[bflag:$0x0] =	sbarrier.arrive $0xFFFF  }
0x240: {  	_ =	strace $0x90000047  }
0x241: {  	s0 =	stileid.u32;
	[bflag:$0x2] =	sbarrier.arrive $0xFFFF  }
0x242: {  	p0 =	sne.s32 s0, $0x0;
	s0 =	rddreg [dreg:$0x5]  }
0x243: {  	s0 =	sadd.s32 @!p0 $0x100000, s0  }
0x244: {  	[sflag:s0] =	ssyncadd.tile.s32 @!p0 $0x1;
	_ =	shalt  }
.Lfunc_end2:
_tile_overlayer_lowered:
.L_overlay_start_2:
0x245: {  	(tag) =	ssettag $0x2  }
0x246: {  	s0 =	rddreg [dreg:$0x0];
	s2 =	stileid.u32  }
0x247: {  	s1 =	rddreg [dreg:$0x1];
	p0 =	sne.s32 s2, $0x0  }
0x248: {  	s3 =	rddreg [dreg:$0x2];
	[bflag:$0x3] =	sbarrier.arrive $0xFFFF;
	s2 =	simm.s32 @!p0 $0x1C07  }
0x249: {  	[timem:s3], [sflag:s2] =	dma.local @!p0 [hbm:s0], s1  }
0x24a: {  	s0 =	simm.s32 @!p0 $0x7  }
0x24b: {  	_ =	swait.ge @!p0 [sflag:s0], s1  }
0x24c: {  	s1 =	ssub.s32 @!p0 $0x0, s1;
	[sflag:s0] =	ssyncset.done @!p0 $0x0  }
0x24d: {  	[sflag:s0] =	ssyncadd.s32 @!p0 s1  }
0x24e: {  	[bflag:$0x3] =	sbarrier.arrive $0xFFFF  }
0x24f: {  	_ =	shalt  }

// kernel: kernel.7.cloned.1.call-start
scs
__scs_entry_jumppad:
0x0: {  	(pc) =	sbr.rel $0x88, $3  }
0x1: {  	(tag) =	ssettag $0x0;
	lr =	simm.s32 $0x1  }
0x2: {  	[smem:$0x3F9B] =	sst lr;
	_ =	strace $0xD0000000  }
0x3: {  	_ = 	snop  }
0x4: {  	_ = 	snop  }
0x5: {  	_ = 	snop  }
0x6: {  	_ = 	snop  }
0x7: {  	_ = 	snop  }
__scs_overlays_trampoline_lowered:
0x8: {  	[smem:$0x3FAA] =	sst s0  }
0x9: {  	[smem:$0x3FAB] =	sst s1  }
0xa: {  	[smem:$0x3FAC] =	sst s2  }
0xb: {  	[smem:$0x3FAD] =	sst s3  }
0xc: {  	[smem:$0x3FAE] =	sst s4  }
0xd: {  	[smem:$0x3FAF] =	sst s5  }
0xe: {  	[smem:$0x3FB0] =	sst s6  }
0xf: {  	[smem:$0x3FB1] =	sst s7  }
0x10: {  	[smem:$0x3FB2] =	sst s8  }
0x11: {  	[smem:$0x3FB3] =	sst s9;
	s0 =	simm.s32 @!p0 $0x0  }
0x12: {  	s1 =	sld [smem:$0x3F99];
	s0 =	simm.s32 @p0 $0x1  }
0x13: {  	[smem:$0x3FB4] =	sst s0;
	s0 =	simm.s32 @!p1 $0x0  }
0x14: {  	s2 =	sld [smem:$0x3F98];
	s0 =	simm.s32 @p1 $0x1  }
0x15: {  	[smem:$0x3FB5] =	sst s0;
	s0 =	simm.s32 @!p2 $0x0  }
0x16: {  	s3 =	sld [smem:$0x3FDB];
	s0 =	simm.s32 @p2 $0x1  }
0x17: {  	s4 =	simm.s32 $0x1BF5;
	[smem:$0x3FB7] =	sst s0  }
0x18: {  	s0 =	sld [smem:$0x3F9A];
	_ =	swait.ge [sflag:s4], $0x0  }
0x19: {  	s7 =	sld [smem:$0x3F9B]  }
0x1a: {  	s8 =	sadd.s32 $0xFFFFE003, lr  }
0x1b: {  	s9 =	sadd.s32 $0xFFFFFEF7, lr;
	s5 =	simm.s32 $0xFFFFFFFF;
	p2 =	slt.u32 s8, $0xFFFFF086  }
0x1c: {  	p1 =	slt.u32 s9, $0xF7A;
	s5 =	simm.s32 @!p2 $0x0  }
0x1d: {  	s5 =	simm.s32 @p1 $0x1;
	p0 =	seq.s32 s7, s2  }
0x1e: {  	s7 =	smul.u32 @!p0 $0xF7A, s2;
	p2 =	seq.s32 @!p0 s5, $0x0  }
0x1f: {  	s9 =	smul.u32 $0xF7A, s1;
	s8 =	simm.s32 @!p0 $0x1BF5;
	p2 =	por !p2, p0  }
0x20: {  	[sflag:s8] =	ssyncset.s32 @!p0 $0xFFFFF086;
	s6 =	sadd.s32 @!p0 s3, s7;
	s7 =	simm.s32 @!p0 $0x108  }
0x21: {  	s3 =	sadd.s32 s3, s9;
	s6 =	sadd.s32 @!p0 $0x88, s6;
	s7 =	simm.s32 @p2 $0x1082  }
0x22: {  	[simem:s7], [sflag:s8] =	dma.local @!p0 [hbm:s6], $0xF7A  }
0x23: {  	s9 =	sor.u32 $0xD0000000, s2;
	s6 =	simm.s32 $0x108;
	_ =	swait.ge @!p0 [sflag:s8], $0x0  }
0x24: {  	s3 =	sadd.s32 $0x88, s3;
	s6 =	simm.s32 @!p1 $0x1082;
	[sflag:s4] =	ssyncset.s32 $0xFFFFF086  }
0x25: {  	[simem:s6], [sflag:s4] =	dma.local [hbm:s3], $0xF7A  }
0x26: {  	[smem:$0x3F9B] =	sst s1;
	(tag) =	ssettag s2;
	_ =	strace s9  }
0x27: {  	s1 =	sld [smem:$0x3FAB]  }
0x28: {  	s2 =	sld [smem:$0x3FAC]  }
0x29: {  	s4 =	sld [smem:$0x3FAE]  }
0x2a: {  	p0 =	seq.s32 s5, $0x0;
	s5 =	sld [smem:$0x3FAF]  }
0x2b: {  	s6 =	sld [smem:$0x3FB0]  }
0x2c: {  	s7 =	sld [smem:$0x3FB1]  }
0x2d: {  	s3 =	simm.s32 $0x108;
	s8 =	sld [smem:$0x3FB2]  }
0x2e: {  	s3 =	simm.s32 @!p0 $0x1082;
	s9 =	sld [smem:$0x3FB3]  }
0x2f: {  	lr =	sadd.s32 s0, s3;
	s0 =	sld [smem:$0x3FAA]  }
0x30: {  	s3 =	sld [smem:$0x3FAD]  }
0x31: {  	[smem:$0x3FB6] =	sst s10  }
0x32: {  	s10 =	sld [smem:$0x3FB4];
	_ =	sdelay $0x3  }
0x33: {  	p0 =	seq.s32 s10, $0x1;
	s10 =	sld [smem:$0x3FB6];
	_ =	sdelay $0x3  }
0x34: {  	[smem:$0x3FB6] =	sst s10  }
0x35: {  	s10 =	sld [smem:$0x3FB5];
	_ =	sdelay $0x3  }
0x36: {  	p1 =	seq.s32 s10, $0x1;
	s10 =	sld [smem:$0x3FB6];
	_ =	sdelay $0x3  }
0x37: {  	[smem:$0x3FB6] =	sst s10  }
0x38: {  	s10 =	sld [smem:$0x3FB7]  }
0x39: {  	_ = 	snop;
	(pc) =	sbr.ind lr, $3  }
0x3a: {  	_ = 	snop  }
0x3b: {  	_ = 	snop  }
0x3c: {  	p2 =	seq.s32 s10, $0x1;
	s10 =	sld [smem:$0x3FB6]  }
0x3d: {  	_ =	shalt  }
0x3e: {  	_ =	shalt  }
0x3f: {  	_ =	shalt  }
0x40: {  	_ =	shalt  }
0x41: {  	_ =	shalt  }
0x42: {  	_ =	shalt  }
0x43: {  	_ =	shalt  }
0x44: {  	_ =	shalt  }
0x45: {  	_ =	shalt  }
0x46: {  	_ =	shalt  }
0x47: {  	_ =	shalt  }
0x48: {  	_ =	shalt  }
0x49: {  	_ =	shalt  }
0x4a: {  	_ =	shalt  }
0x4b: {  	_ =	shalt  }
0x4c: {  	_ =	shalt  }
0x4d: {  	_ =	shalt  }
0x4e: {  	_ =	shalt  }
0x4f: {  	_ =	shalt  }
0x50: {  	_ =	shalt  }
0x51: {  	_ =	shalt  }
0x52: {  	_ =	shalt  }
0x53: {  	_ =	shalt  }
0x54: {  	_ =	shalt  }
0x55: {  	_ =	shalt  }
0x56: {  	_ =	shalt  }
0x57: {  	_ =	shalt  }
0x58: {  	_ =	shalt  }
0x59: {  	_ =	shalt  }
0x5a: {  	_ =	shalt  }
0x5b: {  	_ =	shalt  }
0x5c: {  	_ =	shalt  }
0x5d: {  	_ =	shalt  }
0x5e: {  	_ =	shalt  }
0x5f: {  	_ =	shalt  }
0x60: {  	_ =	shalt  }
0x61: {  	_ =	shalt  }
0x62: {  	_ =	shalt  }
0x63: {  	_ =	shalt  }
0x64: {  	_ =	shalt  }
0x65: {  	_ =	shalt  }
0x66: {  	_ =	shalt  }
0x67: {  	_ =	shalt  }
0x68: {  	_ =	shalt  }
0x69: {  	_ =	shalt  }
0x6a: {  	_ =	shalt  }
0x6b: {  	_ =	shalt  }
0x6c: {  	_ =	shalt  }
0x6d: {  	_ =	shalt  }
0x6e: {  	_ =	shalt  }
0x6f: {  	_ =	shalt  }
0x70: {  	_ =	shalt  }
0x71: {  	_ =	shalt  }
0x72: {  	_ =	shalt  }
0x73: {  	_ =	shalt  }
0x74: {  	_ =	shalt  }
0x75: {  	_ =	shalt  }
0x76: {  	_ =	shalt  }
0x77: {  	_ =	shalt  }
0x78: {  	_ =	shalt  }
0x79: {  	_ =	shalt  }
0x7a: {  	_ =	shalt  }
0x7b: {  	_ =	shalt  }
0x7c: {  	_ =	shalt  }
0x7d: {  	_ =	shalt  }
0x7e: {  	_ =	shalt  }
0x7f: {  	_ =	shalt  }
0x80: {  	_ =	shalt  }
0x81: {  	_ =	shalt  }
0x82: {  	_ =	shalt  }
0x83: {  	_ =	shalt  }
0x84: {  	_ =	shalt  }
0x85: {  	_ =	shalt  }
0x86: {  	_ =	shalt  }
0x87: {  	_ =	shalt  }
.Lfunc_end0:
.L_simem_size_0:
called_computation.1_lowered:
.L_overlay_start_0:
0x88: {  	s2 =	sld [smem:$0x3FD9]  }
0x89: {  	s3 =	sld [smem:$0x3FFE];
	_ =	sdelay $0x1  }
0x8a: {  	s1 =	srdreg.scid  }
0x8b: {  	s0 =	sand.u32 $0x1, s1  }
0x8c: {  	s17 =	sshll.u32 s0, $0xA;
	s2 =	sadd.s32 s3, s2  }
0x8d: {  	s2 =	sadd.s32 s2, s17  }
0x8e: {  	[smem:$0x3FC2] =	sst s2  }
0x8f: {  	_ = 	snop  }
0x90: {  	s2 =	sld [smem:$0x3FC9]  }
0x91: {  	s18 =	sld [smem:$0x3FC8]  }
0x92: {  	s4 =	sld [smem:$0x3FD0];
	(tm) =	ssettm $0x1  }
0x93: {  	s5 =	sld [smem:$0x3FFB];
	_ =	sdelay $0x3  }
0x94: {  	_ =	strace s5  }
0x95: {  	s5 =	sld [smem:$0x3FFC];
	_ =	sdelay $0x3  }
0x96: {  	_ =	strace s5  }
0x97: {  	s5 =	sld [smem:$0x3FFD];
	_ =	sdelay $0x3  }
0x98: {  	_ =	strace s5  }
0x99: {  	_ =	strace $0x8FFFFFFF  }
0x9a: {  	s19 =	sld [smem:$0x3FDB];
	_ =	sdelay $0x1  }
0x9b: {  	s6 =	simm.s32 $_scs_section_size  }
0x9c: {  	s7 =	simm.s32 $_size__tile_overlayer_lowered;
	s8 =	simm.s32 $_tile_overlayer_lowered  }
0x9d: {  	s22 =	simm.s32 $0x1BFF;
	s21 =	sshll.u32 s8, $0x1;
	s5 =	sadd.s32 s6, s19  }
0x9e: {  	s9 =	simm.s32 $0x0;
	s20 =	sshll.u32 s7, $0x1;
	s7 =	sadd.s32 s21, s5  }
0x9f: {  	[timem:s9], [sflag:s22] =	dma.local [hbm:s7], s20  }
0xa0: {  	_ =	swait.ge [sflag:s22], s20  }
0xa1: {  	s6 =	ssub.s32 $0x0, s20;
	[sflag:s22] =	ssyncset.done $0x0  }
0xa2: {  	[sflag:s22] =	ssyncadd.s32 s6;
	_ =	sdelay $0x1  }
0xa3: {  	s23 =	simm.s32 $0x1B8B  }
0xa4: {  	_ =	swait.ge [sflag:s23], $0x1  }
0xa5: {  	[sflag:s23] =	ssyncset.done $0x0  }
0xa6: {  	s25 =	simm.s32 $0x1B8E;
	s24 =	sld [smem:$0x3FFE];
	[sflag:s23] =	ssyncadd.s32 $0xFFFFFFFF  }
0xa7: {  	s26 =	simm.s32 $execute0_lowered;
	[smem:$0x3FD2] =	sst s25  }
0xa8: {  	s7 =	sshll.u32 s26, $0x1;
	_ =	strace $0x80000049;
	[dreg:$0x1] =	wrdreg $0xFFFFFFFF  }
0xa9: {  	s28 =	simm.s32 $_size_execute0_lowered;
	s5 =	sadd.s32 s5, s7;
	[dreg:$0x0] =	wrdreg $0x0  }
0xaa: {  	s7 =	sshll.u32 s28, $0x1;
	[dreg:$0x2] =	wrdreg s5  }
0xab: {  	[dreg:$0x3] =	wrdreg s7  }
0xac: {  	[dreg:$0x4] =	wrdreg $0xC0  }
0xad: {  	_ =	task [dreg:s9], $0x5FFFF  }
0xae: {  	[dreg:$0x1] =	wrdreg $0xFFFFFFFF  }
0xaf: {  	[dreg:$0x0] =	wrdreg $0x60  }
0xb0: {  	[dreg:$0x2] =	wrdreg s24  }
0xb1: {  	[dreg:$0x3] =	wrdreg s2  }
0xb2: {  	[dreg:$0x4] =	wrdreg s18  }
0xb3: {  	[dreg:$0x5] =	wrdreg s4  }
0xb4: {  	[dreg:$0x6] =	wrdreg $0x9  }
0xb5: {  	_ =	task.clear_ibuf [dreg:s9], $0x7FFFF;
	_ =	strace $0x90000049  }
0xb6: {  	s29 =	simm.s32 $0x9;
	_ =	strace $0x8000004B  }
0xb7: {  	_ =	swait.ge [sflag:s29], $0x1  }
0xb8: {  	[sflag:s29] =	ssyncadd.s32 $0xFFFFFFFF  }
0xb9: {  	_ =	strace $0x9000004B  }
0xba: {  	_ =	sfence  }
0xbb: {  	s30 =	sld [smem:$0x0];
	_ =	sdelay $0x2  }
0xbc: {  	s31 =	sshll.u32 s1, $0xD;
	s1 =	sshrl.u32 s1, $0x2  }
0xbd: {  	s3 =	sand.u32 $0x4000, s31;
	s1 =	sadd.s32 s1, s30  }
0xbe: {  	s0 =	sor.u32 s3, s0;
	s1 =	sshll.u32 s1, $0x11  }
0xbf: {  	s0 =	sor.u32 s1, s0  }
0xc0: {  	s0 =	sadd.s32 $0x8F2B, s0  }
0xc1: {  	[sflag:s0] =	ssyncadd.remote.s32 $0x1  }
0xc2: {  	_ =	sfence.sel $0xFFFF  }
0xc3: {  	[dreg:$0x0] =	wrdreg $0xFFFFFFFF;
	(pc) =	sbr.abs _section_cstart, $3  }
0xc4: {  	[dreg:$0x1] =	wrdreg $0xFFFFFFFF  }
0xc5: {  	_ =	task.clear_ibuf [dreg:s9], $0x2FFFF;
	_ =	strace $0x9FFFFFFF  }
0xc6: {  	(tm) =	ssettm $0x7FFFFFFF  }
0xc7: {  	_ =	shalt  }
tec
execute0_lowered:
.L_overlay_start_1:
0x0: {  	(tag) =	ssettag $0x1  }
0x1: {  	s0 =	rddreg [dreg:$0x0]  }
0x2: {  	s1 =	rddreg [dreg:$0x1]  }
0x3: {  	s6 =	rddreg [dreg:$0x2]  }
0x4: {  	s8 =	rddreg [dreg:$0x3]  }
0x5: {  	s3 =	srdreg.scid;
	s2 =	simm.s32 $0x0;
	s4 =	stileid.u32  }
0x6: {  	s11 =	simm.s32 $0x200;
	s13 =	simm.s32 $0x80;
	s14 =	simm.s32 $0x600  }
0x7: {  	s15 =	simm.s32 $0x800;
	s16 =	simm.s32 $0x680;
	s17 =	simm.s32 $0x280  }
0x8: {  	s18 =	simm.s32 $0x880;
	s19 =	simm.s32 $0x100;
	s20 =	simm.s32 $0x700  }
0x9: {  	s21 =	simm.s32 $0x300;
	s22 =	simm.s32 $0x900;
	s23 =	simm.s32 $0x180  }
0xa: {  	s24 =	simm.s32 $0x780;
	s25 =	simm.s32 $0x380;
	s28 =	simm.s32 $0x1  }
0xb: {  	s29 =	simm.s32 $0xA00;
	s30 =	simm.s32 $0x0;
	s3 =	sand.u32 $0x1, s3  }
0xc: {  	[smem:$0x7FF] =	sst s2;
	s4 =	sshll.u32 s4, $0x7;
	s5 =	sshll.u32 s3, $0x6  }
0xd: {  	_ =	strace $0x8000004A;
	s26 =	ssub.s32 $0x2, s3;
	s3 =	sadd.s32 $0xA00, s0  }
0xe: {  	s9 =	sor.u32 s5, s4;
	s10 =	sshrl.u32 s26, $0x1;
	s4 =	sadd.s32 $0x1F400, s0  }
0xf: {  	s7 =	sadd.s32 s9, s0;
	s31 =	ssub.s32 s26, s10;
	s5 =	sadd.s32 s1, s9  }
0x10: {  	s6 =	sadd.s32 s6, s9;
	s8 =	sadd.s32 s8, s9;
	s10 =	simm.s32 $0x2  }
0x11: {  	s26 =	simm.s32 $0x980;
	s7 =	sadd.s32 $0x200, s7;
	s9 =	smax.u32 s31, $0x1  }
.LBB2_1:
0x12: {  	[tilespmem:s2], [sflag:$0x2] =	stream.linear.gather [hbm4b:s5+s2], $0x200, $0x38;
	[tilespmem:$0xC00] =	vst v63  }
0x13: {  	_ =	swait.ge [sflag:s10], $0x200  }
0x14: {  	[sflag:s10] =	ssyncset.done $0x0  }
0x15: {  	[sflag:s10] =	ssyncadd.s32 $0xFFFFFE00  }
0x16: {  	[tilespmem:s11], [sflag:$0x2] =	stream.linear.gather [hbm4b:s6+s2], $0x200, $0x38;
	[tilespmem:$0xC00] =	vst v63  }
0x17: {  	_ =	swait.ge [sflag:s10], $0x200  }
0x18: {  	[sflag:s10] =	ssyncset.done $0x0  }
0x19: {  	s0 =	simm.s32 $0x400;
	[sflag:s10] =	ssyncadd.s32 $0xFFFFFE00  }
0x1a: {  	[tilespmem:s0], [sflag:$0x2] =	stream.linear.gather [hbm4b:s7+s2], $0x200, $0x38;
	[tilespmem:$0xC00] =	vst v63  }
0x1b: {  	_ =	swait.ge [sflag:s10], $0x200  }
0x1c: {  	[sflag:s10] =	ssyncset.done $0x0  }
0x1d: {  	[sflag:s10] =	ssyncadd.s32 $0xFFFFFE00  }
0x1e: {  	[tilespmem:s14], [sflag:$0x1] =	stream.indirect.gather [hbm4b:s3+s13], $0x1, s2, s13, $0xb8;
	[tilespmem:$0xC00] =	vst v63  }
0x1f: {  	_ = 	snop  }
0x20: {  	[tilespmem:s15], [sflag:$0x1] =	stream.indirect.gather [hbm4b:s4+s13], $0x1, s11, s13, $0xb8;
	[tilespmem:$0xC00] =	vst v63  }
0x21: {  	_ = 	snop  }
0x22: {  	[tilespmem:s16], [sflag:$0x1] =	stream.indirect.gather [hbm4b:s3+s13], $0x1, s13, s13, $0xb8;
	[tilespmem:$0xC00] =	vst v63  }
0x23: {  	_ = 	snop  }
0x24: {  	[tilespmem:s18], [sflag:$0x1] =	stream.indirect.gather [hbm4b:s4+s13], $0x1, s17, s13, $0xb8;
	[tilespmem:$0xC00] =	vst v63  }
0x25: {  	_ = 	snop  }
0x26: {  	[tilespmem:s20], [sflag:$0x1] =	stream.indirect.gather [hbm4b:s3+s13], $0x1, s19, s13, $0xb8;
	[tilespmem:$0xC00] =	vst v63  }
0x27: {  	_ = 	snop  }
0x28: {  	[tilespmem:s22], [sflag:$0x1] =	stream.indirect.gather [hbm4b:s4+s13], $0x1, s21, s13, $0xb8;
	[tilespmem:$0xC00] =	vst v63  }
0x29: {  	_ = 	snop  }
0x2a: {  	[tilespmem:s24], [sflag:$0x1] =	stream.indirect.gather [hbm4b:s3+s13], $0x1, s23, s13, $0xb8;
	[tilespmem:$0xC00] =	vst v63  }
0x2b: {  	_ = 	snop  }
0x2c: {  	[tilespmem:s26], [sflag:$0x1] =	stream.indirect.gather [hbm4b:s4+s13], $0x1, s25, s13, $0xb8;
	[tilespmem:$0xC00] =	vst v63  }
0x2d: {  	_ =	swait.ge [sflag:s28], $0x80  }
0x2e: {  	[sflag:s28] =	ssyncset.done $0x0  }
0x2f: {  	[sflag:s28] =	ssyncadd.s32 $0xFFFFFF80  }
0x30: {  	_ =	swait.ge [sflag:s28], $0x80  }
0x31: {  	[sflag:s28] =	ssyncset.done $0x0  }
0x32: {  	[sflag:s28] =	ssyncadd.s32 $0xFFFFFF80  }
0x33: {  	_ =	swait.ge [sflag:s28], $0x80  }
0x34: {  	[sflag:s28] =	ssyncset.done $0x0  }
0x35: {  	[sflag:s28] =	ssyncadd.s32 $0xFFFFFF80  }
0x36: {  	_ =	swait.ge [sflag:s28], $0x80  }
0x37: {  	[sflag:s28] =	ssyncset.done $0x0  }
0x38: {  	[sflag:s28] =	ssyncadd.s32 $0xFFFFFF80  }
0x39: {  	_ =	swait.ge [sflag:s28], $0x80  }
0x3a: {  	[sflag:s28] =	ssyncset.done $0x0  }
0x3b: {  	[sflag:s28] =	ssyncadd.s32 $0xFFFFFF80  }
0x3c: {  	_ =	swait.ge [sflag:s28], $0x80  }
0x3d: {  	[sflag:s28] =	ssyncset.done $0x0  }
0x3e: {  	[sflag:s28] =	ssyncadd.s32 $0xFFFFFF80  }
0x3f: {  	_ =	swait.ge [sflag:s28], $0x80  }
0x40: {  	[sflag:s28] =	ssyncset.done $0x0  }
0x41: {  	[sflag:s28] =	ssyncadd.s32 $0xFFFFFF80  }
0x42: {  	_ =	swait.ge [sflag:s28], $0x80  }
0x43: {  	[sflag:s28] =	ssyncset.done $0x0  }
0x44: {  	s31 =	simm.s32 $0x0;
	[sflag:s28] =	ssyncadd.s32 $0xFFFFFF80  }
0x45: {  	v0 =	vld [tilespmem:s31+$0x400]  }
0x46: {  	v1 =	vld [tilespmem:s31+$0x600];
	_ =	sdelay $0x1  }
0x47: {  	v2 =	vld [tilespmem:s31+$0x800];
	_ =	sdelay $0x2  }
0x48: {  	s0 =	simm.s32 $0x10;
	v1 =	vadd.f32 v1, v0  }
0x49: {  	v0 =	vld [tilespmem:s0+$0x400]  }
0x4a: {  	v3 =	vadd.f32 v2, v1;
	v2 =	vld [tilespmem:s0+$0x600];
	_ =	sdelay $0x1  }
0x4b: {  	v1 =	vld [tilespmem:s0+$0x800]  }
0x4c: {  	s1 =	simm.s32 $0x80;
	v3 =	vadd.f32 $3.500000000e+00, v3  }
.LBB2_2:
0x4d: {  	s12 =	sshra.s32 s1, $0x2;
	p0 =	sne.s32 s1, $0x7C0  }
.Ltmp0:
0x4e: {  	s1 =	sadd.s32 $0x40, s1;
	v4 =	vadd.f32 v2, v0;
	v0 =	vld [tilespmem:s12+$0x400];
	[tilespmem:s31+$0xA00] =	vst v3;
	(pc) =	sbr.rel @p0 .LBB2_2-.Ltmp0, $4  }
0x4f: {  	s31 =	smov.u32 s0;
	s0 =	smov.u32 s12;
	v2 =	vld [tilespmem:s12+$0x600]  }
0x50: {  	v3 =	vadd.f32 v1, v4  }
0x51: {  	v1 =	vld [tilespmem:s0+$0x800]  }
0x52: {  	v3 =	vadd.f32 $3.500000000e+00, v3  }
0x53: {  	_ = 	snop  }
0x54: {  	v0 =	vadd.f32 v2, v0;
	_ =	sdelay $0x1  }
0x55: {  	v0 =	vadd.f32 v1, v0;
	_ =	sdelay $0x1  }
0x56: {  	s30 =	sadd.s32 $0x1, s30;
	v0 =	vadd.f32 $3.500000000e+00, v0  }
0x57: {  	[tilespmem:s31+$0xA00] =	vst v3;
	p0 =	sne.s32 s30, s9  }
.Ltmp1:
0x58: {  	[tilespmem:s0+$0xA00] =	vst v0;
	(pc) =	sbr.rel @p0 .LBB2_1-.Ltmp1, $4  }
0x59: {  	[hbm4b:s8+s2] =	stream.linear.scatter [tilespmem:s29], [sflag:$0x2], $0x200, $0x38;
	[tilespmem:$0xC00] =	vst v63  }
0x5a: {  	_ =	swait.ge [sflag:s10], $0x200  }
0x5b: {  	[sflag:s10] =	ssyncset.done $0x0  }
0x5c: {  	[sflag:s10] =	ssyncadd.s32 $0xFFFFFE00  }
0x5d: {  	_ =	sfence.sel $0x180000  }
0x5e: {  	[bflag:$0x0] =	sbarrier.arrive $0xFFFF  }
0x5f: {  	_ =	strace $0x9000004A  }
0x60: {  	s0 =	stileid.u32;
	[bflag:$0x2] =	sbarrier.arrive $0xFFFF  }
0x61: {  	p0 =	sne.s32 s0, $0x0;
	s0 =	rddreg [dreg:$0x4]  }
0x62: {  	s0 =	sadd.s32 @!p0 $0x100000, s0  }
0x63: {  	[sflag:s0] =	ssyncadd.tile.s32 @!p0 $0x1;
	_ =	shalt  }
.Lfunc_end2:
_tile_overlayer_lowered:
.L_overlay_start_2:
0x64: {  	(tag) =	ssettag $0x2  }
0x65: {  	s0 =	rddreg [dreg:$0x0];
	s2 =	stileid.u32  }
0x66: {  	s1 =	rddreg [dreg:$0x1];
	p0 =	sne.s32 s2, $0x0  }
0x67: {  	s3 =	rddreg [dreg:$0x2];
	[bflag:$0x3] =	sbarrier.arrive $0xFFFF;
	s2 =	simm.s32 @!p0 $0x1C02  }
0x68: {  	[timem:s3], [sflag:s2] =	dma.local @!p0 [hbm:s0], s1  }
0x69: {  	s0 =	simm.s32 @!p0 $0x2  }
0x6a: {  	_ =	swait.ge @!p0 [sflag:s0], s1  }
0x6b: {  	s1 =	ssub.s32 @!p0 $0x0, s1;
	[sflag:s0] =	ssyncset.done @!p0 $0x0  }
0x6c: {  	[sflag:s0] =	ssyncadd.s32 @!p0 s1  }
0x6d: {  	[bflag:$0x3] =	sbarrier.arrive $0xFFFF  }
0x6e: {  	_ =	shalt  }

</sc_bundles>
